<compile_context>
chip_gen: v7x
topology: tpu7x:2x2x1
jax: 0.10.2.dev20260603
libtpu: 0.0.44.dev20260713+nightly
codegen_flags: <defaults>
</compile_context>

<pallas_src>
import functools
import math

import jax
import jax.numpy as jnp
import numpy as np
from jax import lax
from jax.experimental import pallas as pl
from jax.experimental.pallas import tpu as pltpu
from jax.experimental.pallas import tpu_sc as plsc

_EPS = 1e-15
_CUTOFF = 5.0

_COSPI_COEFFS = tuple(
    (-1.0) ** k * math.pi ** (2 * k) / math.factorial(2 * k)
    for k in range(13))


def _w_filter(r_ijT3, wd_aug, *, n_rbf, feat, be):
    n_blocks = r_ijT3.shape[0]
    n_edges = n_blocks * be
    fh = feat // 2
    delta = _CUTOFF / (n_rbf - 1)
    coeff = -0.5 / delta**2

    def body(r_ref, wd_ref, out_ref):
        rr = r_ref[0]
        d2 = jnp.sum(rr * rr, axis=0, keepdims=True) + 3.0 * _EPS
        d = jnp.sqrt(d2)
        t = jnp.minimum(d2 * (1.0 / _CUTOFF**2), 1.0)
        cp = jnp.full_like(t, _COSPI_COEFFS[-1])
        for a in reversed(_COSPI_COEFFS[:-1]):
            cp = cp * t + a
        c = 0.5 * (cp + 1.0)
        c = jnp.where(d < _CUTOFF, c, 0.0)
        offs = lax.broadcasted_iota(jnp.int32, (n_rbf + 1, be), 0).astype(
            jnp.float32) * delta
        e = jnp.exp(coeff * (d - offs) ** 2)
        ones = jnp.ones((1, be), jnp.float32)
        e = jnp.concatenate([e[:n_rbf], ones], axis=0)
        ec = e * c
        out_ref[...] = lax.dot_general(
            ec, wd_ref[...], (((0,), (0,)), ((), ())),
            preferred_element_type=jnp.float32)

    return pl.pallas_call(
        body,
        grid=(n_blocks,),
        in_specs=[
            pl.BlockSpec((1, 3, be), lambda i: (i, 0, 0)),
            pl.BlockSpec((n_rbf + 1, feat), lambda i: (0, 0)),
        ],
        out_specs=pl.BlockSpec((be, feat), lambda i: (i, 0)),
        out_shape=jax.ShapeDtypeStruct((n_edges, feat), jnp.float32),
    )(r_ijT3, wd_aug)


def _x_lookup(z2, et_pad, *, n_atoms, feat):
    fh = feat // 2

    del fh

    def body(z_ref, et_ref, out_ref):
        z = z_ref[...]
        ids = lax.broadcasted_iota(jnp.int32, (n_atoms, feat), 1)
        onehot = (z == ids).astype(jnp.float32)
        out_ref[...] = jnp.dot(onehot, et_ref[...],
                               preferred_element_type=jnp.float32)

    return pl.pallas_call(
        body,
        grid=(1,),
        in_specs=[
            pl.BlockSpec((n_atoms, 1), lambda i: (0, 0)),
            pl.BlockSpec((feat, feat), lambda i: (0, 0)),
        ],
        out_specs=pl.BlockSpec((n_atoms, feat), lambda i: (0, 0)),
        out_shape=jax.ShapeDtypeStruct((n_atoms, feat), jnp.float32),
    )(z2, et_pad)


def _sc_aggregate(dst, src, x, w, *, n_atoms, feat):
    n_edges = dst.shape[0]
    CH = 128
    n_chunks = n_edges // CH
    NW = 32
    base_chunks = n_chunks // NW
    extra = n_chunks - base_chunks * NW
    rpt = (n_atoms // 16) // 8 * 8
    rpt_last = n_atoms - 15 * rpt
    mesh = plsc.VectorSubcoreMesh(core_axis_name="c", subcore_axis_name="s")

    @functools.partial(
        pl.kernel,
        out_type=jax.ShapeDtypeStruct((2, n_atoms, feat), jnp.float32),
        mesh=mesh,
        scratch_types=[
            pltpu.VMEM((2, CH), jnp.int32),
            pltpu.VMEM((2, CH), jnp.int32),
            pltpu.VMEM((CH, feat), jnp.float32),
            pltpu.VMEM((CH, feat), jnp.float32),
            pltpu.VMEM_SHARED((n_atoms, feat), jnp.float32),
            pltpu.SemaphoreType.DMA,
            pltpu.SemaphoreType.DMA,
            pltpu.SemaphoreType.DMA,
            pltpu.SemaphoreType.DMA,
        ],
    )
    def sc_kernel(dst_hbm, src_hbm, x_hbm, w_hbm, out_hbm,
                  dsti, srci, rows, wbuf, agg_sh, gsem, wsem, isem0, isem1):
        cid = lax.axis_index("c")
        sid = lax.axis_index("s")
        wid = cid * 16 + sid

        @pl.loop(0, CH)
        def _(r):
            for cb in range(feat // 16):
                rows[r, pl.ds(cb * 16, 16)] = jnp.zeros((16,), jnp.float32)

        nz16 = jnp.where(sid == 15, rpt_last // 16, rpt // 16)

        @pl.loop(0, nz16)
        def _(p):
            pltpu.sync_copy(rows.at[pl.ds(0, 16)],
                            agg_sh.at[pl.ds(sid * rpt + p * 16, 16)])
        plsc.subcore_barrier()

        start = wid * base_chunks + jnp.minimum(wid, extra)
        isem = (isem0, isem1)

        def issue_idx(j, p):
            base = (start + j) * CH
            pltpu.async_copy(dst_hbm.at[pl.ds(base, CH)], dsti.at[p],
                             isem[p])
            pltpu.async_copy(src_hbm.at[pl.ds(base, CH)], srci.at[p],
                             isem[p])

        def wait_idx(j, p):
            base = (start + j) * CH
            pltpu.make_async_copy(dst_hbm.at[pl.ds(base, CH)], dsti.at[p],
                                  isem[p]).wait()
            pltpu.make_async_copy(src_hbm.at[pl.ds(base, CH)], srci.at[p],
                                  isem[p]).wait()

        def issue_gather(p):
            pltpu.async_copy(x_hbm.at[dsti.at[p]], rows, gsem)

        def wait_gather(p):
            pltpu.make_async_copy(x_hbm.at[dsti.at[p]], rows, gsem).wait()

        def issue_w(j):
            base = (start + j) * CH
            pltpu.async_copy(w_hbm.at[pl.ds(base, CH)], wbuf, wsem)

        def wait_w(j):
            base = (start + j) * CH
            pltpu.make_async_copy(w_hbm.at[pl.ds(base, CH)], wbuf,
                                  wsem).wait()

        def mult():
            @pl.loop(0, CH)
            def _(r):
                for cb in range(feat // 16):
                    sl = pl.ds(cb * 16, 16)
                    wbuf[r, sl] = wbuf[r, sl] * rows[r, sl]

        def chunk_tail_sync(j, p):
            issue_idx(j, p)
            wait_idx(j, p)
            issue_gather(p)
            wait_gather(p)
            issue_w(j)
            wait_w(j)
            mult()
            pltpu.sync_copy(wbuf, agg_sh.at[srci.at[p]], add=True)

        NQ = base_chunks // 2
        issue_idx(0, 0)
        wait_idx(0, 0)
        issue_gather(0)
        issue_idx(1, 1)
        issue_w(0)

        @pl.loop(0, NQ)
        def _(q):
            for u in range(2):
                p = u
                j = 2 * q + u
                wait_gather(p)
                wait_w(j)
                mult()
                if u == 0:
                    wait_idx(j + 1, 1 - p)
                    issue_gather(1 - p)
                else:
                    @pl.when(q < NQ - 1)
                    def _():
                        wait_idx(j + 1, 1 - p)
                        issue_gather(1 - p)
                pltpu.sync_copy(wbuf, agg_sh.at[srci.at[p]], add=True)
                if u == 0:
                    issue_w(j + 1)
                else:
                    @pl.when(q < NQ - 1)
                    def _():
                        issue_w(j + 1)

                @pl.when(q < NQ - 1)
                def _():
                    issue_idx(j + 2, p)

        if base_chunks % 2 == 1:
            chunk_tail_sync(base_chunks - 1, 0)

        @pl.when(wid < extra)
        def _():
            chunk_tail_sync(base_chunks, 0)

        plsc.subcore_barrier()

        @pl.when(sid == 15)
        def _():
            pltpu.sync_copy(
                agg_sh.at[pl.ds(15 * rpt, rpt_last)],
                out_hbm.at[cid, pl.ds(15 * rpt, rpt_last)])

        @pl.when(sid != 15)
        def _():
            pltpu.sync_copy(
                agg_sh.at[pl.ds(sid * rpt, rpt)],
                out_hbm.at[cid, pl.ds(sid * rpt, rpt)])

    return sc_kernel(dst, src, x, w)


def _combine(x, aggs0, aggs1, W_comb, b_comb2, *, n_atoms, feat, bn):
    def body(x_ref, a_ref, b_ref, wc_ref, bc_ref, out_ref):
        agg = (a_ref[0] + a_ref[1]) + (b_ref[0] + b_ref[1])
        s = jnp.dot(x_ref[...], wc_ref[0:feat, :],
                    preferred_element_type=jnp.float32)
        s += jnp.dot(agg, wc_ref[feat:2 * feat, :],
                     preferred_element_type=jnp.float32)
        out_ref[...] = s + bc_ref[...]

    return pl.pallas_call(
        body,
        grid=(n_atoms // bn,),
        in_specs=[
            pl.BlockSpec((bn, feat), lambda i: (i, 0)),
            pl.BlockSpec((2, bn, feat), lambda i: (0, i, 0)),
            pl.BlockSpec((2, bn, feat), lambda i: (0, i, 0)),
            pl.BlockSpec((2 * feat, feat), lambda i: (0, 0)),
            pl.BlockSpec((1, feat), lambda i: (0, 0)),
        ],
        out_specs=pl.BlockSpec((bn, feat), lambda i: (i, 0)),
        out_shape=jax.ShapeDtypeStruct((n_atoms, feat), jnp.float32),
    )(x, aggs0, aggs1, W_comb, b_comb2)


def kernel(z_number, nbrs, r_ij, embed_table, W_dist, b_dist, W_comb, b_comb):
    n_atoms = z_number.shape[0]
    feat = embed_table.shape[1]
    fh = feat // 2
    n_rbf = W_dist.shape[0]

    src = nbrs[:, 0]
    dst = nbrs[:, 1]
    et_pad = jnp.pad(embed_table, ((0, feat - embed_table.shape[0]), (0, 0)))
    z2 = z_number.reshape(-1, 1).astype(jnp.int32)

    x = _x_lookup(z2, et_pad, n_atoms=n_atoms, feat=feat)
    wd_aug = jnp.concatenate([W_dist, b_dist.reshape(1, -1)], axis=0)
    be = 2000
    n_edges = nbrs.shape[0]
    eh = n_edges // 2
    r_ijT3a = jnp.transpose(r_ij[:eh].T.reshape(3, -1, be), (1, 0, 2))
    r_ijT3b = jnp.transpose(r_ij[eh:].T.reshape(3, -1, be), (1, 0, 2))
    w_a = _w_filter(r_ijT3a, wd_aug, n_rbf=n_rbf, feat=feat, be=be)
    w_b = _w_filter(r_ijT3b, wd_aug, n_rbf=n_rbf, feat=feat, be=be)
    w = jnp.concatenate([w_a, w_b], axis=0)

    eh = n_edges // 2
    aggs0 = _sc_aggregate(dst[:eh], src[:eh], x, w[:eh],
                          n_atoms=n_atoms, feat=feat)
    aggs1 = _sc_aggregate(dst[eh:], src[eh:], x, w[eh:],
                          n_atoms=n_atoms, feat=feat)
    s = _combine(x, aggs0, aggs1, W_comb,
                 b_comb.reshape(1, -1), n_atoms=n_atoms, feat=feat, bn=2000)
    v = jnp.zeros((n_atoms, feat, 3), jnp.float32)
    return (s, v)

# --- scband reference (transcript-rebuilt; emitter-appended) ---
"""Pipeline reference for scband-nbr-embedding-block-13005160972673 (READ-ONLY COPY).

The authoritative reference and input builder live on the scoring server;
editing this copy changes nothing except your own understanding.
"""

import jax, jax.numpy as jnp
import numpy as np

EPS = 1e-15
N_RBF = 50
CUTOFF = 5.0
N_ATOMS = 10000
N_EDGES = 320000
FEAT_DIM = 128
MAX_Z = 100


def gaussian_rbf(dist):
    offsets = jnp.linspace(0.0, CUTOFF, N_RBF)
    coeff = -0.5 / (offsets[1] - offsets[0]) ** 2
    return jnp.exp(coeff * (dist[:, None] - offsets[None, :]) ** 2)


def cosine_cutoff(dist):
    c = 0.5 * (jnp.cos(jnp.pi * dist / CUTOFF) + 1.0)
    return c * (dist < CUTOFF).astype(dist.dtype)


def setup_inputs(seed: int = 0) -> dict:
    key = jax.random.key(seed)
    ks = jax.random.split(key, 8)
    z_number = jax.random.randint(ks[0], (N_ATOMS,), 0, MAX_Z)
    nbrs = jax.random.randint(ks[1], (N_EDGES, 2), 0, N_ATOMS)
    r_ij = jax.random.normal(ks[2], (N_EDGES, 3), dtype=jnp.float32)
    embed_table = jax.random.normal(ks[3], (MAX_Z, FEAT_DIM), dtype=jnp.float32) * 0.1
    embed_table = embed_table.at[0].set(0.0)  # padding_idx=0
    W_dist = jax.random.normal(ks[4], (N_RBF, FEAT_DIM), dtype=jnp.float32) * (1.0 / np.sqrt(N_RBF))
    b_dist = jnp.zeros((FEAT_DIM,), dtype=jnp.float32)
    W_comb = jax.random.normal(ks[5], (2 * FEAT_DIM, FEAT_DIM), dtype=jnp.float32) * (1.0 / np.sqrt(2 * FEAT_DIM))
    b_comb = jnp.zeros((FEAT_DIM,), dtype=jnp.float32)
    return {"z_number": z_number, "nbrs": nbrs, "r_ij": r_ij,
            "embed_table": embed_table, "W_dist": W_dist, "b_dist": b_dist,
            "W_comb": W_comb, "b_comb": b_comb}


def reference(z_number, nbrs, r_ij, embed_table, W_dist, b_dist, W_comb, b_comb):
    num_atoms = z_number.shape[0]
    feat_dim = embed_table.shape[1]
    # preprocess_r: dist = ((r_ij**2 + EPS).sum(-1))**0.5
    dist = jnp.sqrt(((r_ij ** 2) + EPS).sum(-1))
    # MDEmbedding (TorchMD-NET style neighbor embedding):
    e_rbf = gaussian_rbf(dist)                      # [E, n_rbf]
    C = cosine_cutoff(dist)                          # [E]
    W = (e_rbf @ W_dist + b_dist) * C[:, None]       # [E, F] distance filter
    x = embed_table[z_number]                        # [N, F] atom embedding gather
    msg = x[nbrs[:, 1]] * W                          # gather neighbor embeds
    agg = jnp.zeros((num_atoms, feat_dim), dtype=x.dtype).at[nbrs[:, 0]].add(msg)  # scatter-add
    s_i = jnp.concatenate([x, agg], axis=-1) @ W_comb + b_comb
    v_i = jnp.zeros((num_atoms, feat_dim, 3), dtype=s_i.dtype)
    return (s_i, v_i)

if __name__ == "__main__":
    import jax
    _d = setup_inputs()
    print(jax.jit(kernel)(*tuple(_d.values())))

</pallas_src>

<mosaic_0001>
#map = affine_map<(d0, d1) -> (0)>
#map1 = affine_map<(d0, d1) -> (0, 0)>
#map2 = affine_map<(d0, d1) -> (0, 0, 0)>
module attributes {stable_mosaic.version = 14 : i64} {
  func.func @sc_kernel(%arg0: i32, %arg1: i32, %arg2: memref<160000xi32, #tpu.memory_space<hbm>>, %arg3: memref<160000xi32, #tpu.memory_space<hbm>>, %arg4: memref<10000x128xf32, #tpu.memory_space<hbm>>, %arg5: memref<160000x128xf32, #tpu.memory_space<hbm>>, %arg6: memref<2x10000x128xf32, #tpu.memory_space<hbm>>, %arg7: memref<2x128xi32, #tpu.memory_space<vmem>>, %arg8: memref<2x128xi32, #tpu.memory_space<vmem>>, %arg9: memref<128x128xf32, #tpu.memory_space<vmem>>, %arg10: memref<128x128xf32, #tpu.memory_space<vmem>>, %arg11: memref<10000x128xf32, #tpu.memory_space<vmem_shared>>, %arg12: memref<!tpu.dma_semaphore, #tpu.memory_space<semaphore_mem>>, %arg13: memref<!tpu.dma_semaphore, #tpu.memory_space<semaphore_mem>>, %arg14: memref<!tpu.dma_semaphore, #tpu.memory_space<semaphore_mem>>, %arg15: memref<!tpu.dma_semaphore, #tpu.memory_space<semaphore_mem>>) attributes {dimension_semantics = [#tpu.dimension_semantics<core_parallel>, #tpu.dimension_semantics<subcore_parallel>], iteration_bounds = array<i64: 2, 16>, scalar_prefetch = 0 : i64, scratch_operands = 9 : i64, tpu.core_type = #tpu.core_type<sc_vector_subcore>, window_params = [{transform_indices = #map}, {transform_indices = #map}, {transform_indices = #map1}, {transform_indices = #map1}, {transform_indices = #map2}]} {
    %mul3A = arith.constant 16 : i32
    %mul3A_0 = arith.muli %arg0, %mul3A : i32
    %add3A = arith.addi %mul3A_0, %arg1 : i32
    %scan3A = arith.constant 0 : i32
    %scan3A_1 = arith.constant 128 : i32
    %scan3A_2 = arith.addi %scan3A, %scan3A_1 : i32
    %scan3A_3 = arith.constant 1 : i32
    scf.for %scan3A_202 = %scan3A to %scan3A_2 step %scan3A_3  : i32 {
      %mul3A_203 = arith.constant 1 : i32
      %mul3A_204 = arith.muli %scan3A_202, %mul3A_203 : i32
      %add3A_205 = arith.constant 0 : i32
      %add3A_206 = arith.addi %add3A_205, %mul3A_204 : i32
      %broadcast_in_dim3A = arith.constant 0.000000e+00 : f32
      %broadcast_in_dim3A_207 = vector.broadcast %broadcast_in_dim3A : f32 to vector<16xf32>
      %swap3A = arith.index_cast %add3A_206 : i32 to index
      %swap3A_208 = arith.constant 0 : index
      %swap3A_209 = tpu.vector_load %arg9[%swap3A, %swap3A_208] {strides = array<i32>} : memref<128x128xf32, #tpu.memory_space<vmem>>, vector<1x16xf32>,
      %swap3A_210 = vector.shape_cast %swap3A_209 : vector<1x16xf32> to vector<16xf32>
      %swap3A_211 = vector.shape_cast %broadcast_in_dim3A_207 : vector<16xf32> to vector<1x16xf32>
      tpu.vector_store %arg9[%swap3A, %swap3A_208], %swap3A_211 {strides = array<i32>} : memref<128x128xf32, #tpu.memory_space<vmem>>, vector<1x16xf32>,
      %broadcast_in_dim3A_212 = arith.constant 0.000000e+00 : f32
      %broadcast_in_dim3A_213 = vector.broadcast %broadcast_in_dim3A_212 : f32 to vector<16xf32>
      %swap3A_214 = arith.index_cast %add3A_206 : i32 to index
      %swap3A_215 = arith.constant 16 : index
      %swap3A_216 = tpu.vector_load %arg9[%swap3A_214, %swap3A_215] {strides = array<i32>} : memref<128x128xf32, #tpu.memory_space<vmem>>, vector<1x16xf32>,
      %swap3A_217 = vector.shape_cast %swap3A_216 : vector<1x16xf32> to vector<16xf32>
      %swap3A_218 = vector.shape_cast %broadcast_in_dim3A_213 : vector<16xf32> to vector<1x16xf32>
      tpu.vector_store %arg9[%swap3A_214, %swap3A_215], %swap3A_218 {strides = array<i32>} : memref<128x128xf32, #tpu.memory_space<vmem>>, vector<1x16xf32>,
      %broadcast_in_dim3A_219 = arith.constant 0.000000e+00 : f32
      %broadcast_in_dim3A_220 = vector.broadcast %broadcast_in_dim3A_219 : f32 to vector<16xf32>
      %swap3A_221 = arith.index_cast %add3A_206 : i32 to index
      %swap3A_222 = arith.constant 32 : index
      %swap3A_223 = tpu.vector_load %arg9[%swap3A_221, %swap3A_222] {strides = array<i32>} : memref<128x128xf32, #tpu.memory_space<vmem>>, vector<1x16xf32>,
      %swap3A_224 = vector.shape_cast %swap3A_223 : vector<1x16xf32> to vector<16xf32>
      %swap3A_225 = vector.shape_cast %broadcast_in_dim3A_220 : vector<16xf32> to vector<1x16xf32>
      tpu.vector_store %arg9[%swap3A_221, %swap3A_222], %swap3A_225 {strides = array<i32>} : memref<128x128xf32, #tpu.memory_space<vmem>>, vector<1x16xf32>,
      %broadcast_in_dim3A_226 = arith.constant 0.000000e+00 : f32
      %broadcast_in_dim3A_227 = vector.broadcast %broadcast_in_dim3A_226 : f32 to vector<16xf32>
      %swap3A_228 = arith.index_cast %add3A_206 : i32 to index
      %swap3A_229 = arith.constant 48 : index
      %swap3A_230 = tpu.vector_load %arg9[%swap3A_228, %swap3A_229] {strides = array<i32>} : memref<128x128xf32, #tpu.memory_space<vmem>>, vector<1x16xf32>,
      %swap3A_231 = vector.shape_cast %swap3A_230 : vector<1x16xf32> to vector<16xf32>
      %swap3A_232 = vector.shape_cast %broadcast_in_dim3A_227 : vector<16xf32> to vector<1x16xf32>
      tpu.vector_store %arg9[%swap3A_228, %swap3A_229], %swap3A_232 {strides = array<i32>} : memref<128x128xf32, #tpu.memory_space<vmem>>, vector<1x16xf32>,
      %broadcast_in_dim3A_233 = arith.constant 0.000000e+00 : f32
      %broadcast_in_dim3A_234 = vector.broadcast %broadcast_in_dim3A_233 : f32 to vector<16xf32>
      %swap3A_235 = arith.index_cast %add3A_206 : i32 to index
      %swap3A_236 = arith.constant 64 : index
      %swap3A_237 = tpu.vector_load %arg9[%swap3A_235, %swap3A_236] {strides = array<i32>} : memref<128x128xf32, #tpu.memory_space<vmem>>, vector<1x16xf32>,
      %swap3A_238 = vector.shape_cast %swap3A_237 : vector<1x16xf32> to vector<16xf32>
      %swap3A_239 = vector.shape_cast %broadcast_in_dim3A_234 : vector<16xf32> to vector<1x16xf32>
      tpu.vector_store %arg9[%swap3A_235, %swap3A_236], %swap3A_239 {strides = array<i32>} : memref<128x128xf32, #tpu.memory_space<vmem>>, vector<1x16xf32>,
      %broadcast_in_dim3A_240 = arith.constant 0.000000e+00 : f32
      %broadcast_in_dim3A_241 = vector.broadcast %broadcast_in_dim3A_240 : f32 to vector<16xf32>
      %swap3A_242 = arith.index_cast %add3A_206 : i32 to index
      %swap3A_243 = arith.constant 80 : index
      %swap3A_244 = tpu.vector_load %arg9[%swap3A_242, %swap3A_243] {strides = array<i32>} : memref<128x128xf32, #tpu.memory_space<vmem>>, vector<1x16xf32>,
      %swap3A_245 = vector.shape_cast %swap3A_244 : vector<1x16xf32> to vector<16xf32>
      %swap3A_246 = vector.shape_cast %broadcast_in_dim3A_241 : vector<16xf32> to vector<1x16xf32>
      tpu.vector_store %arg9[%swap3A_242, %swap3A_243], %swap3A_246 {strides = array<i32>} : memref<128x128xf32, #tpu.memory_space<vmem>>, vector<1x16xf32>,
      %broadcast_in_dim3A_247 = arith.constant 0.000000e+00 : f32
      %broadcast_in_dim3A_248 = vector.broadcast %broadcast_in_dim3A_247 : f32 to vector<16xf32>
      %swap3A_249 = arith.index_cast %add3A_206 : i32 to index
      %swap3A_250 = arith.constant 96 : index
      %swap3A_251 = tpu.vector_load %arg9[%swap3A_249, %swap3A_250] {strides = array<i32>} : memref<128x128xf32, #tpu.memory_space<vmem>>, vector<1x16xf32>,
      %swap3A_252 = vector.shape_cast %swap3A_251 : vector<1x16xf32> to vector<16xf32>
      %swap3A_253 = vector.shape_cast %broadcast_in_dim3A_248 : vector<16xf32> to vector<1x16xf32>
      tpu.vector_store %arg9[%swap3A_249, %swap3A_250], %swap3A_253 {strides = array<i32>} : memref<128x128xf32, #tpu.memory_space<vmem>>, vector<1x16xf32>,
      %broadcast_in_dim3A_254 = arith.constant 0.000000e+00 : f32
      %broadcast_in_dim3A_255 = vector.broadcast %broadcast_in_dim3A_254 : f32 to vector<16xf32>
      %swap3A_256 = arith.index_cast %add3A_206 : i32 to index
      %swap3A_257 = arith.constant 112 : index
      %swap3A_258 = tpu.vector_load %arg9[%swap3A_256, %swap3A_257] {strides = array<i32>} : memref<128x128xf32, #tpu.memory_space<vmem>>, vector<1x16xf32>,
      %swap3A_259 = vector.shape_cast %swap3A_258 : vector<1x16xf32> to vector<16xf32>
      %swap3A_260 = vector.shape_cast %broadcast_in_dim3A_255 : vector<16xf32> to vector<1x16xf32>
      tpu.vector_store %arg9[%swap3A_256, %swap3A_257], %swap3A_260 {strides = array<i32>} : memref<128x128xf32, #tpu.memory_space<vmem>>, vector<1x16xf32>,
    }
    %scan3A_4 = arith.constant 128 : i32
    %eq3A = arith.constant 15 : i32
    %eq3A_5 = arith.cmpi eq, %arg1, %eq3A : i32
    %jit3A = arith.constant 40 : i32
    %jit3A_6 = arith.constant 39 : i32
    %select_n3A = arith.select %eq3A_5, %jit3A, %jit3A_6 : i32
    %sub3A = arith.constant 0 : i32
    %sub3A_7 = arith.subi %select_n3A, %sub3A : i32
    %sub3A_8 = arith.constant 1 : i32
    %sub3A_9 = arith.constant 1 : i32
    %sub3A_10 = arith.subi %sub3A_8, %sub3A_9 : i32
    %add3A_11 = arith.addi %sub3A_7, %sub3A_10 : i32
    %div3A = arith.constant 1 : i32
    %div3A_12 = arith.divsi %add3A_11, %div3A : i32
    %while3A = arith.constant 1 : i32
    %while3A_13 = arith.constant 0 : i32
    %while3A_14 = arith.constant 0 : i32
    %while3A_15 = arith.subi %div3A_12, %while3A_14 : i32
    %while3A_16 = arith.addi %while3A_14, %while3A_15 : i32
    %while3A_17 = arith.constant 1 : i32
    %while3A_18 = arith.divsi %while3A_15, %while3A_17 : i32
    %while3A_19 = arith.muli %while3A_18, %while3A_17 : i32
    %while3A_20 = arith.addi %while3A_14, %while3A_19 : i32
    %while3A_21 = arith.constant 1 : i32
    scf.for %while3A_202 = %while3A_14 to %while3A_20 step %while3A_21  : i32 {
      %mul3A_203 = arith.muli %while3A_202, %while3A : i32
      %add3A_204 = arith.addi %while3A_13, %mul3A_203 : i32
      %mul3A_205 = arith.constant 624 : i32
      %mul3A_206 = arith.muli %arg1, %mul3A_205 : i32
      %mul3A_207 = arith.constant 16 : i32
      %mul3A_208 = arith.muli %add3A_204, %mul3A_207 : i32
      %add3A_209 = arith.addi %mul3A_206, %mul3A_208 : i32
      "tpu.region"() ({
        %run_scoped3A_210 = tpu.sem_alloc : memref<!tpu.dma_semaphore, #tpu.memory_space<semaphore_mem>>
        %dma_start3A_211 = arith.constant 0 : i32
        %dma_start3A_212 = arith.constant 0 : i32
        %dma_start3A_213 = tpu.memref_slice %arg9[%dma_start3A_211, %dma_start3A_212] : memref<128x128xf32, #tpu.memory_space<vmem>> -> memref<16x128xf32, #tpu.memory_space<vmem>>
        %dma_start3A_214 = arith.constant 0 : i32
        %dma_start3A_215 = tpu.memref_slice %arg11[%add3A_209, %dma_start3A_214] : memref<10000x128xf32, #tpu.memory_space<vmem_shared>> -> memref<16x128xf32, #tpu.memory_space<vmem_shared>>
        %dma_start3A_216 = arith.constant 0 : i32
        %dma_start3A_217 = tpu.memref_slice %arg11[%add3A_209, %dma_start3A_216] : memref<10000x128xf32, #tpu.memory_space<vmem_shared>> -> memref<16x128xf32, #tpu.memory_space<vmem_shared>>
        %dma_start3A_218 = arith.constant 0 : i32
        %dma_start3A_219 = arith.constant 0 : i32
        %dma_start3A_220 = tpu.memref_slice %arg9[%dma_start3A_218, %dma_start3A_219] : memref<128x128xf32, #tpu.memory_space<vmem>> -> memref<16x128xf32, #tpu.memory_space<vmem>>
        tpu.enqueue_dma source(%dma_start3A_220 : memref<16x128xf32, #tpu.memory_space<vmem>>) target(%dma_start3A_217 : memref<16x128xf32, #tpu.memory_space<vmem_shared>>) target_semaphore(%run_scoped3A_210 : memref<!tpu.dma_semaphore, #tpu.memory_space<semaphore_mem>>)
        %dma_wait3A_221 = arith.constant 0 : i32
        %dma_wait3A_222 = arith.constant 0 : i32
        %dma_wait3A_223 = tpu.memref_slice %arg9[%dma_wait3A_221, %dma_wait3A_222] : memref<128x128xf32, #tpu.memory_space<vmem>> -> memref<16x128xf32, #tpu.memory_space<vmem>>
        %dma_wait3A_224 = arith.constant 0 : i32
        %dma_wait3A_225 = tpu.memref_slice %arg11[%add3A_209, %dma_wait3A_224] : memref<10000x128xf32, #tpu.memory_space<vmem_shared>> -> memref<16x128xf32, #tpu.memory_space<vmem_shared>>
        %dma_wait3A_226 = arith.constant 0 : i32
        %dma_wait3A_227 = tpu.memref_slice %arg11[%add3A_209, %dma_wait3A_226] : memref<10000x128xf32, #tpu.memory_space<vmem_shared>> -> memref<16x128xf32, #tpu.memory_space<vmem_shared>>
        %dma_wait3A_228 = arith.constant 0 : i32
        %dma_wait3A_229 = arith.constant 0 : i32
        %dma_wait3A_230 = tpu.memref_slice %arg9[%dma_wait3A_228, %dma_wait3A_229] : memref<128x128xf32, #tpu.memory_space<vmem>> -> memref<16x128xf32, #tpu.memory_space<vmem>>
        tpu.wait_dma2 semaphore(%run_scoped3A_210 : memref<!tpu.dma_semaphore, #tpu.memory_space<semaphore_mem>>) src(%dma_wait3A_230 : memref<16x128xf32, #tpu.memory_space<vmem>>) dst(%dma_wait3A_227 : memref<16x128xf32, #tpu.memory_space<vmem_shared>>)
        tpu.yield
      }) : () -> ()
    }
    %while3A_22 = arith.constant 1 : i32
    scf.for %while3A_202 = %while3A_20 to %while3A_16 step %while3A_22  : i32 {
      %mul3A_203 = arith.muli %while3A_202, %while3A : i32
      %add3A_204 = arith.addi %while3A_13, %mul3A_203 : i32
      %mul3A_205 = arith.constant 624 : i32
      %mul3A_206 = arith.muli %arg1, %mul3A_205 : i32
      %mul3A_207 = arith.constant 16 : i32
      %mul3A_208 = arith.muli %add3A_204, %mul3A_207 : i32
      %add3A_209 = arith.addi %mul3A_206, %mul3A_208 : i32
      "tpu.region"() ({
        %run_scoped3A_210 = tpu.sem_alloc : memref<!tpu.dma_semaphore, #tpu.memory_space<semaphore_mem>>
        %dma_start3A_211 = arith.constant 0 : i32
        %dma_start3A_212 = arith.constant 0 : i32
        %dma_start3A_213 = tpu.memref_slice %arg9[%dma_start3A_211, %dma_start3A_212] : memref<128x128xf32, #tpu.memory_space<vmem>> -> memref<16x128xf32, #tpu.memory_space<vmem>>
        %dma_start3A_214 = arith.constant 0 : i32
        %dma_start3A_215 = tpu.memref_slice %arg11[%add3A_209, %dma_start3A_214] : memref<10000x128xf32, #tpu.memory_space<vmem_shared>> -> memref<16x128xf32, #tpu.memory_space<vmem_shared>>
        %dma_start3A_216 = arith.constant 0 : i32
        %dma_start3A_217 = tpu.memref_slice %arg11[%add3A_209, %dma_start3A_216] : memref<10000x128xf32, #tpu.memory_space<vmem_shared>> -> memref<16x128xf32, #tpu.memory_space<vmem_shared>>
        %dma_start3A_218 = arith.constant 0 : i32
        %dma_start3A_219 = arith.constant 0 : i32
        %dma_start3A_220 = tpu.memref_slice %arg9[%dma_start3A_218, %dma_start3A_219] : memref<128x128xf32, #tpu.memory_space<vmem>> -> memref<16x128xf32, #tpu.memory_space<vmem>>
        tpu.enqueue_dma source(%dma_start3A_220 : memref<16x128xf32, #tpu.memory_space<vmem>>) target(%dma_start3A_217 : memref<16x128xf32, #tpu.memory_space<vmem_shared>>) target_semaphore(%run_scoped3A_210 : memref<!tpu.dma_semaphore, #tpu.memory_space<semaphore_mem>>)
        %dma_wait3A_221 = arith.constant 0 : i32
        %dma_wait3A_222 = arith.constant 0 : i32
        %dma_wait3A_223 = tpu.memref_slice %arg9[%dma_wait3A_221, %dma_wait3A_222] : memref<128x128xf32, #tpu.memory_space<vmem>> -> memref<16x128xf32, #tpu.memory_space<vmem>>
        %dma_wait3A_224 = arith.constant 0 : i32
        %dma_wait3A_225 = tpu.memref_slice %arg11[%add3A_209, %dma_wait3A_224] : memref<10000x128xf32, #tpu.memory_space<vmem_shared>> -> memref<16x128xf32, #tpu.memory_space<vmem_shared>>
        %dma_wait3A_226 = arith.constant 0 : i32
        %dma_wait3A_227 = tpu.memref_slice %arg11[%add3A_209, %dma_wait3A_226] : memref<10000x128xf32, #tpu.memory_space<vmem_shared>> -> memref<16x128xf32, #tpu.memory_space<vmem_shared>>
        %dma_wait3A_228 = arith.constant 0 : i32
        %dma_wait3A_229 = arith.constant 0 : i32
        %dma_wait3A_230 = tpu.memref_slice %arg9[%dma_wait3A_228, %dma_wait3A_229] : memref<128x128xf32, #tpu.memory_space<vmem>> -> memref<16x128xf32, #tpu.memory_space<vmem>>
        tpu.wait_dma2 semaphore(%run_scoped3A_210 : memref<!tpu.dma_semaphore, #tpu.memory_space<semaphore_mem>>) src(%dma_wait3A_230 : memref<16x128xf32, #tpu.memory_space<vmem>>) dst(%dma_wait3A_227 : memref<16x128xf32, #tpu.memory_space<vmem_shared>>)
        tpu.yield
      }) : () -> ()
    }
    %barrier3A = arith.constant 0 : index
    tpu.barrier barrier_id(%barrier3A)
    %mul3A_23 = arith.constant 39 : i32
    %mul3A_24 = arith.muli %add3A, %mul3A_23 : i32
    %min3A = arith.constant 2 : i32
    %min3A_25 = arith.minsi %add3A, %min3A : i32
    %add3A_26 = arith.addi %mul3A_24, %min3A_25 : i32
    %add3A_27 = arith.constant 0 : i32
    %add3A_28 = arith.addi %add3A_26, %add3A_27 : i32
    %mul3A_29 = arith.constant 128 : i32
    %mul3A_30 = arith.muli %add3A_28, %mul3A_29 : i32
    %dma_start3A = arith.constant 0 : i32
    %dma_start3A_31 = arith.constant 0 : i32
    %dma_start3A_32 = tpu.memref_slice %arg7[%dma_start3A, %dma_start3A_31] : memref<2x128xi32, #tpu.memory_space<vmem>> -> memref<1x128xi32, #tpu.memory_space<vmem>>
    %dma_start3A_33 = tpu.memref_squeeze %dma_start3A_32 : memref<1x128xi32, #tpu.memory_space<vmem>> -> memref<128xi32, #tpu.memory_space<vmem>>
    %dma_start3A_34 = tpu.memref_slice %arg2[%mul3A_30] : memref<160000xi32, #tpu.memory_space<hbm>> -> memref<128xi32, #tpu.memory_space<hbm>>
    %dma_start3A_35 = arith.constant 0 : i32
    %dma_start3A_36 = tpu.memref_slice %arg7[%dma_start3A, %dma_start3A_35] : memref<2x128xi32, #tpu.memory_space<vmem>> -> memref<1x128xi32, #tpu.memory_space<vmem>>
    %dma_start3A_37 = tpu.memref_squeeze %dma_start3A_36 : memref<1x128xi32, #tpu.memory_space<vmem>> -> memref<128xi32, #tpu.memory_space<vmem>>
    %dma_start3A_38 = tpu.memref_slice %arg2[%mul3A_30] : memref<160000xi32, #tpu.memory_space<hbm>> -> memref<128xi32, #tpu.memory_space<hbm>>
    tpu.enqueue_dma source(%dma_start3A_38 : memref<128xi32, #tpu.memory_space<hbm>>) target(%dma_start3A_37 : memref<128xi32, #tpu.memory_space<vmem>>) target_semaphore(%arg14 : memref<!tpu.dma_semaphore, #tpu.memory_space<semaphore_mem>>)
    %dma_start3A_39 = arith.constant 0 : i32
    %dma_start3A_40 = arith.constant 0 : i32
    %dma_start3A_41 = tpu.memref_slice %arg8[%dma_start3A_39, %dma_start3A_40] : memref<2x128xi32, #tpu.memory_space<vmem>> -> memref<1x128xi32, #tpu.memory_space<vmem>>
    %dma_start3A_42 = tpu.memref_squeeze %dma_start3A_41 : memref<1x128xi32, #tpu.memory_space<vmem>> -> memref<128xi32, #tpu.memory_space<vmem>>
    %dma_start3A_43 = tpu.memref_slice %arg3[%mul3A_30] : memref<160000xi32, #tpu.memory_space<hbm>> -> memref<128xi32, #tpu.memory_space<hbm>>
    %dma_start3A_44 = arith.constant 0 : i32
    %dma_start3A_45 = tpu.memref_slice %arg8[%dma_start3A_39, %dma_start3A_44] : memref<2x128xi32, #tpu.memory_space<vmem>> -> memref<1x128xi32, #tpu.memory_space<vmem>>
    %dma_start3A_46 = tpu.memref_squeeze %dma_start3A_45 : memref<1x128xi32, #tpu.memory_space<vmem>> -> memref<128xi32, #tpu.memory_space<vmem>>
    %dma_start3A_47 = tpu.memref_slice %arg3[%mul3A_30] : memref<160000xi32, #tpu.memory_space<hbm>> -> memref<128xi32, #tpu.memory_space<hbm>>
    tpu.enqueue_dma source(%dma_start3A_47 : memref<128xi32, #tpu.memory_space<hbm>>) target(%dma_start3A_46 : memref<128xi32, #tpu.memory_space<vmem>>) target_semaphore(%arg14 : memref<!tpu.dma_semaphore, #tpu.memory_space<semaphore_mem>>)
    %add3A_48 = arith.constant 0 : i32
    %add3A_49 = arith.addi %add3A_26, %add3A_48 : i32
    %mul3A_50 = arith.constant 128 : i32
    %mul3A_51 = arith.muli %add3A_49, %mul3A_50 : i32
    %dma_wait3A = arith.constant 0 : i32
    %dma_wait3A_52 = arith.constant 0 : i32
    %dma_wait3A_53 = tpu.memref_slice %arg7[%dma_wait3A, %dma_wait3A_52] : memref<2x128xi32, #tpu.memory_space<vmem>> -> memref<1x128xi32, #tpu.memory_space<vmem>>
    %dma_wait3A_54 = tpu.memref_squeeze %dma_wait3A_53 : memref<1x128xi32, #tpu.memory_space<vmem>> -> memref<128xi32, #tpu.memory_space<vmem>>
    %dma_wait3A_55 = tpu.memref_slice %arg2[%mul3A_51] : memref<160000xi32, #tpu.memory_space<hbm>> -> memref<128xi32, #tpu.memory_space<hbm>>
    %dma_wait3A_56 = arith.constant 0 : i32
    %dma_wait3A_57 = tpu.memref_slice %arg7[%dma_wait3A, %dma_wait3A_56] : memref<2x128xi32, #tpu.memory_space<vmem>> -> memref<1x128xi32, #tpu.memory_space<vmem>>
    %dma_wait3A_58 = tpu.memref_squeeze %dma_wait3A_57 : memref<1x128xi32, #tpu.memory_space<vmem>> -> memref<128xi32, #tpu.memory_space<vmem>>
    %dma_wait3A_59 = tpu.memref_slice %arg2[%mul3A_51] : memref<160000xi32, #tpu.memory_space<hbm>> -> memref<128xi32, #tpu.memory_space<hbm>>
    tpu.wait_dma2 semaphore(%arg14 : memref<!tpu.dma_semaphore, #tpu.memory_space<semaphore_mem>>) src(%dma_wait3A_59 : memref<128xi32, #tpu.memory_space<hbm>>) dst(%dma_wait3A_58 : memref<128xi32, #tpu.memory_space<vmem>>)
    %dma_wait3A_60 = arith.constant 0 : i32
    %dma_wait3A_61 = arith.constant 0 : i32
    %dma_wait3A_62 = tpu.memref_slice %arg8[%dma_wait3A_60, %dma_wait3A_61] : memref<2x128xi32, #tpu.memory_space<vmem>> -> memref<1x128xi32, #tpu.memory_space<vmem>>
    %dma_wait3A_63 = tpu.memref_squeeze %dma_wait3A_62 : memref<1x128xi32, #tpu.memory_space<vmem>> -> memref<128xi32, #tpu.memory_space<vmem>>
    %dma_wait3A_64 = tpu.memref_slice %arg3[%mul3A_51] : memref<160000xi32, #tpu.memory_space<hbm>> -> memref<128xi32, #tpu.memory_space<hbm>>
    %dma_wait3A_65 = arith.constant 0 : i32
    %dma_wait3A_66 = tpu.memref_slice %arg8[%dma_wait3A_60, %dma_wait3A_65] : memref<2x128xi32, #tpu.memory_space<vmem>> -> memref<1x128xi32, #tpu.memory_space<vmem>>
    %dma_wait3A_67 = tpu.memref_squeeze %dma_wait3A_66 : memref<1x128xi32, #tpu.memory_space<vmem>> -> memref<128xi32, #tpu.memory_space<vmem>>
    %dma_wait3A_68 = tpu.memref_slice %arg3[%mul3A_51] : memref<160000xi32, #tpu.memory_space<hbm>> -> memref<128xi32, #tpu.memory_space<hbm>>
    tpu.wait_dma2 semaphore(%arg14 : memref<!tpu.dma_semaphore, #tpu.memory_space<semaphore_mem>>) src(%dma_wait3A_68 : memref<128xi32, #tpu.memory_space<hbm>>) dst(%dma_wait3A_67 : memref<128xi32, #tpu.memory_space<vmem>>)
    %dma_start3A_69 = arith.constant 0 : i32
    %dma_start3A_70 = arith.constant 0 : i32
    %dma_start3A_71 = tpu.memref_slice %arg7[%dma_start3A_69, %dma_start3A_70] : memref<2x128xi32, #tpu.memory_space<vmem>> -> memref<1x128xi32, #tpu.memory_space<vmem>>
    %dma_start3A_72 = tpu.memref_squeeze %dma_start3A_71 : memref<1x128xi32, #tpu.memory_space<vmem>> -> memref<128xi32, #tpu.memory_space<vmem>>
    %dma_start3A_73 = arith.constant 0 : i32
    %dma_start3A_74 = arith.constant 0 : i32
    %dma_start3A_75 = tpu.memref_slice %arg4[%dma_start3A_73, %dma_start3A_74] : memref<10000x128xf32, #tpu.memory_space<hbm>> -> memref<10000x128xf32, #tpu.memory_space<hbm>>
    tpu.enqueue_indirect_dma source(%dma_start3A_75 : memref<10000x128xf32, #tpu.memory_space<hbm>>) target(%arg9 : memref<128x128xf32, #tpu.memory_space<vmem>>) offsets(%dma_start3A_72 : memref<128xi32, #tpu.memory_space<vmem>>) semaphore(%arg12 : memref<!tpu.dma_semaphore, #tpu.memory_space<semaphore_mem>>)
    %add3A_76 = arith.constant 1 : i32
    %add3A_77 = arith.addi %add3A_26, %add3A_76 : i32
    %mul3A_78 = arith.constant 128 : i32
    %mul3A_79 = arith.muli %add3A_77, %mul3A_78 : i32
    %dma_start3A_80 = arith.constant 1 : i32
    %dma_start3A_81 = arith.constant 0 : i32
    %dma_start3A_82 = tpu.memref_slice %arg7[%dma_start3A_80, %dma_start3A_81] : memref<2x128xi32, #tpu.memory_space<vmem>> -> memref<1x128xi32, #tpu.memory_space<vmem>>
    %dma_start3A_83 = tpu.memref_squeeze %dma_start3A_82 : memref<1x128xi32, #tpu.memory_space<vmem>> -> memref<128xi32, #tpu.memory_space<vmem>>
    %dma_start3A_84 = tpu.memref_slice %arg2[%mul3A_79] : memref<160000xi32, #tpu.memory_space<hbm>> -> memref<128xi32, #tpu.memory_space<hbm>>
    %dma_start3A_85 = arith.constant 0 : i32
    %dma_start3A_86 = tpu.memref_slice %arg7[%dma_start3A_80, %dma_start3A_85] : memref<2x128xi32, #tpu.memory_space<vmem>> -> memref<1x128xi32, #tpu.memory_space<vmem>>
    %dma_start3A_87 = tpu.memref_squeeze %dma_start3A_86 : memref<1x128xi32, #tpu.memory_space<vmem>> -> memref<128xi32, #tpu.memory_space<vmem>>
    %dma_start3A_88 = tpu.memref_slice %arg2[%mul3A_79] : memref<160000xi32, #tpu.memory_space<hbm>> -> memref<128xi32, #tpu.memory_space<hbm>>
    tpu.enqueue_dma source(%dma_start3A_88 : memref<128xi32, #tpu.memory_space<hbm>>) target(%dma_start3A_87 : memref<128xi32, #tpu.memory_space<vmem>>) target_semaphore(%arg15 : memref<!tpu.dma_semaphore, #tpu.memory_space<semaphore_mem>>)
    %dma_start3A_89 = arith.constant 1 : i32
    %dma_start3A_90 = arith.constant 0 : i32
    %dma_start3A_91 = tpu.memref_slice %arg8[%dma_start3A_89, %dma_start3A_90] : memref<2x128xi32, #tpu.memory_space<vmem>> -> memref<1x128xi32, #tpu.memory_space<vmem>>
    %dma_start3A_92 = tpu.memref_squeeze %dma_start3A_91 : memref<1x128xi32, #tpu.memory_space<vmem>> -> memref<128xi32, #tpu.memory_space<vmem>>
    %dma_start3A_93 = tpu.memref_slice %arg3[%mul3A_79] : memref<160000xi32, #tpu.memory_space<hbm>> -> memref<128xi32, #tpu.memory_space<hbm>>
    %dma_start3A_94 = arith.constant 0 : i32
    %dma_start3A_95 = tpu.memref_slice %arg8[%dma_start3A_89, %dma_start3A_94] : memref<2x128xi32, #tpu.memory_space<vmem>> -> memref<1x128xi32, #tpu.memory_space<vmem>>
    %dma_start3A_96 = tpu.memref_squeeze %dma_start3A_95 : memref<1x128xi32, #tpu.memory_space<vmem>> -> memref<128xi32, #tpu.memory_space<vmem>>
    %dma_start3A_97 = tpu.memref_slice %arg3[%mul3A_79] : memref<160000xi32, #tpu.memory_space<hbm>> -> memref<128xi32, #tpu.memory_space<hbm>>
    tpu.enqueue_dma source(%dma_start3A_97 : memref<128xi32, #tpu.memory_space<hbm>>) target(%dma_start3A_96 : memref<128xi32, #tpu.memory_space<vmem>>) target_semaphore(%arg15 : memref<!tpu.dma_semaphore, #tpu.memory_space<semaphore_mem>>)
    %add3A_98 = arith.constant 0 : i32
    %add3A_99 = arith.addi %add3A_26, %add3A_98 : i32
    %mul3A_100 = arith.constant 128 : i32
    %mul3A_101 = arith.muli %add3A_99, %mul3A_100 : i32
    %dma_start3A_102 = arith.constant 0 : i32
    %dma_start3A_103 = tpu.memref_slice %arg5[%mul3A_101, %dma_start3A_102] : memref<160000x128xf32, #tpu.memory_space<hbm>> -> memref<128x128xf32, #tpu.memory_space<hbm>>
    %dma_start3A_104 = arith.constant 0 : i32
    %dma_start3A_105 = tpu.memref_slice %arg5[%mul3A_101, %dma_start3A_104] : memref<160000x128xf32, #tpu.memory_space<hbm>> -> memref<128x128xf32, #tpu.memory_space<hbm>>
    tpu.enqueue_dma source(%dma_start3A_105 : memref<128x128xf32, #tpu.memory_space<hbm>>) target(%arg10 : memref<128x128xf32, #tpu.memory_space<vmem>>) target_semaphore(%arg13 : memref<!tpu.dma_semaphore, #tpu.memory_space<semaphore_mem>>)
    %scan3A_106 = arith.constant 0 : i32
    %scan3A_107 = arith.constant 19 : i32
    %scan3A_108 = arith.addi %scan3A_106, %scan3A_107 : i32
    %scan3A_109 = arith.constant 1 : i32
    scf.for %scan3A_202 = %scan3A_106 to %scan3A_108 step %scan3A_109  : i32 {
      %mul3A_203 = arith.constant 1 : i32
      %mul3A_204 = arith.muli %scan3A_202, %mul3A_203 : i32
      %add3A_205 = arith.constant 0 : i32
      %add3A_206 = arith.addi %add3A_205, %mul3A_204 : i32
      %mul3A_207 = arith.constant 2 : i32
      %mul3A_208 = arith.muli %mul3A_207, %add3A_206 : i32
      %add3A_209 = arith.constant 0 : i32
      %add3A_210 = arith.addi %mul3A_208, %add3A_209 : i32
      %dma_wait3A_211 = arith.constant 0 : i32
      %dma_wait3A_212 = arith.constant 0 : i32
      %dma_wait3A_213 = tpu.memref_slice %arg7[%dma_wait3A_211, %dma_wait3A_212] : memref<2x128xi32, #tpu.memory_space<vmem>> -> memref<1x128xi32, #tpu.memory_space<vmem>>
      %dma_wait3A_214 = tpu.memref_squeeze %dma_wait3A_213 : memref<1x128xi32, #tpu.memory_space<vmem>> -> memref<128xi32, #tpu.memory_space<vmem>>
      %dma_wait3A_215 = arith.constant 0 : i32
      %dma_wait3A_216 = arith.constant 0 : i32
      %dma_wait3A_217 = tpu.memref_slice %arg4[%dma_wait3A_215, %dma_wait3A_216] : memref<10000x128xf32, #tpu.memory_space<hbm>> -> memref<10000x128xf32, #tpu.memory_space<hbm>>
      tpu.wait_indirect_dma semaphore(%arg12 : memref<!tpu.dma_semaphore, #tpu.memory_space<semaphore_mem>>) src(%dma_wait3A_217 : memref<10000x128xf32, #tpu.memory_space<hbm>>) dst(%arg9 : memref<128x128xf32, #tpu.memory_space<vmem>>)
      %add3A_218 = arith.addi %add3A_26, %add3A_210 : i32
      %mul3A_219 = arith.constant 128 : i32
      %mul3A_220 = arith.muli %add3A_218, %mul3A_219 : i32
      %dma_wait3A_221 = arith.constant 0 : i32
      %dma_wait3A_222 = tpu.memref_slice %arg5[%mul3A_220, %dma_wait3A_221] : memref<160000x128xf32, #tpu.memory_space<hbm>> -> memref<128x128xf32, #tpu.memory_space<hbm>>
      %dma_wait3A_223 = arith.constant 0 : i32
      %dma_wait3A_224 = tpu.memref_slice %arg5[%mul3A_220, %dma_wait3A_223] : memref<160000x128xf32, #tpu.memory_space<hbm>> -> memref<128x128xf32, #tpu.memory_space<hbm>>
      tpu.wait_dma2 semaphore(%arg13 : memref<!tpu.dma_semaphore, #tpu.memory_space<semaphore_mem>>) src(%dma_wait3A_224 : memref<128x128xf32, #tpu.memory_space<hbm>>) dst(%arg10 : memref<128x128xf32, #tpu.memory_space<vmem>>)
      %scan3A_225 = arith.constant 0 : i32
      %scan3A_226 = arith.constant 128 : i32
      %scan3A_227 = arith.addi %scan3A_225, %scan3A_226 : i32
      %scan3A_228 = arith.constant 1 : i32
      scf.for %scan3A_314 = %scan3A_225 to %scan3A_227 step %scan3A_228  : i32 {
        %mul3A_315 = arith.constant 1 : i32
        %mul3A_316 = arith.muli %scan3A_314, %mul3A_315 : i32
        %add3A_317 = arith.constant 0 : i32
        %add3A_318 = arith.addi %add3A_317, %mul3A_316 : i32
        %get3A = arith.index_cast %add3A_318 : i32 to index
        %get3A_319 = arith.constant 0 : index
        %get3A_320 = tpu.vector_load %arg10[%get3A, %get3A_319] {strides = array<i32>} : memref<128x128xf32, #tpu.memory_space<vmem>>, vector<1x16xf32>,
        %get3A_321 = vector.shape_cast %get3A_320 : vector<1x16xf32> to vector<16xf32>
        %get3A_322 = arith.index_cast %add3A_318 : i32 to index
        %get3A_323 = arith.constant 0 : index
        %get3A_324 = tpu.vector_load %arg9[%get3A_322, %get3A_323] {strides = array<i32>} : memref<128x128xf32, #tpu.memory_space<vmem>>, vector<1x16xf32>,
        %get3A_325 = vector.shape_cast %get3A_324 : vector<1x16xf32> to vector<16xf32>
        %mul3A_326 = arith.mulf %get3A_321, %get3A_325 : vector<16xf32>
        %swap3A = arith.index_cast %add3A_318 : i32 to index
        %swap3A_327 = arith.constant 0 : index
        %swap3A_328 = tpu.vector_load %arg10[%swap3A, %swap3A_327] {strides = array<i32>} : memref<128x128xf32, #tpu.memory_space<vmem>>, vector<1x16xf32>,
        %swap3A_329 = vector.shape_cast %swap3A_328 : vector<1x16xf32> to vector<16xf32>
        %swap3A_330 = vector.shape_cast %mul3A_326 : vector<16xf32> to vector<1x16xf32>
        tpu.vector_store %arg10[%swap3A, %swap3A_327], %swap3A_330 {strides = array<i32>} : memref<128x128xf32, #tpu.memory_space<vmem>>, vector<1x16xf32>,
        %get3A_331 = arith.index_cast %add3A_318 : i32 to index
        %get3A_332 = arith.constant 16 : index
        %get3A_333 = tpu.vector_load %arg10[%get3A_331, %get3A_332] {strides = array<i32>} : memref<128x128xf32, #tpu.memory_space<vmem>>, vector<1x16xf32>,
        %get3A_334 = vector.shape_cast %get3A_333 : vector<1x16xf32> to vector<16xf32>
        %get3A_335 = arith.index_cast %add3A_318 : i32 to index
        %get3A_336 = arith.constant 16 : index
        %get3A_337 = tpu.vector_load %arg9[%get3A_335, %get3A_336] {strides = array<i32>} : memref<128x128xf32, #tpu.memory_space<vmem>>, vector<1x16xf32>,
        %get3A_338 = vector.shape_cast %get3A_337 : vector<1x16xf32> to vector<16xf32>
        %mul3A_339 = arith.mulf %get3A_334, %get3A_338 : vector<16xf32>
        %swap3A_340 = arith.index_cast %add3A_318 : i32 to index
        %swap3A_341 = arith.constant 16 : index
        %swap3A_342 = tpu.vector_load %arg10[%swap3A_340, %swap3A_341] {strides = array<i32>} : memref<128x128xf32, #tpu.memory_space<vmem>>, vector<1x16xf32>,
        %swap3A_343 = vector.shape_cast %swap3A_342 : vector<1x16xf32> to vector<16xf32>
        %swap3A_344 = vector.shape_cast %mul3A_339 : vector<16xf32> to vector<1x16xf32>
        tpu.vector_store %arg10[%swap3A_340, %swap3A_341], %swap3A_344 {strides = array<i32>} : memref<128x128xf32, #tpu.memory_space<vmem>>, vector<1x16xf32>,
        %get3A_345 = arith.index_cast %add3A_318 : i32 to index
        %get3A_346 = arith.constant 32 : index
        %get3A_347 = tpu.vector_load %arg10[%get3A_345, %get3A_346] {strides = array<i32>} : memref<128x128xf32, #tpu.memory_space<vmem>>, vector<1x16xf32>,
        %get3A_348 = vector.shape_cast %get3A_347 : vector<1x16xf32> to vector<16xf32>
        %get3A_349 = arith.index_cast %add3A_318 : i32 to index
        %get3A_350 = arith.constant 32 : index
        %get3A_351 = tpu.vector_load %arg9[%get3A_349, %get3A_350] {strides = array<i32>} : memref<128x128xf32, #tpu.memory_space<vmem>>, vector<1x16xf32>,
        %get3A_352 = vector.shape_cast %get3A_351 : vector<1x16xf32> to vector<16xf32>
        %mul3A_353 = arith.mulf %get3A_348, %get3A_352 : vector<16xf32>
        %swap3A_354 = arith.index_cast %add3A_318 : i32 to index
        %swap3A_355 = arith.constant 32 : index
        %swap3A_356 = tpu.vector_load %arg10[%swap3A_354, %swap3A_355] {strides = array<i32>} : memref<128x128xf32, #tpu.memory_space<vmem>>, vector<1x16xf32>,
        %swap3A_357 = vector.shape_cast %swap3A_356 : vector<1x16xf32> to vector<16xf32>
        %swap3A_358 = vector.shape_cast %mul3A_353 : vector<16xf32> to vector<1x16xf32>
        tpu.vector_store %arg10[%swap3A_354, %swap3A_355], %swap3A_358 {strides = array<i32>} : memref<128x128xf32, #tpu.memory_space<vmem>>, vector<1x16xf32>,
        %get3A_359 = arith.index_cast %add3A_318 : i32 to index
        %get3A_360 = arith.constant 48 : index
        %get3A_361 = tpu.vector_load %arg10[%get3A_359, %get3A_360] {strides = array<i32>} : memref<128x128xf32, #tpu.memory_space<vmem>>, vector<1x16xf32>,
        %get3A_362 = vector.shape_cast %get3A_361 : vector<1x16xf32> to vector<16xf32>
        %get3A_363 = arith.index_cast %add3A_318 : i32 to index
        %get3A_364 = arith.constant 48 : index
        %get3A_365 = tpu.vector_load %arg9[%get3A_363, %get3A_364] {strides = array<i32>} : memref<128x128xf32, #tpu.memory_space<vmem>>, vector<1x16xf32>,
        %get3A_366 = vector.shape_cast %get3A_365 : vector<1x16xf32> to vector<16xf32>
        %mul3A_367 = arith.mulf %get3A_362, %get3A_366 : vector<16xf32>
        %swap3A_368 = arith.index_cast %add3A_318 : i32 to index
        %swap3A_369 = arith.constant 48 : index
        %swap3A_370 = tpu.vector_load %arg10[%swap3A_368, %swap3A_369] {strides = array<i32>} : memref<128x128xf32, #tpu.memory_space<vmem>>, vector<1x16xf32>,
        %swap3A_371 = vector.shape_cast %swap3A_370 : vector<1x16xf32> to vector<16xf32>
        %swap3A_372 = vector.shape_cast %mul3A_367 : vector<16xf32> to vector<1x16xf32>
        tpu.vector_store %arg10[%swap3A_368, %swap3A_369], %swap3A_372 {strides = array<i32>} : memref<128x128xf32, #tpu.memory_space<vmem>>, vector<1x16xf32>,
        %get3A_373 = arith.index_cast %add3A_318 : i32 to index
        %get3A_374 = arith.constant 64 : index
        %get3A_375 = tpu.vector_load %arg10[%get3A_373, %get3A_374] {strides = array<i32>} : memref<128x128xf32, #tpu.memory_space<vmem>>, vector<1x16xf32>,
        %get3A_376 = vector.shape_cast %get3A_375 : vector<1x16xf32> to vector<16xf32>
        %get3A_377 = arith.index_cast %add3A_318 : i32 to index
        %get3A_378 = arith.constant 64 : index
        %get3A_379 = tpu.vector_load %arg9[%get3A_377, %get3A_378] {strides = array<i32>} : memref<128x128xf32, #tpu.memory_space<vmem>>, vector<1x16xf32>,
        %get3A_380 = vector.shape_cast %get3A_379 : vector<1x16xf32> to vector<16xf32>
        %mul3A_381 = arith.mulf %get3A_376, %get3A_380 : vector<16xf32>
        %swap3A_382 = arith.index_cast %add3A_318 : i32 to index
        %swap3A_383 = arith.constant 64 : index
        %swap3A_384 = tpu.vector_load %arg10[%swap3A_382, %swap3A_383] {strides = array<i32>} : memref<128x128xf32, #tpu.memory_space<vmem>>, vector<1x16xf32>,
        %swap3A_385 = vector.shape_cast %swap3A_384 : vector<1x16xf32> to vector<16xf32>
        %swap3A_386 = vector.shape_cast %mul3A_381 : vector<16xf32> to vector<1x16xf32>
        tpu.vector_store %arg10[%swap3A_382, %swap3A_383], %swap3A_386 {strides = array<i32>} : memref<128x128xf32, #tpu.memory_space<vmem>>, vector<1x16xf32>,
        %get3A_387 = arith.index_cast %add3A_318 : i32 to index
        %get3A_388 = arith.constant 80 : index
        %get3A_389 = tpu.vector_load %arg10[%get3A_387, %get3A_388] {strides = array<i32>} : memref<128x128xf32, #tpu.memory_space<vmem>>, vector<1x16xf32>,
        %get3A_390 = vector.shape_cast %get3A_389 : vector<1x16xf32> to vector<16xf32>
        %get3A_391 = arith.index_cast %add3A_318 : i32 to index
        %get3A_392 = arith.constant 80 : index
        %get3A_393 = tpu.vector_load %arg9[%get3A_391, %get3A_392] {strides = array<i32>} : memref<128x128xf32, #tpu.memory_space<vmem>>, vector<1x16xf32>,
        %get3A_394 = vector.shape_cast %get3A_393 : vector<1x16xf32> to vector<16xf32>
        %mul3A_395 = arith.mulf %get3A_390, %get3A_394 : vector<16xf32>
        %swap3A_396 = arith.index_cast %add3A_318 : i32 to index
        %swap3A_397 = arith.constant 80 : index
        %swap3A_398 = tpu.vector_load %arg10[%swap3A_396, %swap3A_397] {strides = array<i32>} : memref<128x128xf32, #tpu.memory_space<vmem>>, vector<1x16xf32>,
        %swap3A_399 = vector.shape_cast %swap3A_398 : vector<1x16xf32> to vector<16xf32>
        %swap3A_400 = vector.shape_cast %mul3A_395 : vector<16xf32> to vector<1x16xf32>
        tpu.vector_store %arg10[%swap3A_396, %swap3A_397], %swap3A_400 {strides = array<i32>} : memref<128x128xf32, #tpu.memory_space<vmem>>, vector<1x16xf32>,
        %get3A_401 = arith.index_cast %add3A_318 : i32 to index
        %get3A_402 = arith.constant 96 : index
        %get3A_403 = tpu.vector_load %arg10[%get3A_401, %get3A_402] {strides = array<i32>} : memref<128x128xf32, #tpu.memory_space<vmem>>, vector<1x16xf32>,
        %get3A_404 = vector.shape_cast %get3A_403 : vector<1x16xf32> to vector<16xf32>
        %get3A_405 = arith.index_cast %add3A_318 : i32 to index
        %get3A_406 = arith.constant 96 : index
        %get3A_407 = tpu.vector_load %arg9[%get3A_405, %get3A_406] {strides = array<i32>} : memref<128x128xf32, #tpu.memory_space<vmem>>, vector<1x16xf32>,
        %get3A_408 = vector.shape_cast %get3A_407 : vector<1x16xf32> to vector<16xf32>
        %mul3A_409 = arith.mulf %get3A_404, %get3A_408 : vector<16xf32>
        %swap3A_410 = arith.index_cast %add3A_318 : i32 to index
        %swap3A_411 = arith.constant 96 : index
        %swap3A_412 = tpu.vector_load %arg10[%swap3A_410, %swap3A_411] {strides = array<i32>} : memref<128x128xf32, #tpu.memory_space<vmem>>, vector<1x16xf32>,
        %swap3A_413 = vector.shape_cast %swap3A_412 : vector<1x16xf32> to vector<16xf32>
        %swap3A_414 = vector.shape_cast %mul3A_409 : vector<16xf32> to vector<1x16xf32>
        tpu.vector_store %arg10[%swap3A_410, %swap3A_411], %swap3A_414 {strides = array<i32>} : memref<128x128xf32, #tpu.memory_space<vmem>>, vector<1x16xf32>,
        %get3A_415 = arith.index_cast %add3A_318 : i32 to index
        %get3A_416 = arith.constant 112 : index
        %get3A_417 = tpu.vector_load %arg10[%get3A_415, %get3A_416] {strides = array<i32>} : memref<128x128xf32, #tpu.memory_space<vmem>>, vector<1x16xf32>,
        %get3A_418 = vector.shape_cast %get3A_417 : vector<1x16xf32> to vector<16xf32>
        %get3A_419 = arith.index_cast %add3A_318 : i32 to index
        %get3A_420 = arith.constant 112 : index
        %get3A_421 = tpu.vector_load %arg9[%get3A_419, %get3A_420] {strides = array<i32>} : memref<128x128xf32, #tpu.memory_space<vmem>>, vector<1x16xf32>,
        %get3A_422 = vector.shape_cast %get3A_421 : vector<1x16xf32> to vector<16xf32>
        %mul3A_423 = arith.mulf %get3A_418, %get3A_422 : vector<16xf32>
        %swap3A_424 = arith.index_cast %add3A_318 : i32 to index
        %swap3A_425 = arith.constant 112 : index
        %swap3A_426 = tpu.vector_load %arg10[%swap3A_424, %swap3A_425] {strides = array<i32>} : memref<128x128xf32, #tpu.memory_space<vmem>>, vector<1x16xf32>,
        %swap3A_427 = vector.shape_cast %swap3A_426 : vector<1x16xf32> to vector<16xf32>
        %swap3A_428 = vector.shape_cast %mul3A_423 : vector<16xf32> to vector<1x16xf32>
        tpu.vector_store %arg10[%swap3A_424, %swap3A_425], %swap3A_428 {strides = array<i32>} : memref<128x128xf32, #tpu.memory_space<vmem>>, vector<1x16xf32>,
      }
      %scan3A_229 = arith.constant 128 : i32
      %add3A_230 = arith.constant 1 : i32
      %add3A_231 = arith.addi %add3A_210, %add3A_230 : i32
      %add3A_232 = arith.addi %add3A_26, %add3A_231 : i32
      %mul3A_233 = arith.constant 128 : i32
      %mul3A_234 = arith.muli %add3A_232, %mul3A_233 : i32
      %dma_wait3A_235 = arith.constant 1 : i32
      %dma_wait3A_236 = arith.constant 0 : i32
      %dma_wait3A_237 = tpu.memref_slice %arg7[%dma_wait3A_235, %dma_wait3A_236] : memref<2x128xi32, #tpu.memory_space<vmem>> -> memref<1x128xi32, #tpu.memory_space<vmem>>
      %dma_wait3A_238 = tpu.memref_squeeze %dma_wait3A_237 : memref<1x128xi32, #tpu.memory_space<vmem>> -> memref<128xi32, #tpu.memory_space<vmem>>
      %dma_wait3A_239 = tpu.memref_slice %arg2[%mul3A_234] : memref<160000xi32, #tpu.memory_space<hbm>> -> memref<128xi32, #tpu.memory_space<hbm>>
      %dma_wait3A_240 = arith.constant 0 : i32
      %dma_wait3A_241 = tpu.memref_slice %arg7[%dma_wait3A_235, %dma_wait3A_240] : memref<2x128xi32, #tpu.memory_space<vmem>> -> memref<1x128xi32, #tpu.memory_space<vmem>>
      %dma_wait3A_242 = tpu.memref_squeeze %dma_wait3A_241 : memref<1x128xi32, #tpu.memory_space<vmem>> -> memref<128xi32, #tpu.memory_space<vmem>>
      %dma_wait3A_243 = tpu.memref_slice %arg2[%mul3A_234] : memref<160000xi32, #tpu.memory_space<hbm>> -> memref<128xi32, #tpu.memory_space<hbm>>
      tpu.wait_dma2 semaphore(%arg15 : memref<!tpu.dma_semaphore, #tpu.memory_space<semaphore_mem>>) src(%dma_wait3A_243 : memref<128xi32, #tpu.memory_space<hbm>>) dst(%dma_wait3A_242 : memref<128xi32, #tpu.memory_space<vmem>>)
      %dma_wait3A_244 = arith.constant 1 : i32
      %dma_wait3A_245 = arith.constant 0 : i32
      %dma_wait3A_246 = tpu.memref_slice %arg8[%dma_wait3A_244, %dma_wait3A_245] : memref<2x128xi32, #tpu.memory_space<vmem>> -> memref<1x128xi32, #tpu.memory_space<vmem>>
      %dma_wait3A_247 = tpu.memref_squeeze %dma_wait3A_246 : memref<1x128xi32, #tpu.memory_space<vmem>> -> memref<128xi32, #tpu.memory_space<vmem>>
      %dma_wait3A_248 = tpu.memref_slice %arg3[%mul3A_234] : memref<160000xi32, #tpu.memory_space<hbm>> -> memref<128xi32, #tpu.memory_space<hbm>>
      %dma_wait3A_249 = arith.constant 0 : i32
      %dma_wait3A_250 = tpu.memref_slice %arg8[%dma_wait3A_244, %dma_wait3A_249] : memref<2x128xi32, #tpu.memory_space<vmem>> -> memref<1x128xi32, #tpu.memory_space<vmem>>
      %dma_wait3A_251 = tpu.memref_squeeze %dma_wait3A_250 : memref<1x128xi32, #tpu.memory_space<vmem>> -> memref<128xi32, #tpu.memory_space<vmem>>
      %dma_wait3A_252 = tpu.memref_slice %arg3[%mul3A_234] : memref<160000xi32, #tpu.memory_space<hbm>> -> memref<128xi32, #tpu.memory_space<hbm>>
      tpu.wait_dma2 semaphore(%arg15 : memref<!tpu.dma_semaphore, #tpu.memory_space<semaphore_mem>>) src(%dma_wait3A_252 : memref<128xi32, #tpu.memory_space<hbm>>) dst(%dma_wait3A_251 : memref<128xi32, #tpu.memory_space<vmem>>)
      %dma_start3A_253 = arith.constant 1 : i32
      %dma_start3A_254 = arith.constant 0 : i32
      %dma_start3A_255 = tpu.memref_slice %arg7[%dma_start3A_253, %dma_start3A_254] : memref<2x128xi32, #tpu.memory_space<vmem>> -> memref<1x128xi32, #tpu.memory_space<vmem>>
      %dma_start3A_256 = tpu.memref_squeeze %dma_start3A_255 : memref<1x128xi32, #tpu.memory_space<vmem>> -> memref<128xi32, #tpu.memory_space<vmem>>
      %dma_start3A_257 = arith.constant 0 : i32
      %dma_start3A_258 = arith.constant 0 : i32
      %dma_start3A_259 = tpu.memref_slice %arg4[%dma_start3A_257, %dma_start3A_258] : memref<10000x128xf32, #tpu.memory_space<hbm>> -> memref<10000x128xf32, #tpu.memory_space<hbm>>
      tpu.enqueue_indirect_dma source(%dma_start3A_259 : memref<10000x128xf32, #tpu.memory_space<hbm>>) target(%arg9 : memref<128x128xf32, #tpu.memory_space<vmem>>) offsets(%dma_start3A_256 : memref<128xi32, #tpu.memory_space<vmem>>) semaphore(%arg12 : memref<!tpu.dma_semaphore, #tpu.memory_space<semaphore_mem>>)
      %run_scoped3A_260 = arith.constant 0 : i32
      "tpu.region"() ({
        %run_scoped3A_314 = tpu.sem_alloc : memref<!tpu.dma_semaphore, #tpu.memory_space<semaphore_mem>>
        %dma_start3A_315 = arith.constant 0 : i32
        %dma_start3A_316 = tpu.memref_slice %arg8[%run_scoped3A_260, %dma_start3A_315] : memref<2x128xi32, #tpu.memory_space<vmem>> -> memref<1x128xi32, #tpu.memory_space<vmem>>
        %dma_start3A_317 = tpu.memref_squeeze %dma_start3A_316 : memref<1x128xi32, #tpu.memory_space<vmem>> -> memref<128xi32, #tpu.memory_space<vmem>>
        %dma_start3A_318 = arith.constant 0 : i32
        %dma_start3A_319 = arith.constant 0 : i32
        %dma_start3A_320 = tpu.memref_slice %arg11[%dma_start3A_318, %dma_start3A_319] : memref<10000x128xf32, #tpu.memory_space<vmem_shared>> -> memref<10000x128xf32, #tpu.memory_space<vmem_shared>>
        tpu.enqueue_indirect_dma source(%arg10 : memref<128x128xf32, #tpu.memory_space<vmem>>) target(%dma_start3A_320 : memref<10000x128xf32, #tpu.memory_space<vmem_shared>>) offsets(%dma_start3A_317 : memref<128xi32, #tpu.memory_space<vmem>>) semaphore(%run_scoped3A_314 : memref<!tpu.dma_semaphore, #tpu.memory_space<semaphore_mem>>) {add = true}
        %dma_wait3A_321 = arith.constant 0 : i32
        %dma_wait3A_322 = tpu.memref_slice %arg8[%run_scoped3A_260, %dma_wait3A_321] : memref<2x128xi32, #tpu.memory_space<vmem>> -> memref<1x128xi32, #tpu.memory_space<vmem>>
        %dma_wait3A_323 = tpu.memref_squeeze %dma_wait3A_322 : memref<1x128xi32, #tpu.memory_space<vmem>> -> memref<128xi32, #tpu.memory_space<vmem>>
        %dma_wait3A_324 = arith.constant 0 : i32
        %dma_wait3A_325 = arith.constant 0 : i32
        %dma_wait3A_326 = tpu.memref_slice %arg11[%dma_wait3A_324, %dma_wait3A_325] : memref<10000x128xf32, #tpu.memory_space<vmem_shared>> -> memref<10000x128xf32, #tpu.memory_space<vmem_shared>>
        tpu.wait_indirect_dma semaphore(%run_scoped3A_314 : memref<!tpu.dma_semaphore, #tpu.memory_space<semaphore_mem>>) src(%arg10 : memref<128x128xf32, #tpu.memory_space<vmem>>) dst(%dma_wait3A_326 : memref<10000x128xf32, #tpu.memory_space<vmem_shared>>)
        tpu.yield
      }) : () -> ()
      %add3A_261 = arith.constant 1 : i32
      %add3A_262 = arith.addi %add3A_210, %add3A_261 : i32
      %add3A_263 = arith.addi %add3A_26, %add3A_262 : i32
      %mul3A_264 = arith.constant 128 : i32
      %mul3A_265 = arith.muli %add3A_263, %mul3A_264 : i32
      %dma_start3A_266 = arith.constant 0 : i32
      %dma_start3A_267 = tpu.memref_slice %arg5[%mul3A_265, %dma_start3A_266] : memref<160000x128xf32, #tpu.memory_space<hbm>> -> memref<128x128xf32, #tpu.memory_space<hbm>>
      %dma_start3A_268 = arith.constant 0 : i32
      %dma_start3A_269 = tpu.memref_slice %arg5[%mul3A_265, %dma_start3A_268] : memref<160000x128xf32, #tpu.memory_space<hbm>> -> memref<128x128xf32, #tpu.memory_space<hbm>>
      tpu.enqueue_dma source(%dma_start3A_269 : memref<128x128xf32, #tpu.memory_space<hbm>>) target(%arg10 : memref<128x128xf32, #tpu.memory_space<vmem>>) target_semaphore(%arg13 : memref<!tpu.dma_semaphore, #tpu.memory_space<semaphore_mem>>)
      %lt3A_270 = arith.constant 18 : i32
      %lt3A_271 = arith.cmpi slt, %add3A_206, %lt3A_270 : i32
      %convert_element_type3A_272 = arith.extui %lt3A_271 : i1 to i32
      %cond3A_273 = arith.constant 0 : i32
      %cond3A_274 = arith.cmpi ne, %convert_element_type3A_272, %cond3A_273 : i32
      scf.if %cond3A_274 {
        %add3A_314 = arith.constant 2 : i32
        %add3A_315 = arith.addi %add3A_210, %add3A_314 : i32
        %add3A_316 = arith.addi %add3A_26, %add3A_315 : i32
        %mul3A_317 = arith.constant 128 : i32
        %mul3A_318 = arith.muli %add3A_316, %mul3A_317 : i32
        %dma_start3A_319 = arith.constant 0 : i32
        %dma_start3A_320 = arith.constant 0 : i32
        %dma_start3A_321 = tpu.memref_slice %arg7[%dma_start3A_319, %dma_start3A_320] : memref<2x128xi32, #tpu.memory_space<vmem>> -> memref<1x128xi32, #tpu.memory_space<vmem>>
        %dma_start3A_322 = tpu.memref_squeeze %dma_start3A_321 : memref<1x128xi32, #tpu.memory_space<vmem>> -> memref<128xi32, #tpu.memory_space<vmem>>
        %dma_start3A_323 = tpu.memref_slice %arg2[%mul3A_318] : memref<160000xi32, #tpu.memory_space<hbm>> -> memref<128xi32, #tpu.memory_space<hbm>>
        %dma_start3A_324 = arith.constant 0 : i32
        %dma_start3A_325 = tpu.memref_slice %arg7[%dma_start3A_319, %dma_start3A_324] : memref<2x128xi32, #tpu.memory_space<vmem>> -> memref<1x128xi32, #tpu.memory_space<vmem>>
        %dma_start3A_326 = tpu.memref_squeeze %dma_start3A_325 : memref<1x128xi32, #tpu.memory_space<vmem>> -> memref<128xi32, #tpu.memory_space<vmem>>
        %dma_start3A_327 = tpu.memref_slice %arg2[%mul3A_318] : memref<160000xi32, #tpu.memory_space<hbm>> -> memref<128xi32, #tpu.memory_space<hbm>>
        tpu.enqueue_dma source(%dma_start3A_327 : memref<128xi32, #tpu.memory_space<hbm>>) target(%dma_start3A_326 : memref<128xi32, #tpu.memory_space<vmem>>) target_semaphore(%arg14 : memref<!tpu.dma_semaphore, #tpu.memory_space<semaphore_mem>>)
        %dma_start3A_328 = arith.constant 0 : i32
        %dma_start3A_329 = arith.constant 0 : i32
        %dma_start3A_330 = tpu.memref_slice %arg8[%dma_start3A_328, %dma_start3A_329] : memref<2x128xi32, #tpu.memory_space<vmem>> -> memref<1x128xi32, #tpu.memory_space<vmem>>
        %dma_start3A_331 = tpu.memref_squeeze %dma_start3A_330 : memref<1x128xi32, #tpu.memory_space<vmem>> -> memref<128xi32, #tpu.memory_space<vmem>>
        %dma_start3A_332 = tpu.memref_slice %arg3[%mul3A_318] : memref<160000xi32, #tpu.memory_space<hbm>> -> memref<128xi32, #tpu.memory_space<hbm>>
        %dma_start3A_333 = arith.constant 0 : i32
        %dma_start3A_334 = tpu.memref_slice %arg8[%dma_start3A_328, %dma_start3A_333] : memref<2x128xi32, #tpu.memory_space<vmem>> -> memref<1x128xi32, #tpu.memory_space<vmem>>
        %dma_start3A_335 = tpu.memref_squeeze %dma_start3A_334 : memref<1x128xi32, #tpu.memory_space<vmem>> -> memref<128xi32, #tpu.memory_space<vmem>>
        %dma_start3A_336 = tpu.memref_slice %arg3[%mul3A_318] : memref<160000xi32, #tpu.memory_space<hbm>> -> memref<128xi32, #tpu.memory_space<hbm>>
        tpu.enqueue_dma source(%dma_start3A_336 : memref<128xi32, #tpu.memory_space<hbm>>) target(%dma_start3A_335 : memref<128xi32, #tpu.memory_space<vmem>>) target_semaphore(%arg14 : memref<!tpu.dma_semaphore, #tpu.memory_space<semaphore_mem>>)
      } else {
      }
      %mul3A_275 = arith.constant 2 : i32
      %mul3A_276 = arith.muli %mul3A_275, %add3A_206 : i32
      %add3A_277 = arith.constant 1 : i32
      %add3A_278 = arith.addi %mul3A_276, %add3A_277 : i32
      %dma_wait3A_279 = arith.constant 1 : i32
      %dma_wait3A_280 = arith.constant 0 : i32
      %dma_wait3A_281 = tpu.memref_slice %arg7[%dma_wait3A_279, %dma_wait3A_280] : memref<2x128xi32, #tpu.memory_space<vmem>> -> memref<1x128xi32, #tpu.memory_space<vmem>>
      %dma_wait3A_282 = tpu.memref_squeeze %dma_wait3A_281 : memref<1x128xi32, #tpu.memory_space<vmem>> -> memref<128xi32, #tpu.memory_space<vmem>>
      %dma_wait3A_283 = arith.constant 0 : i32
      %dma_wait3A_284 = arith.constant 0 : i32
      %dma_wait3A_285 = tpu.memref_slice %arg4[%dma_wait3A_283, %dma_wait3A_284] : memref<10000x128xf32, #tpu.memory_space<hbm>> -> memref<10000x128xf32, #tpu.memory_space<hbm>>
      tpu.wait_indirect_dma semaphore(%arg12 : memref<!tpu.dma_semaphore, #tpu.memory_space<semaphore_mem>>) src(%dma_wait3A_285 : memref<10000x128xf32, #tpu.memory_space<hbm>>) dst(%arg9 : memref<128x128xf32, #tpu.memory_space<vmem>>)
      %add3A_286 = arith.addi %add3A_26, %add3A_278 : i32
      %mul3A_287 = arith.constant 128 : i32
      %mul3A_288 = arith.muli %add3A_286, %mul3A_287 : i32
      %dma_wait3A_289 = arith.constant 0 : i32
      %dma_wait3A_290 = tpu.memref_slice %arg5[%mul3A_288, %dma_wait3A_289] : memref<160000x128xf32, #tpu.memory_space<hbm>> -> memref<128x128xf32, #tpu.memory_space<hbm>>
      %dma_wait3A_291 = arith.constant 0 : i32
      %dma_wait3A_292 = tpu.memref_slice %arg5[%mul3A_288, %dma_wait3A_291] : memref<160000x128xf32, #tpu.memory_space<hbm>> -> memref<128x128xf32, #tpu.memory_space<hbm>>
      tpu.wait_dma2 semaphore(%arg13 : memref<!tpu.dma_semaphore, #tpu.memory_space<semaphore_mem>>) src(%dma_wait3A_292 : memref<128x128xf32, #tpu.memory_space<hbm>>) dst(%arg10 : memref<128x128xf32, #tpu.memory_space<vmem>>)
      %scan3A_293 = arith.constant 0 : i32
      %scan3A_294 = arith.constant 128 : i32
      %scan3A_295 = arith.addi %scan3A_293, %scan3A_294 : i32
      %scan3A_296 = arith.constant 1 : i32
      scf.for %scan3A_314 = %scan3A_293 to %scan3A_295 step %scan3A_296  : i32 {
        %mul3A_315 = arith.constant 1 : i32
        %mul3A_316 = arith.muli %scan3A_314, %mul3A_315 : i32
        %add3A_317 = arith.constant 0 : i32
        %add3A_318 = arith.addi %add3A_317, %mul3A_316 : i32
        %get3A = arith.index_cast %add3A_318 : i32 to index
        %get3A_319 = arith.constant 0 : index
        %get3A_320 = tpu.vector_load %arg10[%get3A, %get3A_319] {strides = array<i32>} : memref<128x128xf32, #tpu.memory_space<vmem>>, vector<1x16xf32>,
        %get3A_321 = vector.shape_cast %get3A_320 : vector<1x16xf32> to vector<16xf32>
        %get3A_322 = arith.index_cast %add3A_318 : i32 to index
        %get3A_323 = arith.constant 0 : index
        %get3A_324 = tpu.vector_load %arg9[%get3A_322, %get3A_323] {strides = array<i32>} : memref<128x128xf32, #tpu.memory_space<vmem>>, vector<1x16xf32>,
        %get3A_325 = vector.shape_cast %get3A_324 : vector<1x16xf32> to vector<16xf32>
        %mul3A_326 = arith.mulf %get3A_321, %get3A_325 : vector<16xf32>
        %swap3A = arith.index_cast %add3A_318 : i32 to index
        %swap3A_327 = arith.constant 0 : index
        %swap3A_328 = tpu.vector_load %arg10[%swap3A, %swap3A_327] {strides = array<i32>} : memref<128x128xf32, #tpu.memory_space<vmem>>, vector<1x16xf32>,
        %swap3A_329 = vector.shape_cast %swap3A_328 : vector<1x16xf32> to vector<16xf32>
        %swap3A_330 = vector.shape_cast %mul3A_326 : vector<16xf32> to vector<1x16xf32>
        tpu.vector_store %arg10[%swap3A, %swap3A_327], %swap3A_330 {strides = array<i32>} : memref<128x128xf32, #tpu.memory_space<vmem>>, vector<1x16xf32>,
        %get3A_331 = arith.index_cast %add3A_318 : i32 to index
        %get3A_332 = arith.constant 16 : index
        %get3A_333 = tpu.vector_load %arg10[%get3A_331, %get3A_332] {strides = array<i32>} : memref<128x128xf32, #tpu.memory_space<vmem>>, vector<1x16xf32>,
        %get3A_334 = vector.shape_cast %get3A_333 : vector<1x16xf32> to vector<16xf32>
        %get3A_335 = arith.index_cast %add3A_318 : i32 to index
        %get3A_336 = arith.constant 16 : index
        %get3A_337 = tpu.vector_load %arg9[%get3A_335, %get3A_336] {strides = array<i32>} : memref<128x128xf32, #tpu.memory_space<vmem>>, vector<1x16xf32>,
        %get3A_338 = vector.shape_cast %get3A_337 : vector<1x16xf32> to vector<16xf32>
        %mul3A_339 = arith.mulf %get3A_334, %get3A_338 : vector<16xf32>
        %swap3A_340 = arith.index_cast %add3A_318 : i32 to index
        %swap3A_341 = arith.constant 16 : index
        %swap3A_342 = tpu.vector_load %arg10[%swap3A_340, %swap3A_341] {strides = array<i32>} : memref<128x128xf32, #tpu.memory_space<vmem>>, vector<1x16xf32>,
        %swap3A_343 = vector.shape_cast %swap3A_342 : vector<1x16xf32> to vector<16xf32>
        %swap3A_344 = vector.shape_cast %mul3A_339 : vector<16xf32> to vector<1x16xf32>
        tpu.vector_store %arg10[%swap3A_340, %swap3A_341], %swap3A_344 {strides = array<i32>} : memref<128x128xf32, #tpu.memory_space<vmem>>, vector<1x16xf32>,
        %get3A_345 = arith.index_cast %add3A_318 : i32 to index
        %get3A_346 = arith.constant 32 : index
        %get3A_347 = tpu.vector_load %arg10[%get3A_345, %get3A_346] {strides = array<i32>} : memref<128x128xf32, #tpu.memory_space<vmem>>, vector<1x16xf32>,
        %get3A_348 = vector.shape_cast %get3A_347 : vector<1x16xf32> to vector<16xf32>
        %get3A_349 = arith.index_cast %add3A_318 : i32 to index
        %get3A_350 = arith.constant 32 : index
        %get3A_351 = tpu.vector_load %arg9[%get3A_349, %get3A_350] {strides = array<i32>} : memref<128x128xf32, #tpu.memory_space<vmem>>, vector<1x16xf32>,
        %get3A_352 = vector.shape_cast %get3A_351 : vector<1x16xf32> to vector<16xf32>
        %mul3A_353 = arith.mulf %get3A_348, %get3A_352 : vector<16xf32>
        %swap3A_354 = arith.index_cast %add3A_318 : i32 to index
        %swap3A_355 = arith.constant 32 : index
        %swap3A_356 = tpu.vector_load %arg10[%swap3A_354, %swap3A_355] {strides = array<i32>} : memref<128x128xf32, #tpu.memory_space<vmem>>, vector<1x16xf32>,
        %swap3A_357 = vector.shape_cast %swap3A_356 : vector<1x16xf32> to vector<16xf32>
        %swap3A_358 = vector.shape_cast %mul3A_353 : vector<16xf32> to vector<1x16xf32>
        tpu.vector_store %arg10[%swap3A_354, %swap3A_355], %swap3A_358 {strides = array<i32>} : memref<128x128xf32, #tpu.memory_space<vmem>>, vector<1x16xf32>,
        %get3A_359 = arith.index_cast %add3A_318 : i32 to index
        %get3A_360 = arith.constant 48 : index
        %get3A_361 = tpu.vector_load %arg10[%get3A_359, %get3A_360] {strides = array<i32>} : memref<128x128xf32, #tpu.memory_space<vmem>>, vector<1x16xf32>,
        %get3A_362 = vector.shape_cast %get3A_361 : vector<1x16xf32> to vector<16xf32>
        %get3A_363 = arith.index_cast %add3A_318 : i32 to index
        %get3A_364 = arith.constant 48 : index
        %get3A_365 = tpu.vector_load %arg9[%get3A_363, %get3A_364] {strides = array<i32>} : memref<128x128xf32, #tpu.memory_space<vmem>>, vector<1x16xf32>,
        %get3A_366 = vector.shape_cast %get3A_365 : vector<1x16xf32> to vector<16xf32>
        %mul3A_367 = arith.mulf %get3A_362, %get3A_366 : vector<16xf32>
        %swap3A_368 = arith.index_cast %add3A_318 : i32 to index
        %swap3A_369 = arith.constant 48 : index
        %swap3A_370 = tpu.vector_load %arg10[%swap3A_368, %swap3A_369] {strides = array<i32>} : memref<128x128xf32, #tpu.memory_space<vmem>>, vector<1x16xf32>,
        %swap3A_371 = vector.shape_cast %swap3A_370 : vector<1x16xf32> to vector<16xf32>
        %swap3A_372 = vector.shape_cast %mul3A_367 : vector<16xf32> to vector<1x16xf32>
        tpu.vector_store %arg10[%swap3A_368, %swap3A_369], %swap3A_372 {strides = array<i32>} : memref<128x128xf32, #tpu.memory_space<vmem>>, vector<1x16xf32>,
        %get3A_373 = arith.index_cast %add3A_318 : i32 to index
        %get3A_374 = arith.constant 64 : index
        %get3A_375 = tpu.vector_load %arg10[%get3A_373, %get3A_374] {strides = array<i32>} : memref<128x128xf32, #tpu.memory_space<vmem>>, vector<1x16xf32>,
        %get3A_376 = vector.shape_cast %get3A_375 : vector<1x16xf32> to vector<16xf32>
        %get3A_377 = arith.index_cast %add3A_318 : i32 to index
        %get3A_378 = arith.constant 64 : index
        %get3A_379 = tpu.vector_load %arg9[%get3A_377, %get3A_378] {strides = array<i32>} : memref<128x128xf32, #tpu.memory_space<vmem>>, vector<1x16xf32>,
        %get3A_380 = vector.shape_cast %get3A_379 : vector<1x16xf32> to vector<16xf32>
        %mul3A_381 = arith.mulf %get3A_376, %get3A_380 : vector<16xf32>
        %swap3A_382 = arith.index_cast %add3A_318 : i32 to index
        %swap3A_383 = arith.constant 64 : index
        %swap3A_384 = tpu.vector_load %arg10[%swap3A_382, %swap3A_383] {strides = array<i32>} : memref<128x128xf32, #tpu.memory_space<vmem>>, vector<1x16xf32>,
        %swap3A_385 = vector.shape_cast %swap3A_384 : vector<1x16xf32> to vector<16xf32>
        %swap3A_386 = vector.shape_cast %mul3A_381 : vector<16xf32> to vector<1x16xf32>
        tpu.vector_store %arg10[%swap3A_382, %swap3A_383], %swap3A_386 {strides = array<i32>} : memref<128x128xf32, #tpu.memory_space<vmem>>, vector<1x16xf32>,
        %get3A_387 = arith.index_cast %add3A_318 : i32 to index
        %get3A_388 = arith.constant 80 : index
        %get3A_389 = tpu.vector_load %arg10[%get3A_387, %get3A_388] {strides = array<i32>} : memref<128x128xf32, #tpu.memory_space<vmem>>, vector<1x16xf32>,
        %get3A_390 = vector.shape_cast %get3A_389 : vector<1x16xf32> to vector<16xf32>
        %get3A_391 = arith.index_cast %add3A_318 : i32 to index
        %get3A_392 = arith.constant 80 : index
        %get3A_393 = tpu.vector_load %arg9[%get3A_391, %get3A_392] {strides = array<i32>} : memref<128x128xf32, #tpu.memory_space<vmem>>, vector<1x16xf32>,
        %get3A_394 = vector.shape_cast %get3A_393 : vector<1x16xf32> to vector<16xf32>
        %mul3A_395 = arith.mulf %get3A_390, %get3A_394 : vector<16xf32>
        %swap3A_396 = arith.index_cast %add3A_318 : i32 to index
        %swap3A_397 = arith.constant 80 : index
        %swap3A_398 = tpu.vector_load %arg10[%swap3A_396, %swap3A_397] {strides = array<i32>} : memref<128x128xf32, #tpu.memory_space<vmem>>, vector<1x16xf32>,
        %swap3A_399 = vector.shape_cast %swap3A_398 : vector<1x16xf32> to vector<16xf32>
        %swap3A_400 = vector.shape_cast %mul3A_395 : vector<16xf32> to vector<1x16xf32>
        tpu.vector_store %arg10[%swap3A_396, %swap3A_397], %swap3A_400 {strides = array<i32>} : memref<128x128xf32, #tpu.memory_space<vmem>>, vector<1x16xf32>,
        %get3A_401 = arith.index_cast %add3A_318 : i32 to index
        %get3A_402 = arith.constant 96 : index
        %get3A_403 = tpu.vector_load %arg10[%get3A_401, %get3A_402] {strides = array<i32>} : memref<128x128xf32, #tpu.memory_space<vmem>>, vector<1x16xf32>,
        %get3A_404 = vector.shape_cast %get3A_403 : vector<1x16xf32> to vector<16xf32>
        %get3A_405 = arith.index_cast %add3A_318 : i32 to index
        %get3A_406 = arith.constant 96 : index
        %get3A_407 = tpu.vector_load %arg9[%get3A_405, %get3A_406] {strides = array<i32>} : memref<128x128xf32, #tpu.memory_space<vmem>>, vector<1x16xf32>,
        %get3A_408 = vector.shape_cast %get3A_407 : vector<1x16xf32> to vector<16xf32>
        %mul3A_409 = arith.mulf %get3A_404, %get3A_408 : vector<16xf32>
        %swap3A_410 = arith.index_cast %add3A_318 : i32 to index
        %swap3A_411 = arith.constant 96 : index
        %swap3A_412 = tpu.vector_load %arg10[%swap3A_410, %swap3A_411] {strides = array<i32>} : memref<128x128xf32, #tpu.memory_space<vmem>>, vector<1x16xf32>,
        %swap3A_413 = vector.shape_cast %swap3A_412 : vector<1x16xf32> to vector<16xf32>
        %swap3A_414 = vector.shape_cast %mul3A_409 : vector<16xf32> to vector<1x16xf32>
        tpu.vector_store %arg10[%swap3A_410, %swap3A_411], %swap3A_414 {strides = array<i32>} : memref<128x128xf32, #tpu.memory_space<vmem>>, vector<1x16xf32>,
        %get3A_415 = arith.index_cast %add3A_318 : i32 to index
        %get3A_416 = arith.constant 112 : index
        %get3A_417 = tpu.vector_load %arg10[%get3A_415, %get3A_416] {strides = array<i32>} : memref<128x128xf32, #tpu.memory_space<vmem>>, vector<1x16xf32>,
        %get3A_418 = vector.shape_cast %get3A_417 : vector<1x16xf32> to vector<16xf32>
        %get3A_419 = arith.index_cast %add3A_318 : i32 to index
        %get3A_420 = arith.constant 112 : index
        %get3A_421 = tpu.vector_load %arg9[%get3A_419, %get3A_420] {strides = array<i32>} : memref<128x128xf32, #tpu.memory_space<vmem>>, vector<1x16xf32>,
        %get3A_422 = vector.shape_cast %get3A_421 : vector<1x16xf32> to vector<16xf32>
        %mul3A_423 = arith.mulf %get3A_418, %get3A_422 : vector<16xf32>
        %swap3A_424 = arith.index_cast %add3A_318 : i32 to index
        %swap3A_425 = arith.constant 112 : index
        %swap3A_426 = tpu.vector_load %arg10[%swap3A_424, %swap3A_425] {strides = array<i32>} : memref<128x128xf32, #tpu.memory_space<vmem>>, vector<1x16xf32>,
        %swap3A_427 = vector.shape_cast %swap3A_426 : vector<1x16xf32> to vector<16xf32>
        %swap3A_428 = vector.shape_cast %mul3A_423 : vector<16xf32> to vector<1x16xf32>
        tpu.vector_store %arg10[%swap3A_424, %swap3A_425], %swap3A_428 {strides = array<i32>} : memref<128x128xf32, #tpu.memory_space<vmem>>, vector<1x16xf32>,
      }
      %scan3A_297 = arith.constant 128 : i32
      %lt3A_298 = arith.constant 18 : i32
      %lt3A_299 = arith.cmpi slt, %add3A_206, %lt3A_298 : i32
      %convert_element_type3A_300 = arith.extui %lt3A_299 : i1 to i32
      %cond3A_301 = arith.constant 0 : i32
      %cond3A_302 = arith.cmpi ne, %convert_element_type3A_300, %cond3A_301 : i32
      scf.if %cond3A_302 {
        %add3A_314 = arith.constant 1 : i32
        %add3A_315 = arith.addi %add3A_278, %add3A_314 : i32
        %add3A_316 = arith.addi %add3A_26, %add3A_315 : i32
        %mul3A_317 = arith.constant 128 : i32
        %mul3A_318 = arith.muli %add3A_316, %mul3A_317 : i32
        %dma_wait3A_319 = arith.constant 0 : i32
        %dma_wait3A_320 = arith.constant 0 : i32
        %dma_wait3A_321 = tpu.memref_slice %arg7[%dma_wait3A_319, %dma_wait3A_320] : memref<2x128xi32, #tpu.memory_space<vmem>> -> memref<1x128xi32, #tpu.memory_space<vmem>>
        %dma_wait3A_322 = tpu.memref_squeeze %dma_wait3A_321 : memref<1x128xi32, #tpu.memory_space<vmem>> -> memref<128xi32, #tpu.memory_space<vmem>>
        %dma_wait3A_323 = tpu.memref_slice %arg2[%mul3A_318] : memref<160000xi32, #tpu.memory_space<hbm>> -> memref<128xi32, #tpu.memory_space<hbm>>
        %dma_wait3A_324 = arith.constant 0 : i32
        %dma_wait3A_325 = tpu.memref_slice %arg7[%dma_wait3A_319, %dma_wait3A_324] : memref<2x128xi32, #tpu.memory_space<vmem>> -> memref<1x128xi32, #tpu.memory_space<vmem>>
        %dma_wait3A_326 = tpu.memref_squeeze %dma_wait3A_325 : memref<1x128xi32, #tpu.memory_space<vmem>> -> memref<128xi32, #tpu.memory_space<vmem>>
        %dma_wait3A_327 = tpu.memref_slice %arg2[%mul3A_318] : memref<160000xi32, #tpu.memory_space<hbm>> -> memref<128xi32, #tpu.memory_space<hbm>>
        tpu.wait_dma2 semaphore(%arg14 : memref<!tpu.dma_semaphore, #tpu.memory_space<semaphore_mem>>) src(%dma_wait3A_327 : memref<128xi32, #tpu.memory_space<hbm>>) dst(%dma_wait3A_326 : memref<128xi32, #tpu.memory_space<vmem>>)
        %dma_wait3A_328 = arith.constant 0 : i32
        %dma_wait3A_329 = arith.constant 0 : i32
        %dma_wait3A_330 = tpu.memref_slice %arg8[%dma_wait3A_328, %dma_wait3A_329] : memref<2x128xi32, #tpu.memory_space<vmem>> -> memref<1x128xi32, #tpu.memory_space<vmem>>
        %dma_wait3A_331 = tpu.memref_squeeze %dma_wait3A_330 : memref<1x128xi32, #tpu.memory_space<vmem>> -> memref<128xi32, #tpu.memory_space<vmem>>
        %dma_wait3A_332 = tpu.memref_slice %arg3[%mul3A_318] : memref<160000xi32, #tpu.memory_space<hbm>> -> memref<128xi32, #tpu.memory_space<hbm>>
        %dma_wait3A_333 = arith.constant 0 : i32
        %dma_wait3A_334 = tpu.memref_slice %arg8[%dma_wait3A_328, %dma_wait3A_333] : memref<2x128xi32, #tpu.memory_space<vmem>> -> memref<1x128xi32, #tpu.memory_space<vmem>>
        %dma_wait3A_335 = tpu.memref_squeeze %dma_wait3A_334 : memref<1x128xi32, #tpu.memory_space<vmem>> -> memref<128xi32, #tpu.memory_space<vmem>>
        %dma_wait3A_336 = tpu.memref_slice %arg3[%mul3A_318] : memref<160000xi32, #tpu.memory_space<hbm>> -> memref<128xi32, #tpu.memory_space<hbm>>
        tpu.wait_dma2 semaphore(%arg14 : memref<!tpu.dma_semaphore, #tpu.memory_space<semaphore_mem>>) src(%dma_wait3A_336 : memref<128xi32, #tpu.memory_space<hbm>>) dst(%dma_wait3A_335 : memref<128xi32, #tpu.memory_space<vmem>>)
        %dma_start3A_337 = arith.constant 0 : i32
        %dma_start3A_338 = arith.constant 0 : i32
        %dma_start3A_339 = tpu.memref_slice %arg7[%dma_start3A_337, %dma_start3A_338] : memref<2x128xi32, #tpu.memory_space<vmem>> -> memref<1x128xi32, #tpu.memory_space<vmem>>
        %dma_start3A_340 = tpu.memref_squeeze %dma_start3A_339 : memref<1x128xi32, #tpu.memory_space<vmem>> -> memref<128xi32, #tpu.memory_space<vmem>>
        %dma_start3A_341 = arith.constant 0 : i32
        %dma_start3A_342 = arith.constant 0 : i32
        %dma_start3A_343 = tpu.memref_slice %arg4[%dma_start3A_341, %dma_start3A_342] : memref<10000x128xf32, #tpu.memory_space<hbm>> -> memref<10000x128xf32, #tpu.memory_space<hbm>>
        tpu.enqueue_indirect_dma source(%dma_start3A_343 : memref<10000x128xf32, #tpu.memory_space<hbm>>) target(%arg9 : memref<128x128xf32, #tpu.memory_space<vmem>>) offsets(%dma_start3A_340 : memref<128xi32, #tpu.memory_space<vmem>>) semaphore(%arg12 : memref<!tpu.dma_semaphore, #tpu.memory_space<semaphore_mem>>)
      } else {
      }
      %run_scoped3A_303 = arith.constant 1 : i32
      "tpu.region"() ({
        %run_scoped3A_314 = tpu.sem_alloc : memref<!tpu.dma_semaphore, #tpu.memory_space<semaphore_mem>>
        %dma_start3A_315 = arith.constant 0 : i32
        %dma_start3A_316 = tpu.memref_slice %arg8[%run_scoped3A_303, %dma_start3A_315] : memref<2x128xi32, #tpu.memory_space<vmem>> -> memref<1x128xi32, #tpu.memory_space<vmem>>
        %dma_start3A_317 = tpu.memref_squeeze %dma_start3A_316 : memref<1x128xi32, #tpu.memory_space<vmem>> -> memref<128xi32, #tpu.memory_space<vmem>>
        %dma_start3A_318 = arith.constant 0 : i32
        %dma_start3A_319 = arith.constant 0 : i32
        %dma_start3A_320 = tpu.memref_slice %arg11[%dma_start3A_318, %dma_start3A_319] : memref<10000x128xf32, #tpu.memory_space<vmem_shared>> -> memref<10000x128xf32, #tpu.memory_space<vmem_shared>>
        tpu.enqueue_indirect_dma source(%arg10 : memref<128x128xf32, #tpu.memory_space<vmem>>) target(%dma_start3A_320 : memref<10000x128xf32, #tpu.memory_space<vmem_shared>>) offsets(%dma_start3A_317 : memref<128xi32, #tpu.memory_space<vmem>>) semaphore(%run_scoped3A_314 : memref<!tpu.dma_semaphore, #tpu.memory_space<semaphore_mem>>) {add = true}
        %dma_wait3A_321 = arith.constant 0 : i32
        %dma_wait3A_322 = tpu.memref_slice %arg8[%run_scoped3A_303, %dma_wait3A_321] : memref<2x128xi32, #tpu.memory_space<vmem>> -> memref<1x128xi32, #tpu.memory_space<vmem>>
        %dma_wait3A_323 = tpu.memref_squeeze %dma_wait3A_322 : memref<1x128xi32, #tpu.memory_space<vmem>> -> memref<128xi32, #tpu.memory_space<vmem>>
        %dma_wait3A_324 = arith.constant 0 : i32
        %dma_wait3A_325 = arith.constant 0 : i32
        %dma_wait3A_326 = tpu.memref_slice %arg11[%dma_wait3A_324, %dma_wait3A_325] : memref<10000x128xf32, #tpu.memory_space<vmem_shared>> -> memref<10000x128xf32, #tpu.memory_space<vmem_shared>>
        tpu.wait_indirect_dma semaphore(%run_scoped3A_314 : memref<!tpu.dma_semaphore, #tpu.memory_space<semaphore_mem>>) src(%arg10 : memref<128x128xf32, #tpu.memory_space<vmem>>) dst(%dma_wait3A_326 : memref<10000x128xf32, #tpu.memory_space<vmem_shared>>)
        tpu.yield
      }) : () -> ()
      %lt3A_304 = arith.constant 18 : i32
      %lt3A_305 = arith.cmpi slt, %add3A_206, %lt3A_304 : i32
      %convert_element_type3A_306 = arith.extui %lt3A_305 : i1 to i32
      %cond3A_307 = arith.constant 0 : i32
      %cond3A_308 = arith.cmpi ne, %convert_element_type3A_306, %cond3A_307 : i32
      scf.if %cond3A_308 {
        %add3A_314 = arith.constant 1 : i32
        %add3A_315 = arith.addi %add3A_278, %add3A_314 : i32
        %add3A_316 = arith.addi %add3A_26, %add3A_315 : i32
        %mul3A_317 = arith.constant 128 : i32
        %mul3A_318 = arith.muli %add3A_316, %mul3A_317 : i32
        %dma_start3A_319 = arith.constant 0 : i32
        %dma_start3A_320 = tpu.memref_slice %arg5[%mul3A_318, %dma_start3A_319] : memref<160000x128xf32, #tpu.memory_space<hbm>> -> memref<128x128xf32, #tpu.memory_space<hbm>>
        %dma_start3A_321 = arith.constant 0 : i32
        %dma_start3A_322 = tpu.memref_slice %arg5[%mul3A_318, %dma_start3A_321] : memref<160000x128xf32, #tpu.memory_space<hbm>> -> memref<128x128xf32, #tpu.memory_space<hbm>>
        tpu.enqueue_dma source(%dma_start3A_322 : memref<128x128xf32, #tpu.memory_space<hbm>>) target(%arg10 : memref<128x128xf32, #tpu.memory_space<vmem>>) target_semaphore(%arg13 : memref<!tpu.dma_semaphore, #tpu.memory_space<semaphore_mem>>)
      } else {
      }
      %lt3A_309 = arith.constant 18 : i32
      %lt3A_310 = arith.cmpi slt, %add3A_206, %lt3A_309 : i32
      %convert_element_type3A_311 = arith.extui %lt3A_310 : i1 to i32
      %cond3A_312 = arith.constant 0 : i32
      %cond3A_313 = arith.cmpi ne, %convert_element_type3A_311, %cond3A_312 : i32
      scf.if %cond3A_313 {
        %add3A_314 = arith.constant 2 : i32
        %add3A_315 = arith.addi %add3A_278, %add3A_314 : i32
        %add3A_316 = arith.addi %add3A_26, %add3A_315 : i32
        %mul3A_317 = arith.constant 128 : i32
        %mul3A_318 = arith.muli %add3A_316, %mul3A_317 : i32
        %dma_start3A_319 = arith.constant 1 : i32
        %dma_start3A_320 = arith.constant 0 : i32
        %dma_start3A_321 = tpu.memref_slice %arg7[%dma_start3A_319, %dma_start3A_320] : memref<2x128xi32, #tpu.memory_space<vmem>> -> memref<1x128xi32, #tpu.memory_space<vmem>>
        %dma_start3A_322 = tpu.memref_squeeze %dma_start3A_321 : memref<1x128xi32, #tpu.memory_space<vmem>> -> memref<128xi32, #tpu.memory_space<vmem>>
        %dma_start3A_323 = tpu.memref_slice %arg2[%mul3A_318] : memref<160000xi32, #tpu.memory_space<hbm>> -> memref<128xi32, #tpu.memory_space<hbm>>
        %dma_start3A_324 = arith.constant 0 : i32
        %dma_start3A_325 = tpu.memref_slice %arg7[%dma_start3A_319, %dma_start3A_324] : memref<2x128xi32, #tpu.memory_space<vmem>> -> memref<1x128xi32, #tpu.memory_space<vmem>>
        %dma_start3A_326 = tpu.memref_squeeze %dma_start3A_325 : memref<1x128xi32, #tpu.memory_space<vmem>> -> memref<128xi32, #tpu.memory_space<vmem>>
        %dma_start3A_327 = tpu.memref_slice %arg2[%mul3A_318] : memref<160000xi32, #tpu.memory_space<hbm>> -> memref<128xi32, #tpu.memory_space<hbm>>
        tpu.enqueue_dma source(%dma_start3A_327 : memref<128xi32, #tpu.memory_space<hbm>>) target(%dma_start3A_326 : memref<128xi32, #tpu.memory_space<vmem>>) target_semaphore(%arg15 : memref<!tpu.dma_semaphore, #tpu.memory_space<semaphore_mem>>)
        %dma_start3A_328 = arith.constant 1 : i32
        %dma_start3A_329 = arith.constant 0 : i32
        %dma_start3A_330 = tpu.memref_slice %arg8[%dma_start3A_328, %dma_start3A_329] : memref<2x128xi32, #tpu.memory_space<vmem>> -> memref<1x128xi32, #tpu.memory_space<vmem>>
        %dma_start3A_331 = tpu.memref_squeeze %dma_start3A_330 : memref<1x128xi32, #tpu.memory_space<vmem>> -> memref<128xi32, #tpu.memory_space<vmem>>
        %dma_start3A_332 = tpu.memref_slice %arg3[%mul3A_318] : memref<160000xi32, #tpu.memory_space<hbm>> -> memref<128xi32, #tpu.memory_space<hbm>>
        %dma_start3A_333 = arith.constant 0 : i32
        %dma_start3A_334 = tpu.memref_slice %arg8[%dma_start3A_328, %dma_start3A_333] : memref<2x128xi32, #tpu.memory_space<vmem>> -> memref<1x128xi32, #tpu.memory_space<vmem>>
        %dma_start3A_335 = tpu.memref_squeeze %dma_start3A_334 : memref<1x128xi32, #tpu.memory_space<vmem>> -> memref<128xi32, #tpu.memory_space<vmem>>
        %dma_start3A_336 = tpu.memref_slice %arg3[%mul3A_318] : memref<160000xi32, #tpu.memory_space<hbm>> -> memref<128xi32, #tpu.memory_space<hbm>>
        tpu.enqueue_dma source(%dma_start3A_336 : memref<128xi32, #tpu.memory_space<hbm>>) target(%dma_start3A_335 : memref<128xi32, #tpu.memory_space<vmem>>) target_semaphore(%arg15 : memref<!tpu.dma_semaphore, #tpu.memory_space<semaphore_mem>>)
      } else {
      }
    }
    %scan3A_110 = arith.constant 19 : i32
    %add3A_111 = arith.constant 38 : i32
    %add3A_112 = arith.addi %add3A_26, %add3A_111 : i32
    %mul3A_113 = arith.constant 128 : i32
    %mul3A_114 = arith.muli %add3A_112, %mul3A_113 : i32
    %dma_start3A_115 = arith.constant 0 : i32
    %dma_start3A_116 = arith.constant 0 : i32
    %dma_start3A_117 = tpu.memref_slice %arg7[%dma_start3A_115, %dma_start3A_116] : memref<2x128xi32, #tpu.memory_space<vmem>> -> memref<1x128xi32, #tpu.memory_space<vmem>>
    %dma_start3A_118 = tpu.memref_squeeze %dma_start3A_117 : memref<1x128xi32, #tpu.memory_space<vmem>> -> memref<128xi32, #tpu.memory_space<vmem>>
    %dma_start3A_119 = tpu.memref_slice %arg2[%mul3A_114] : memref<160000xi32, #tpu.memory_space<hbm>> -> memref<128xi32, #tpu.memory_space<hbm>>
    %dma_start3A_120 = arith.constant 0 : i32
    %dma_start3A_121 = tpu.memref_slice %arg7[%dma_start3A_115, %dma_start3A_120] : memref<2x128xi32, #tpu.memory_space<vmem>> -> memref<1x128xi32, #tpu.memory_space<vmem>>
    %dma_start3A_122 = tpu.memref_squeeze %dma_start3A_121 : memref<1x128xi32, #tpu.memory_space<vmem>> -> memref<128xi32, #tpu.memory_space<vmem>>
    %dma_start3A_123 = tpu.memref_slice %arg2[%mul3A_114] : memref<160000xi32, #tpu.memory_space<hbm>> -> memref<128xi32, #tpu.memory_space<hbm>>
    tpu.enqueue_dma source(%dma_start3A_123 : memref<128xi32, #tpu.memory_space<hbm>>) target(%dma_start3A_122 : memref<128xi32, #tpu.memory_space<vmem>>) target_semaphore(%arg14 : memref<!tpu.dma_semaphore, #tpu.memory_space<semaphore_mem>>)
    %dma_start3A_124 = arith.constant 0 : i32
    %dma_start3A_125 = arith.constant 0 : i32
    %dma_start3A_126 = tpu.memref_slice %arg8[%dma_start3A_124, %dma_start3A_125] : memref<2x128xi32, #tpu.memory_space<vmem>> -> memref<1x128xi32, #tpu.memory_space<vmem>>
    %dma_start3A_127 = tpu.memref_squeeze %dma_start3A_126 : memref<1x128xi32, #tpu.memory_space<vmem>> -> memref<128xi32, #tpu.memory_space<vmem>>
    %dma_start3A_128 = tpu.memref_slice %arg3[%mul3A_114] : memref<160000xi32, #tpu.memory_space<hbm>> -> memref<128xi32, #tpu.memory_space<hbm>>
    %dma_start3A_129 = arith.constant 0 : i32
    %dma_start3A_130 = tpu.memref_slice %arg8[%dma_start3A_124, %dma_start3A_129] : memref<2x128xi32, #tpu.memory_space<vmem>> -> memref<1x128xi32, #tpu.memory_space<vmem>>
    %dma_start3A_131 = tpu.memref_squeeze %dma_start3A_130 : memref<1x128xi32, #tpu.memory_space<vmem>> -> memref<128xi32, #tpu.memory_space<vmem>>
    %dma_start3A_132 = tpu.memref_slice %arg3[%mul3A_114] : memref<160000xi32, #tpu.memory_space<hbm>> -> memref<128xi32, #tpu.memory_space<hbm>>
    tpu.enqueue_dma source(%dma_start3A_132 : memref<128xi32, #tpu.memory_space<hbm>>) target(%dma_start3A_131 : memref<128xi32, #tpu.memory_space<vmem>>) target_semaphore(%arg14 : memref<!tpu.dma_semaphore, #tpu.memory_space<semaphore_mem>>)
    %add3A_133 = arith.constant 38 : i32
    %add3A_134 = arith.addi %add3A_26, %add3A_133 : i32
    %mul3A_135 = arith.constant 128 : i32
    %mul3A_136 = arith.muli %add3A_134, %mul3A_135 : i32
    %dma_wait3A_137 = arith.constant 0 : i32
    %dma_wait3A_138 = arith.constant 0 : i32
    %dma_wait3A_139 = tpu.memref_slice %arg7[%dma_wait3A_137, %dma_wait3A_138] : memref<2x128xi32, #tpu.memory_space<vmem>> -> memref<1x128xi32, #tpu.memory_space<vmem>>
    %dma_wait3A_140 = tpu.memref_squeeze %dma_wait3A_139 : memref<1x128xi32, #tpu.memory_space<vmem>> -> memref<128xi32, #tpu.memory_space<vmem>>
    %dma_wait3A_141 = tpu.memref_slice %arg2[%mul3A_136] : memref<160000xi32, #tpu.memory_space<hbm>> -> memref<128xi32, #tpu.memory_space<hbm>>
    %dma_wait3A_142 = arith.constant 0 : i32
    %dma_wait3A_143 = tpu.memref_slice %arg7[%dma_wait3A_137, %dma_wait3A_142] : memref<2x128xi32, #tpu.memory_space<vmem>> -> memref<1x128xi32, #tpu.memory_space<vmem>>
    %dma_wait3A_144 = tpu.memref_squeeze %dma_wait3A_143 : memref<1x128xi32, #tpu.memory_space<vmem>> -> memref<128xi32, #tpu.memory_space<vmem>>
    %dma_wait3A_145 = tpu.memref_slice %arg2[%mul3A_136] : memref<160000xi32, #tpu.memory_space<hbm>> -> memref<128xi32, #tpu.memory_space<hbm>>
    tpu.wait_dma2 semaphore(%arg14 : memref<!tpu.dma_semaphore, #tpu.memory_space<semaphore_mem>>) src(%dma_wait3A_145 : memref<128xi32, #tpu.memory_space<hbm>>) dst(%dma_wait3A_144 : memref<128xi32, #tpu.memory_space<vmem>>)
    %dma_wait3A_146 = arith.constant 0 : i32
    %dma_wait3A_147 = arith.constant 0 : i32
    %dma_wait3A_148 = tpu.memref_slice %arg8[%dma_wait3A_146, %dma_wait3A_147] : memref<2x128xi32, #tpu.memory_space<vmem>> -> memref<1x128xi32, #tpu.memory_space<vmem>>
    %dma_wait3A_149 = tpu.memref_squeeze %dma_wait3A_148 : memref<1x128xi32, #tpu.memory_space<vmem>> -> memref<128xi32, #tpu.memory_space<vmem>>
    %dma_wait3A_150 = tpu.memref_slice %arg3[%mul3A_136] : memref<160000xi32, #tpu.memory_space<hbm>> -> memref<128xi32, #tpu.memory_space<hbm>>
    %dma_wait3A_151 = arith.constant 0 : i32
    %dma_wait3A_152 = tpu.memref_slice %arg8[%dma_wait3A_146, %dma_wait3A_151] : memref<2x128xi32, #tpu.memory_space<vmem>> -> memref<1x128xi32, #tpu.memory_space<vmem>>
    %dma_wait3A_153 = tpu.memref_squeeze %dma_wait3A_152 : memref<1x128xi32, #tpu.memory_space<vmem>> -> memref<128xi32, #tpu.memory_space<vmem>>
    %dma_wait3A_154 = tpu.memref_slice %arg3[%mul3A_136] : memref<160000xi32, #tpu.memory_space<hbm>> -> memref<128xi32, #tpu.memory_space<hbm>>
    tpu.wait_dma2 semaphore(%arg14 : memref<!tpu.dma_semaphore, #tpu.memory_space<semaphore_mem>>) src(%dma_wait3A_154 : memref<128xi32, #tpu.memory_space<hbm>>) dst(%dma_wait3A_153 : memref<128xi32, #tpu.memory_space<vmem>>)
    %dma_start3A_155 = arith.constant 0 : i32
    %dma_start3A_156 = arith.constant 0 : i32
    %dma_start3A_157 = tpu.memref_slice %arg7[%dma_start3A_155, %dma_start3A_156] : memref<2x128xi32, #tpu.memory_space<vmem>> -> memref<1x128xi32, #tpu.memory_space<vmem>>
    %dma_start3A_158 = tpu.memref_squeeze %dma_start3A_157 : memref<1x128xi32, #tpu.memory_space<vmem>> -> memref<128xi32, #tpu.memory_space<vmem>>
    %dma_start3A_159 = arith.constant 0 : i32
    %dma_start3A_160 = arith.constant 0 : i32
    %dma_start3A_161 = tpu.memref_slice %arg4[%dma_start3A_159, %dma_start3A_160] : memref<10000x128xf32, #tpu.memory_space<hbm>> -> memref<10000x128xf32, #tpu.memory_space<hbm>>
    tpu.enqueue_indirect_dma source(%dma_start3A_161 : memref<10000x128xf32, #tpu.memory_space<hbm>>) target(%arg9 : memref<128x128xf32, #tpu.memory_space<vmem>>) offsets(%dma_start3A_158 : memref<128xi32, #tpu.memory_space<vmem>>) semaphore(%arg12 : memref<!tpu.dma_semaphore, #tpu.memory_space<semaphore_mem>>)
    %dma_wait3A_162 = arith.constant 0 : i32
    %dma_wait3A_163 = arith.constant 0 : i32
    %dma_wait3A_164 = tpu.memref_slice %arg7[%dma_wait3A_162, %dma_wait3A_163] : memref<2x128xi32, #tpu.memory_space<vmem>> -> memref<1x128xi32, #tpu.memory_space<vmem>>
    %dma_wait3A_165 = tpu.memref_squeeze %dma_wait3A_164 : memref<1x128xi32, #tpu.memory_space<vmem>> -> memref<128xi32, #tpu.memory_space<vmem>>
    %dma_wait3A_166 = arith.constant 0 : i32
    %dma_wait3A_167 = arith.constant 0 : i32
    %dma_wait3A_168 = tpu.memref_slice %arg4[%dma_wait3A_166, %dma_wait3A_167] : memref<10000x128xf32, #tpu.memory_space<hbm>> -> memref<10000x128xf32, #tpu.memory_space<hbm>>
    tpu.wait_indirect_dma semaphore(%arg12 : memref<!tpu.dma_semaphore, #tpu.memory_space<semaphore_mem>>) src(%dma_wait3A_168 : memref<10000x128xf32, #tpu.memory_space<hbm>>) dst(%arg9 : memref<128x128xf32, #tpu.memory_space<vmem>>)
    %add3A_169 = arith.constant 38 : i32
    %add3A_170 = arith.addi %add3A_26, %add3A_169 : i32
    %mul3A_171 = arith.constant 128 : i32
    %mul3A_172 = arith.muli %add3A_170, %mul3A_171 : i32
    %dma_start3A_173 = arith.constant 0 : i32
    %dma_start3A_174 = tpu.memref_slice %arg5[%mul3A_172, %dma_start3A_173] : memref<160000x128xf32, #tpu.memory_space<hbm>> -> memref<128x128xf32, #tpu.memory_space<hbm>>
    %dma_start3A_175 = arith.constant 0 : i32
    %dma_start3A_176 = tpu.memref_slice %arg5[%mul3A_172, %dma_start3A_175] : memref<160000x128xf32, #tpu.memory_space<hbm>> -> memref<128x128xf32, #tpu.memory_space<hbm>>
    tpu.enqueue_dma source(%dma_start3A_176 : memref<128x128xf32, #tpu.memory_space<hbm>>) target(%arg10 : memref<128x128xf32, #tpu.memory_space<vmem>>) target_semaphore(%arg13 : memref<!tpu.dma_semaphore, #tpu.memory_space<semaphore_mem>>)
    %add3A_177 = arith.constant 38 : i32
    %add3A_178 = arith.addi %add3A_26, %add3A_177 : i32
    %mul3A_179 = arith.constant 128 : i32
    %mul3A_180 = arith.muli %add3A_178, %mul3A_179 : i32
    %dma_wait3A_181 = arith.constant 0 : i32
    %dma_wait3A_182 = tpu.memref_slice %arg5[%mul3A_180, %dma_wait3A_181] : memref<160000x128xf32, #tpu.memory_space<hbm>> -> memref<128x128xf32, #tpu.memory_space<hbm>>
    %dma_wait3A_183 = arith.constant 0 : i32
    %dma_wait3A_184 = tpu.memref_slice %arg5[%mul3A_180, %dma_wait3A_183] : memref<160000x128xf32, #tpu.memory_space<hbm>> -> memref<128x128xf32, #tpu.memory_space<hbm>>
    tpu.wait_dma2 semaphore(%arg13 : memref<!tpu.dma_semaphore, #tpu.memory_space<semaphore_mem>>) src(%dma_wait3A_184 : memref<128x128xf32, #tpu.memory_space<hbm>>) dst(%arg10 : memref<128x128xf32, #tpu.memory_space<vmem>>)
    %scan3A_185 = arith.constant 0 : i32
    %scan3A_186 = arith.constant 128 : i32
    %scan3A_187 = arith.addi %scan3A_185, %scan3A_186 : i32
    %scan3A_188 = arith.constant 1 : i32
    scf.for %scan3A_202 = %scan3A_185 to %scan3A_187 step %scan3A_188  : i32 {
      %mul3A_203 = arith.constant 1 : i32
      %mul3A_204 = arith.muli %scan3A_202, %mul3A_203 : i32
      %add3A_205 = arith.constant 0 : i32
      %add3A_206 = arith.addi %add3A_205, %mul3A_204 : i32
      %get3A = arith.index_cast %add3A_206 : i32 to index
      %get3A_207 = arith.constant 0 : index
      %get3A_208 = tpu.vector_load %arg10[%get3A, %get3A_207] {strides = array<i32>} : memref<128x128xf32, #tpu.memory_space<vmem>>, vector<1x16xf32>,
      %get3A_209 = vector.shape_cast %get3A_208 : vector<1x16xf32> to vector<16xf32>
      %get3A_210 = arith.index_cast %add3A_206 : i32 to index
      %get3A_211 = arith.constant 0 : index
      %get3A_212 = tpu.vector_load %arg9[%get3A_210, %get3A_211] {strides = array<i32>} : memref<128x128xf32, #tpu.memory_space<vmem>>, vector<1x16xf32>,
      %get3A_213 = vector.shape_cast %get3A_212 : vector<1x16xf32> to vector<16xf32>
      %mul3A_214 = arith.mulf %get3A_209, %get3A_213 : vector<16xf32>
      %swap3A = arith.index_cast %add3A_206 : i32 to index
      %swap3A_215 = arith.constant 0 : index
      %swap3A_216 = tpu.vector_load %arg10[%swap3A, %swap3A_215] {strides = array<i32>} : memref<128x128xf32, #tpu.memory_space<vmem>>, vector<1x16xf32>,
      %swap3A_217 = vector.shape_cast %swap3A_216 : vector<1x16xf32> to vector<16xf32>
      %swap3A_218 = vector.shape_cast %mul3A_214 : vector<16xf32> to vector<1x16xf32>
      tpu.vector_store %arg10[%swap3A, %swap3A_215], %swap3A_218 {strides = array<i32>} : memref<128x128xf32, #tpu.memory_space<vmem>>, vector<1x16xf32>,
      %get3A_219 = arith.index_cast %add3A_206 : i32 to index
      %get3A_220 = arith.constant 16 : index
      %get3A_221 = tpu.vector_load %arg10[%get3A_219, %get3A_220] {strides = array<i32>} : memref<128x128xf32, #tpu.memory_space<vmem>>, vector<1x16xf32>,
      %get3A_222 = vector.shape_cast %get3A_221 : vector<1x16xf32> to vector<16xf32>
      %get3A_223 = arith.index_cast %add3A_206 : i32 to index
      %get3A_224 = arith.constant 16 : index
      %get3A_225 = tpu.vector_load %arg9[%get3A_223, %get3A_224] {strides = array<i32>} : memref<128x128xf32, #tpu.memory_space<vmem>>, vector<1x16xf32>,
      %get3A_226 = vector.shape_cast %get3A_225 : vector<1x16xf32> to vector<16xf32>
      %mul3A_227 = arith.mulf %get3A_222, %get3A_226 : vector<16xf32>
      %swap3A_228 = arith.index_cast %add3A_206 : i32 to index
      %swap3A_229 = arith.constant 16 : index
      %swap3A_230 = tpu.vector_load %arg10[%swap3A_228, %swap3A_229] {strides = array<i32>} : memref<128x128xf32, #tpu.memory_space<vmem>>, vector<1x16xf32>,
      %swap3A_231 = vector.shape_cast %swap3A_230 : vector<1x16xf32> to vector<16xf32>
      %swap3A_232 = vector.shape_cast %mul3A_227 : vector<16xf32> to vector<1x16xf32>
      tpu.vector_store %arg10[%swap3A_228, %swap3A_229], %swap3A_232 {strides = array<i32>} : memref<128x128xf32, #tpu.memory_space<vmem>>, vector<1x16xf32>,
      %get3A_233 = arith.index_cast %add3A_206 : i32 to index
      %get3A_234 = arith.constant 32 : index
      %get3A_235 = tpu.vector_load %arg10[%get3A_233, %get3A_234] {strides = array<i32>} : memref<128x128xf32, #tpu.memory_space<vmem>>, vector<1x16xf32>,
      %get3A_236 = vector.shape_cast %get3A_235 : vector<1x16xf32> to vector<16xf32>
      %get3A_237 = arith.index_cast %add3A_206 : i32 to index
      %get3A_238 = arith.constant 32 : index
      %get3A_239 = tpu.vector_load %arg9[%get3A_237, %get3A_238] {strides = array<i32>} : memref<128x128xf32, #tpu.memory_space<vmem>>, vector<1x16xf32>,
      %get3A_240 = vector.shape_cast %get3A_239 : vector<1x16xf32> to vector<16xf32>
      %mul3A_241 = arith.mulf %get3A_236, %get3A_240 : vector<16xf32>
      %swap3A_242 = arith.index_cast %add3A_206 : i32 to index
      %swap3A_243 = arith.constant 32 : index
      %swap3A_244 = tpu.vector_load %arg10[%swap3A_242, %swap3A_243] {strides = array<i32>} : memref<128x128xf32, #tpu.memory_space<vmem>>, vector<1x16xf32>,
      %swap3A_245 = vector.shape_cast %swap3A_244 : vector<1x16xf32> to vector<16xf32>
      %swap3A_246 = vector.shape_cast %mul3A_241 : vector<16xf32> to vector<1x16xf32>
      tpu.vector_store %arg10[%swap3A_242, %swap3A_243], %swap3A_246 {strides = array<i32>} : memref<128x128xf32, #tpu.memory_space<vmem>>, vector<1x16xf32>,
      %get3A_247 = arith.index_cast %add3A_206 : i32 to index
      %get3A_248 = arith.constant 48 : index
      %get3A_249 = tpu.vector_load %arg10[%get3A_247, %get3A_248] {strides = array<i32>} : memref<128x128xf32, #tpu.memory_space<vmem>>, vector<1x16xf32>,
      %get3A_250 = vector.shape_cast %get3A_249 : vector<1x16xf32> to vector<16xf32>
      %get3A_251 = arith.index_cast %add3A_206 : i32 to index
      %get3A_252 = arith.constant 48 : index
      %get3A_253 = tpu.vector_load %arg9[%get3A_251, %get3A_252] {strides = array<i32>} : memref<128x128xf32, #tpu.memory_space<vmem>>, vector<1x16xf32>,
      %get3A_254 = vector.shape_cast %get3A_253 : vector<1x16xf32> to vector<16xf32>
      %mul3A_255 = arith.mulf %get3A_250, %get3A_254 : vector<16xf32>
      %swap3A_256 = arith.index_cast %add3A_206 : i32 to index
      %swap3A_257 = arith.constant 48 : index
      %swap3A_258 = tpu.vector_load %arg10[%swap3A_256, %swap3A_257] {strides = array<i32>} : memref<128x128xf32, #tpu.memory_space<vmem>>, vector<1x16xf32>,
      %swap3A_259 = vector.shape_cast %swap3A_258 : vector<1x16xf32> to vector<16xf32>
      %swap3A_260 = vector.shape_cast %mul3A_255 : vector<16xf32> to vector<1x16xf32>
      tpu.vector_store %arg10[%swap3A_256, %swap3A_257], %swap3A_260 {strides = array<i32>} : memref<128x128xf32, #tpu.memory_space<vmem>>, vector<1x16xf32>,
      %get3A_261 = arith.index_cast %add3A_206 : i32 to index
      %get3A_262 = arith.constant 64 : index
      %get3A_263 = tpu.vector_load %arg10[%get3A_261, %get3A_262] {strides = array<i32>} : memref<128x128xf32, #tpu.memory_space<vmem>>, vector<1x16xf32>,
      %get3A_264 = vector.shape_cast %get3A_263 : vector<1x16xf32> to vector<16xf32>
      %get3A_265 = arith.index_cast %add3A_206 : i32 to index
      %get3A_266 = arith.constant 64 : index
      %get3A_267 = tpu.vector_load %arg9[%get3A_265, %get3A_266] {strides = array<i32>} : memref<128x128xf32, #tpu.memory_space<vmem>>, vector<1x16xf32>,
      %get3A_268 = vector.shape_cast %get3A_267 : vector<1x16xf32> to vector<16xf32>
      %mul3A_269 = arith.mulf %get3A_264, %get3A_268 : vector<16xf32>
      %swap3A_270 = arith.index_cast %add3A_206 : i32 to index
      %swap3A_271 = arith.constant 64 : index
      %swap3A_272 = tpu.vector_load %arg10[%swap3A_270, %swap3A_271] {strides = array<i32>} : memref<128x128xf32, #tpu.memory_space<vmem>>, vector<1x16xf32>,
      %swap3A_273 = vector.shape_cast %swap3A_272 : vector<1x16xf32> to vector<16xf32>
      %swap3A_274 = vector.shape_cast %mul3A_269 : vector<16xf32> to vector<1x16xf32>
      tpu.vector_store %arg10[%swap3A_270, %swap3A_271], %swap3A_274 {strides = array<i32>} : memref<128x128xf32, #tpu.memory_space<vmem>>, vector<1x16xf32>,
      %get3A_275 = arith.index_cast %add3A_206 : i32 to index
      %get3A_276 = arith.constant 80 : index
      %get3A_277 = tpu.vector_load %arg10[%get3A_275, %get3A_276] {strides = array<i32>} : memref<128x128xf32, #tpu.memory_space<vmem>>, vector<1x16xf32>,
      %get3A_278 = vector.shape_cast %get3A_277 : vector<1x16xf32> to vector<16xf32>
      %get3A_279 = arith.index_cast %add3A_206 : i32 to index
      %get3A_280 = arith.constant 80 : index
      %get3A_281 = tpu.vector_load %arg9[%get3A_279, %get3A_280] {strides = array<i32>} : memref<128x128xf32, #tpu.memory_space<vmem>>, vector<1x16xf32>,
      %get3A_282 = vector.shape_cast %get3A_281 : vector<1x16xf32> to vector<16xf32>
      %mul3A_283 = arith.mulf %get3A_278, %get3A_282 : vector<16xf32>
      %swap3A_284 = arith.index_cast %add3A_206 : i32 to index
      %swap3A_285 = arith.constant 80 : index
      %swap3A_286 = tpu.vector_load %arg10[%swap3A_284, %swap3A_285] {strides = array<i32>} : memref<128x128xf32, #tpu.memory_space<vmem>>, vector<1x16xf32>,
      %swap3A_287 = vector.shape_cast %swap3A_286 : vector<1x16xf32> to vector<16xf32>
      %swap3A_288 = vector.shape_cast %mul3A_283 : vector<16xf32> to vector<1x16xf32>
      tpu.vector_store %arg10[%swap3A_284, %swap3A_285], %swap3A_288 {strides = array<i32>} : memref<128x128xf32, #tpu.memory_space<vmem>>, vector<1x16xf32>,
      %get3A_289 = arith.index_cast %add3A_206 : i32 to index
      %get3A_290 = arith.constant 96 : index
      %get3A_291 = tpu.vector_load %arg10[%get3A_289, %get3A_290] {strides = array<i32>} : memref<128x128xf32, #tpu.memory_space<vmem>>, vector<1x16xf32>,
      %get3A_292 = vector.shape_cast %get3A_291 : vector<1x16xf32> to vector<16xf32>
      %get3A_293 = arith.index_cast %add3A_206 : i32 to index
      %get3A_294 = arith.constant 96 : index
      %get3A_295 = tpu.vector_load %arg9[%get3A_293, %get3A_294] {strides = array<i32>} : memref<128x128xf32, #tpu.memory_space<vmem>>, vector<1x16xf32>,
      %get3A_296 = vector.shape_cast %get3A_295 : vector<1x16xf32> to vector<16xf32>
      %mul3A_297 = arith.mulf %get3A_292, %get3A_296 : vector<16xf32>
      %swap3A_298 = arith.index_cast %add3A_206 : i32 to index
      %swap3A_299 = arith.constant 96 : index
      %swap3A_300 = tpu.vector_load %arg10[%swap3A_298, %swap3A_299] {strides = array<i32>} : memref<128x128xf32, #tpu.memory_space<vmem>>, vector<1x16xf32>,
      %swap3A_301 = vector.shape_cast %swap3A_300 : vector<1x16xf32> to vector<16xf32>
      %swap3A_302 = vector.shape_cast %mul3A_297 : vector<16xf32> to vector<1x16xf32>
      tpu.vector_store %arg10[%swap3A_298, %swap3A_299], %swap3A_302 {strides = array<i32>} : memref<128x128xf32, #tpu.memory_space<vmem>>, vector<1x16xf32>,
      %get3A_303 = arith.index_cast %add3A_206 : i32 to index
      %get3A_304 = arith.constant 112 : index
      %get3A_305 = tpu.vector_load %arg10[%get3A_303, %get3A_304] {strides = array<i32>} : memref<128x128xf32, #tpu.memory_space<vmem>>, vector<1x16xf32>,
      %get3A_306 = vector.shape_cast %get3A_305 : vector<1x16xf32> to vector<16xf32>
      %get3A_307 = arith.index_cast %add3A_206 : i32 to index
      %get3A_308 = arith.constant 112 : index
      %get3A_309 = tpu.vector_load %arg9[%get3A_307, %get3A_308] {strides = array<i32>} : memref<128x128xf32, #tpu.memory_space<vmem>>, vector<1x16xf32>,
      %get3A_310 = vector.shape_cast %get3A_309 : vector<1x16xf32> to vector<16xf32>
      %mul3A_311 = arith.mulf %get3A_306, %get3A_310 : vector<16xf32>
      %swap3A_312 = arith.index_cast %add3A_206 : i32 to index
      %swap3A_313 = arith.constant 112 : index
      %swap3A_314 = tpu.vector_load %arg10[%swap3A_312, %swap3A_313] {strides = array<i32>} : memref<128x128xf32, #tpu.memory_space<vmem>>, vector<1x16xf32>,
      %swap3A_315 = vector.shape_cast %swap3A_314 : vector<1x16xf32> to vector<16xf32>
      %swap3A_316 = vector.shape_cast %mul3A_311 : vector<16xf32> to vector<1x16xf32>
      tpu.vector_store %arg10[%swap3A_312, %swap3A_313], %swap3A_316 {strides = array<i32>} : memref<128x128xf32, #tpu.memory_space<vmem>>, vector<1x16xf32>,
    }
    %scan3A_189 = arith.constant 128 : i32
    %run_scoped3A = arith.constant 0 : i32
    "tpu.region"() ({
      %run_scoped3A_202 = tpu.sem_alloc : memref<!tpu.dma_semaphore, #tpu.memory_space<semaphore_mem>>
      %dma_start3A_203 = arith.constant 0 : i32
      %dma_start3A_204 = tpu.memref_slice %arg8[%run_scoped3A, %dma_start3A_203] : memref<2x128xi32, #tpu.memory_space<vmem>> -> memref<1x128xi32, #tpu.memory_space<vmem>>
      %dma_start3A_205 = tpu.memref_squeeze %dma_start3A_204 : memref<1x128xi32, #tpu.memory_space<vmem>> -> memref<128xi32, #tpu.memory_space<vmem>>
      %dma_start3A_206 = arith.constant 0 : i32
      %dma_start3A_207 = arith.constant 0 : i32
      %dma_start3A_208 = tpu.memref_slice %arg11[%dma_start3A_206, %dma_start3A_207] : memref<10000x128xf32, #tpu.memory_space<vmem_shared>> -> memref<10000x128xf32, #tpu.memory_space<vmem_shared>>
      tpu.enqueue_indirect_dma source(%arg10 : memref<128x128xf32, #tpu.memory_space<vmem>>) target(%dma_start3A_208 : memref<10000x128xf32, #tpu.memory_space<vmem_shared>>) offsets(%dma_start3A_205 : memref<128xi32, #tpu.memory_space<vmem>>) semaphore(%run_scoped3A_202 : memref<!tpu.dma_semaphore, #tpu.memory_space<semaphore_mem>>) {add = true}
      %dma_wait3A_209 = arith.constant 0 : i32
      %dma_wait3A_210 = tpu.memref_slice %arg8[%run_scoped3A, %dma_wait3A_209] : memref<2x128xi32, #tpu.memory_space<vmem>> -> memref<1x128xi32, #tpu.memory_space<vmem>>
      %dma_wait3A_211 = tpu.memref_squeeze %dma_wait3A_210 : memref<1x128xi32, #tpu.memory_space<vmem>> -> memref<128xi32, #tpu.memory_space<vmem>>
      %dma_wait3A_212 = arith.constant 0 : i32
      %dma_wait3A_213 = arith.constant 0 : i32
      %dma_wait3A_214 = tpu.memref_slice %arg11[%dma_wait3A_212, %dma_wait3A_213] : memref<10000x128xf32, #tpu.memory_space<vmem_shared>> -> memref<10000x128xf32, #tpu.memory_space<vmem_shared>>
      tpu.wait_indirect_dma semaphore(%run_scoped3A_202 : memref<!tpu.dma_semaphore, #tpu.memory_space<semaphore_mem>>) src(%arg10 : memref<128x128xf32, #tpu.memory_space<vmem>>) dst(%dma_wait3A_214 : memref<10000x128xf32, #tpu.memory_space<vmem_shared>>)
      tpu.yield
    }) : () -> ()
    %lt3A = arith.constant 2 : i32
    %lt3A_190 = arith.cmpi slt, %add3A, %lt3A : i32
    %convert_element_type3A = arith.extui %lt3A_190 : i1 to i32
    %cond3A = arith.constant 0 : i32
    %cond3A_191 = arith.cmpi ne, %convert_element_type3A, %cond3A : i32
    scf.if %cond3A_191 {
      %add3A_202 = arith.constant 39 : i32
      %add3A_203 = arith.addi %add3A_26, %add3A_202 : i32
      %mul3A_204 = arith.constant 128 : i32
      %mul3A_205 = arith.muli %add3A_203, %mul3A_204 : i32
      %dma_start3A_206 = arith.constant 0 : i32
      %dma_start3A_207 = arith.constant 0 : i32
      %dma_start3A_208 = tpu.memref_slice %arg7[%dma_start3A_206, %dma_start3A_207] : memref<2x128xi32, #tpu.memory_space<vmem>> -> memref<1x128xi32, #tpu.memory_space<vmem>>
      %dma_start3A_209 = tpu.memref_squeeze %dma_start3A_208 : memref<1x128xi32, #tpu.memory_space<vmem>> -> memref<128xi32, #tpu.memory_space<vmem>>
      %dma_start3A_210 = tpu.memref_slice %arg2[%mul3A_205] : memref<160000xi32, #tpu.memory_space<hbm>> -> memref<128xi32, #tpu.memory_space<hbm>>
      %dma_start3A_211 = arith.constant 0 : i32
      %dma_start3A_212 = tpu.memref_slice %arg7[%dma_start3A_206, %dma_start3A_211] : memref<2x128xi32, #tpu.memory_space<vmem>> -> memref<1x128xi32, #tpu.memory_space<vmem>>
      %dma_start3A_213 = tpu.memref_squeeze %dma_start3A_212 : memref<1x128xi32, #tpu.memory_space<vmem>> -> memref<128xi32, #tpu.memory_space<vmem>>
      %dma_start3A_214 = tpu.memref_slice %arg2[%mul3A_205] : memref<160000xi32, #tpu.memory_space<hbm>> -> memref<128xi32, #tpu.memory_space<hbm>>
      tpu.enqueue_dma source(%dma_start3A_214 : memref<128xi32, #tpu.memory_space<hbm>>) target(%dma_start3A_213 : memref<128xi32, #tpu.memory_space<vmem>>) target_semaphore(%arg14 : memref<!tpu.dma_semaphore, #tpu.memory_space<semaphore_mem>>)
      %dma_start3A_215 = arith.constant 0 : i32
      %dma_start3A_216 = arith.constant 0 : i32
      %dma_start3A_217 = tpu.memref_slice %arg8[%dma_start3A_215, %dma_start3A_216] : memref<2x128xi32, #tpu.memory_space<vmem>> -> memref<1x128xi32, #tpu.memory_space<vmem>>
      %dma_start3A_218 = tpu.memref_squeeze %dma_start3A_217 : memref<1x128xi32, #tpu.memory_space<vmem>> -> memref<128xi32, #tpu.memory_space<vmem>>
      %dma_start3A_219 = tpu.memref_slice %arg3[%mul3A_205] : memref<160000xi32, #tpu.memory_space<hbm>> -> memref<128xi32, #tpu.memory_space<hbm>>
      %dma_start3A_220 = arith.constant 0 : i32
      %dma_start3A_221 = tpu.memref_slice %arg8[%dma_start3A_215, %dma_start3A_220] : memref<2x128xi32, #tpu.memory_space<vmem>> -> memref<1x128xi32, #tpu.memory_space<vmem>>
      %dma_start3A_222 = tpu.memref_squeeze %dma_start3A_221 : memref<1x128xi32, #tpu.memory_space<vmem>> -> memref<128xi32, #tpu.memory_space<vmem>>
      %dma_start3A_223 = tpu.memref_slice %arg3[%mul3A_205] : memref<160000xi32, #tpu.memory_space<hbm>> -> memref<128xi32, #tpu.memory_space<hbm>>
      tpu.enqueue_dma source(%dma_start3A_223 : memref<128xi32, #tpu.memory_space<hbm>>) target(%dma_start3A_222 : memref<128xi32, #tpu.memory_space<vmem>>) target_semaphore(%arg14 : memref<!tpu.dma_semaphore, #tpu.memory_space<semaphore_mem>>)
      %add3A_224 = arith.constant 39 : i32
      %add3A_225 = arith.addi %add3A_26, %add3A_224 : i32
      %mul3A_226 = arith.constant 128 : i32
      %mul3A_227 = arith.muli %add3A_225, %mul3A_226 : i32
      %dma_wait3A_228 = arith.constant 0 : i32
      %dma_wait3A_229 = arith.constant 0 : i32
      %dma_wait3A_230 = tpu.memref_slice %arg7[%dma_wait3A_228, %dma_wait3A_229] : memref<2x128xi32, #tpu.memory_space<vmem>> -> memref<1x128xi32, #tpu.memory_space<vmem>>
      %dma_wait3A_231 = tpu.memref_squeeze %dma_wait3A_230 : memref<1x128xi32, #tpu.memory_space<vmem>> -> memref<128xi32, #tpu.memory_space<vmem>>
      %dma_wait3A_232 = tpu.memref_slice %arg2[%mul3A_227] : memref<160000xi32, #tpu.memory_space<hbm>> -> memref<128xi32, #tpu.memory_space<hbm>>
      %dma_wait3A_233 = arith.constant 0 : i32
      %dma_wait3A_234 = tpu.memref_slice %arg7[%dma_wait3A_228, %dma_wait3A_233] : memref<2x128xi32, #tpu.memory_space<vmem>> -> memref<1x128xi32, #tpu.memory_space<vmem>>
      %dma_wait3A_235 = tpu.memref_squeeze %dma_wait3A_234 : memref<1x128xi32, #tpu.memory_space<vmem>> -> memref<128xi32, #tpu.memory_space<vmem>>
      %dma_wait3A_236 = tpu.memref_slice %arg2[%mul3A_227] : memref<160000xi32, #tpu.memory_space<hbm>> -> memref<128xi32, #tpu.memory_space<hbm>>
      tpu.wait_dma2 semaphore(%arg14 : memref<!tpu.dma_semaphore, #tpu.memory_space<semaphore_mem>>) src(%dma_wait3A_236 : memref<128xi32, #tpu.memory_space<hbm>>) dst(%dma_wait3A_235 : memref<128xi32, #tpu.memory_space<vmem>>)
      %dma_wait3A_237 = arith.constant 0 : i32
      %dma_wait3A_238 = arith.constant 0 : i32
      %dma_wait3A_239 = tpu.memref_slice %arg8[%dma_wait3A_237, %dma_wait3A_238] : memref<2x128xi32, #tpu.memory_space<vmem>> -> memref<1x128xi32, #tpu.memory_space<vmem>>
      %dma_wait3A_240 = tpu.memref_squeeze %dma_wait3A_239 : memref<1x128xi32, #tpu.memory_space<vmem>> -> memref<128xi32, #tpu.memory_space<vmem>>
      %dma_wait3A_241 = tpu.memref_slice %arg3[%mul3A_227] : memref<160000xi32, #tpu.memory_space<hbm>> -> memref<128xi32, #tpu.memory_space<hbm>>
      %dma_wait3A_242 = arith.constant 0 : i32
      %dma_wait3A_243 = tpu.memref_slice %arg8[%dma_wait3A_237, %dma_wait3A_242] : memref<2x128xi32, #tpu.memory_space<vmem>> -> memref<1x128xi32, #tpu.memory_space<vmem>>
      %dma_wait3A_244 = tpu.memref_squeeze %dma_wait3A_243 : memref<1x128xi32, #tpu.memory_space<vmem>> -> memref<128xi32, #tpu.memory_space<vmem>>
      %dma_wait3A_245 = tpu.memref_slice %arg3[%mul3A_227] : memref<160000xi32, #tpu.memory_space<hbm>> -> memref<128xi32, #tpu.memory_space<hbm>>
      tpu.wait_dma2 semaphore(%arg14 : memref<!tpu.dma_semaphore, #tpu.memory_space<semaphore_mem>>) src(%dma_wait3A_245 : memref<128xi32, #tpu.memory_space<hbm>>) dst(%dma_wait3A_244 : memref<128xi32, #tpu.memory_space<vmem>>)
      %dma_start3A_246 = arith.constant 0 : i32
      %dma_start3A_247 = arith.constant 0 : i32
      %dma_start3A_248 = tpu.memref_slice %arg7[%dma_start3A_246, %dma_start3A_247] : memref<2x128xi32, #tpu.memory_space<vmem>> -> memref<1x128xi32, #tpu.memory_space<vmem>>
      %dma_start3A_249 = tpu.memref_squeeze %dma_start3A_248 : memref<1x128xi32, #tpu.memory_space<vmem>> -> memref<128xi32, #tpu.memory_space<vmem>>
      %dma_start3A_250 = arith.constant 0 : i32
      %dma_start3A_251 = arith.constant 0 : i32
      %dma_start3A_252 = tpu.memref_slice %arg4[%dma_start3A_250, %dma_start3A_251] : memref<10000x128xf32, #tpu.memory_space<hbm>> -> memref<10000x128xf32, #tpu.memory_space<hbm>>
      tpu.enqueue_indirect_dma source(%dma_start3A_252 : memref<10000x128xf32, #tpu.memory_space<hbm>>) target(%arg9 : memref<128x128xf32, #tpu.memory_space<vmem>>) offsets(%dma_start3A_249 : memref<128xi32, #tpu.memory_space<vmem>>) semaphore(%arg12 : memref<!tpu.dma_semaphore, #tpu.memory_space<semaphore_mem>>)
      %dma_wait3A_253 = arith.constant 0 : i32
      %dma_wait3A_254 = arith.constant 0 : i32
      %dma_wait3A_255 = tpu.memref_slice %arg7[%dma_wait3A_253, %dma_wait3A_254] : memref<2x128xi32, #tpu.memory_space<vmem>> -> memref<1x128xi32, #tpu.memory_space<vmem>>
      %dma_wait3A_256 = tpu.memref_squeeze %dma_wait3A_255 : memref<1x128xi32, #tpu.memory_space<vmem>> -> memref<128xi32, #tpu.memory_space<vmem>>
      %dma_wait3A_257 = arith.constant 0 : i32
      %dma_wait3A_258 = arith.constant 0 : i32
      %dma_wait3A_259 = tpu.memref_slice %arg4[%dma_wait3A_257, %dma_wait3A_258] : memref<10000x128xf32, #tpu.memory_space<hbm>> -> memref<10000x128xf32, #tpu.memory_space<hbm>>
      tpu.wait_indirect_dma semaphore(%arg12 : memref<!tpu.dma_semaphore, #tpu.memory_space<semaphore_mem>>) src(%dma_wait3A_259 : memref<10000x128xf32, #tpu.memory_space<hbm>>) dst(%arg9 : memref<128x128xf32, #tpu.memory_space<vmem>>)
      %add3A_260 = arith.constant 39 : i32
      %add3A_261 = arith.addi %add3A_26, %add3A_260 : i32
      %mul3A_262 = arith.constant 128 : i32
      %mul3A_263 = arith.muli %add3A_261, %mul3A_262 : i32
      %dma_start3A_264 = arith.constant 0 : i32
      %dma_start3A_265 = tpu.memref_slice %arg5[%mul3A_263, %dma_start3A_264] : memref<160000x128xf32, #tpu.memory_space<hbm>> -> memref<128x128xf32, #tpu.memory_space<hbm>>
      %dma_start3A_266 = arith.constant 0 : i32
      %dma_start3A_267 = tpu.memref_slice %arg5[%mul3A_263, %dma_start3A_266] : memref<160000x128xf32, #tpu.memory_space<hbm>> -> memref<128x128xf32, #tpu.memory_space<hbm>>
      tpu.enqueue_dma source(%dma_start3A_267 : memref<128x128xf32, #tpu.memory_space<hbm>>) target(%arg10 : memref<128x128xf32, #tpu.memory_space<vmem>>) target_semaphore(%arg13 : memref<!tpu.dma_semaphore, #tpu.memory_space<semaphore_mem>>)
      %add3A_268 = arith.constant 39 : i32
      %add3A_269 = arith.addi %add3A_26, %add3A_268 : i32
      %mul3A_270 = arith.constant 128 : i32
      %mul3A_271 = arith.muli %add3A_269, %mul3A_270 : i32
      %dma_wait3A_272 = arith.constant 0 : i32
      %dma_wait3A_273 = tpu.memref_slice %arg5[%mul3A_271, %dma_wait3A_272] : memref<160000x128xf32, #tpu.memory_space<hbm>> -> memref<128x128xf32, #tpu.memory_space<hbm>>
      %dma_wait3A_274 = arith.constant 0 : i32
      %dma_wait3A_275 = tpu.memref_slice %arg5[%mul3A_271, %dma_wait3A_274] : memref<160000x128xf32, #tpu.memory_space<hbm>> -> memref<128x128xf32, #tpu.memory_space<hbm>>
      tpu.wait_dma2 semaphore(%arg13 : memref<!tpu.dma_semaphore, #tpu.memory_space<semaphore_mem>>) src(%dma_wait3A_275 : memref<128x128xf32, #tpu.memory_space<hbm>>) dst(%arg10 : memref<128x128xf32, #tpu.memory_space<vmem>>)
      %scan3A_276 = arith.constant 0 : i32
      %scan3A_277 = arith.constant 128 : i32
      %scan3A_278 = arith.addi %scan3A_276, %scan3A_277 : i32
      %scan3A_279 = arith.constant 1 : i32
      scf.for %scan3A_282 = %scan3A_276 to %scan3A_278 step %scan3A_279  : i32 {
        %mul3A_283 = arith.constant 1 : i32
        %mul3A_284 = arith.muli %scan3A_282, %mul3A_283 : i32
        %add3A_285 = arith.constant 0 : i32
        %add3A_286 = arith.addi %add3A_285, %mul3A_284 : i32
        %get3A = arith.index_cast %add3A_286 : i32 to index
        %get3A_287 = arith.constant 0 : index
        %get3A_288 = tpu.vector_load %arg10[%get3A, %get3A_287] {strides = array<i32>} : memref<128x128xf32, #tpu.memory_space<vmem>>, vector<1x16xf32>,
        %get3A_289 = vector.shape_cast %get3A_288 : vector<1x16xf32> to vector<16xf32>
        %get3A_290 = arith.index_cast %add3A_286 : i32 to index
        %get3A_291 = arith.constant 0 : index
        %get3A_292 = tpu.vector_load %arg9[%get3A_290, %get3A_291] {strides = array<i32>} : memref<128x128xf32, #tpu.memory_space<vmem>>, vector<1x16xf32>,
        %get3A_293 = vector.shape_cast %get3A_292 : vector<1x16xf32> to vector<16xf32>
        %mul3A_294 = arith.mulf %get3A_289, %get3A_293 : vector<16xf32>
        %swap3A = arith.index_cast %add3A_286 : i32 to index
        %swap3A_295 = arith.constant 0 : index
        %swap3A_296 = tpu.vector_load %arg10[%swap3A, %swap3A_295] {strides = array<i32>} : memref<128x128xf32, #tpu.memory_space<vmem>>, vector<1x16xf32>,
        %swap3A_297 = vector.shape_cast %swap3A_296 : vector<1x16xf32> to vector<16xf32>
        %swap3A_298 = vector.shape_cast %mul3A_294 : vector<16xf32> to vector<1x16xf32>
        tpu.vector_store %arg10[%swap3A, %swap3A_295], %swap3A_298 {strides = array<i32>} : memref<128x128xf32, #tpu.memory_space<vmem>>, vector<1x16xf32>,
        %get3A_299 = arith.index_cast %add3A_286 : i32 to index
        %get3A_300 = arith.constant 16 : index
        %get3A_301 = tpu.vector_load %arg10[%get3A_299, %get3A_300] {strides = array<i32>} : memref<128x128xf32, #tpu.memory_space<vmem>>, vector<1x16xf32>,
        %get3A_302 = vector.shape_cast %get3A_301 : vector<1x16xf32> to vector<16xf32>
        %get3A_303 = arith.index_cast %add3A_286 : i32 to index
        %get3A_304 = arith.constant 16 : index
        %get3A_305 = tpu.vector_load %arg9[%get3A_303, %get3A_304] {strides = array<i32>} : memref<128x128xf32, #tpu.memory_space<vmem>>, vector<1x16xf32>,
        %get3A_306 = vector.shape_cast %get3A_305 : vector<1x16xf32> to vector<16xf32>
        %mul3A_307 = arith.mulf %get3A_302, %get3A_306 : vector<16xf32>
        %swap3A_308 = arith.index_cast %add3A_286 : i32 to index
        %swap3A_309 = arith.constant 16 : index
        %swap3A_310 = tpu.vector_load %arg10[%swap3A_308, %swap3A_309] {strides = array<i32>} : memref<128x128xf32, #tpu.memory_space<vmem>>, vector<1x16xf32>,
        %swap3A_311 = vector.shape_cast %swap3A_310 : vector<1x16xf32> to vector<16xf32>
        %swap3A_312 = vector.shape_cast %mul3A_307 : vector<16xf32> to vector<1x16xf32>
        tpu.vector_store %arg10[%swap3A_308, %swap3A_309], %swap3A_312 {strides = array<i32>} : memref<128x128xf32, #tpu.memory_space<vmem>>, vector<1x16xf32>,
        %get3A_313 = arith.index_cast %add3A_286 : i32 to index
        %get3A_314 = arith.constant 32 : index
        %get3A_315 = tpu.vector_load %arg10[%get3A_313, %get3A_314] {strides = array<i32>} : memref<128x128xf32, #tpu.memory_space<vmem>>, vector<1x16xf32>,
        %get3A_316 = vector.shape_cast %get3A_315 : vector<1x16xf32> to vector<16xf32>
        %get3A_317 = arith.index_cast %add3A_286 : i32 to index
        %get3A_318 = arith.constant 32 : index
        %get3A_319 = tpu.vector_load %arg9[%get3A_317, %get3A_318] {strides = array<i32>} : memref<128x128xf32, #tpu.memory_space<vmem>>, vector<1x16xf32>,
        %get3A_320 = vector.shape_cast %get3A_319 : vector<1x16xf32> to vector<16xf32>
        %mul3A_321 = arith.mulf %get3A_316, %get3A_320 : vector<16xf32>
        %swap3A_322 = arith.index_cast %add3A_286 : i32 to index
        %swap3A_323 = arith.constant 32 : index
        %swap3A_324 = tpu.vector_load %arg10[%swap3A_322, %swap3A_323] {strides = array<i32>} : memref<128x128xf32, #tpu.memory_space<vmem>>, vector<1x16xf32>,
        %swap3A_325 = vector.shape_cast %swap3A_324 : vector<1x16xf32> to vector<16xf32>
        %swap3A_326 = vector.shape_cast %mul3A_321 : vector<16xf32> to vector<1x16xf32>
        tpu.vector_store %arg10[%swap3A_322, %swap3A_323], %swap3A_326 {strides = array<i32>} : memref<128x128xf32, #tpu.memory_space<vmem>>, vector<1x16xf32>,
        %get3A_327 = arith.index_cast %add3A_286 : i32 to index
        %get3A_328 = arith.constant 48 : index
        %get3A_329 = tpu.vector_load %arg10[%get3A_327, %get3A_328] {strides = array<i32>} : memref<128x128xf32, #tpu.memory_space<vmem>>, vector<1x16xf32>,
        %get3A_330 = vector.shape_cast %get3A_329 : vector<1x16xf32> to vector<16xf32>
        %get3A_331 = arith.index_cast %add3A_286 : i32 to index
        %get3A_332 = arith.constant 48 : index
        %get3A_333 = tpu.vector_load %arg9[%get3A_331, %get3A_332] {strides = array<i32>} : memref<128x128xf32, #tpu.memory_space<vmem>>, vector<1x16xf32>,
        %get3A_334 = vector.shape_cast %get3A_333 : vector<1x16xf32> to vector<16xf32>
        %mul3A_335 = arith.mulf %get3A_330, %get3A_334 : vector<16xf32>
        %swap3A_336 = arith.index_cast %add3A_286 : i32 to index
        %swap3A_337 = arith.constant 48 : index
        %swap3A_338 = tpu.vector_load %arg10[%swap3A_336, %swap3A_337] {strides = array<i32>} : memref<128x128xf32, #tpu.memory_space<vmem>>, vector<1x16xf32>,
        %swap3A_339 = vector.shape_cast %swap3A_338 : vector<1x16xf32> to vector<16xf32>
        %swap3A_340 = vector.shape_cast %mul3A_335 : vector<16xf32> to vector<1x16xf32>
        tpu.vector_store %arg10[%swap3A_336, %swap3A_337], %swap3A_340 {strides = array<i32>} : memref<128x128xf32, #tpu.memory_space<vmem>>, vector<1x16xf32>,
        %get3A_341 = arith.index_cast %add3A_286 : i32 to index
        %get3A_342 = arith.constant 64 : index
        %get3A_343 = tpu.vector_load %arg10[%get3A_341, %get3A_342] {strides = array<i32>} : memref<128x128xf32, #tpu.memory_space<vmem>>, vector<1x16xf32>,
        %get3A_344 = vector.shape_cast %get3A_343 : vector<1x16xf32> to vector<16xf32>
        %get3A_345 = arith.index_cast %add3A_286 : i32 to index
        %get3A_346 = arith.constant 64 : index
        %get3A_347 = tpu.vector_load %arg9[%get3A_345, %get3A_346] {strides = array<i32>} : memref<128x128xf32, #tpu.memory_space<vmem>>, vector<1x16xf32>,
        %get3A_348 = vector.shape_cast %get3A_347 : vector<1x16xf32> to vector<16xf32>
        %mul3A_349 = arith.mulf %get3A_344, %get3A_348 : vector<16xf32>
        %swap3A_350 = arith.index_cast %add3A_286 : i32 to index
        %swap3A_351 = arith.constant 64 : index
        %swap3A_352 = tpu.vector_load %arg10[%swap3A_350, %swap3A_351] {strides = array<i32>} : memref<128x128xf32, #tpu.memory_space<vmem>>, vector<1x16xf32>,
        %swap3A_353 = vector.shape_cast %swap3A_352 : vector<1x16xf32> to vector<16xf32>
        %swap3A_354 = vector.shape_cast %mul3A_349 : vector<16xf32> to vector<1x16xf32>
        tpu.vector_store %arg10[%swap3A_350, %swap3A_351], %swap3A_354 {strides = array<i32>} : memref<128x128xf32, #tpu.memory_space<vmem>>, vector<1x16xf32>,
        %get3A_355 = arith.index_cast %add3A_286 : i32 to index
        %get3A_356 = arith.constant 80 : index
        %get3A_357 = tpu.vector_load %arg10[%get3A_355, %get3A_356] {strides = array<i32>} : memref<128x128xf32, #tpu.memory_space<vmem>>, vector<1x16xf32>,
        %get3A_358 = vector.shape_cast %get3A_357 : vector<1x16xf32> to vector<16xf32>
        %get3A_359 = arith.index_cast %add3A_286 : i32 to index
        %get3A_360 = arith.constant 80 : index
        %get3A_361 = tpu.vector_load %arg9[%get3A_359, %get3A_360] {strides = array<i32>} : memref<128x128xf32, #tpu.memory_space<vmem>>, vector<1x16xf32>,
        %get3A_362 = vector.shape_cast %get3A_361 : vector<1x16xf32> to vector<16xf32>
        %mul3A_363 = arith.mulf %get3A_358, %get3A_362 : vector<16xf32>
        %swap3A_364 = arith.index_cast %add3A_286 : i32 to index
        %swap3A_365 = arith.constant 80 : index
        %swap3A_366 = tpu.vector_load %arg10[%swap3A_364, %swap3A_365] {strides = array<i32>} : memref<128x128xf32, #tpu.memory_space<vmem>>, vector<1x16xf32>,
        %swap3A_367 = vector.shape_cast %swap3A_366 : vector<1x16xf32> to vector<16xf32>
        %swap3A_368 = vector.shape_cast %mul3A_363 : vector<16xf32> to vector<1x16xf32>
        tpu.vector_store %arg10[%swap3A_364, %swap3A_365], %swap3A_368 {strides = array<i32>} : memref<128x128xf32, #tpu.memory_space<vmem>>, vector<1x16xf32>,
        %get3A_369 = arith.index_cast %add3A_286 : i32 to index
        %get3A_370 = arith.constant 96 : index
        %get3A_371 = tpu.vector_load %arg10[%get3A_369, %get3A_370] {strides = array<i32>} : memref<128x128xf32, #tpu.memory_space<vmem>>, vector<1x16xf32>,
        %get3A_372 = vector.shape_cast %get3A_371 : vector<1x16xf32> to vector<16xf32>
        %get3A_373 = arith.index_cast %add3A_286 : i32 to index
        %get3A_374 = arith.constant 96 : index
        %get3A_375 = tpu.vector_load %arg9[%get3A_373, %get3A_374] {strides = array<i32>} : memref<128x128xf32, #tpu.memory_space<vmem>>, vector<1x16xf32>,
        %get3A_376 = vector.shape_cast %get3A_375 : vector<1x16xf32> to vector<16xf32>
        %mul3A_377 = arith.mulf %get3A_372, %get3A_376 : vector<16xf32>
        %swap3A_378 = arith.index_cast %add3A_286 : i32 to index
        %swap3A_379 = arith.constant 96 : index
        %swap3A_380 = tpu.vector_load %arg10[%swap3A_378, %swap3A_379] {strides = array<i32>} : memref<128x128xf32, #tpu.memory_space<vmem>>, vector<1x16xf32>,
        %swap3A_381 = vector.shape_cast %swap3A_380 : vector<1x16xf32> to vector<16xf32>
        %swap3A_382 = vector.shape_cast %mul3A_377 : vector<16xf32> to vector<1x16xf32>
        tpu.vector_store %arg10[%swap3A_378, %swap3A_379], %swap3A_382 {strides = array<i32>} : memref<128x128xf32, #tpu.memory_space<vmem>>, vector<1x16xf32>,
        %get3A_383 = arith.index_cast %add3A_286 : i32 to index
        %get3A_384 = arith.constant 112 : index
        %get3A_385 = tpu.vector_load %arg10[%get3A_383, %get3A_384] {strides = array<i32>} : memref<128x128xf32, #tpu.memory_space<vmem>>, vector<1x16xf32>,
        %get3A_386 = vector.shape_cast %get3A_385 : vector<1x16xf32> to vector<16xf32>
        %get3A_387 = arith.index_cast %add3A_286 : i32 to index
        %get3A_388 = arith.constant 112 : index
        %get3A_389 = tpu.vector_load %arg9[%get3A_387, %get3A_388] {strides = array<i32>} : memref<128x128xf32, #tpu.memory_space<vmem>>, vector<1x16xf32>,
        %get3A_390 = vector.shape_cast %get3A_389 : vector<1x16xf32> to vector<16xf32>
        %mul3A_391 = arith.mulf %get3A_386, %get3A_390 : vector<16xf32>
        %swap3A_392 = arith.index_cast %add3A_286 : i32 to index
        %swap3A_393 = arith.constant 112 : index
        %swap3A_394 = tpu.vector_load %arg10[%swap3A_392, %swap3A_393] {strides = array<i32>} : memref<128x128xf32, #tpu.memory_space<vmem>>, vector<1x16xf32>,
        %swap3A_395 = vector.shape_cast %swap3A_394 : vector<1x16xf32> to vector<16xf32>
        %swap3A_396 = vector.shape_cast %mul3A_391 : vector<16xf32> to vector<1x16xf32>
        tpu.vector_store %arg10[%swap3A_392, %swap3A_393], %swap3A_396 {strides = array<i32>} : memref<128x128xf32, #tpu.memory_space<vmem>>, vector<1x16xf32>,
      }
      %scan3A_280 = arith.constant 128 : i32
      %run_scoped3A_281 = arith.constant 0 : i32
      "tpu.region"() ({
        %run_scoped3A_282 = tpu.sem_alloc : memref<!tpu.dma_semaphore, #tpu.memory_space<semaphore_mem>>
        %dma_start3A_283 = arith.constant 0 : i32
        %dma_start3A_284 = tpu.memref_slice %arg8[%run_scoped3A_281, %dma_start3A_283] : memref<2x128xi32, #tpu.memory_space<vmem>> -> memref<1x128xi32, #tpu.memory_space<vmem>>
        %dma_start3A_285 = tpu.memref_squeeze %dma_start3A_284 : memref<1x128xi32, #tpu.memory_space<vmem>> -> memref<128xi32, #tpu.memory_space<vmem>>
        %dma_start3A_286 = arith.constant 0 : i32
        %dma_start3A_287 = arith.constant 0 : i32
        %dma_start3A_288 = tpu.memref_slice %arg11[%dma_start3A_286, %dma_start3A_287] : memref<10000x128xf32, #tpu.memory_space<vmem_shared>> -> memref<10000x128xf32, #tpu.memory_space<vmem_shared>>
        tpu.enqueue_indirect_dma source(%arg10 : memref<128x128xf32, #tpu.memory_space<vmem>>) target(%dma_start3A_288 : memref<10000x128xf32, #tpu.memory_space<vmem_shared>>) offsets(%dma_start3A_285 : memref<128xi32, #tpu.memory_space<vmem>>) semaphore(%run_scoped3A_282 : memref<!tpu.dma_semaphore, #tpu.memory_space<semaphore_mem>>) {add = true}
        %dma_wait3A_289 = arith.constant 0 : i32
        %dma_wait3A_290 = tpu.memref_slice %arg8[%run_scoped3A_281, %dma_wait3A_289] : memref<2x128xi32, #tpu.memory_space<vmem>> -> memref<1x128xi32, #tpu.memory_space<vmem>>
        %dma_wait3A_291 = tpu.memref_squeeze %dma_wait3A_290 : memref<1x128xi32, #tpu.memory_space<vmem>> -> memref<128xi32, #tpu.memory_space<vmem>>
        %dma_wait3A_292 = arith.constant 0 : i32
        %dma_wait3A_293 = arith.constant 0 : i32
        %dma_wait3A_294 = tpu.memref_slice %arg11[%dma_wait3A_292, %dma_wait3A_293] : memref<10000x128xf32, #tpu.memory_space<vmem_shared>> -> memref<10000x128xf32, #tpu.memory_space<vmem_shared>>
        tpu.wait_indirect_dma semaphore(%run_scoped3A_282 : memref<!tpu.dma_semaphore, #tpu.memory_space<semaphore_mem>>) src(%arg10 : memref<128x128xf32, #tpu.memory_space<vmem>>) dst(%dma_wait3A_294 : memref<10000x128xf32, #tpu.memory_space<vmem_shared>>)
        tpu.yield
      }) : () -> ()
    } else {
    }
    %barrier3A_192 = arith.constant 0 : index
    tpu.barrier barrier_id(%barrier3A_192)
    %eq3A_193 = arith.constant 15 : i32
    %eq3A_194 = arith.cmpi eq, %arg1, %eq3A_193 : i32
    %convert_element_type3A_195 = arith.extui %eq3A_194 : i1 to i32
    %cond3A_196 = arith.constant 0 : i32
    %cond3A_197 = arith.cmpi ne, %convert_element_type3A_195, %cond3A_196 : i32
    scf.if %cond3A_197 {
      "tpu.region"() ({
        %run_scoped3A_202 = tpu.sem_alloc : memref<!tpu.dma_semaphore, #tpu.memory_space<semaphore_mem>>
        %dma_start3A_203 = arith.constant 9360 : i32
        %dma_start3A_204 = arith.constant 0 : i32
        %dma_start3A_205 = tpu.memref_slice %arg6[%arg0, %dma_start3A_203, %dma_start3A_204] : memref<2x10000x128xf32, #tpu.memory_space<hbm>> -> memref<1x640x128xf32, #tpu.memory_space<hbm>>
        %dma_start3A_206 = tpu.memref_squeeze %dma_start3A_205 : memref<1x640x128xf32, #tpu.memory_space<hbm>> -> memref<640x128xf32, #tpu.memory_space<hbm>>
        %dma_start3A_207 = arith.constant 9360 : i32
        %dma_start3A_208 = arith.constant 0 : i32
        %dma_start3A_209 = tpu.memref_slice %arg11[%dma_start3A_207, %dma_start3A_208] : memref<10000x128xf32, #tpu.memory_space<vmem_shared>> -> memref<640x128xf32, #tpu.memory_space<vmem_shared>>
        tpu.enqueue_dma source(%dma_start3A_209 : memref<640x128xf32, #tpu.memory_space<vmem_shared>>) target(%dma_start3A_206 : memref<640x128xf32, #tpu.memory_space<hbm>>) target_semaphore(%run_scoped3A_202 : memref<!tpu.dma_semaphore, #tpu.memory_space<semaphore_mem>>)
        %dma_wait3A_210 = arith.constant 9360 : i32
        %dma_wait3A_211 = arith.constant 0 : i32
        %dma_wait3A_212 = tpu.memref_slice %arg6[%arg0, %dma_wait3A_210, %dma_wait3A_211] : memref<2x10000x128xf32, #tpu.memory_space<hbm>> -> memref<1x640x128xf32, #tpu.memory_space<hbm>>
        %dma_wait3A_213 = tpu.memref_squeeze %dma_wait3A_212 : memref<1x640x128xf32, #tpu.memory_space<hbm>> -> memref<640x128xf32, #tpu.memory_space<hbm>>
        %dma_wait3A_214 = arith.constant 9360 : i32
        %dma_wait3A_215 = arith.constant 0 : i32
        %dma_wait3A_216 = tpu.memref_slice %arg11[%dma_wait3A_214, %dma_wait3A_215] : memref<10000x128xf32, #tpu.memory_space<vmem_shared>> -> memref<640x128xf32, #tpu.memory_space<vmem_shared>>
        tpu.wait_dma2 semaphore(%run_scoped3A_202 : memref<!tpu.dma_semaphore, #tpu.memory_space<semaphore_mem>>) src(%dma_wait3A_216 : memref<640x128xf32, #tpu.memory_space<vmem_shared>>) dst(%dma_wait3A_213 : memref<640x128xf32, #tpu.memory_space<hbm>>)
        tpu.yield
      }) : () -> ()
    } else {
    }
    %ne3A = arith.constant 15 : i32
    %ne3A_198 = arith.cmpi ne, %arg1, %ne3A : i32
    %convert_element_type3A_199 = arith.extui %ne3A_198 : i1 to i32
    %cond3A_200 = arith.constant 0 : i32
    %cond3A_201 = arith.cmpi ne, %convert_element_type3A_199, %cond3A_200 : i32
    scf.if %cond3A_201 {
      %mul3A_202 = arith.constant 624 : i32
      %mul3A_203 = arith.muli %arg1, %mul3A_202 : i32
      %mul3A_204 = arith.constant 624 : i32
      %mul3A_205 = arith.muli %arg1, %mul3A_204 : i32
      "tpu.region"() ({
        %run_scoped3A_206 = tpu.sem_alloc : memref<!tpu.dma_semaphore, #tpu.memory_space<semaphore_mem>>
        %dma_start3A_207 = arith.constant 0 : i32
        %dma_start3A_208 = tpu.memref_slice %arg6[%arg0, %mul3A_205, %dma_start3A_207] : memref<2x10000x128xf32, #tpu.memory_space<hbm>> -> memref<1x624x128xf32, #tpu.memory_space<hbm>>
        %dma_start3A_209 = tpu.memref_squeeze %dma_start3A_208 : memref<1x624x128xf32, #tpu.memory_space<hbm>> -> memref<624x128xf32, #tpu.memory_space<hbm>>
        %dma_start3A_210 = arith.constant 0 : i32
        %dma_start3A_211 = tpu.memref_slice %arg11[%mul3A_203, %dma_start3A_210] : memref<10000x128xf32, #tpu.memory_space<vmem_shared>> -> memref<624x128xf32, #tpu.memory_space<vmem_shared>>
        tpu.enqueue_dma source(%dma_start3A_211 : memref<624x128xf32, #tpu.memory_space<vmem_shared>>) target(%dma_start3A_209 : memref<624x128xf32, #tpu.memory_space<hbm>>) target_semaphore(%run_scoped3A_206 : memref<!tpu.dma_semaphore, #tpu.memory_space<semaphore_mem>>)
        %dma_wait3A_212 = arith.constant 0 : i32
        %dma_wait3A_213 = tpu.memref_slice %arg6[%arg0, %mul3A_205, %dma_wait3A_212] : memref<2x10000x128xf32, #tpu.memory_space<hbm>> -> memref<1x624x128xf32, #tpu.memory_space<hbm>>
        %dma_wait3A_214 = tpu.memref_squeeze %dma_wait3A_213 : memref<1x624x128xf32, #tpu.memory_space<hbm>> -> memref<624x128xf32, #tpu.memory_space<hbm>>
        %dma_wait3A_215 = arith.constant 0 : i32
        %dma_wait3A_216 = tpu.memref_slice %arg11[%mul3A_203, %dma_wait3A_215] : memref<10000x128xf32, #tpu.memory_space<vmem_shared>> -> memref<624x128xf32, #tpu.memory_space<vmem_shared>>
        tpu.wait_dma2 semaphore(%run_scoped3A_206 : memref<!tpu.dma_semaphore, #tpu.memory_space<semaphore_mem>>) src(%dma_wait3A_216 : memref<624x128xf32, #tpu.memory_space<vmem_shared>>) dst(%dma_wait3A_214 : memref<624x128xf32, #tpu.memory_space<hbm>>)
        tpu.yield
      }) : () -> ()
    } else {
    }
    return
  }
}

#map = affine_map<(d0, d1) -> (0)>
#map1 = affine_map<(d0, d1) -> (0, 0)>
#map2 = affine_map<(d0, d1) -> (0, 0, 0)>
module attributes {stable_mosaic.version = 14 : i64} {
  func.func @sc_kernel(%arg0: i32, %arg1: i32, %arg2: memref<160000xi32, #tpu.memory_space<hbm>>, %arg3: memref<160000xi32, #tpu.memory_space<hbm>>, %arg4: memref<10000x128xf32, #tpu.memory_space<hbm>>, %arg5: memref<160000x128xf32, #tpu.memory_space<hbm>>, %arg6: memref<2x10000x128xf32, #tpu.memory_space<hbm>>, %arg7: memref<2x128xi32, #tpu.memory_space<vmem>>, %arg8: memref<2x128xi32, #tpu.memory_space<vmem>>, %arg9: memref<128x128xf32, #tpu.memory_space<vmem>>, %arg10: memref<128x128xf32, #tpu.memory_space<vmem>>, %arg11: memref<10000x128xf32, #tpu.memory_space<vmem_shared>>, %arg12: memref<!tpu.dma_semaphore, #tpu.memory_space<semaphore_mem>>, %arg13: memref<!tpu.dma_semaphore, #tpu.memory_space<semaphore_mem>>, %arg14: memref<!tpu.dma_semaphore, #tpu.memory_space<semaphore_mem>>, %arg15: memref<!tpu.dma_semaphore, #tpu.memory_space<semaphore_mem>>) attributes {dimension_semantics = [#tpu.dimension_semantics<core_parallel>, #tpu.dimension_semantics<subcore_parallel>], iteration_bounds = array<i64: 2, 16>, scalar_prefetch = 0 : i64, scratch_operands = 9 : i64, tpu.core_type = #tpu.core_type<sc_vector_subcore>, window_params = [{transform_indices = #map}, {transform_indices = #map}, {transform_indices = #map1}, {transform_indices = #map1}, {transform_indices = #map2}]} {
    %mul3A = arith.constant 16 : i32
    %mul3A_0 = arith.muli %arg0, %mul3A : i32
    %add3A = arith.addi %mul3A_0, %arg1 : i32
    %scan3A = arith.constant 0 : i32
    %scan3A_1 = arith.constant 128 : i32
    %scan3A_2 = arith.addi %scan3A, %scan3A_1 : i32
    %scan3A_3 = arith.constant 1 : i32
    scf.for %scan3A_202 = %scan3A to %scan3A_2 step %scan3A_3  : i32 {
      %mul3A_203 = arith.constant 1 : i32
      %mul3A_204 = arith.muli %scan3A_202, %mul3A_203 : i32
      %add3A_205 = arith.constant 0 : i32
      %add3A_206 = arith.addi %add3A_205, %mul3A_204 : i32
      %broadcast_in_dim3A = arith.constant 0.000000e+00 : f32
      %broadcast_in_dim3A_207 = vector.broadcast %broadcast_in_dim3A : f32 to vector<16xf32>
      %swap3A = arith.index_cast %add3A_206 : i32 to index
      %swap3A_208 = arith.constant 0 : index
      %swap3A_209 = tpu.vector_load %arg9[%swap3A, %swap3A_208] {strides = array<i32>} : memref<128x128xf32, #tpu.memory_space<vmem>>, vector<1x16xf32>,
      %swap3A_210 = vector.shape_cast %swap3A_209 : vector<1x16xf32> to vector<16xf32>
      %swap3A_211 = vector.shape_cast %broadcast_in_dim3A_207 : vector<16xf32> to vector<1x16xf32>
      tpu.vector_store %arg9[%swap3A, %swap3A_208], %swap3A_211 {strides = array<i32>} : memref<128x128xf32, #tpu.memory_space<vmem>>, vector<1x16xf32>,
      %broadcast_in_dim3A_212 = arith.constant 0.000000e+00 : f32
      %broadcast_in_dim3A_213 = vector.broadcast %broadcast_in_dim3A_212 : f32 to vector<16xf32>
      %swap3A_214 = arith.index_cast %add3A_206 : i32 to index
      %swap3A_215 = arith.constant 16 : index
      %swap3A_216 = tpu.vector_load %arg9[%swap3A_214, %swap3A_215] {strides = array<i32>} : memref<128x128xf32, #tpu.memory_space<vmem>>, vector<1x16xf32>,
      %swap3A_217 = vector.shape_cast %swap3A_216 : vector<1x16xf32> to vector<16xf32>
      %swap3A_218 = vector.shape_cast %broadcast_in_dim3A_213 : vector<16xf32> to vector<1x16xf32>
      tpu.vector_store %arg9[%swap3A_214, %swap3A_215], %swap3A_218 {strides = array<i32>} : memref<128x128xf32, #tpu.memory_space<vmem>>, vector<1x16xf32>,
      %broadcast_in_dim3A_219 = arith.constant 0.000000e+00 : f32
      %broadcast_in_dim3A_220 = vector.broadcast %broadcast_in_dim3A_219 : f32 to vector<16xf32>
      %swap3A_221 = arith.index_cast %add3A_206 : i32 to index
      %swap3A_222 = arith.constant 32 : index
      %swap3A_223 = tpu.vector_load %arg9[%swap3A_221, %swap3A_222] {strides = array<i32>} : memref<128x128xf32, #tpu.memory_space<vmem>>, vector<1x16xf32>,
      %swap3A_224 = vector.shape_cast %swap3A_223 : vector<1x16xf32> to vector<16xf32>
      %swap3A_225 = vector.shape_cast %broadcast_in_dim3A_220 : vector<16xf32> to vector<1x16xf32>
      tpu.vector_store %arg9[%swap3A_221, %swap3A_222], %swap3A_225 {strides = array<i32>} : memref<128x128xf32, #tpu.memory_space<vmem>>, vector<1x16xf32>,
      %broadcast_in_dim3A_226 = arith.constant 0.000000e+00 : f32
      %broadcast_in_dim3A_227 = vector.broadcast %broadcast_in_dim3A_226 : f32 to vector<16xf32>
      %swap3A_228 = arith.index_cast %add3A_206 : i32 to index
      %swap3A_229 = arith.constant 48 : index
      %swap3A_230 = tpu.vector_load %arg9[%swap3A_228, %swap3A_229] {strides = array<i32>} : memref<128x128xf32, #tpu.memory_space<vmem>>, vector<1x16xf32>,
      %swap3A_231 = vector.shape_cast %swap3A_230 : vector<1x16xf32> to vector<16xf32>
      %swap3A_232 = vector.shape_cast %broadcast_in_dim3A_227 : vector<16xf32> to vector<1x16xf32>
      tpu.vector_store %arg9[%swap3A_228, %swap3A_229], %swap3A_232 {strides = array<i32>} : memref<128x128xf32, #tpu.memory_space<vmem>>, vector<1x16xf32>,
      %broadcast_in_dim3A_233 = arith.constant 0.000000e+00 : f32
      %broadcast_in_dim3A_234 = vector.broadcast %broadcast_in_dim3A_233 : f32 to vector<16xf32>
      %swap3A_235 = arith.index_cast %add3A_206 : i32 to index
      %swap3A_236 = arith.constant 64 : index
      %swap3A_237 = tpu.vector_load %arg9[%swap3A_235, %swap3A_236] {strides = array<i32>} : memref<128x128xf32, #tpu.memory_space<vmem>>, vector<1x16xf32>,
      %swap3A_238 = vector.shape_cast %swap3A_237 : vector<1x16xf32> to vector<16xf32>
      %swap3A_239 = vector.shape_cast %broadcast_in_dim3A_234 : vector<16xf32> to vector<1x16xf32>
      tpu.vector_store %arg9[%swap3A_235, %swap3A_236], %swap3A_239 {strides = array<i32>} : memref<128x128xf32, #tpu.memory_space<vmem>>, vector<1x16xf32>,
      %broadcast_in_dim3A_240 = arith.constant 0.000000e+00 : f32
      %broadcast_in_dim3A_241 = vector.broadcast %broadcast_in_dim3A_240 : f32 to vector<16xf32>
      %swap3A_242 = arith.index_cast %add3A_206 : i32 to index
      %swap3A_243 = arith.constant 80 : index
      %swap3A_244 = tpu.vector_load %arg9[%swap3A_242, %swap3A_243] {strides = array<i32>} : memref<128x128xf32, #tpu.memory_space<vmem>>, vector<1x16xf32>,
      %swap3A_245 = vector.shape_cast %swap3A_244 : vector<1x16xf32> to vector<16xf32>
      %swap3A_246 = vector.shape_cast %broadcast_in_dim3A_241 : vector<16xf32> to vector<1x16xf32>
      tpu.vector_store %arg9[%swap3A_242, %swap3A_243], %swap3A_246 {strides = array<i32>} : memref<128x128xf32, #tpu.memory_space<vmem>>, vector<1x16xf32>,
      %broadcast_in_dim3A_247 = arith.constant 0.000000e+00 : f32
      %broadcast_in_dim3A_248 = vector.broadcast %broadcast_in_dim3A_247 : f32 to vector<16xf32>
      %swap3A_249 = arith.index_cast %add3A_206 : i32 to index
      %swap3A_250 = arith.constant 96 : index
      %swap3A_251 = tpu.vector_load %arg9[%swap3A_249, %swap3A_250] {strides = array<i32>} : memref<128x128xf32, #tpu.memory_space<vmem>>, vector<1x16xf32>,
      %swap3A_252 = vector.shape_cast %swap3A_251 : vector<1x16xf32> to vector<16xf32>
      %swap3A_253 = vector.shape_cast %broadcast_in_dim3A_248 : vector<16xf32> to vector<1x16xf32>
      tpu.vector_store %arg9[%swap3A_249, %swap3A_250], %swap3A_253 {strides = array<i32>} : memref<128x128xf32, #tpu.memory_space<vmem>>, vector<1x16xf32>,
      %broadcast_in_dim3A_254 = arith.constant 0.000000e+00 : f32
      %broadcast_in_dim3A_255 = vector.broadcast %broadcast_in_dim3A_254 : f32 to vector<16xf32>
      %swap3A_256 = arith.index_cast %add3A_206 : i32 to index
      %swap3A_257 = arith.constant 112 : index
      %swap3A_258 = tpu.vector_load %arg9[%swap3A_256, %swap3A_257] {strides = array<i32>} : memref<128x128xf32, #tpu.memory_space<vmem>>, vector<1x16xf32>,
      %swap3A_259 = vector.shape_cast %swap3A_258 : vector<1x16xf32> to vector<16xf32>
      %swap3A_260 = vector.shape_cast %broadcast_in_dim3A_255 : vector<16xf32> to vector<1x16xf32>
      tpu.vector_store %arg9[%swap3A_256, %swap3A_257], %swap3A_260 {strides = array<i32>} : memref<128x128xf32, #tpu.memory_space<vmem>>, vector<1x16xf32>,
    }
    %scan3A_4 = arith.constant 128 : i32
    %eq3A = arith.constant 15 : i32
    %eq3A_5 = arith.cmpi eq, %arg1, %eq3A : i32
    %jit3A = arith.constant 40 : i32
    %jit3A_6 = arith.constant 39 : i32
    %select_n3A = arith.select %eq3A_5, %jit3A, %jit3A_6 : i32
    %sub3A = arith.constant 0 : i32
    %sub3A_7 = arith.subi %select_n3A, %sub3A : i32
    %sub3A_8 = arith.constant 1 : i32
    %sub3A_9 = arith.constant 1 : i32
    %sub3A_10 = arith.subi %sub3A_8, %sub3A_9 : i32
    %add3A_11 = arith.addi %sub3A_7, %sub3A_10 : i32
    %div3A = arith.constant 1 : i32
    %div3A_12 = arith.divsi %add3A_11, %div3A : i32
    %while3A = arith.constant 1 : i32
    %while3A_13 = arith.constant 0 : i32
    %while3A_14 = arith.constant 0 : i32
    %while3A_15 = arith.subi %div3A_12, %while3A_14 : i32
    %while3A_16 = arith.addi %while3A_14, %while3A_15 : i32
    %while3A_17 = arith.constant 1 : i32
    %while3A_18 = arith.divsi %while3A_15, %while3A_17 : i32
    %while3A_19 = arith.muli %while3A_18, %while3A_17 : i32
    %while3A_20 = arith.addi %while3A_14, %while3A_19 : i32
    %while3A_21 = arith.constant 1 : i32
    scf.for %while3A_202 = %while3A_14 to %while3A_20 step %while3A_21  : i32 {
      %mul3A_203 = arith.muli %while3A_202, %while3A : i32
      %add3A_204 = arith.addi %while3A_13, %mul3A_203 : i32
      %mul3A_205 = arith.constant 624 : i32
      %mul3A_206 = arith.muli %arg1, %mul3A_205 : i32
      %mul3A_207 = arith.constant 16 : i32
      %mul3A_208 = arith.muli %add3A_204, %mul3A_207 : i32
      %add3A_209 = arith.addi %mul3A_206, %mul3A_208 : i32
      "tpu.region"() ({
        %run_scoped3A_210 = tpu.sem_alloc : memref<!tpu.dma_semaphore, #tpu.memory_space<semaphore_mem>>
        %dma_start3A_211 = arith.constant 0 : i32
        %dma_start3A_212 = arith.constant 0 : i32
        %dma_start3A_213 = tpu.memref_slice %arg9[%dma_start3A_211, %dma_start3A_212] : memref<128x128xf32, #tpu.memory_space<vmem>> -> memref<16x128xf32, #tpu.memory_space<vmem>>
        %dma_start3A_214 = arith.constant 0 : i32
        %dma_start3A_215 = tpu.memref_slice %arg11[%add3A_209, %dma_start3A_214] : memref<10000x128xf32, #tpu.memory_space<vmem_shared>> -> memref<16x128xf32, #tpu.memory_space<vmem_shared>>
        %dma_start3A_216 = arith.constant 0 : i32
        %dma_start3A_217 = tpu.memref_slice %arg11[%add3A_209, %dma_start3A_216] : memref<10000x128xf32, #tpu.memory_space<vmem_shared>> -> memref<16x128xf32, #tpu.memory_space<vmem_shared>>
        %dma_start3A_218 = arith.constant 0 : i32
        %dma_start3A_219 = arith.constant 0 : i32
        %dma_start3A_220 = tpu.memref_slice %arg9[%dma_start3A_218, %dma_start3A_219] : memref<128x128xf32, #tpu.memory_space<vmem>> -> memref<16x128xf32, #tpu.memory_space<vmem>>
        tpu.enqueue_dma source(%dma_start3A_220 : memref<16x128xf32, #tpu.memory_space<vmem>>) target(%dma_start3A_217 : memref<16x128xf32, #tpu.memory_space<vmem_shared>>) target_semaphore(%run_scoped3A_210 : memref<!tpu.dma_semaphore, #tpu.memory_space<semaphore_mem>>)
        %dma_wait3A_221 = arith.constant 0 : i32
        %dma_wait3A_222 = arith.constant 0 : i32
        %dma_wait3A_223 = tpu.memref_slice %arg9[%dma_wait3A_221, %dma_wait3A_222] : memref<128x128xf32, #tpu.memory_space<vmem>> -> memref<16x128xf32, #tpu.memory_space<vmem>>
        %dma_wait3A_224 = arith.constant 0 : i32
        %dma_wait3A_225 = tpu.memref_slice %arg11[%add3A_209, %dma_wait3A_224] : memref<10000x128xf32, #tpu.memory_space<vmem_shared>> -> memref<16x128xf32, #tpu.memory_space<vmem_shared>>
        %dma_wait3A_226 = arith.constant 0 : i32
        %dma_wait3A_227 = tpu.memref_slice %arg11[%add3A_209, %dma_wait3A_226] : memref<10000x128xf32, #tpu.memory_space<vmem_shared>> -> memref<16x128xf32, #tpu.memory_space<vmem_shared>>
        %dma_wait3A_228 = arith.constant 0 : i32
        %dma_wait3A_229 = arith.constant 0 : i32
        %dma_wait3A_230 = tpu.memref_slice %arg9[%dma_wait3A_228, %dma_wait3A_229] : memref<128x128xf32, #tpu.memory_space<vmem>> -> memref<16x128xf32, #tpu.memory_space<vmem>>
        tpu.wait_dma2 semaphore(%run_scoped3A_210 : memref<!tpu.dma_semaphore, #tpu.memory_space<semaphore_mem>>) src(%dma_wait3A_230 : memref<16x128xf32, #tpu.memory_space<vmem>>) dst(%dma_wait3A_227 : memref<16x128xf32, #tpu.memory_space<vmem_shared>>)
        tpu.yield
      }) : () -> ()
    }
    %while3A_22 = arith.constant 1 : i32
    scf.for %while3A_202 = %while3A_20 to %while3A_16 step %while3A_22  : i32 {
      %mul3A_203 = arith.muli %while3A_202, %while3A : i32
      %add3A_204 = arith.addi %while3A_13, %mul3A_203 : i32
      %mul3A_205 = arith.constant 624 : i32
      %mul3A_206 = arith.muli %arg1, %mul3A_205 : i32
      %mul3A_207 = arith.constant 16 : i32
      %mul3A_208 = arith.muli %add3A_204, %mul3A_207 : i32
      %add3A_209 = arith.addi %mul3A_206, %mul3A_208 : i32
      "tpu.region"() ({
        %run_scoped3A_210 = tpu.sem_alloc : memref<!tpu.dma_semaphore, #tpu.memory_space<semaphore_mem>>
        %dma_start3A_211 = arith.constant 0 : i32
        %dma_start3A_212 = arith.constant 0 : i32
        %dma_start3A_213 = tpu.memref_slice %arg9[%dma_start3A_211, %dma_start3A_212] : memref<128x128xf32, #tpu.memory_space<vmem>> -> memref<16x128xf32, #tpu.memory_space<vmem>>
        %dma_start3A_214 = arith.constant 0 : i32
        %dma_start3A_215 = tpu.memref_slice %arg11[%add3A_209, %dma_start3A_214] : memref<10000x128xf32, #tpu.memory_space<vmem_shared>> -> memref<16x128xf32, #tpu.memory_space<vmem_shared>>
        %dma_start3A_216 = arith.constant 0 : i32
        %dma_start3A_217 = tpu.memref_slice %arg11[%add3A_209, %dma_start3A_216] : memref<10000x128xf32, #tpu.memory_space<vmem_shared>> -> memref<16x128xf32, #tpu.memory_space<vmem_shared>>
        %dma_start3A_218 = arith.constant 0 : i32
        %dma_start3A_219 = arith.constant 0 : i32
        %dma_start3A_220 = tpu.memref_slice %arg9[%dma_start3A_218, %dma_start3A_219] : memref<128x128xf32, #tpu.memory_space<vmem>> -> memref<16x128xf32, #tpu.memory_space<vmem>>
        tpu.enqueue_dma source(%dma_start3A_220 : memref<16x128xf32, #tpu.memory_space<vmem>>) target(%dma_start3A_217 : memref<16x128xf32, #tpu.memory_space<vmem_shared>>) target_semaphore(%run_scoped3A_210 : memref<!tpu.dma_semaphore, #tpu.memory_space<semaphore_mem>>)
        %dma_wait3A_221 = arith.constant 0 : i32
        %dma_wait3A_222 = arith.constant 0 : i32
        %dma_wait3A_223 = tpu.memref_slice %arg9[%dma_wait3A_221, %dma_wait3A_222] : memref<128x128xf32, #tpu.memory_space<vmem>> -> memref<16x128xf32, #tpu.memory_space<vmem>>
        %dma_wait3A_224 = arith.constant 0 : i32
        %dma_wait3A_225 = tpu.memref_slice %arg11[%add3A_209, %dma_wait3A_224] : memref<10000x128xf32, #tpu.memory_space<vmem_shared>> -> memref<16x128xf32, #tpu.memory_space<vmem_shared>>
        %dma_wait3A_226 = arith.constant 0 : i32
        %dma_wait3A_227 = tpu.memref_slice %arg11[%add3A_209, %dma_wait3A_226] : memref<10000x128xf32, #tpu.memory_space<vmem_shared>> -> memref<16x128xf32, #tpu.memory_space<vmem_shared>>
        %dma_wait3A_228 = arith.constant 0 : i32
        %dma_wait3A_229 = arith.constant 0 : i32
        %dma_wait3A_230 = tpu.memref_slice %arg9[%dma_wait3A_228, %dma_wait3A_229] : memref<128x128xf32, #tpu.memory_space<vmem>> -> memref<16x128xf32, #tpu.memory_space<vmem>>
        tpu.wait_dma2 semaphore(%run_scoped3A_210 : memref<!tpu.dma_semaphore, #tpu.memory_space<semaphore_mem>>) src(%dma_wait3A_230 : memref<16x128xf32, #tpu.memory_space<vmem>>) dst(%dma_wait3A_227 : memref<16x128xf32, #tpu.memory_space<vmem_shared>>)
        tpu.yield
      }) : () -> ()
    }
    %barrier3A = arith.constant 0 : index
    tpu.barrier barrier_id(%barrier3A)
    %mul3A_23 = arith.constant 39 : i32
    %mul3A_24 = arith.muli %add3A, %mul3A_23 : i32
    %min3A = arith.constant 2 : i32
    %min3A_25 = arith.minsi %add3A, %min3A : i32
    %add3A_26 = arith.addi %mul3A_24, %min3A_25 : i32
    %add3A_27 = arith.constant 0 : i32
    %add3A_28 = arith.addi %add3A_26, %add3A_27 : i32
    %mul3A_29 = arith.constant 128 : i32
    %mul3A_30 = arith.muli %add3A_28, %mul3A_29 : i32
    %dma_start3A = arith.constant 0 : i32
    %dma_start3A_31 = arith.constant 0 : i32
    %dma_start3A_32 = tpu.memref_slice %arg7[%dma_start3A, %dma_start3A_31] : memref<2x128xi32, #tpu.memory_space<vmem>> -> memref<1x128xi32, #tpu.memory_space<vmem>>
    %dma_start3A_33 = tpu.memref_squeeze %dma_start3A_32 : memref<1x128xi32, #tpu.memory_space<vmem>> -> memref<128xi32, #tpu.memory_space<vmem>>
    %dma_start3A_34 = tpu.memref_slice %arg2[%mul3A_30] : memref<160000xi32, #tpu.memory_space<hbm>> -> memref<128xi32, #tpu.memory_space<hbm>>
    %dma_start3A_35 = arith.constant 0 : i32
    %dma_start3A_36 = tpu.memref_slice %arg7[%dma_start3A, %dma_start3A_35] : memref<2x128xi32, #tpu.memory_space<vmem>> -> memref<1x128xi32, #tpu.memory_space<vmem>>
    %dma_start3A_37 = tpu.memref_squeeze %dma_start3A_36 : memref<1x128xi32, #tpu.memory_space<vmem>> -> memref<128xi32, #tpu.memory_space<vmem>>
    %dma_start3A_38 = tpu.memref_slice %arg2[%mul3A_30] : memref<160000xi32, #tpu.memory_space<hbm>> -> memref<128xi32, #tpu.memory_space<hbm>>
    tpu.enqueue_dma source(%dma_start3A_38 : memref<128xi32, #tpu.memory_space<hbm>>) target(%dma_start3A_37 : memref<128xi32, #tpu.memory_space<vmem>>) target_semaphore(%arg14 : memref<!tpu.dma_semaphore, #tpu.memory_space<semaphore_mem>>)
    %dma_start3A_39 = arith.constant 0 : i32
    %dma_start3A_40 = arith.constant 0 : i32
    %dma_start3A_41 = tpu.memref_slice %arg8[%dma_start3A_39, %dma_start3A_40] : memref<2x128xi32, #tpu.memory_space<vmem>> -> memref<1x128xi32, #tpu.memory_space<vmem>>
    %dma_start3A_42 = tpu.memref_squeeze %dma_start3A_41 : memref<1x128xi32, #tpu.memory_space<vmem>> -> memref<128xi32, #tpu.memory_space<vmem>>
    %dma_start3A_43 = tpu.memref_slice %arg3[%mul3A_30] : memref<160000xi32, #tpu.memory_space<hbm>> -> memref<128xi32, #tpu.memory_space<hbm>>
    %dma_start3A_44 = arith.constant 0 : i32
    %dma_start3A_45 = tpu.memref_slice %arg8[%dma_start3A_39, %dma_start3A_44] : memref<2x128xi32, #tpu.memory_space<vmem>> -> memref<1x128xi32, #tpu.memory_space<vmem>>
    %dma_start3A_46 = tpu.memref_squeeze %dma_start3A_45 : memref<1x128xi32, #tpu.memory_space<vmem>> -> memref<128xi32, #tpu.memory_space<vmem>>
    %dma_start3A_47 = tpu.memref_slice %arg3[%mul3A_30] : memref<160000xi32, #tpu.memory_space<hbm>> -> memref<128xi32, #tpu.memory_space<hbm>>
    tpu.enqueue_dma source(%dma_start3A_47 : memref<128xi32, #tpu.memory_space<hbm>>) target(%dma_start3A_46 : memref<128xi32, #tpu.memory_space<vmem>>) target_semaphore(%arg14 : memref<!tpu.dma_semaphore, #tpu.memory_space<semaphore_mem>>)
    %add3A_48 = arith.constant 0 : i32
    %add3A_49 = arith.addi %add3A_26, %add3A_48 : i32
    %mul3A_50 = arith.constant 128 : i32
    %mul3A_51 = arith.muli %add3A_49, %mul3A_50 : i32
    %dma_wait3A = arith.constant 0 : i32
    %dma_wait3A_52 = arith.constant 0 : i32
    %dma_wait3A_53 = tpu.memref_slice %arg7[%dma_wait3A, %dma_wait3A_52] : memref<2x128xi32, #tpu.memory_space<vmem>> -> memref<1x128xi32, #tpu.memory_space<vmem>>
    %dma_wait3A_54 = tpu.memref_squeeze %dma_wait3A_53 : memref<1x128xi32, #tpu.memory_space<vmem>> -> memref<128xi32, #tpu.memory_space<vmem>>
    %dma_wait3A_55 = tpu.memref_slice %arg2[%mul3A_51] : memref<160000xi32, #tpu.memory_space<hbm>> -> memref<128xi32, #tpu.memory_space<hbm>>
    %dma_wait3A_56 = arith.constant 0 : i32
    %dma_wait3A_57 = tpu.memref_slice %arg7[%dma_wait3A, %dma_wait3A_56] : memref<2x128xi32, #tpu.memory_space<vmem>> -> memref<1x128xi32, #tpu.memory_space<vmem>>
    %dma_wait3A_58 = tpu.memref_squeeze %dma_wait3A_57 : memref<1x128xi32, #tpu.memory_space<vmem>> -> memref<128xi32, #tpu.memory_space<vmem>>
    %dma_wait3A_59 = tpu.memref_slice %arg2[%mul3A_51] : memref<160000xi32, #tpu.memory_space<hbm>> -> memref<128xi32, #tpu.memory_space<hbm>>
    tpu.wait_dma2 semaphore(%arg14 : memref<!tpu.dma_semaphore, #tpu.memory_space<semaphore_mem>>) src(%dma_wait3A_59 : memref<128xi32, #tpu.memory_space<hbm>>) dst(%dma_wait3A_58 : memref<128xi32, #tpu.memory_space<vmem>>)
    %dma_wait3A_60 = arith.constant 0 : i32
    %dma_wait3A_61 = arith.constant 0 : i32
    %dma_wait3A_62 = tpu.memref_slice %arg8[%dma_wait3A_60, %dma_wait3A_61] : memref<2x128xi32, #tpu.memory_space<vmem>> -> memref<1x128xi32, #tpu.memory_space<vmem>>
    %dma_wait3A_63 = tpu.memref_squeeze %dma_wait3A_62 : memref<1x128xi32, #tpu.memory_space<vmem>> -> memref<128xi32, #tpu.memory_space<vmem>>
    %dma_wait3A_64 = tpu.memref_slice %arg3[%mul3A_51] : memref<160000xi32, #tpu.memory_space<hbm>> -> memref<128xi32, #tpu.memory_space<hbm>>
    %dma_wait3A_65 = arith.constant 0 : i32
    %dma_wait3A_66 = tpu.memref_slice %arg8[%dma_wait3A_60, %dma_wait3A_65] : memref<2x128xi32, #tpu.memory_space<vmem>> -> memref<1x128xi32, #tpu.memory_space<vmem>>
    %dma_wait3A_67 = tpu.memref_squeeze %dma_wait3A_66 : memref<1x128xi32, #tpu.memory_space<vmem>> -> memref<128xi32, #tpu.memory_space<vmem>>
    %dma_wait3A_68 = tpu.memref_slice %arg3[%mul3A_51] : memref<160000xi32, #tpu.memory_space<hbm>> -> memref<128xi32, #tpu.memory_space<hbm>>
    tpu.wait_dma2 semaphore(%arg14 : memref<!tpu.dma_semaphore, #tpu.memory_space<semaphore_mem>>) src(%dma_wait3A_68 : memref<128xi32, #tpu.memory_space<hbm>>) dst(%dma_wait3A_67 : memref<128xi32, #tpu.memory_space<vmem>>)
    %dma_start3A_69 = arith.constant 0 : i32
    %dma_start3A_70 = arith.constant 0 : i32
    %dma_start3A_71 = tpu.memref_slice %arg7[%dma_start3A_69, %dma_start3A_70] : memref<2x128xi32, #tpu.memory_space<vmem>> -> memref<1x128xi32, #tpu.memory_space<vmem>>
    %dma_start3A_72 = tpu.memref_squeeze %dma_start3A_71 : memref<1x128xi32, #tpu.memory_space<vmem>> -> memref<128xi32, #tpu.memory_space<vmem>>
    %dma_start3A_73 = arith.constant 0 : i32
    %dma_start3A_74 = arith.constant 0 : i32
    %dma_start3A_75 = tpu.memref_slice %arg4[%dma_start3A_73, %dma_start3A_74] : memref<10000x128xf32, #tpu.memory_space<hbm>> -> memref<10000x128xf32, #tpu.memory_space<hbm>>
    tpu.enqueue_indirect_dma source(%dma_start3A_75 : memref<10000x128xf32, #tpu.memory_space<hbm>>) target(%arg9 : memref<128x128xf32, #tpu.memory_space<vmem>>) offsets(%dma_start3A_72 : memref<128xi32, #tpu.memory_space<vmem>>) semaphore(%arg12 : memref<!tpu.dma_semaphore, #tpu.memory_space<semaphore_mem>>)
    %add3A_76 = arith.constant 1 : i32
    %add3A_77 = arith.addi %add3A_26, %add3A_76 : i32
    %mul3A_78 = arith.constant 128 : i32
    %mul3A_79 = arith.muli %add3A_77, %mul3A_78 : i32
    %dma_start3A_80 = arith.constant 1 : i32
    %dma_start3A_81 = arith.constant 0 : i32
    %dma_start3A_82 = tpu.memref_slice %arg7[%dma_start3A_80, %dma_start3A_81] : memref<2x128xi32, #tpu.memory_space<vmem>> -> memref<1x128xi32, #tpu.memory_space<vmem>>
    %dma_start3A_83 = tpu.memref_squeeze %dma_start3A_82 : memref<1x128xi32, #tpu.memory_space<vmem>> -> memref<128xi32, #tpu.memory_space<vmem>>
    %dma_start3A_84 = tpu.memref_slice %arg2[%mul3A_79] : memref<160000xi32, #tpu.memory_space<hbm>> -> memref<128xi32, #tpu.memory_space<hbm>>
    %dma_start3A_85 = arith.constant 0 : i32
    %dma_start3A_86 = tpu.memref_slice %arg7[%dma_start3A_80, %dma_start3A_85] : memref<2x128xi32, #tpu.memory_space<vmem>> -> memref<1x128xi32, #tpu.memory_space<vmem>>
    %dma_start3A_87 = tpu.memref_squeeze %dma_start3A_86 : memref<1x128xi32, #tpu.memory_space<vmem>> -> memref<128xi32, #tpu.memory_space<vmem>>
    %dma_start3A_88 = tpu.memref_slice %arg2[%mul3A_79] : memref<160000xi32, #tpu.memory_space<hbm>> -> memref<128xi32, #tpu.memory_space<hbm>>
    tpu.enqueue_dma source(%dma_start3A_88 : memref<128xi32, #tpu.memory_space<hbm>>) target(%dma_start3A_87 : memref<128xi32, #tpu.memory_space<vmem>>) target_semaphore(%arg15 : memref<!tpu.dma_semaphore, #tpu.memory_space<semaphore_mem>>)
    %dma_start3A_89 = arith.constant 1 : i32
    %dma_start3A_90 = arith.constant 0 : i32
    %dma_start3A_91 = tpu.memref_slice %arg8[%dma_start3A_89, %dma_start3A_90] : memref<2x128xi32, #tpu.memory_space<vmem>> -> memref<1x128xi32, #tpu.memory_space<vmem>>
    %dma_start3A_92 = tpu.memref_squeeze %dma_start3A_91 : memref<1x128xi32, #tpu.memory_space<vmem>> -> memref<128xi32, #tpu.memory_space<vmem>>
    %dma_start3A_93 = tpu.memref_slice %arg3[%mul3A_79] : memref<160000xi32, #tpu.memory_space<hbm>> -> memref<128xi32, #tpu.memory_space<hbm>>
    %dma_start3A_94 = arith.constant 0 : i32
    %dma_start3A_95 = tpu.memref_slice %arg8[%dma_start3A_89, %dma_start3A_94] : memref<2x128xi32, #tpu.memory_space<vmem>> -> memref<1x128xi32, #tpu.memory_space<vmem>>
    %dma_start3A_96 = tpu.memref_squeeze %dma_start3A_95 : memref<1x128xi32, #tpu.memory_space<vmem>> -> memref<128xi32, #tpu.memory_space<vmem>>
    %dma_start3A_97 = tpu.memref_slice %arg3[%mul3A_79] : memref<160000xi32, #tpu.memory_space<hbm>> -> memref<128xi32, #tpu.memory_space<hbm>>
    tpu.enqueue_dma source(%dma_start3A_97 : memref<128xi32, #tpu.memory_space<hbm>>) target(%dma_start3A_96 : memref<128xi32, #tpu.memory_space<vmem>>) target_semaphore(%arg15 : memref<!tpu.dma_semaphore, #tpu.memory_space<semaphore_mem>>)
    %add3A_98 = arith.constant 0 : i32
    %add3A_99 = arith.addi %add3A_26, %add3A_98 : i32
    %mul3A_100 = arith.constant 128 : i32
    %mul3A_101 = arith.muli %add3A_99, %mul3A_100 : i32
    %dma_start3A_102 = arith.constant 0 : i32
    %dma_start3A_103 = tpu.memref_slice %arg5[%mul3A_101, %dma_start3A_102] : memref<160000x128xf32, #tpu.memory_space<hbm>> -> memref<128x128xf32, #tpu.memory_space<hbm>>
    %dma_start3A_104 = arith.constant 0 : i32
    %dma_start3A_105 = tpu.memref_slice %arg5[%mul3A_101, %dma_start3A_104] : memref<160000x128xf32, #tpu.memory_space<hbm>> -> memref<128x128xf32, #tpu.memory_space<hbm>>
    tpu.enqueue_dma source(%dma_start3A_105 : memref<128x128xf32, #tpu.memory_space<hbm>>) target(%arg10 : memref<128x128xf32, #tpu.memory_space<vmem>>) target_semaphore(%arg13 : memref<!tpu.dma_semaphore, #tpu.memory_space<semaphore_mem>>)
    %scan3A_106 = arith.constant 0 : i32
    %scan3A_107 = arith.constant 19 : i32
    %scan3A_108 = arith.addi %scan3A_106, %scan3A_107 : i32
    %scan3A_109 = arith.constant 1 : i32
    scf.for %scan3A_202 = %scan3A_106 to %scan3A_108 step %scan3A_109  : i32 {
      %mul3A_203 = arith.constant 1 : i32
      %mul3A_204 = arith.muli %scan3A_202, %mul3A_203 : i32
      %add3A_205 = arith.constant 0 : i32
      %add3A_206 = arith.addi %add3A_205, %mul3A_204 : i32
      %mul3A_207 = arith.constant 2 : i32
      %mul3A_208 = arith.muli %mul3A_207, %add3A_206 : i32
      %add3A_209 = arith.constant 0 : i32
      %add3A_210 = arith.addi %mul3A_208, %add3A_209 : i32
      %dma_wait3A_211 = arith.constant 0 : i32
      %dma_wait3A_212 = arith.constant 0 : i32
      %dma_wait3A_213 = tpu.memref_slice %arg7[%dma_wait3A_211, %dma_wait3A_212] : memref<2x128xi32, #tpu.memory_space<vmem>> -> memref<1x128xi32, #tpu.memory_space<vmem>>
      %dma_wait3A_214 = tpu.memref_squeeze %dma_wait3A_213 : memref<1x128xi32, #tpu.memory_space<vmem>> -> memref<128xi32, #tpu.memory_space<vmem>>
      %dma_wait3A_215 = arith.constant 0 : i32
      %dma_wait3A_216 = arith.constant 0 : i32
      %dma_wait3A_217 = tpu.memref_slice %arg4[%dma_wait3A_215, %dma_wait3A_216] : memref<10000x128xf32, #tpu.memory_space<hbm>> -> memref<10000x128xf32, #tpu.memory_space<hbm>>
      tpu.wait_indirect_dma semaphore(%arg12 : memref<!tpu.dma_semaphore, #tpu.memory_space<semaphore_mem>>) src(%dma_wait3A_217 : memref<10000x128xf32, #tpu.memory_space<hbm>>) dst(%arg9 : memref<128x128xf32, #tpu.memory_space<vmem>>)
      %add3A_218 = arith.addi %add3A_26, %add3A_210 : i32
      %mul3A_219 = arith.constant 128 : i32
      %mul3A_220 = arith.muli %add3A_218, %mul3A_219 : i32
      %dma_wait3A_221 = arith.constant 0 : i32
      %dma_wait3A_222 = tpu.memref_slice %arg5[%mul3A_220, %dma_wait3A_221] : memref<160000x128xf32, #tpu.memory_space<hbm>> -> memref<128x128xf32, #tpu.memory_space<hbm>>
      %dma_wait3A_223 = arith.constant 0 : i32
      %dma_wait3A_224 = tpu.memref_slice %arg5[%mul3A_220, %dma_wait3A_223] : memref<160000x128xf32, #tpu.memory_space<hbm>> -> memref<128x128xf32, #tpu.memory_space<hbm>>
      tpu.wait_dma2 semaphore(%arg13 : memref<!tpu.dma_semaphore, #tpu.memory_space<semaphore_mem>>) src(%dma_wait3A_224 : memref<128x128xf32, #tpu.memory_space<hbm>>) dst(%arg10 : memref<128x128xf32, #tpu.memory_space<vmem>>)
      %scan3A_225 = arith.constant 0 : i32
      %scan3A_226 = arith.constant 128 : i32
      %scan3A_227 = arith.addi %scan3A_225, %scan3A_226 : i32
      %scan3A_228 = arith.constant 1 : i32
      scf.for %scan3A_314 = %scan3A_225 to %scan3A_227 step %scan3A_228  : i32 {
        %mul3A_315 = arith.constant 1 : i32
        %mul3A_316 = arith.muli %scan3A_314, %mul3A_315 : i32
        %add3A_317 = arith.constant 0 : i32
        %add3A_318 = arith.addi %add3A_317, %mul3A_316 : i32
        %get3A = arith.index_cast %add3A_318 : i32 to index
        %get3A_319 = arith.constant 0 : index
        %get3A_320 = tpu.vector_load %arg10[%get3A, %get3A_319] {strides = array<i32>} : memref<128x128xf32, #tpu.memory_space<vmem>>, vector<1x16xf32>,
        %get3A_321 = vector.shape_cast %get3A_320 : vector<1x16xf32> to vector<16xf32>
        %get3A_322 = arith.index_cast %add3A_318 : i32 to index
        %get3A_323 = arith.constant 0 : index
        %get3A_324 = tpu.vector_load %arg9[%get3A_322, %get3A_323] {strides = array<i32>} : memref<128x128xf32, #tpu.memory_space<vmem>>, vector<1x16xf32>,
        %get3A_325 = vector.shape_cast %get3A_324 : vector<1x16xf32> to vector<16xf32>
        %mul3A_326 = arith.mulf %get3A_321, %get3A_325 : vector<16xf32>
        %swap3A = arith.index_cast %add3A_318 : i32 to index
        %swap3A_327 = arith.constant 0 : index
        %swap3A_328 = tpu.vector_load %arg10[%swap3A, %swap3A_327] {strides = array<i32>} : memref<128x128xf32, #tpu.memory_space<vmem>>, vector<1x16xf32>,
        %swap3A_329 = vector.shape_cast %swap3A_328 : vector<1x16xf32> to vector<16xf32>
        %swap3A_330 = vector.shape_cast %mul3A_326 : vector<16xf32> to vector<1x16xf32>
        tpu.vector_store %arg10[%swap3A, %swap3A_327], %swap3A_330 {strides = array<i32>} : memref<128x128xf32, #tpu.memory_space<vmem>>, vector<1x16xf32>,
        %get3A_331 = arith.index_cast %add3A_318 : i32 to index
        %get3A_332 = arith.constant 16 : index
        %get3A_333 = tpu.vector_load %arg10[%get3A_331, %get3A_332] {strides = array<i32>} : memref<128x128xf32, #tpu.memory_space<vmem>>, vector<1x16xf32>,
        %get3A_334 = vector.shape_cast %get3A_333 : vector<1x16xf32> to vector<16xf32>
        %get3A_335 = arith.index_cast %add3A_318 : i32 to index
        %get3A_336 = arith.constant 16 : index
        %get3A_337 = tpu.vector_load %arg9[%get3A_335, %get3A_336] {strides = array<i32>} : memref<128x128xf32, #tpu.memory_space<vmem>>, vector<1x16xf32>,
        %get3A_338 = vector.shape_cast %get3A_337 : vector<1x16xf32> to vector<16xf32>
        %mul3A_339 = arith.mulf %get3A_334, %get3A_338 : vector<16xf32>
        %swap3A_340 = arith.index_cast %add3A_318 : i32 to index
        %swap3A_341 = arith.constant 16 : index
        %swap3A_342 = tpu.vector_load %arg10[%swap3A_340, %swap3A_341] {strides = array<i32>} : memref<128x128xf32, #tpu.memory_space<vmem>>, vector<1x16xf32>,
        %swap3A_343 = vector.shape_cast %swap3A_342 : vector<1x16xf32> to vector<16xf32>
        %swap3A_344 = vector.shape_cast %mul3A_339 : vector<16xf32> to vector<1x16xf32>
        tpu.vector_store %arg10[%swap3A_340, %swap3A_341], %swap3A_344 {strides = array<i32>} : memref<128x128xf32, #tpu.memory_space<vmem>>, vector<1x16xf32>,
        %get3A_345 = arith.index_cast %add3A_318 : i32 to index
        %get3A_346 = arith.constant 32 : index
        %get3A_347 = tpu.vector_load %arg10[%get3A_345, %get3A_346] {strides = array<i32>} : memref<128x128xf32, #tpu.memory_space<vmem>>, vector<1x16xf32>,
        %get3A_348 = vector.shape_cast %get3A_347 : vector<1x16xf32> to vector<16xf32>
        %get3A_349 = arith.index_cast %add3A_318 : i32 to index
        %get3A_350 = arith.constant 32 : index
        %get3A_351 = tpu.vector_load %arg9[%get3A_349, %get3A_350] {strides = array<i32>} : memref<128x128xf32, #tpu.memory_space<vmem>>, vector<1x16xf32>,
        %get3A_352 = vector.shape_cast %get3A_351 : vector<1x16xf32> to vector<16xf32>
        %mul3A_353 = arith.mulf %get3A_348, %get3A_352 : vector<16xf32>
        %swap3A_354 = arith.index_cast %add3A_318 : i32 to index
        %swap3A_355 = arith.constant 32 : index
        %swap3A_356 = tpu.vector_load %arg10[%swap3A_354, %swap3A_355] {strides = array<i32>} : memref<128x128xf32, #tpu.memory_space<vmem>>, vector<1x16xf32>,
        %swap3A_357 = vector.shape_cast %swap3A_356 : vector<1x16xf32> to vector<16xf32>
        %swap3A_358 = vector.shape_cast %mul3A_353 : vector<16xf32> to vector<1x16xf32>
        tpu.vector_store %arg10[%swap3A_354, %swap3A_355], %swap3A_358 {strides = array<i32>} : memref<128x128xf32, #tpu.memory_space<vmem>>, vector<1x16xf32>,
        %get3A_359 = arith.index_cast %add3A_318 : i32 to index
        %get3A_360 = arith.constant 48 : index
        %get3A_361 = tpu.vector_load %arg10[%get3A_359, %get3A_360] {strides = array<i32>} : memref<128x128xf32, #tpu.memory_space<vmem>>, vector<1x16xf32>,
        %get3A_362 = vector.shape_cast %get3A_361 : vector<1x16xf32> to vector<16xf32>
        %get3A_363 = arith.index_cast %add3A_318 : i32 to index
        %get3A_364 = arith.constant 48 : index
        %get3A_365 = tpu.vector_load %arg9[%get3A_363, %get3A_364] {strides = array<i32>} : memref<128x128xf32, #tpu.memory_space<vmem>>, vector<1x16xf32>,
        %get3A_366 = vector.shape_cast %get3A_365 : vector<1x16xf32> to vector<16xf32>
        %mul3A_367 = arith.mulf %get3A_362, %get3A_366 : vector<16xf32>
        %swap3A_368 = arith.index_cast %add3A_318 : i32 to index
        %swap3A_369 = arith.constant 48 : index
        %swap3A_370 = tpu.vector_load %arg10[%swap3A_368, %swap3A_369] {strides = array<i32>} : memref<128x128xf32, #tpu.memory_space<vmem>>, vector<1x16xf32>,
        %swap3A_371 = vector.shape_cast %swap3A_370 : vector<1x16xf32> to vector<16xf32>
        %swap3A_372 = vector.shape_cast %mul3A_367 : vector<16xf32> to vector<1x16xf32>
        tpu.vector_store %arg10[%swap3A_368, %swap3A_369], %swap3A_372 {strides = array<i32>} : memref<128x128xf32, #tpu.memory_space<vmem>>, vector<1x16xf32>,
        %get3A_373 = arith.index_cast %add3A_318 : i32 to index
        %get3A_374 = arith.constant 64 : index
        %get3A_375 = tpu.vector_load %arg10[%get3A_373, %get3A_374] {strides = array<i32>} : memref<128x128xf32, #tpu.memory_space<vmem>>, vector<1x16xf32>,
        %get3A_376 = vector.shape_cast %get3A_375 : vector<1x16xf32> to vector<16xf32>
        %get3A_377 = arith.index_cast %add3A_318 : i32 to index
        %get3A_378 = arith.constant 64 : index
        %get3A_379 = tpu.vector_load %arg9[%get3A_377, %get3A_378] {strides = array<i32>} : memref<128x128xf32, #tpu.memory_space<vmem>>, vector<1x16xf32>,
        %get3A_380 = vector.shape_cast %get3A_379 : vector<1x16xf32> to vector<16xf32>
        %mul3A_381 = arith.mulf %get3A_376, %get3A_380 : vector<16xf32>
        %swap3A_382 = arith.index_cast %add3A_318 : i32 to index
        %swap3A_383 = arith.constant 64 : index
        %swap3A_384 = tpu.vector_load %arg10[%swap3A_382, %swap3A_383] {strides = array<i32>} : memref<128x128xf32, #tpu.memory_space<vmem>>, vector<1x16xf32>,
        %swap3A_385 = vector.shape_cast %swap3A_384 : vector<1x16xf32> to vector<16xf32>
        %swap3A_386 = vector.shape_cast %mul3A_381 : vector<16xf32> to vector<1x16xf32>
        tpu.vector_store %arg10[%swap3A_382, %swap3A_383], %swap3A_386 {strides = array<i32>} : memref<128x128xf32, #tpu.memory_space<vmem>>, vector<1x16xf32>,
        %get3A_387 = arith.index_cast %add3A_318 : i32 to index
        %get3A_388 = arith.constant 80 : index
        %get3A_389 = tpu.vector_load %arg10[%get3A_387, %get3A_388] {strides = array<i32>} : memref<128x128xf32, #tpu.memory_space<vmem>>, vector<1x16xf32>,
        %get3A_390 = vector.shape_cast %get3A_389 : vector<1x16xf32> to vector<16xf32>
        %get3A_391 = arith.index_cast %add3A_318 : i32 to index
        %get3A_392 = arith.constant 80 : index
        %get3A_393 = tpu.vector_load %arg9[%get3A_391, %get3A_392] {strides = array<i32>} : memref<128x128xf32, #tpu.memory_space<vmem>>, vector<1x16xf32>,
        %get3A_394 = vector.shape_cast %get3A_393 : vector<1x16xf32> to vector<16xf32>
        %mul3A_395 = arith.mulf %get3A_390, %get3A_394 : vector<16xf32>
        %swap3A_396 = arith.index_cast %add3A_318 : i32 to index
        %swap3A_397 = arith.constant 80 : index
        %swap3A_398 = tpu.vector_load %arg10[%swap3A_396, %swap3A_397] {strides = array<i32>} : memref<128x128xf32, #tpu.memory_space<vmem>>, vector<1x16xf32>,
        %swap3A_399 = vector.shape_cast %swap3A_398 : vector<1x16xf32> to vector<16xf32>
        %swap3A_400 = vector.shape_cast %mul3A_395 : vector<16xf32> to vector<1x16xf32>
        tpu.vector_store %arg10[%swap3A_396, %swap3A_397], %swap3A_400 {strides = array<i32>} : memref<128x128xf32, #tpu.memory_space<vmem>>, vector<1x16xf32>,
        %get3A_401 = arith.index_cast %add3A_318 : i32 to index
        %get3A_402 = arith.constant 96 : index
        %get3A_403 = tpu.vector_load %arg10[%get3A_401, %get3A_402] {strides = array<i32>} : memref<128x128xf32, #tpu.memory_space<vmem>>, vector<1x16xf32>,
        %get3A_404 = vector.shape_cast %get3A_403 : vector<1x16xf32> to vector<16xf32>
        %get3A_405 = arith.index_cast %add3A_318 : i32 to index
        %get3A_406 = arith.constant 96 : index
        %get3A_407 = tpu.vector_load %arg9[%get3A_405, %get3A_406] {strides = array<i32>} : memref<128x128xf32, #tpu.memory_space<vmem>>, vector<1x16xf32>,
        %get3A_408 = vector.shape_cast %get3A_407 : vector<1x16xf32> to vector<16xf32>
        %mul3A_409 = arith.mulf %get3A_404, %get3A_408 : vector<16xf32>
        %swap3A_410 = arith.index_cast %add3A_318 : i32 to index
        %swap3A_411 = arith.constant 96 : index
        %swap3A_412 = tpu.vector_load %arg10[%swap3A_410, %swap3A_411] {strides = array<i32>} : memref<128x128xf32, #tpu.memory_space<vmem>>, vector<1x16xf32>,
        %swap3A_413 = vector.shape_cast %swap3A_412 : vector<1x16xf32> to vector<16xf32>
        %swap3A_414 = vector.shape_cast %mul3A_409 : vector<16xf32> to vector<1x16xf32>
        tpu.vector_store %arg10[%swap3A_410, %swap3A_411], %swap3A_414 {strides = array<i32>} : memref<128x128xf32, #tpu.memory_space<vmem>>, vector<1x16xf32>,
        %get3A_415 = arith.index_cast %add3A_318 : i32 to index
        %get3A_416 = arith.constant 112 : index
        %get3A_417 = tpu.vector_load %arg10[%get3A_415, %get3A_416] {strides = array<i32>} : memref<128x128xf32, #tpu.memory_space<vmem>>, vector<1x16xf32>,
        %get3A_418 = vector.shape_cast %get3A_417 : vector<1x16xf32> to vector<16xf32>
        %get3A_419 = arith.index_cast %add3A_318 : i32 to index
        %get3A_420 = arith.constant 112 : index
        %get3A_421 = tpu.vector_load %arg9[%get3A_419, %get3A_420] {strides = array<i32>} : memref<128x128xf32, #tpu.memory_space<vmem>>, vector<1x16xf32>,
        %get3A_422 = vector.shape_cast %get3A_421 : vector<1x16xf32> to vector<16xf32>
        %mul3A_423 = arith.mulf %get3A_418, %get3A_422 : vector<16xf32>
        %swap3A_424 = arith.index_cast %add3A_318 : i32 to index
        %swap3A_425 = arith.constant 112 : index
        %swap3A_426 = tpu.vector_load %arg10[%swap3A_424, %swap3A_425] {strides = array<i32>} : memref<128x128xf32, #tpu.memory_space<vmem>>, vector<1x16xf32>,
        %swap3A_427 = vector.shape_cast %swap3A_426 : vector<1x16xf32> to vector<16xf32>
        %swap3A_428 = vector.shape_cast %mul3A_423 : vector<16xf32> to vector<1x16xf32>
        tpu.vector_store %arg10[%swap3A_424, %swap3A_425], %swap3A_428 {strides = array<i32>} : memref<128x128xf32, #tpu.memory_space<vmem>>, vector<1x16xf32>,
      }
      %scan3A_229 = arith.constant 128 : i32
      %add3A_230 = arith.constant 1 : i32
      %add3A_231 = arith.addi %add3A_210, %add3A_230 : i32
      %add3A_232 = arith.addi %add3A_26, %add3A_231 : i32
      %mul3A_233 = arith.constant 128 : i32
      %mul3A_234 = arith.muli %add3A_232, %mul3A_233 : i32
      %dma_wait3A_235 = arith.constant 1 : i32
      %dma_wait3A_236 = arith.constant 0 : i32
      %dma_wait3A_237 = tpu.memref_slice %arg7[%dma_wait3A_235, %dma_wait3A_236] : memref<2x128xi32, #tpu.memory_space<vmem>> -> memref<1x128xi32, #tpu.memory_space<vmem>>
      %dma_wait3A_238 = tpu.memref_squeeze %dma_wait3A_237 : memref<1x128xi32, #tpu.memory_space<vmem>> -> memref<128xi32, #tpu.memory_space<vmem>>
      %dma_wait3A_239 = tpu.memref_slice %arg2[%mul3A_234] : memref<160000xi32, #tpu.memory_space<hbm>> -> memref<128xi32, #tpu.memory_space<hbm>>
      %dma_wait3A_240 = arith.constant 0 : i32
      %dma_wait3A_241 = tpu.memref_slice %arg7[%dma_wait3A_235, %dma_wait3A_240] : memref<2x128xi32, #tpu.memory_space<vmem>> -> memref<1x128xi32, #tpu.memory_space<vmem>>
      %dma_wait3A_242 = tpu.memref_squeeze %dma_wait3A_241 : memref<1x128xi32, #tpu.memory_space<vmem>> -> memref<128xi32, #tpu.memory_space<vmem>>
      %dma_wait3A_243 = tpu.memref_slice %arg2[%mul3A_234] : memref<160000xi32, #tpu.memory_space<hbm>> -> memref<128xi32, #tpu.memory_space<hbm>>
      tpu.wait_dma2 semaphore(%arg15 : memref<!tpu.dma_semaphore, #tpu.memory_space<semaphore_mem>>) src(%dma_wait3A_243 : memref<128xi32, #tpu.memory_space<hbm>>) dst(%dma_wait3A_242 : memref<128xi32, #tpu.memory_space<vmem>>)
      %dma_wait3A_244 = arith.constant 1 : i32
      %dma_wait3A_245 = arith.constant 0 : i32
      %dma_wait3A_246 = tpu.memref_slice %arg8[%dma_wait3A_244, %dma_wait3A_245] : memref<2x128xi32, #tpu.memory_space<vmem>> -> memref<1x128xi32, #tpu.memory_space<vmem>>
      %dma_wait3A_247 = tpu.memref_squeeze %dma_wait3A_246 : memref<1x128xi32, #tpu.memory_space<vmem>> -> memref<128xi32, #tpu.memory_space<vmem>>
      %dma_wait3A_248 = tpu.memref_slice %arg3[%mul3A_234] : memref<160000xi32, #tpu.memory_space<hbm>> -> memref<128xi32, #tpu.memory_space<hbm>>
      %dma_wait3A_249 = arith.constant 0 : i32
      %dma_wait3A_250 = tpu.memref_slice %arg8[%dma_wait3A_244, %dma_wait3A_249] : memref<2x128xi32, #tpu.memory_space<vmem>> -> memref<1x128xi32, #tpu.memory_space<vmem>>
      %dma_wait3A_251 = tpu.memref_squeeze %dma_wait3A_250 : memref<1x128xi32, #tpu.memory_space<vmem>> -> memref<128xi32, #tpu.memory_space<vmem>>
      %dma_wait3A_252 = tpu.memref_slice %arg3[%mul3A_234] : memref<160000xi32, #tpu.memory_space<hbm>> -> memref<128xi32, #tpu.memory_space<hbm>>
      tpu.wait_dma2 semaphore(%arg15 : memref<!tpu.dma_semaphore, #tpu.memory_space<semaphore_mem>>) src(%dma_wait3A_252 : memref<128xi32, #tpu.memory_space<hbm>>) dst(%dma_wait3A_251 : memref<128xi32, #tpu.memory_space<vmem>>)
      %dma_start3A_253 = arith.constant 1 : i32
      %dma_start3A_254 = arith.constant 0 : i32
      %dma_start3A_255 = tpu.memref_slice %arg7[%dma_start3A_253, %dma_start3A_254] : memref<2x128xi32, #tpu.memory_space<vmem>> -> memref<1x128xi32, #tpu.memory_space<vmem>>
      %dma_start3A_256 = tpu.memref_squeeze %dma_start3A_255 : memref<1x128xi32, #tpu.memory_space<vmem>> -> memref<128xi32, #tpu.memory_space<vmem>>
      %dma_start3A_257 = arith.constant 0 : i32
      %dma_start3A_258 = arith.constant 0 : i32
      %dma_start3A_259 = tpu.memref_slice %arg4[%dma_start3A_257, %dma_start3A_258] : memref<10000x128xf32, #tpu.memory_space<hbm>> -> memref<10000x128xf32, #tpu.memory_space<hbm>>
      tpu.enqueue_indirect_dma source(%dma_start3A_259 : memref<10000x128xf32, #tpu.memory_space<hbm>>) target(%arg9 : memref<128x128xf32, #tpu.memory_space<vmem>>) offsets(%dma_start3A_256 : memref<128xi32, #tpu.memory_space<vmem>>) semaphore(%arg12 : memref<!tpu.dma_semaphore, #tpu.memory_space<semaphore_mem>>)
      %run_scoped3A_260 = arith.constant 0 : i32
      "tpu.region"() ({
        %run_scoped3A_314 = tpu.sem_alloc : memref<!tpu.dma_semaphore, #tpu.memory_space<semaphore_mem>>
        %dma_start3A_315 = arith.constant 0 : i32
        %dma_start3A_316 = tpu.memref_slice %arg8[%run_scoped3A_260, %dma_start3A_315] : memref<2x128xi32, #tpu.memory_space<vmem>> -> memref<1x128xi32, #tpu.memory_space<vmem>>
        %dma_start3A_317 = tpu.memref_squeeze %dma_start3A_316 : memref<1x128xi32, #tpu.memory_space<vmem>> -> memref<128xi32, #tpu.memory_space<vmem>>
        %dma_start3A_318 = arith.constant 0 : i32
        %dma_start3A_319 = arith.constant 0 : i32
        %dma_start3A_320 = tpu.memref_slice %arg11[%dma_start3A_318, %dma_start3A_319] : memref<10000x128xf32, #tpu.memory_space<vmem_shared>> -> memref<10000x128xf32, #tpu.memory_space<vmem_shared>>
        tpu.enqueue_indirect_dma source(%arg10 : memref<128x128xf32, #tpu.memory_space<vmem>>) target(%dma_start3A_320 : memref<10000x128xf32, #tpu.memory_space<vmem_shared>>) offsets(%dma_start3A_317 : memref<128xi32, #tpu.memory_space<vmem>>) semaphore(%run_scoped3A_314 : memref<!tpu.dma_semaphore, #tpu.memory_space<semaphore_mem>>) {add = true}
        %dma_wait3A_321 = arith.constant 0 : i32
        %dma_wait3A_322 = tpu.memref_slice %arg8[%run_scoped3A_260, %dma_wait3A_321] : memref<2x128xi32, #tpu.memory_space<vmem>> -> memref<1x128xi32, #tpu.memory_space<vmem>>
        %dma_wait3A_323 = tpu.memref_squeeze %dma_wait3A_322 : memref<1x128xi32, #tpu.memory_space<vmem>> -> memref<128xi32, #tpu.memory_space<vmem>>
        %dma_wait3A_324 = arith.constant 0 : i32
        %dma_wait3A_325 = arith.constant 0 : i32
        %dma_wait3A_326 = tpu.memref_slice %arg11[%dma_wait3A_324, %dma_wait3A_325] : memref<10000x128xf32, #tpu.memory_space<vmem_shared>> -> memref<10000x128xf32, #tpu.memory_space<vmem_shared>>
        tpu.wait_indirect_dma semaphore(%run_scoped3A_314 : memref<!tpu.dma_semaphore, #tpu.memory_space<semaphore_mem>>) src(%arg10 : memref<128x128xf32, #tpu.memory_space<vmem>>) dst(%dma_wait3A_326 : memref<10000x128xf32, #tpu.memory_space<vmem_shared>>)
        tpu.yield
      }) : () -> ()
      %add3A_261 = arith.constant 1 : i32
      %add3A_262 = arith.addi %add3A_210, %add3A_261 : i32
      %add3A_263 = arith.addi %add3A_26, %add3A_262 : i32
      %mul3A_264 = arith.constant 128 : i32
      %mul3A_265 = arith.muli %add3A_263, %mul3A_264 : i32
      %dma_start3A_266 = arith.constant 0 : i32
      %dma_start3A_267 = tpu.memref_slice %arg5[%mul3A_265, %dma_start3A_266] : memref<160000x128xf32, #tpu.memory_space<hbm>> -> memref<128x128xf32, #tpu.memory_space<hbm>>
      %dma_start3A_268 = arith.constant 0 : i32
      %dma_start3A_269 = tpu.memref_slice %arg5[%mul3A_265, %dma_start3A_268] : memref<160000x128xf32, #tpu.memory_space<hbm>> -> memref<128x128xf32, #tpu.memory_space<hbm>>
      tpu.enqueue_dma source(%dma_start3A_269 : memref<128x128xf32, #tpu.memory_space<hbm>>) target(%arg10 : memref<128x128xf32, #tpu.memory_space<vmem>>) target_semaphore(%arg13 : memref<!tpu.dma_semaphore, #tpu.memory_space<semaphore_mem>>)
      %lt3A_270 = arith.constant 18 : i32
      %lt3A_271 = arith.cmpi slt, %add3A_206, %lt3A_270 : i32
      %convert_element_type3A_272 = arith.extui %lt3A_271 : i1 to i32
      %cond3A_273 = arith.constant 0 : i32
      %cond3A_274 = arith.cmpi ne, %convert_element_type3A_272, %cond3A_273 : i32
      scf.if %cond3A_274 {
        %add3A_314 = arith.constant 2 : i32
        %add3A_315 = arith.addi %add3A_210, %add3A_314 : i32
        %add3A_316 = arith.addi %add3A_26, %add3A_315 : i32
        %mul3A_317 = arith.constant 128 : i32
        %mul3A_318 = arith.muli %add3A_316, %mul3A_317 : i32
        %dma_start3A_319 = arith.constant 0 : i32
        %dma_start3A_320 = arith.constant 0 : i32
        %dma_start3A_321 = tpu.memref_slice %arg7[%dma_start3A_319, %dma_start3A_320] : memref<2x128xi32, #tpu.memory_space<vmem>> -> memref<1x128xi32, #tpu.memory_space<vmem>>
        %dma_start3A_322 = tpu.memref_squeeze %dma_start3A_321 : memref<1x128xi32, #tpu.memory_space<vmem>> -> memref<128xi32, #tpu.memory_space<vmem>>
        %dma_start3A_323 = tpu.memref_slice %arg2[%mul3A_318] : memref<160000xi32, #tpu.memory_space<hbm>> -> memref<128xi32, #tpu.memory_space<hbm>>
        %dma_start3A_324 = arith.constant 0 : i32
        %dma_start3A_325 = tpu.memref_slice %arg7[%dma_start3A_319, %dma_start3A_324] : memref<2x128xi32, #tpu.memory_space<vmem>> -> memref<1x128xi32, #tpu.memory_space<vmem>>
        %dma_start3A_326 = tpu.memref_squeeze %dma_start3A_325 : memref<1x128xi32, #tpu.memory_space<vmem>> -> memref<128xi32, #tpu.memory_space<vmem>>
        %dma_start3A_327 = tpu.memref_slice %arg2[%mul3A_318] : memref<160000xi32, #tpu.memory_space<hbm>> -> memref<128xi32, #tpu.memory_space<hbm>>
        tpu.enqueue_dma source(%dma_start3A_327 : memref<128xi32, #tpu.memory_space<hbm>>) target(%dma_start3A_326 : memref<128xi32, #tpu.memory_space<vmem>>) target_semaphore(%arg14 : memref<!tpu.dma_semaphore, #tpu.memory_space<semaphore_mem>>)
        %dma_start3A_328 = arith.constant 0 : i32
        %dma_start3A_329 = arith.constant 0 : i32
        %dma_start3A_330 = tpu.memref_slice %arg8[%dma_start3A_328, %dma_start3A_329] : memref<2x128xi32, #tpu.memory_space<vmem>> -> memref<1x128xi32, #tpu.memory_space<vmem>>
        %dma_start3A_331 = tpu.memref_squeeze %dma_start3A_330 : memref<1x128xi32, #tpu.memory_space<vmem>> -> memref<128xi32, #tpu.memory_space<vmem>>
        %dma_start3A_332 = tpu.memref_slice %arg3[%mul3A_318] : memref<160000xi32, #tpu.memory_space<hbm>> -> memref<128xi32, #tpu.memory_space<hbm>>
        %dma_start3A_333 = arith.constant 0 : i32
        %dma_start3A_334 = tpu.memref_slice %arg8[%dma_start3A_328, %dma_start3A_333] : memref<2x128xi32, #tpu.memory_space<vmem>> -> memref<1x128xi32, #tpu.memory_space<vmem>>
        %dma_start3A_335 = tpu.memref_squeeze %dma_start3A_334 : memref<1x128xi32, #tpu.memory_space<vmem>> -> memref<128xi32, #tpu.memory_space<vmem>>
        %dma_start3A_336 = tpu.memref_slice %arg3[%mul3A_318] : memref<160000xi32, #tpu.memory_space<hbm>> -> memref<128xi32, #tpu.memory_space<hbm>>
        tpu.enqueue_dma source(%dma_start3A_336 : memref<128xi32, #tpu.memory_space<hbm>>) target(%dma_start3A_335 : memref<128xi32, #tpu.memory_space<vmem>>) target_semaphore(%arg14 : memref<!tpu.dma_semaphore, #tpu.memory_space<semaphore_mem>>)
      } else {
      }
      %mul3A_275 = arith.constant 2 : i32
      %mul3A_276 = arith.muli %mul3A_275, %add3A_206 : i32
      %add3A_277 = arith.constant 1 : i32
      %add3A_278 = arith.addi %mul3A_276, %add3A_277 : i32
      %dma_wait3A_279 = arith.constant 1 : i32
      %dma_wait3A_280 = arith.constant 0 : i32
      %dma_wait3A_281 = tpu.memref_slice %arg7[%dma_wait3A_279, %dma_wait3A_280] : memref<2x128xi32, #tpu.memory_space<vmem>> -> memref<1x128xi32, #tpu.memory_space<vmem>>
      %dma_wait3A_282 = tpu.memref_squeeze %dma_wait3A_281 : memref<1x128xi32, #tpu.memory_space<vmem>> -> memref<128xi32, #tpu.memory_space<vmem>>
      %dma_wait3A_283 = arith.constant 0 : i32
      %dma_wait3A_284 = arith.constant 0 : i32
      %dma_wait3A_285 = tpu.memref_slice %arg4[%dma_wait3A_283, %dma_wait3A_284] : memref<10000x128xf32, #tpu.memory_space<hbm>> -> memref<10000x128xf32, #tpu.memory_space<hbm>>
      tpu.wait_indirect_dma semaphore(%arg12 : memref<!tpu.dma_semaphore, #tpu.memory_space<semaphore_mem>>) src(%dma_wait3A_285 : memref<10000x128xf32, #tpu.memory_space<hbm>>) dst(%arg9 : memref<128x128xf32, #tpu.memory_space<vmem>>)
      %add3A_286 = arith.addi %add3A_26, %add3A_278 : i32
      %mul3A_287 = arith.constant 128 : i32
      %mul3A_288 = arith.muli %add3A_286, %mul3A_287 : i32
      %dma_wait3A_289 = arith.constant 0 : i32
      %dma_wait3A_290 = tpu.memref_slice %arg5[%mul3A_288, %dma_wait3A_289] : memref<160000x128xf32, #tpu.memory_space<hbm>> -> memref<128x128xf32, #tpu.memory_space<hbm>>
      %dma_wait3A_291 = arith.constant 0 : i32
      %dma_wait3A_292 = tpu.memref_slice %arg5[%mul3A_288, %dma_wait3A_291] : memref<160000x128xf32, #tpu.memory_space<hbm>> -> memref<128x128xf32, #tpu.memory_space<hbm>>
      tpu.wait_dma2 semaphore(%arg13 : memref<!tpu.dma_semaphore, #tpu.memory_space<semaphore_mem>>) src(%dma_wait3A_292 : memref<128x128xf32, #tpu.memory_space<hbm>>) dst(%arg10 : memref<128x128xf32, #tpu.memory_space<vmem>>)
      %scan3A_293 = arith.constant 0 : i32
      %scan3A_294 = arith.constant 128 : i32
      %scan3A_295 = arith.addi %scan3A_293, %scan3A_294 : i32
      %scan3A_296 = arith.constant 1 : i32
      scf.for %scan3A_314 = %scan3A_293 to %scan3A_295 step %scan3A_296  : i32 {
        %mul3A_315 = arith.constant 1 : i32
        %mul3A_316 = arith.muli %scan3A_314, %mul3A_315 : i32
        %add3A_317 = arith.constant 0 : i32
        %add3A_318 = arith.addi %add3A_317, %mul3A_316 : i32
        %get3A = arith.index_cast %add3A_318 : i32 to index
        %get3A_319 = arith.constant 0 : index
        %get3A_320 = tpu.vector_load %arg10[%get3A, %get3A_319] {strides = array<i32>} : memref<128x128xf32, #tpu.memory_space<vmem>>, vector<1x16xf32>,
        %get3A_321 = vector.shape_cast %get3A_320 : vector<1x16xf32> to vector<16xf32>
        %get3A_322 = arith.index_cast %add3A_318 : i32 to index
        %get3A_323 = arith.constant 0 : index
        %get3A_324 = tpu.vector_load %arg9[%get3A_322, %get3A_323] {strides = array<i32>} : memref<128x128xf32, #tpu.memory_space<vmem>>, vector<1x16xf32>,
        %get3A_325 = vector.shape_cast %get3A_324 : vector<1x16xf32> to vector<16xf32>
        %mul3A_326 = arith.mulf %get3A_321, %get3A_325 : vector<16xf32>
        %swap3A = arith.index_cast %add3A_318 : i32 to index
        %swap3A_327 = arith.constant 0 : index
        %swap3A_328 = tpu.vector_load %arg10[%swap3A, %swap3A_327] {strides = array<i32>} : memref<128x128xf32, #tpu.memory_space<vmem>>, vector<1x16xf32>,
        %swap3A_329 = vector.shape_cast %swap3A_328 : vector<1x16xf32> to vector<16xf32>
        %swap3A_330 = vector.shape_cast %mul3A_326 : vector<16xf32> to vector<1x16xf32>
        tpu.vector_store %arg10[%swap3A, %swap3A_327], %swap3A_330 {strides = array<i32>} : memref<128x128xf32, #tpu.memory_space<vmem>>, vector<1x16xf32>,
        %get3A_331 = arith.index_cast %add3A_318 : i32 to index
        %get3A_332 = arith.constant 16 : index
        %get3A_333 = tpu.vector_load %arg10[%get3A_331, %get3A_332] {strides = array<i32>} : memref<128x128xf32, #tpu.memory_space<vmem>>, vector<1x16xf32>,
        %get3A_334 = vector.shape_cast %get3A_333 : vector<1x16xf32> to vector<16xf32>
        %get3A_335 = arith.index_cast %add3A_318 : i32 to index
        %get3A_336 = arith.constant 16 : index
        %get3A_337 = tpu.vector_load %arg9[%get3A_335, %get3A_336] {strides = array<i32>} : memref<128x128xf32, #tpu.memory_space<vmem>>, vector<1x16xf32>,
        %get3A_338 = vector.shape_cast %get3A_337 : vector<1x16xf32> to vector<16xf32>
        %mul3A_339 = arith.mulf %get3A_334, %get3A_338 : vector<16xf32>
        %swap3A_340 = arith.index_cast %add3A_318 : i32 to index
        %swap3A_341 = arith.constant 16 : index
        %swap3A_342 = tpu.vector_load %arg10[%swap3A_340, %swap3A_341] {strides = array<i32>} : memref<128x128xf32, #tpu.memory_space<vmem>>, vector<1x16xf32>,
        %swap3A_343 = vector.shape_cast %swap3A_342 : vector<1x16xf32> to vector<16xf32>
        %swap3A_344 = vector.shape_cast %mul3A_339 : vector<16xf32> to vector<1x16xf32>
        tpu.vector_store %arg10[%swap3A_340, %swap3A_341], %swap3A_344 {strides = array<i32>} : memref<128x128xf32, #tpu.memory_space<vmem>>, vector<1x16xf32>,
        %get3A_345 = arith.index_cast %add3A_318 : i32 to index
        %get3A_346 = arith.constant 32 : index
        %get3A_347 = tpu.vector_load %arg10[%get3A_345, %get3A_346] {strides = array<i32>} : memref<128x128xf32, #tpu.memory_space<vmem>>, vector<1x16xf32>,
        %get3A_348 = vector.shape_cast %get3A_347 : vector<1x16xf32> to vector<16xf32>
        %get3A_349 = arith.index_cast %add3A_318 : i32 to index
        %get3A_350 = arith.constant 32 : index
        %get3A_351 = tpu.vector_load %arg9[%get3A_349, %get3A_350] {strides = array<i32>} : memref<128x128xf32, #tpu.memory_space<vmem>>, vector<1x16xf32>,
        %get3A_352 = vector.shape_cast %get3A_351 : vector<1x16xf32> to vector<16xf32>
        %mul3A_353 = arith.mulf %get3A_348, %get3A_352 : vector<16xf32>
        %swap3A_354 = arith.index_cast %add3A_318 : i32 to index
        %swap3A_355 = arith.constant 32 : index
        %swap3A_356 = tpu.vector_load %arg10[%swap3A_354, %swap3A_355] {strides = array<i32>} : memref<128x128xf32, #tpu.memory_space<vmem>>, vector<1x16xf32>,
        %swap3A_357 = vector.shape_cast %swap3A_356 : vector<1x16xf32> to vector<16xf32>
        %swap3A_358 = vector.shape_cast %mul3A_353 : vector<16xf32> to vector<1x16xf32>
        tpu.vector_store %arg10[%swap3A_354, %swap3A_355], %swap3A_358 {strides = array<i32>} : memref<128x128xf32, #tpu.memory_space<vmem>>, vector<1x16xf32>,
        %get3A_359 = arith.index_cast %add3A_318 : i32 to index
        %get3A_360 = arith.constant 48 : index
        %get3A_361 = tpu.vector_load %arg10[%get3A_359, %get3A_360] {strides = array<i32>} : memref<128x128xf32, #tpu.memory_space<vmem>>, vector<1x16xf32>,
        %get3A_362 = vector.shape_cast %get3A_361 : vector<1x16xf32> to vector<16xf32>
        %get3A_363 = arith.index_cast %add3A_318 : i32 to index
        %get3A_364 = arith.constant 48 : index
        %get3A_365 = tpu.vector_load %arg9[%get3A_363, %get3A_364] {strides = array<i32>} : memref<128x128xf32, #tpu.memory_space<vmem>>, vector<1x16xf32>,
        %get3A_366 = vector.shape_cast %get3A_365 : vector<1x16xf32> to vector<16xf32>
        %mul3A_367 = arith.mulf %get3A_362, %get3A_366 : vector<16xf32>
        %swap3A_368 = arith.index_cast %add3A_318 : i32 to index
        %swap3A_369 = arith.constant 48 : index
        %swap3A_370 = tpu.vector_load %arg10[%swap3A_368, %swap3A_369] {strides = array<i32>} : memref<128x128xf32, #tpu.memory_space<vmem>>, vector<1x16xf32>,
        %swap3A_371 = vector.shape_cast %swap3A_370 : vector<1x16xf32> to vector<16xf32>
        %swap3A_372 = vector.shape_cast %mul3A_367 : vector<16xf32> to vector<1x16xf32>
        tpu.vector_store %arg10[%swap3A_368, %swap3A_369], %swap3A_372 {strides = array<i32>} : memref<128x128xf32, #tpu.memory_space<vmem>>, vector<1x16xf32>,
        %get3A_373 = arith.index_cast %add3A_318 : i32 to index
        %get3A_374 = arith.constant 64 : index
        %get3A_375 = tpu.vector_load %arg10[%get3A_373, %get3A_374] {strides = array<i32>} : memref<128x128xf32, #tpu.memory_space<vmem>>, vector<1x16xf32>,
        %get3A_376 = vector.shape_cast %get3A_375 : vector<1x16xf32> to vector<16xf32>
        %get3A_377 = arith.index_cast %add3A_318 : i32 to index
        %get3A_378 = arith.constant 64 : index
        %get3A_379 = tpu.vector_load %arg9[%get3A_377, %get3A_378] {strides = array<i32>} : memref<128x128xf32, #tpu.memory_space<vmem>>, vector<1x16xf32>,
        %get3A_380 = vector.shape_cast %get3A_379 : vector<1x16xf32> to vector<16xf32>
        %mul3A_381 = arith.mulf %get3A_376, %get3A_380 : vector<16xf32>
        %swap3A_382 = arith.index_cast %add3A_318 : i32 to index
        %swap3A_383 = arith.constant 64 : index
        %swap3A_384 = tpu.vector_load %arg10[%swap3A_382, %swap3A_383] {strides = array<i32>} : memref<128x128xf32, #tpu.memory_space<vmem>>, vector<1x16xf32>,
        %swap3A_385 = vector.shape_cast %swap3A_384 : vector<1x16xf32> to vector<16xf32>
        %swap3A_386 = vector.shape_cast %mul3A_381 : vector<16xf32> to vector<1x16xf32>
        tpu.vector_store %arg10[%swap3A_382, %swap3A_383], %swap3A_386 {strides = array<i32>} : memref<128x128xf32, #tpu.memory_space<vmem>>, vector<1x16xf32>,
        %get3A_387 = arith.index_cast %add3A_318 : i32 to index
        %get3A_388 = arith.constant 80 : index
        %get3A_389 = tpu.vector_load %arg10[%get3A_387, %get3A_388] {strides = array<i32>} : memref<128x128xf32, #tpu.memory_space<vmem>>, vector<1x16xf32>,
        %get3A_390 = vector.shape_cast %get3A_389 : vector<1x16xf32> to vector<16xf32>
        %get3A_391 = arith.index_cast %add3A_318 : i32 to index
        %get3A_392 = arith.constant 80 : index
        %get3A_393 = tpu.vector_load %arg9[%get3A_391, %get3A_392] {strides = array<i32>} : memref<128x128xf32, #tpu.memory_space<vmem>>, vector<1x16xf32>,
        %get3A_394 = vector.shape_cast %get3A_393 : vector<1x16xf32> to vector<16xf32>
        %mul3A_395 = arith.mulf %get3A_390, %get3A_394 : vector<16xf32>
        %swap3A_396 = arith.index_cast %add3A_318 : i32 to index
        %swap3A_397 = arith.constant 80 : index
        %swap3A_398 = tpu.vector_load %arg10[%swap3A_396, %swap3A_397] {strides = array<i32>} : memref<128x128xf32, #tpu.memory_space<vmem>>, vector<1x16xf32>,
        %swap3A_399 = vector.shape_cast %swap3A_398 : vector<1x16xf32> to vector<16xf32>
        %swap3A_400 = vector.shape_cast %mul3A_395 : vector<16xf32> to vector<1x16xf32>
        tpu.vector_store %arg10[%swap3A_396, %swap3A_397], %swap3A_400 {strides = array<i32>} : memref<128x128xf32, #tpu.memory_space<vmem>>, vector<1x16xf32>,
        %get3A_401 = arith.index_cast %add3A_318 : i32 to index
        %get3A_402 = arith.constant 96 : index
        %get3A_403 = tpu.vector_load %arg10[%get3A_401, %get3A_402] {strides = array<i32>} : memref<128x128xf32, #tpu.memory_space<vmem>>, vector<1x16xf32>,
        %get3A_404 = vector.shape_cast %get3A_403 : vector<1x16xf32> to vector<16xf32>
        %get3A_405 = arith.index_cast %add3A_318 : i32 to index
        %get3A_406 = arith.constant 96 : index
        %get3A_407 = tpu.vector_load %arg9[%get3A_405, %get3A_406] {strides = array<i32>} : memref<128x128xf32, #tpu.memory_space<vmem>>, vector<1x16xf32>,
        %get3A_408 = vector.shape_cast %get3A_407 : vector<1x16xf32> to vector<16xf32>
        %mul3A_409 = arith.mulf %get3A_404, %get3A_408 : vector<16xf32>
        %swap3A_410 = arith.index_cast %add3A_318 : i32 to index
        %swap3A_411 = arith.constant 96 : index
        %swap3A_412 = tpu.vector_load %arg10[%swap3A_410, %swap3A_411] {strides = array<i32>} : memref<128x128xf32, #tpu.memory_space<vmem>>, vector<1x16xf32>,
        %swap3A_413 = vector.shape_cast %swap3A_412 : vector<1x16xf32> to vector<16xf32>
        %swap3A_414 = vector.shape_cast %mul3A_409 : vector<16xf32> to vector<1x16xf32>
        tpu.vector_store %arg10[%swap3A_410, %swap3A_411], %swap3A_414 {strides = array<i32>} : memref<128x128xf32, #tpu.memory_space<vmem>>, vector<1x16xf32>,
        %get3A_415 = arith.index_cast %add3A_318 : i32 to index
        %get3A_416 = arith.constant 112 : index
        %get3A_417 = tpu.vector_load %arg10[%get3A_415, %get3A_416] {strides = array<i32>} : memref<128x128xf32, #tpu.memory_space<vmem>>, vector<1x16xf32>,
        %get3A_418 = vector.shape_cast %get3A_417 : vector<1x16xf32> to vector<16xf32>
        %get3A_419 = arith.index_cast %add3A_318 : i32 to index
        %get3A_420 = arith.constant 112 : index
        %get3A_421 = tpu.vector_load %arg9[%get3A_419, %get3A_420] {strides = array<i32>} : memref<128x128xf32, #tpu.memory_space<vmem>>, vector<1x16xf32>,
        %get3A_422 = vector.shape_cast %get3A_421 : vector<1x16xf32> to vector<16xf32>
        %mul3A_423 = arith.mulf %get3A_418, %get3A_422 : vector<16xf32>
        %swap3A_424 = arith.index_cast %add3A_318 : i32 to index
        %swap3A_425 = arith.constant 112 : index
        %swap3A_426 = tpu.vector_load %arg10[%swap3A_424, %swap3A_425] {strides = array<i32>} : memref<128x128xf32, #tpu.memory_space<vmem>>, vector<1x16xf32>,
        %swap3A_427 = vector.shape_cast %swap3A_426 : vector<1x16xf32> to vector<16xf32>
        %swap3A_428 = vector.shape_cast %mul3A_423 : vector<16xf32> to vector<1x16xf32>
        tpu.vector_store %arg10[%swap3A_424, %swap3A_425], %swap3A_428 {strides = array<i32>} : memref<128x128xf32, #tpu.memory_space<vmem>>, vector<1x16xf32>,
      }
      %scan3A_297 = arith.constant 128 : i32
      %lt3A_298 = arith.constant 18 : i32
      %lt3A_299 = arith.cmpi slt, %add3A_206, %lt3A_298 : i32
      %convert_element_type3A_300 = arith.extui %lt3A_299 : i1 to i32
      %cond3A_301 = arith.constant 0 : i32
      %cond3A_302 = arith.cmpi ne, %convert_element_type3A_300, %cond3A_301 : i32
      scf.if %cond3A_302 {
        %add3A_314 = arith.constant 1 : i32
        %add3A_315 = arith.addi %add3A_278, %add3A_314 : i32
        %add3A_316 = arith.addi %add3A_26, %add3A_315 : i32
        %mul3A_317 = arith.constant 128 : i32
        %mul3A_318 = arith.muli %add3A_316, %mul3A_317 : i32
        %dma_wait3A_319 = arith.constant 0 : i32
        %dma_wait3A_320 = arith.constant 0 : i32
        %dma_wait3A_321 = tpu.memref_slice %arg7[%dma_wait3A_319, %dma_wait3A_320] : memref<2x128xi32, #tpu.memory_space<vmem>> -> memref<1x128xi32, #tpu.memory_space<vmem>>
        %dma_wait3A_322 = tpu.memref_squeeze %dma_wait3A_321 : memref<1x128xi32, #tpu.memory_space<vmem>> -> memref<128xi32, #tpu.memory_space<vmem>>
        %dma_wait3A_323 = tpu.memref_slice %arg2[%mul3A_318] : memref<160000xi32, #tpu.memory_space<hbm>> -> memref<128xi32, #tpu.memory_space<hbm>>
        %dma_wait3A_324 = arith.constant 0 : i32
        %dma_wait3A_325 = tpu.memref_slice %arg7[%dma_wait3A_319, %dma_wait3A_324] : memref<2x128xi32, #tpu.memory_space<vmem>> -> memref<1x128xi32, #tpu.memory_space<vmem>>
        %dma_wait3A_326 = tpu.memref_squeeze %dma_wait3A_325 : memref<1x128xi32, #tpu.memory_space<vmem>> -> memref<128xi32, #tpu.memory_space<vmem>>
        %dma_wait3A_327 = tpu.memref_slice %arg2[%mul3A_318] : memref<160000xi32, #tpu.memory_space<hbm>> -> memref<128xi32, #tpu.memory_space<hbm>>
        tpu.wait_dma2 semaphore(%arg14 : memref<!tpu.dma_semaphore, #tpu.memory_space<semaphore_mem>>) src(%dma_wait3A_327 : memref<128xi32, #tpu.memory_space<hbm>>) dst(%dma_wait3A_326 : memref<128xi32, #tpu.memory_space<vmem>>)
        %dma_wait3A_328 = arith.constant 0 : i32
        %dma_wait3A_329 = arith.constant 0 : i32
        %dma_wait3A_330 = tpu.memref_slice %arg8[%dma_wait3A_328, %dma_wait3A_329] : memref<2x128xi32, #tpu.memory_space<vmem>> -> memref<1x128xi32, #tpu.memory_space<vmem>>
        %dma_wait3A_331 = tpu.memref_squeeze %dma_wait3A_330 : memref<1x128xi32, #tpu.memory_space<vmem>> -> memref<128xi32, #tpu.memory_space<vmem>>
        %dma_wait3A_332 = tpu.memref_slice %arg3[%mul3A_318] : memref<160000xi32, #tpu.memory_space<hbm>> -> memref<128xi32, #tpu.memory_space<hbm>>
        %dma_wait3A_333 = arith.constant 0 : i32
        %dma_wait3A_334 = tpu.memref_slice %arg8[%dma_wait3A_328, %dma_wait3A_333] : memref<2x128xi32, #tpu.memory_space<vmem>> -> memref<1x128xi32, #tpu.memory_space<vmem>>
        %dma_wait3A_335 = tpu.memref_squeeze %dma_wait3A_334 : memref<1x128xi32, #tpu.memory_space<vmem>> -> memref<128xi32, #tpu.memory_space<vmem>>
        %dma_wait3A_336 = tpu.memref_slice %arg3[%mul3A_318] : memref<160000xi32, #tpu.memory_space<hbm>> -> memref<128xi32, #tpu.memory_space<hbm>>
        tpu.wait_dma2 semaphore(%arg14 : memref<!tpu.dma_semaphore, #tpu.memory_space<semaphore_mem>>) src(%dma_wait3A_336 : memref<128xi32, #tpu.memory_space<hbm>>) dst(%dma_wait3A_335 : memref<128xi32, #tpu.memory_space<vmem>>)
        %dma_start3A_337 = arith.constant 0 : i32
        %dma_start3A_338 = arith.constant 0 : i32
        %dma_start3A_339 = tpu.memref_slice %arg7[%dma_start3A_337, %dma_start3A_338] : memref<2x128xi32, #tpu.memory_space<vmem>> -> memref<1x128xi32, #tpu.memory_space<vmem>>
        %dma_start3A_340 = tpu.memref_squeeze %dma_start3A_339 : memref<1x128xi32, #tpu.memory_space<vmem>> -> memref<128xi32, #tpu.memory_space<vmem>>
        %dma_start3A_341 = arith.constant 0 : i32
        %dma_start3A_342 = arith.constant 0 : i32
        %dma_start3A_343 = tpu.memref_slice %arg4[%dma_start3A_341, %dma_start3A_342] : memref<10000x128xf32, #tpu.memory_space<hbm>> -> memref<10000x128xf32, #tpu.memory_space<hbm>>
        tpu.enqueue_indirect_dma source(%dma_start3A_343 : memref<10000x128xf32, #tpu.memory_space<hbm>>) target(%arg9 : memref<128x128xf32, #tpu.memory_space<vmem>>) offsets(%dma_start3A_340 : memref<128xi32, #tpu.memory_space<vmem>>) semaphore(%arg12 : memref<!tpu.dma_semaphore, #tpu.memory_space<semaphore_mem>>)
      } else {
      }
      %run_scoped3A_303 = arith.constant 1 : i32
      "tpu.region"() ({
        %run_scoped3A_314 = tpu.sem_alloc : memref<!tpu.dma_semaphore, #tpu.memory_space<semaphore_mem>>
        %dma_start3A_315 = arith.constant 0 : i32
        %dma_start3A_316 = tpu.memref_slice %arg8[%run_scoped3A_303, %dma_start3A_315] : memref<2x128xi32, #tpu.memory_space<vmem>> -> memref<1x128xi32, #tpu.memory_space<vmem>>
        %dma_start3A_317 = tpu.memref_squeeze %dma_start3A_316 : memref<1x128xi32, #tpu.memory_space<vmem>> -> memref<128xi32, #tpu.memory_space<vmem>>
        %dma_start3A_318 = arith.constant 0 : i32
        %dma_start3A_319 = arith.constant 0 : i32
        %dma_start3A_320 = tpu.memref_slice %arg11[%dma_start3A_318, %dma_start3A_319] : memref<10000x128xf32, #tpu.memory_space<vmem_shared>> -> memref<10000x128xf32, #tpu.memory_space<vmem_shared>>
        tpu.enqueue_indirect_dma source(%arg10 : memref<128x128xf32, #tpu.memory_space<vmem>>) target(%dma_start3A_320 : memref<10000x128xf32, #tpu.memory_space<vmem_shared>>) offsets(%dma_start3A_317 : memref<128xi32, #tpu.memory_space<vmem>>) semaphore(%run_scoped3A_314 : memref<!tpu.dma_semaphore, #tpu.memory_space<semaphore_mem>>) {add = true}
        %dma_wait3A_321 = arith.constant 0 : i32
        %dma_wait3A_322 = tpu.memref_slice %arg8[%run_scoped3A_303, %dma_wait3A_321] : memref<2x128xi32, #tpu.memory_space<vmem>> -> memref<1x128xi32, #tpu.memory_space<vmem>>
        %dma_wait3A_323 = tpu.memref_squeeze %dma_wait3A_322 : memref<1x128xi32, #tpu.memory_space<vmem>> -> memref<128xi32, #tpu.memory_space<vmem>>
        %dma_wait3A_324 = arith.constant 0 : i32
        %dma_wait3A_325 = arith.constant 0 : i32
        %dma_wait3A_326 = tpu.memref_slice %arg11[%dma_wait3A_324, %dma_wait3A_325] : memref<10000x128xf32, #tpu.memory_space<vmem_shared>> -> memref<10000x128xf32, #tpu.memory_space<vmem_shared>>
        tpu.wait_indirect_dma semaphore(%run_scoped3A_314 : memref<!tpu.dma_semaphore, #tpu.memory_space<semaphore_mem>>) src(%arg10 : memref<128x128xf32, #tpu.memory_space<vmem>>) dst(%dma_wait3A_326 : memref<10000x128xf32, #tpu.memory_space<vmem_shared>>)
        tpu.yield
      }) : () -> ()
      %lt3A_304 = arith.constant 18 : i32
      %lt3A_305 = arith.cmpi slt, %add3A_206, %lt3A_304 : i32
      %convert_element_type3A_306 = arith.extui %lt3A_305 : i1 to i32
      %cond3A_307 = arith.constant 0 : i32
      %cond3A_308 = arith.cmpi ne, %convert_element_type3A_306, %cond3A_307 : i32
      scf.if %cond3A_308 {
        %add3A_314 = arith.constant 1 : i32
        %add3A_315 = arith.addi %add3A_278, %add3A_314 : i32
        %add3A_316 = arith.addi %add3A_26, %add3A_315 : i32
        %mul3A_317 = arith.constant 128 : i32
        %mul3A_318 = arith.muli %add3A_316, %mul3A_317 : i32
        %dma_start3A_319 = arith.constant 0 : i32
        %dma_start3A_320 = tpu.memref_slice %arg5[%mul3A_318, %dma_start3A_319] : memref<160000x128xf32, #tpu.memory_space<hbm>> -> memref<128x128xf32, #tpu.memory_space<hbm>>
        %dma_start3A_321 = arith.constant 0 : i32
        %dma_start3A_322 = tpu.memref_slice %arg5[%mul3A_318, %dma_start3A_321] : memref<160000x128xf32, #tpu.memory_space<hbm>> -> memref<128x128xf32, #tpu.memory_space<hbm>>
        tpu.enqueue_dma source(%dma_start3A_322 : memref<128x128xf32, #tpu.memory_space<hbm>>) target(%arg10 : memref<128x128xf32, #tpu.memory_space<vmem>>) target_semaphore(%arg13 : memref<!tpu.dma_semaphore, #tpu.memory_space<semaphore_mem>>)
      } else {
      }
      %lt3A_309 = arith.constant 18 : i32
      %lt3A_310 = arith.cmpi slt, %add3A_206, %lt3A_309 : i32
      %convert_element_type3A_311 = arith.extui %lt3A_310 : i1 to i32
      %cond3A_312 = arith.constant 0 : i32
      %cond3A_313 = arith.cmpi ne, %convert_element_type3A_311, %cond3A_312 : i32
      scf.if %cond3A_313 {
        %add3A_314 = arith.constant 2 : i32
        %add3A_315 = arith.addi %add3A_278, %add3A_314 : i32
        %add3A_316 = arith.addi %add3A_26, %add3A_315 : i32
        %mul3A_317 = arith.constant 128 : i32
        %mul3A_318 = arith.muli %add3A_316, %mul3A_317 : i32
        %dma_start3A_319 = arith.constant 1 : i32
        %dma_start3A_320 = arith.constant 0 : i32
        %dma_start3A_321 = tpu.memref_slice %arg7[%dma_start3A_319, %dma_start3A_320] : memref<2x128xi32, #tpu.memory_space<vmem>> -> memref<1x128xi32, #tpu.memory_space<vmem>>
        %dma_start3A_322 = tpu.memref_squeeze %dma_start3A_321 : memref<1x128xi32, #tpu.memory_space<vmem>> -> memref<128xi32, #tpu.memory_space<vmem>>
        %dma_start3A_323 = tpu.memref_slice %arg2[%mul3A_318] : memref<160000xi32, #tpu.memory_space<hbm>> -> memref<128xi32, #tpu.memory_space<hbm>>
        %dma_start3A_324 = arith.constant 0 : i32
        %dma_start3A_325 = tpu.memref_slice %arg7[%dma_start3A_319, %dma_start3A_324] : memref<2x128xi32, #tpu.memory_space<vmem>> -> memref<1x128xi32, #tpu.memory_space<vmem>>
        %dma_start3A_326 = tpu.memref_squeeze %dma_start3A_325 : memref<1x128xi32, #tpu.memory_space<vmem>> -> memref<128xi32, #tpu.memory_space<vmem>>
        %dma_start3A_327 = tpu.memref_slice %arg2[%mul3A_318] : memref<160000xi32, #tpu.memory_space<hbm>> -> memref<128xi32, #tpu.memory_space<hbm>>
        tpu.enqueue_dma source(%dma_start3A_327 : memref<128xi32, #tpu.memory_space<hbm>>) target(%dma_start3A_326 : memref<128xi32, #tpu.memory_space<vmem>>) target_semaphore(%arg15 : memref<!tpu.dma_semaphore, #tpu.memory_space<semaphore_mem>>)
        %dma_start3A_328 = arith.constant 1 : i32
        %dma_start3A_329 = arith.constant 0 : i32
        %dma_start3A_330 = tpu.memref_slice %arg8[%dma_start3A_328, %dma_start3A_329] : memref<2x128xi32, #tpu.memory_space<vmem>> -> memref<1x128xi32, #tpu.memory_space<vmem>>
        %dma_start3A_331 = tpu.memref_squeeze %dma_start3A_330 : memref<1x128xi32, #tpu.memory_space<vmem>> -> memref<128xi32, #tpu.memory_space<vmem>>
        %dma_start3A_332 = tpu.memref_slice %arg3[%mul3A_318] : memref<160000xi32, #tpu.memory_space<hbm>> -> memref<128xi32, #tpu.memory_space<hbm>>
        %dma_start3A_333 = arith.constant 0 : i32
        %dma_start3A_334 = tpu.memref_slice %arg8[%dma_start3A_328, %dma_start3A_333] : memref<2x128xi32, #tpu.memory_space<vmem>> -> memref<1x128xi32, #tpu.memory_space<vmem>>
        %dma_start3A_335 = tpu.memref_squeeze %dma_start3A_334 : memref<1x128xi32, #tpu.memory_space<vmem>> -> memref<128xi32, #tpu.memory_space<vmem>>
        %dma_start3A_336 = tpu.memref_slice %arg3[%mul3A_318] : memref<160000xi32, #tpu.memory_space<hbm>> -> memref<128xi32, #tpu.memory_space<hbm>>
        tpu.enqueue_dma source(%dma_start3A_336 : memref<128xi32, #tpu.memory_space<hbm>>) target(%dma_start3A_335 : memref<128xi32, #tpu.memory_space<vmem>>) target_semaphore(%arg15 : memref<!tpu.dma_semaphore, #tpu.memory_space<semaphore_mem>>)
      } else {
      }
    }
    %scan3A_110 = arith.constant 19 : i32
    %add3A_111 = arith.constant 38 : i32
    %add3A_112 = arith.addi %add3A_26, %add3A_111 : i32
    %mul3A_113 = arith.constant 128 : i32
    %mul3A_114 = arith.muli %add3A_112, %mul3A_113 : i32
    %dma_start3A_115 = arith.constant 0 : i32
    %dma_start3A_116 = arith.constant 0 : i32
    %dma_start3A_117 = tpu.memref_slice %arg7[%dma_start3A_115, %dma_start3A_116] : memref<2x128xi32, #tpu.memory_space<vmem>> -> memref<1x128xi32, #tpu.memory_space<vmem>>
    %dma_start3A_118 = tpu.memref_squeeze %dma_start3A_117 : memref<1x128xi32, #tpu.memory_space<vmem>> -> memref<128xi32, #tpu.memory_space<vmem>>
    %dma_start3A_119 = tpu.memref_slice %arg2[%mul3A_114] : memref<160000xi32, #tpu.memory_space<hbm>> -> memref<128xi32, #tpu.memory_space<hbm>>
    %dma_start3A_120 = arith.constant 0 : i32
    %dma_start3A_121 = tpu.memref_slice %arg7[%dma_start3A_115, %dma_start3A_120] : memref<2x128xi32, #tpu.memory_space<vmem>> -> memref<1x128xi32, #tpu.memory_space<vmem>>
    %dma_start3A_122 = tpu.memref_squeeze %dma_start3A_121 : memref<1x128xi32, #tpu.memory_space<vmem>> -> memref<128xi32, #tpu.memory_space<vmem>>
    %dma_start3A_123 = tpu.memref_slice %arg2[%mul3A_114] : memref<160000xi32, #tpu.memory_space<hbm>> -> memref<128xi32, #tpu.memory_space<hbm>>
    tpu.enqueue_dma source(%dma_start3A_123 : memref<128xi32, #tpu.memory_space<hbm>>) target(%dma_start3A_122 : memref<128xi32, #tpu.memory_space<vmem>>) target_semaphore(%arg14 : memref<!tpu.dma_semaphore, #tpu.memory_space<semaphore_mem>>)
    %dma_start3A_124 = arith.constant 0 : i32
    %dma_start3A_125 = arith.constant 0 : i32
    %dma_start3A_126 = tpu.memref_slice %arg8[%dma_start3A_124, %dma_start3A_125] : memref<2x128xi32, #tpu.memory_space<vmem>> -> memref<1x128xi32, #tpu.memory_space<vmem>>
    %dma_start3A_127 = tpu.memref_squeeze %dma_start3A_126 : memref<1x128xi32, #tpu.memory_space<vmem>> -> memref<128xi32, #tpu.memory_space<vmem>>
    %dma_start3A_128 = tpu.memref_slice %arg3[%mul3A_114] : memref<160000xi32, #tpu.memory_space<hbm>> -> memref<128xi32, #tpu.memory_space<hbm>>
    %dma_start3A_129 = arith.constant 0 : i32
    %dma_start3A_130 = tpu.memref_slice %arg8[%dma_start3A_124, %dma_start3A_129] : memref<2x128xi32, #tpu.memory_space<vmem>> -> memref<1x128xi32, #tpu.memory_space<vmem>>
    %dma_start3A_131 = tpu.memref_squeeze %dma_start3A_130 : memref<1x128xi32, #tpu.memory_space<vmem>> -> memref<128xi32, #tpu.memory_space<vmem>>
    %dma_start3A_132 = tpu.memref_slice %arg3[%mul3A_114] : memref<160000xi32, #tpu.memory_space<hbm>> -> memref<128xi32, #tpu.memory_space<hbm>>
    tpu.enqueue_dma source(%dma_start3A_132 : memref<128xi32, #tpu.memory_space<hbm>>) target(%dma_start3A_131 : memref<128xi32, #tpu.memory_space<vmem>>) target_semaphore(%arg14 : memref<!tpu.dma_semaphore, #tpu.memory_space<semaphore_mem>>)
    %add3A_133 = arith.constant 38 : i32
    %add3A_134 = arith.addi %add3A_26, %add3A_133 : i32
    %mul3A_135 = arith.constant 128 : i32
    %mul3A_136 = arith.muli %add3A_134, %mul3A_135 : i32
    %dma_wait3A_137 = arith.constant 0 : i32
    %dma_wait3A_138 = arith.constant 0 : i32
    %dma_wait3A_139 = tpu.memref_slice %arg7[%dma_wait3A_137, %dma_wait3A_138] : memref<2x128xi32, #tpu.memory_space<vmem>> -> memref<1x128xi32, #tpu.memory_space<vmem>>
    %dma_wait3A_140 = tpu.memref_squeeze %dma_wait3A_139 : memref<1x128xi32, #tpu.memory_space<vmem>> -> memref<128xi32, #tpu.memory_space<vmem>>
    %dma_wait3A_141 = tpu.memref_slice %arg2[%mul3A_136] : memref<160000xi32, #tpu.memory_space<hbm>> -> memref<128xi32, #tpu.memory_space<hbm>>
    %dma_wait3A_142 = arith.constant 0 : i32
    %dma_wait3A_143 = tpu.memref_slice %arg7[%dma_wait3A_137, %dma_wait3A_142] : memref<2x128xi32, #tpu.memory_space<vmem>> -> memref<1x128xi32, #tpu.memory_space<vmem>>
    %dma_wait3A_144 = tpu.memref_squeeze %dma_wait3A_143 : memref<1x128xi32, #tpu.memory_space<vmem>> -> memref<128xi32, #tpu.memory_space<vmem>>
    %dma_wait3A_145 = tpu.memref_slice %arg2[%mul3A_136] : memref<160000xi32, #tpu.memory_space<hbm>> -> memref<128xi32, #tpu.memory_space<hbm>>
    tpu.wait_dma2 semaphore(%arg14 : memref<!tpu.dma_semaphore, #tpu.memory_space<semaphore_mem>>) src(%dma_wait3A_145 : memref<128xi32, #tpu.memory_space<hbm>>) dst(%dma_wait3A_144 : memref<128xi32, #tpu.memory_space<vmem>>)
    %dma_wait3A_146 = arith.constant 0 : i32
    %dma_wait3A_147 = arith.constant 0 : i32
    %dma_wait3A_148 = tpu.memref_slice %arg8[%dma_wait3A_146, %dma_wait3A_147] : memref<2x128xi32, #tpu.memory_space<vmem>> -> memref<1x128xi32, #tpu.memory_space<vmem>>
    %dma_wait3A_149 = tpu.memref_squeeze %dma_wait3A_148 : memref<1x128xi32, #tpu.memory_space<vmem>> -> memref<128xi32, #tpu.memory_space<vmem>>
    %dma_wait3A_150 = tpu.memref_slice %arg3[%mul3A_136] : memref<160000xi32, #tpu.memory_space<hbm>> -> memref<128xi32, #tpu.memory_space<hbm>>
    %dma_wait3A_151 = arith.constant 0 : i32
    %dma_wait3A_152 = tpu.memref_slice %arg8[%dma_wait3A_146, %dma_wait3A_151] : memref<2x128xi32, #tpu.memory_space<vmem>> -> memref<1x128xi32, #tpu.memory_space<vmem>>
    %dma_wait3A_153 = tpu.memref_squeeze %dma_wait3A_152 : memref<1x128xi32, #tpu.memory_space<vmem>> -> memref<128xi32, #tpu.memory_space<vmem>>
    %dma_wait3A_154 = tpu.memref_slice %arg3[%mul3A_136] : memref<160000xi32, #tpu.memory_space<hbm>> -> memref<128xi32, #tpu.memory_space<hbm>>
    tpu.wait_dma2 semaphore(%arg14 : memref<!tpu.dma_semaphore, #tpu.memory_space<semaphore_mem>>) src(%dma_wait3A_154 : memref<128xi32, #tpu.memory_space<hbm>>) dst(%dma_wait3A_153 : memref<128xi32, #tpu.memory_space<vmem>>)
    %dma_start3A_155 = arith.constant 0 : i32
    %dma_start3A_156 = arith.constant 0 : i32
    %dma_start3A_157 = tpu.memref_slice %arg7[%dma_start3A_155, %dma_start3A_156] : memref<2x128xi32, #tpu.memory_space<vmem>> -> memref<1x128xi32, #tpu.memory_space<vmem>>
    %dma_start3A_158 = tpu.memref_squeeze %dma_start3A_157 : memref<1x128xi32, #tpu.memory_space<vmem>> -> memref<128xi32, #tpu.memory_space<vmem>>
    %dma_start3A_159 = arith.constant 0 : i32
    %dma_start3A_160 = arith.constant 0 : i32
    %dma_start3A_161 = tpu.memref_slice %arg4[%dma_start3A_159, %dma_start3A_160] : memref<10000x128xf32, #tpu.memory_space<hbm>> -> memref<10000x128xf32, #tpu.memory_space<hbm>>
    tpu.enqueue_indirect_dma source(%dma_start3A_161 : memref<10000x128xf32, #tpu.memory_space<hbm>>) target(%arg9 : memref<128x128xf32, #tpu.memory_space<vmem>>) offsets(%dma_start3A_158 : memref<128xi32, #tpu.memory_space<vmem>>) semaphore(%arg12 : memref<!tpu.dma_semaphore, #tpu.memory_space<semaphore_mem>>)
    %dma_wait3A_162 = arith.constant 0 : i32
    %dma_wait3A_163 = arith.constant 0 : i32
    %dma_wait3A_164 = tpu.memref_slice %arg7[%dma_wait3A_162, %dma_wait3A_163] : memref<2x128xi32, #tpu.memory_space<vmem>> -> memref<1x128xi32, #tpu.memory_space<vmem>>
    %dma_wait3A_165 = tpu.memref_squeeze %dma_wait3A_164 : memref<1x128xi32, #tpu.memory_space<vmem>> -> memref<128xi32, #tpu.memory_space<vmem>>
    %dma_wait3A_166 = arith.constant 0 : i32
    %dma_wait3A_167 = arith.constant 0 : i32
    %dma_wait3A_168 = tpu.memref_slice %arg4[%dma_wait3A_166, %dma_wait3A_167] : memref<10000x128xf32, #tpu.memory_space<hbm>> -> memref<10000x128xf32, #tpu.memory_space<hbm>>
    tpu.wait_indirect_dma semaphore(%arg12 : memref<!tpu.dma_semaphore, #tpu.memory_space<semaphore_mem>>) src(%dma_wait3A_168 : memref<10000x128xf32, #tpu.memory_space<hbm>>) dst(%arg9 : memref<128x128xf32, #tpu.memory_space<vmem>>)
    %add3A_169 = arith.constant 38 : i32
    %add3A_170 = arith.addi %add3A_26, %add3A_169 : i32
    %mul3A_171 = arith.constant 128 : i32
    %mul3A_172 = arith.muli %add3A_170, %mul3A_171 : i32
    %dma_start3A_173 = arith.constant 0 : i32
    %dma_start3A_174 = tpu.memref_slice %arg5[%mul3A_172, %dma_start3A_173] : memref<160000x128xf32, #tpu.memory_space<hbm>> -> memref<128x128xf32, #tpu.memory_space<hbm>>
    %dma_start3A_175 = arith.constant 0 : i32
    %dma_start3A_176 = tpu.memref_slice %arg5[%mul3A_172, %dma_start3A_175] : memref<160000x128xf32, #tpu.memory_space<hbm>> -> memref<128x128xf32, #tpu.memory_space<hbm>>
    tpu.enqueue_dma source(%dma_start3A_176 : memref<128x128xf32, #tpu.memory_space<hbm>>) target(%arg10 : memref<128x128xf32, #tpu.memory_space<vmem>>) target_semaphore(%arg13 : memref<!tpu.dma_semaphore, #tpu.memory_space<semaphore_mem>>)
    %add3A_177 = arith.constant 38 : i32
    %add3A_178 = arith.addi %add3A_26, %add3A_177 : i32
    %mul3A_179 = arith.constant 128 : i32
    %mul3A_180 = arith.muli %add3A_178, %mul3A_179 : i32
    %dma_wait3A_181 = arith.constant 0 : i32
    %dma_wait3A_182 = tpu.memref_slice %arg5[%mul3A_180, %dma_wait3A_181] : memref<160000x128xf32, #tpu.memory_space<hbm>> -> memref<128x128xf32, #tpu.memory_space<hbm>>
    %dma_wait3A_183 = arith.constant 0 : i32
    %dma_wait3A_184 = tpu.memref_slice %arg5[%mul3A_180, %dma_wait3A_183] : memref<160000x128xf32, #tpu.memory_space<hbm>> -> memref<128x128xf32, #tpu.memory_space<hbm>>
    tpu.wait_dma2 semaphore(%arg13 : memref<!tpu.dma_semaphore, #tpu.memory_space<semaphore_mem>>) src(%dma_wait3A_184 : memref<128x128xf32, #tpu.memory_space<hbm>>) dst(%arg10 : memref<128x128xf32, #tpu.memory_space<vmem>>)
    %scan3A_185 = arith.constant 0 : i32
    %scan3A_186 = arith.constant 128 : i32
    %scan3A_187 = arith.addi %scan3A_185, %scan3A_186 : i32
    %scan3A_188 = arith.constant 1 : i32
    scf.for %scan3A_202 = %scan3A_185 to %scan3A_187 step %scan3A_188  : i32 {
      %mul3A_203 = arith.constant 1 : i32
      %mul3A_204 = arith.muli %scan3A_202, %mul3A_203 : i32
      %add3A_205 = arith.constant 0 : i32
      %add3A_206 = arith.addi %add3A_205, %mul3A_204 : i32
      %get3A = arith.index_cast %add3A_206 : i32 to index
      %get3A_207 = arith.constant 0 : index
      %get3A_208 = tpu.vector_load %arg10[%get3A, %get3A_207] {strides = array<i32>} : memref<128x128xf32, #tpu.memory_space<vmem>>, vector<1x16xf32>,
      %get3A_209 = vector.shape_cast %get3A_208 : vector<1x16xf32> to vector<16xf32>
      %get3A_210 = arith.index_cast %add3A_206 : i32 to index
      %get3A_211 = arith.constant 0 : index
      %get3A_212 = tpu.vector_load %arg9[%get3A_210, %get3A_211] {strides = array<i32>} : memref<128x128xf32, #tpu.memory_space<vmem>>, vector<1x16xf32>,
      %get3A_213 = vector.shape_cast %get3A_212 : vector<1x16xf32> to vector<16xf32>
      %mul3A_214 = arith.mulf %get3A_209, %get3A_213 : vector<16xf32>
      %swap3A = arith.index_cast %add3A_206 : i32 to index
      %swap3A_215 = arith.constant 0 : index
      %swap3A_216 = tpu.vector_load %arg10[%swap3A, %swap3A_215] {strides = array<i32>} : memref<128x128xf32, #tpu.memory_space<vmem>>, vector<1x16xf32>,
      %swap3A_217 = vector.shape_cast %swap3A_216 : vector<1x16xf32> to vector<16xf32>
      %swap3A_218 = vector.shape_cast %mul3A_214 : vector<16xf32> to vector<1x16xf32>
      tpu.vector_store %arg10[%swap3A, %swap3A_215], %swap3A_218 {strides = array<i32>} : memref<128x128xf32, #tpu.memory_space<vmem>>, vector<1x16xf32>,
      %get3A_219 = arith.index_cast %add3A_206 : i32 to index
      %get3A_220 = arith.constant 16 : index
      %get3A_221 = tpu.vector_load %arg10[%get3A_219, %get3A_220] {strides = array<i32>} : memref<128x128xf32, #tpu.memory_space<vmem>>, vector<1x16xf32>,
      %get3A_222 = vector.shape_cast %get3A_221 : vector<1x16xf32> to vector<16xf32>
      %get3A_223 = arith.index_cast %add3A_206 : i32 to index
      %get3A_224 = arith.constant 16 : index
      %get3A_225 = tpu.vector_load %arg9[%get3A_223, %get3A_224] {strides = array<i32>} : memref<128x128xf32, #tpu.memory_space<vmem>>, vector<1x16xf32>,
      %get3A_226 = vector.shape_cast %get3A_225 : vector<1x16xf32> to vector<16xf32>
      %mul3A_227 = arith.mulf %get3A_222, %get3A_226 : vector<16xf32>
      %swap3A_228 = arith.index_cast %add3A_206 : i32 to index
      %swap3A_229 = arith.constant 16 : index
      %swap3A_230 = tpu.vector_load %arg10[%swap3A_228, %swap3A_229] {strides = array<i32>} : memref<128x128xf32, #tpu.memory_space<vmem>>, vector<1x16xf32>,
      %swap3A_231 = vector.shape_cast %swap3A_230 : vector<1x16xf32> to vector<16xf32>
      %swap3A_232 = vector.shape_cast %mul3A_227 : vector<16xf32> to vector<1x16xf32>
      tpu.vector_store %arg10[%swap3A_228, %swap3A_229], %swap3A_232 {strides = array<i32>} : memref<128x128xf32, #tpu.memory_space<vmem>>, vector<1x16xf32>,
      %get3A_233 = arith.index_cast %add3A_206 : i32 to index
      %get3A_234 = arith.constant 32 : index
      %get3A_235 = tpu.vector_load %arg10[%get3A_233, %get3A_234] {strides = array<i32>} : memref<128x128xf32, #tpu.memory_space<vmem>>, vector<1x16xf32>,
      %get3A_236 = vector.shape_cast %get3A_235 : vector<1x16xf32> to vector<16xf32>
      %get3A_237 = arith.index_cast %add3A_206 : i32 to index
      %get3A_238 = arith.constant 32 : index
      %get3A_239 = tpu.vector_load %arg9[%get3A_237, %get3A_238] {strides = array<i32>} : memref<128x128xf32, #tpu.memory_space<vmem>>, vector<1x16xf32>,
      %get3A_240 = vector.shape_cast %get3A_239 : vector<1x16xf32> to vector<16xf32>
      %mul3A_241 = arith.mulf %get3A_236, %get3A_240 : vector<16xf32>
      %swap3A_242 = arith.index_cast %add3A_206 : i32 to index
      %swap3A_243 = arith.constant 32 : index
      %swap3A_244 = tpu.vector_load %arg10[%swap3A_242, %swap3A_243] {strides = array<i32>} : memref<128x128xf32, #tpu.memory_space<vmem>>, vector<1x16xf32>,
      %swap3A_245 = vector.shape_cast %swap3A_244 : vector<1x16xf32> to vector<16xf32>
      %swap3A_246 = vector.shape_cast %mul3A_241 : vector<16xf32> to vector<1x16xf32>
      tpu.vector_store %arg10[%swap3A_242, %swap3A_243], %swap3A_246 {strides = array<i32>} : memref<128x128xf32, #tpu.memory_space<vmem>>, vector<1x16xf32>,
      %get3A_247 = arith.index_cast %add3A_206 : i32 to index
      %get3A_248 = arith.constant 48 : index
      %get3A_249 = tpu.vector_load %arg10[%get3A_247, %get3A_248] {strides = array<i32>} : memref<128x128xf32, #tpu.memory_space<vmem>>, vector<1x16xf32>,
      %get3A_250 = vector.shape_cast %get3A_249 : vector<1x16xf32> to vector<16xf32>
      %get3A_251 = arith.index_cast %add3A_206 : i32 to index
      %get3A_252 = arith.constant 48 : index
      %get3A_253 = tpu.vector_load %arg9[%get3A_251, %get3A_252] {strides = array<i32>} : memref<128x128xf32, #tpu.memory_space<vmem>>, vector<1x16xf32>,
      %get3A_254 = vector.shape_cast %get3A_253 : vector<1x16xf32> to vector<16xf32>
      %mul3A_255 = arith.mulf %get3A_250, %get3A_254 : vector<16xf32>
      %swap3A_256 = arith.index_cast %add3A_206 : i32 to index
      %swap3A_257 = arith.constant 48 : index
      %swap3A_258 = tpu.vector_load %arg10[%swap3A_256, %swap3A_257] {strides = array<i32>} : memref<128x128xf32, #tpu.memory_space<vmem>>, vector<1x16xf32>,
      %swap3A_259 = vector.shape_cast %swap3A_258 : vector<1x16xf32> to vector<16xf32>
      %swap3A_260 = vector.shape_cast %mul3A_255 : vector<16xf32> to vector<1x16xf32>
      tpu.vector_store %arg10[%swap3A_256, %swap3A_257], %swap3A_260 {strides = array<i32>} : memref<128x128xf32, #tpu.memory_space<vmem>>, vector<1x16xf32>,
      %get3A_261 = arith.index_cast %add3A_206 : i32 to index
      %get3A_262 = arith.constant 64 : index
      %get3A_263 = tpu.vector_load %arg10[%get3A_261, %get3A_262] {strides = array<i32>} : memref<128x128xf32, #tpu.memory_space<vmem>>, vector<1x16xf32>,
      %get3A_264 = vector.shape_cast %get3A_263 : vector<1x16xf32> to vector<16xf32>
      %get3A_265 = arith.index_cast %add3A_206 : i32 to index
      %get3A_266 = arith.constant 64 : index
      %get3A_267 = tpu.vector_load %arg9[%get3A_265, %get3A_266] {strides = array<i32>} : memref<128x128xf32, #tpu.memory_space<vmem>>, vector<1x16xf32>,
      %get3A_268 = vector.shape_cast %get3A_267 : vector<1x16xf32> to vector<16xf32>
      %mul3A_269 = arith.mulf %get3A_264, %get3A_268 : vector<16xf32>
      %swap3A_270 = arith.index_cast %add3A_206 : i32 to index
      %swap3A_271 = arith.constant 64 : index
      %swap3A_272 = tpu.vector_load %arg10[%swap3A_270, %swap3A_271] {strides = array<i32>} : memref<128x128xf32, #tpu.memory_space<vmem>>, vector<1x16xf32>,
      %swap3A_273 = vector.shape_cast %swap3A_272 : vector<1x16xf32> to vector<16xf32>
      %swap3A_274 = vector.shape_cast %mul3A_269 : vector<16xf32> to vector<1x16xf32>
      tpu.vector_store %arg10[%swap3A_270, %swap3A_271], %swap3A_274 {strides = array<i32>} : memref<128x128xf32, #tpu.memory_space<vmem>>, vector<1x16xf32>,
      %get3A_275 = arith.index_cast %add3A_206 : i32 to index
      %get3A_276 = arith.constant 80 : index
      %get3A_277 = tpu.vector_load %arg10[%get3A_275, %get3A_276] {strides = array<i32>} : memref<128x128xf32, #tpu.memory_space<vmem>>, vector<1x16xf32>,
      %get3A_278 = vector.shape_cast %get3A_277 : vector<1x16xf32> to vector<16xf32>
      %get3A_279 = arith.index_cast %add3A_206 : i32 to index
      %get3A_280 = arith.constant 80 : index
      %get3A_281 = tpu.vector_load %arg9[%get3A_279, %get3A_280] {strides = array<i32>} : memref<128x128xf32, #tpu.memory_space<vmem>>, vector<1x16xf32>,
      %get3A_282 = vector.shape_cast %get3A_281 : vector<1x16xf32> to vector<16xf32>
      %mul3A_283 = arith.mulf %get3A_278, %get3A_282 : vector<16xf32>
      %swap3A_284 = arith.index_cast %add3A_206 : i32 to index
      %swap3A_285 = arith.constant 80 : index
      %swap3A_286 = tpu.vector_load %arg10[%swap3A_284, %swap3A_285] {strides = array<i32>} : memref<128x128xf32, #tpu.memory_space<vmem>>, vector<1x16xf32>,
      %swap3A_287 = vector.shape_cast %swap3A_286 : vector<1x16xf32> to vector<16xf32>
      %swap3A_288 = vector.shape_cast %mul3A_283 : vector<16xf32> to vector<1x16xf32>
      tpu.vector_store %arg10[%swap3A_284, %swap3A_285], %swap3A_288 {strides = array<i32>} : memref<128x128xf32, #tpu.memory_space<vmem>>, vector<1x16xf32>,
      %get3A_289 = arith.index_cast %add3A_206 : i32 to index
      %get3A_290 = arith.constant 96 : index
      %get3A_291 = tpu.vector_load %arg10[%get3A_289, %get3A_290] {strides = array<i32>} : memref<128x128xf32, #tpu.memory_space<vmem>>, vector<1x16xf32>,
      %get3A_292 = vector.shape_cast %get3A_291 : vector<1x16xf32> to vector<16xf32>
      %get3A_293 = arith.index_cast %add3A_206 : i32 to index
      %get3A_294 = arith.constant 96 : index
      %get3A_295 = tpu.vector_load %arg9[%get3A_293, %get3A_294] {strides = array<i32>} : memref<128x128xf32, #tpu.memory_space<vmem>>, vector<1x16xf32>,
      %get3A_296 = vector.shape_cast %get3A_295 : vector<1x16xf32> to vector<16xf32>
      %mul3A_297 = arith.mulf %get3A_292, %get3A_296 : vector<16xf32>
      %swap3A_298 = arith.index_cast %add3A_206 : i32 to index
      %swap3A_299 = arith.constant 96 : index
      %swap3A_300 = tpu.vector_load %arg10[%swap3A_298, %swap3A_299] {strides = array<i32>} : memref<128x128xf32, #tpu.memory_space<vmem>>, vector<1x16xf32>,
      %swap3A_301 = vector.shape_cast %swap3A_300 : vector<1x16xf32> to vector<16xf32>
      %swap3A_302 = vector.shape_cast %mul3A_297 : vector<16xf32> to vector<1x16xf32>
      tpu.vector_store %arg10[%swap3A_298, %swap3A_299], %swap3A_302 {strides = array<i32>} : memref<128x128xf32, #tpu.memory_space<vmem>>, vector<1x16xf32>,
      %get3A_303 = arith.index_cast %add3A_206 : i32 to index
      %get3A_304 = arith.constant 112 : index
      %get3A_305 = tpu.vector_load %arg10[%get3A_303, %get3A_304] {strides = array<i32>} : memref<128x128xf32, #tpu.memory_space<vmem>>, vector<1x16xf32>,
      %get3A_306 = vector.shape_cast %get3A_305 : vector<1x16xf32> to vector<16xf32>
      %get3A_307 = arith.index_cast %add3A_206 : i32 to index
      %get3A_308 = arith.constant 112 : index
      %get3A_309 = tpu.vector_load %arg9[%get3A_307, %get3A_308] {strides = array<i32>} : memref<128x128xf32, #tpu.memory_space<vmem>>, vector<1x16xf32>,
      %get3A_310 = vector.shape_cast %get3A_309 : vector<1x16xf32> to vector<16xf32>
      %mul3A_311 = arith.mulf %get3A_306, %get3A_310 : vector<16xf32>
      %swap3A_312 = arith.index_cast %add3A_206 : i32 to index
      %swap3A_313 = arith.constant 112 : index
      %swap3A_314 = tpu.vector_load %arg10[%swap3A_312, %swap3A_313] {strides = array<i32>} : memref<128x128xf32, #tpu.memory_space<vmem>>, vector<1x16xf32>,
      %swap3A_315 = vector.shape_cast %swap3A_314 : vector<1x16xf32> to vector<16xf32>
      %swap3A_316 = vector.shape_cast %mul3A_311 : vector<16xf32> to vector<1x16xf32>
      tpu.vector_store %arg10[%swap3A_312, %swap3A_313], %swap3A_316 {strides = array<i32>} : memref<128x128xf32, #tpu.memory_space<vmem>>, vector<1x16xf32>,
    }
    %scan3A_189 = arith.constant 128 : i32
    %run_scoped3A = arith.constant 0 : i32
    "tpu.region"() ({
      %run_scoped3A_202 = tpu.sem_alloc : memref<!tpu.dma_semaphore, #tpu.memory_space<semaphore_mem>>
      %dma_start3A_203 = arith.constant 0 : i32
      %dma_start3A_204 = tpu.memref_slice %arg8[%run_scoped3A, %dma_start3A_203] : memref<2x128xi32, #tpu.memory_space<vmem>> -> memref<1x128xi32, #tpu.memory_space<vmem>>
      %dma_start3A_205 = tpu.memref_squeeze %dma_start3A_204 : memref<1x128xi32, #tpu.memory_space<vmem>> -> memref<128xi32, #tpu.memory_space<vmem>>
      %dma_start3A_206 = arith.constant 0 : i32
      %dma_start3A_207 = arith.constant 0 : i32
      %dma_start3A_208 = tpu.memref_slice %arg11[%dma_start3A_206, %dma_start3A_207] : memref<10000x128xf32, #tpu.memory_space<vmem_shared>> -> memref<10000x128xf32, #tpu.memory_space<vmem_shared>>
      tpu.enqueue_indirect_dma source(%arg10 : memref<128x128xf32, #tpu.memory_space<vmem>>) target(%dma_start3A_208 : memref<10000x128xf32, #tpu.memory_space<vmem_shared>>) offsets(%dma_start3A_205 : memref<128xi32, #tpu.memory_space<vmem>>) semaphore(%run_scoped3A_202 : memref<!tpu.dma_semaphore, #tpu.memory_space<semaphore_mem>>) {add = true}
      %dma_wait3A_209 = arith.constant 0 : i32
      %dma_wait3A_210 = tpu.memref_slice %arg8[%run_scoped3A, %dma_wait3A_209] : memref<2x128xi32, #tpu.memory_space<vmem>> -> memref<1x128xi32, #tpu.memory_space<vmem>>
      %dma_wait3A_211 = tpu.memref_squeeze %dma_wait3A_210 : memref<1x128xi32, #tpu.memory_space<vmem>> -> memref<128xi32, #tpu.memory_space<vmem>>
      %dma_wait3A_212 = arith.constant 0 : i32
      %dma_wait3A_213 = arith.constant 0 : i32
      %dma_wait3A_214 = tpu.memref_slice %arg11[%dma_wait3A_212, %dma_wait3A_213] : memref<10000x128xf32, #tpu.memory_space<vmem_shared>> -> memref<10000x128xf32, #tpu.memory_space<vmem_shared>>
      tpu.wait_indirect_dma semaphore(%run_scoped3A_202 : memref<!tpu.dma_semaphore, #tpu.memory_space<semaphore_mem>>) src(%arg10 : memref<128x128xf32, #tpu.memory_space<vmem>>) dst(%dma_wait3A_214 : memref<10000x128xf32, #tpu.memory_space<vmem_shared>>)
      tpu.yield
    }) : () -> ()
    %lt3A = arith.constant 2 : i32
    %lt3A_190 = arith.cmpi slt, %add3A, %lt3A : i32
    %convert_element_type3A = arith.extui %lt3A_190 : i1 to i32
    %cond3A = arith.constant 0 : i32
    %cond3A_191 = arith.cmpi ne, %convert_element_type3A, %cond3A : i32
    scf.if %cond3A_191 {
      %add3A_202 = arith.constant 39 : i32
      %add3A_203 = arith.addi %add3A_26, %add3A_202 : i32
      %mul3A_204 = arith.constant 128 : i32
      %mul3A_205 = arith.muli %add3A_203, %mul3A_204 : i32
      %dma_start3A_206 = arith.constant 0 : i32
      %dma_start3A_207 = arith.constant 0 : i32
      %dma_start3A_208 = tpu.memref_slice %arg7[%dma_start3A_206, %dma_start3A_207] : memref<2x128xi32, #tpu.memory_space<vmem>> -> memref<1x128xi32, #tpu.memory_space<vmem>>
      %dma_start3A_209 = tpu.memref_squeeze %dma_start3A_208 : memref<1x128xi32, #tpu.memory_space<vmem>> -> memref<128xi32, #tpu.memory_space<vmem>>
      %dma_start3A_210 = tpu.memref_slice %arg2[%mul3A_205] : memref<160000xi32, #tpu.memory_space<hbm>> -> memref<128xi32, #tpu.memory_space<hbm>>
      %dma_start3A_211 = arith.constant 0 : i32
      %dma_start3A_212 = tpu.memref_slice %arg7[%dma_start3A_206, %dma_start3A_211] : memref<2x128xi32, #tpu.memory_space<vmem>> -> memref<1x128xi32, #tpu.memory_space<vmem>>
      %dma_start3A_213 = tpu.memref_squeeze %dma_start3A_212 : memref<1x128xi32, #tpu.memory_space<vmem>> -> memref<128xi32, #tpu.memory_space<vmem>>
      %dma_start3A_214 = tpu.memref_slice %arg2[%mul3A_205] : memref<160000xi32, #tpu.memory_space<hbm>> -> memref<128xi32, #tpu.memory_space<hbm>>
      tpu.enqueue_dma source(%dma_start3A_214 : memref<128xi32, #tpu.memory_space<hbm>>) target(%dma_start3A_213 : memref<128xi32, #tpu.memory_space<vmem>>) target_semaphore(%arg14 : memref<!tpu.dma_semaphore, #tpu.memory_space<semaphore_mem>>)
      %dma_start3A_215 = arith.constant 0 : i32
      %dma_start3A_216 = arith.constant 0 : i32
      %dma_start3A_217 = tpu.memref_slice %arg8[%dma_start3A_215, %dma_start3A_216] : memref<2x128xi32, #tpu.memory_space<vmem>> -> memref<1x128xi32, #tpu.memory_space<vmem>>
      %dma_start3A_218 = tpu.memref_squeeze %dma_start3A_217 : memref<1x128xi32, #tpu.memory_space<vmem>> -> memref<128xi32, #tpu.memory_space<vmem>>
      %dma_start3A_219 = tpu.memref_slice %arg3[%mul3A_205] : memref<160000xi32, #tpu.memory_space<hbm>> -> memref<128xi32, #tpu.memory_space<hbm>>
      %dma_start3A_220 = arith.constant 0 : i32
      %dma_start3A_221 = tpu.memref_slice %arg8[%dma_start3A_215, %dma_start3A_220] : memref<2x128xi32, #tpu.memory_space<vmem>> -> memref<1x128xi32, #tpu.memory_space<vmem>>
      %dma_start3A_222 = tpu.memref_squeeze %dma_start3A_221 : memref<1x128xi32, #tpu.memory_space<vmem>> -> memref<128xi32, #tpu.memory_space<vmem>>
      %dma_start3A_223 = tpu.memref_slice %arg3[%mul3A_205] : memref<160000xi32, #tpu.memory_space<hbm>> -> memref<128xi32, #tpu.memory_space<hbm>>
      tpu.enqueue_dma source(%dma_start3A_223 : memref<128xi32, #tpu.memory_space<hbm>>) target(%dma_start3A_222 : memref<128xi32, #tpu.memory_space<vmem>>) target_semaphore(%arg14 : memref<!tpu.dma_semaphore, #tpu.memory_space<semaphore_mem>>)
      %add3A_224 = arith.constant 39 : i32
      %add3A_225 = arith.addi %add3A_26, %add3A_224 : i32
      %mul3A_226 = arith.constant 128 : i32
      %mul3A_227 = arith.muli %add3A_225, %mul3A_226 : i32
      %dma_wait3A_228 = arith.constant 0 : i32
      %dma_wait3A_229 = arith.constant 0 : i32
      %dma_wait3A_230 = tpu.memref_slice %arg7[%dma_wait3A_228, %dma_wait3A_229] : memref<2x128xi32, #tpu.memory_space<vmem>> -> memref<1x128xi32, #tpu.memory_space<vmem>>
      %dma_wait3A_231 = tpu.memref_squeeze %dma_wait3A_230 : memref<1x128xi32, #tpu.memory_space<vmem>> -> memref<128xi32, #tpu.memory_space<vmem>>
      %dma_wait3A_232 = tpu.memref_slice %arg2[%mul3A_227] : memref<160000xi32, #tpu.memory_space<hbm>> -> memref<128xi32, #tpu.memory_space<hbm>>
      %dma_wait3A_233 = arith.constant 0 : i32
      %dma_wait3A_234 = tpu.memref_slice %arg7[%dma_wait3A_228, %dma_wait3A_233] : memref<2x128xi32, #tpu.memory_space<vmem>> -> memref<1x128xi32, #tpu.memory_space<vmem>>
      %dma_wait3A_235 = tpu.memref_squeeze %dma_wait3A_234 : memref<1x128xi32, #tpu.memory_space<vmem>> -> memref<128xi32, #tpu.memory_space<vmem>>
      %dma_wait3A_236 = tpu.memref_slice %arg2[%mul3A_227] : memref<160000xi32, #tpu.memory_space<hbm>> -> memref<128xi32, #tpu.memory_space<hbm>>
      tpu.wait_dma2 semaphore(%arg14 : memref<!tpu.dma_semaphore, #tpu.memory_space<semaphore_mem>>) src(%dma_wait3A_236 : memref<128xi32, #tpu.memory_space<hbm>>) dst(%dma_wait3A_235 : memref<128xi32, #tpu.memory_space<vmem>>)
      %dma_wait3A_237 = arith.constant 0 : i32
      %dma_wait3A_238 = arith.constant 0 : i32
      %dma_wait3A_239 = tpu.memref_slice %arg8[%dma_wait3A_237, %dma_wait3A_238] : memref<2x128xi32, #tpu.memory_space<vmem>> -> memref<1x128xi32, #tpu.memory_space<vmem>>
      %dma_wait3A_240 = tpu.memref_squeeze %dma_wait3A_239 : memref<1x128xi32, #tpu.memory_space<vmem>> -> memref<128xi32, #tpu.memory_space<vmem>>
      %dma_wait3A_241 = tpu.memref_slice %arg3[%mul3A_227] : memref<160000xi32, #tpu.memory_space<hbm>> -> memref<128xi32, #tpu.memory_space<hbm>>
      %dma_wait3A_242 = arith.constant 0 : i32
      %dma_wait3A_243 = tpu.memref_slice %arg8[%dma_wait3A_237, %dma_wait3A_242] : memref<2x128xi32, #tpu.memory_space<vmem>> -> memref<1x128xi32, #tpu.memory_space<vmem>>
      %dma_wait3A_244 = tpu.memref_squeeze %dma_wait3A_243 : memref<1x128xi32, #tpu.memory_space<vmem>> -> memref<128xi32, #tpu.memory_space<vmem>>
      %dma_wait3A_245 = tpu.memref_slice %arg3[%mul3A_227] : memref<160000xi32, #tpu.memory_space<hbm>> -> memref<128xi32, #tpu.memory_space<hbm>>
      tpu.wait_dma2 semaphore(%arg14 : memref<!tpu.dma_semaphore, #tpu.memory_space<semaphore_mem>>) src(%dma_wait3A_245 : memref<128xi32, #tpu.memory_space<hbm>>) dst(%dma_wait3A_244 : memref<128xi32, #tpu.memory_space<vmem>>)
      %dma_start3A_246 = arith.constant 0 : i32
      %dma_start3A_247 = arith.constant 0 : i32
      %dma_start3A_248 = tpu.memref_slice %arg7[%dma_start3A_246, %dma_start3A_247] : memref<2x128xi32, #tpu.memory_space<vmem>> -> memref<1x128xi32, #tpu.memory_space<vmem>>
      %dma_start3A_249 = tpu.memref_squeeze %dma_start3A_248 : memref<1x128xi32, #tpu.memory_space<vmem>> -> memref<128xi32, #tpu.memory_space<vmem>>
      %dma_start3A_250 = arith.constant 0 : i32
      %dma_start3A_251 = arith.constant 0 : i32
      %dma_start3A_252 = tpu.memref_slice %arg4[%dma_start3A_250, %dma_start3A_251] : memref<10000x128xf32, #tpu.memory_space<hbm>> -> memref<10000x128xf32, #tpu.memory_space<hbm>>
      tpu.enqueue_indirect_dma source(%dma_start3A_252 : memref<10000x128xf32, #tpu.memory_space<hbm>>) target(%arg9 : memref<128x128xf32, #tpu.memory_space<vmem>>) offsets(%dma_start3A_249 : memref<128xi32, #tpu.memory_space<vmem>>) semaphore(%arg12 : memref<!tpu.dma_semaphore, #tpu.memory_space<semaphore_mem>>)
      %dma_wait3A_253 = arith.constant 0 : i32
      %dma_wait3A_254 = arith.constant 0 : i32
      %dma_wait3A_255 = tpu.memref_slice %arg7[%dma_wait3A_253, %dma_wait3A_254] : memref<2x128xi32, #tpu.memory_space<vmem>> -> memref<1x128xi32, #tpu.memory_space<vmem>>
      %dma_wait3A_256 = tpu.memref_squeeze %dma_wait3A_255 : memref<1x128xi32, #tpu.memory_space<vmem>> -> memref<128xi32, #tpu.memory_space<vmem>>
      %dma_wait3A_257 = arith.constant 0 : i32
      %dma_wait3A_258 = arith.constant 0 : i32
      %dma_wait3A_259 = tpu.memref_slice %arg4[%dma_wait3A_257, %dma_wait3A_258] : memref<10000x128xf32, #tpu.memory_space<hbm>> -> memref<10000x128xf32, #tpu.memory_space<hbm>>
      tpu.wait_indirect_dma semaphore(%arg12 : memref<!tpu.dma_semaphore, #tpu.memory_space<semaphore_mem>>) src(%dma_wait3A_259 : memref<10000x128xf32, #tpu.memory_space<hbm>>) dst(%arg9 : memref<128x128xf32, #tpu.memory_space<vmem>>)
      %add3A_260 = arith.constant 39 : i32
      %add3A_261 = arith.addi %add3A_26, %add3A_260 : i32
      %mul3A_262 = arith.constant 128 : i32
      %mul3A_263 = arith.muli %add3A_261, %mul3A_262 : i32
      %dma_start3A_264 = arith.constant 0 : i32
      %dma_start3A_265 = tpu.memref_slice %arg5[%mul3A_263, %dma_start3A_264] : memref<160000x128xf32, #tpu.memory_space<hbm>> -> memref<128x128xf32, #tpu.memory_space<hbm>>
      %dma_start3A_266 = arith.constant 0 : i32
      %dma_start3A_267 = tpu.memref_slice %arg5[%mul3A_263, %dma_start3A_266] : memref<160000x128xf32, #tpu.memory_space<hbm>> -> memref<128x128xf32, #tpu.memory_space<hbm>>
      tpu.enqueue_dma source(%dma_start3A_267 : memref<128x128xf32, #tpu.memory_space<hbm>>) target(%arg10 : memref<128x128xf32, #tpu.memory_space<vmem>>) target_semaphore(%arg13 : memref<!tpu.dma_semaphore, #tpu.memory_space<semaphore_mem>>)
      %add3A_268 = arith.constant 39 : i32
      %add3A_269 = arith.addi %add3A_26, %add3A_268 : i32
      %mul3A_270 = arith.constant 128 : i32
      %mul3A_271 = arith.muli %add3A_269, %mul3A_270 : i32
      %dma_wait3A_272 = arith.constant 0 : i32
      %dma_wait3A_273 = tpu.memref_slice %arg5[%mul3A_271, %dma_wait3A_272] : memref<160000x128xf32, #tpu.memory_space<hbm>> -> memref<128x128xf32, #tpu.memory_space<hbm>>
      %dma_wait3A_274 = arith.constant 0 : i32
      %dma_wait3A_275 = tpu.memref_slice %arg5[%mul3A_271, %dma_wait3A_274] : memref<160000x128xf32, #tpu.memory_space<hbm>> -> memref<128x128xf32, #tpu.memory_space<hbm>>
      tpu.wait_dma2 semaphore(%arg13 : memref<!tpu.dma_semaphore, #tpu.memory_space<semaphore_mem>>) src(%dma_wait3A_275 : memref<128x128xf32, #tpu.memory_space<hbm>>) dst(%arg10 : memref<128x128xf32, #tpu.memory_space<vmem>>)
      %scan3A_276 = arith.constant 0 : i32
      %scan3A_277 = arith.constant 128 : i32
      %scan3A_278 = arith.addi %scan3A_276, %scan3A_277 : i32
      %scan3A_279 = arith.constant 1 : i32
      scf.for %scan3A_282 = %scan3A_276 to %scan3A_278 step %scan3A_279  : i32 {
        %mul3A_283 = arith.constant 1 : i32
        %mul3A_284 = arith.muli %scan3A_282, %mul3A_283 : i32
        %add3A_285 = arith.constant 0 : i32
        %add3A_286 = arith.addi %add3A_285, %mul3A_284 : i32
        %get3A = arith.index_cast %add3A_286 : i32 to index
        %get3A_287 = arith.constant 0 : index
        %get3A_288 = tpu.vector_load %arg10[%get3A, %get3A_287] {strides = array<i32>} : memref<128x128xf32, #tpu.memory_space<vmem>>, vector<1x16xf32>,
        %get3A_289 = vector.shape_cast %get3A_288 : vector<1x16xf32> to vector<16xf32>
        %get3A_290 = arith.index_cast %add3A_286 : i32 to index
        %get3A_291 = arith.constant 0 : index
        %get3A_292 = tpu.vector_load %arg9[%get3A_290, %get3A_291] {strides = array<i32>} : memref<128x128xf32, #tpu.memory_space<vmem>>, vector<1x16xf32>,
        %get3A_293 = vector.shape_cast %get3A_292 : vector<1x16xf32> to vector<16xf32>
        %mul3A_294 = arith.mulf %get3A_289, %get3A_293 : vector<16xf32>
        %swap3A = arith.index_cast %add3A_286 : i32 to index
        %swap3A_295 = arith.constant 0 : index
        %swap3A_296 = tpu.vector_load %arg10[%swap3A, %swap3A_295] {strides = array<i32>} : memref<128x128xf32, #tpu.memory_space<vmem>>, vector<1x16xf32>,
        %swap3A_297 = vector.shape_cast %swap3A_296 : vector<1x16xf32> to vector<16xf32>
        %swap3A_298 = vector.shape_cast %mul3A_294 : vector<16xf32> to vector<1x16xf32>
        tpu.vector_store %arg10[%swap3A, %swap3A_295], %swap3A_298 {strides = array<i32>} : memref<128x128xf32, #tpu.memory_space<vmem>>, vector<1x16xf32>,
        %get3A_299 = arith.index_cast %add3A_286 : i32 to index
        %get3A_300 = arith.constant 16 : index
        %get3A_301 = tpu.vector_load %arg10[%get3A_299, %get3A_300] {strides = array<i32>} : memref<128x128xf32, #tpu.memory_space<vmem>>, vector<1x16xf32>,
        %get3A_302 = vector.shape_cast %get3A_301 : vector<1x16xf32> to vector<16xf32>
        %get3A_303 = arith.index_cast %add3A_286 : i32 to index
        %get3A_304 = arith.constant 16 : index
        %get3A_305 = tpu.vector_load %arg9[%get3A_303, %get3A_304] {strides = array<i32>} : memref<128x128xf32, #tpu.memory_space<vmem>>, vector<1x16xf32>,
        %get3A_306 = vector.shape_cast %get3A_305 : vector<1x16xf32> to vector<16xf32>
        %mul3A_307 = arith.mulf %get3A_302, %get3A_306 : vector<16xf32>
        %swap3A_308 = arith.index_cast %add3A_286 : i32 to index
        %swap3A_309 = arith.constant 16 : index
        %swap3A_310 = tpu.vector_load %arg10[%swap3A_308, %swap3A_309] {strides = array<i32>} : memref<128x128xf32, #tpu.memory_space<vmem>>, vector<1x16xf32>,
        %swap3A_311 = vector.shape_cast %swap3A_310 : vector<1x16xf32> to vector<16xf32>
        %swap3A_312 = vector.shape_cast %mul3A_307 : vector<16xf32> to vector<1x16xf32>
        tpu.vector_store %arg10[%swap3A_308, %swap3A_309], %swap3A_312 {strides = array<i32>} : memref<128x128xf32, #tpu.memory_space<vmem>>, vector<1x16xf32>,
        %get3A_313 = arith.index_cast %add3A_286 : i32 to index
        %get3A_314 = arith.constant 32 : index
        %get3A_315 = tpu.vector_load %arg10[%get3A_313, %get3A_314] {strides = array<i32>} : memref<128x128xf32, #tpu.memory_space<vmem>>, vector<1x16xf32>,
        %get3A_316 = vector.shape_cast %get3A_315 : vector<1x16xf32> to vector<16xf32>
        %get3A_317 = arith.index_cast %add3A_286 : i32 to index
        %get3A_318 = arith.constant 32 : index
        %get3A_319 = tpu.vector_load %arg9[%get3A_317, %get3A_318] {strides = array<i32>} : memref<128x128xf32, #tpu.memory_space<vmem>>, vector<1x16xf32>,
        %get3A_320 = vector.shape_cast %get3A_319 : vector<1x16xf32> to vector<16xf32>
        %mul3A_321 = arith.mulf %get3A_316, %get3A_320 : vector<16xf32>
        %swap3A_322 = arith.index_cast %add3A_286 : i32 to index
        %swap3A_323 = arith.constant 32 : index
        %swap3A_324 = tpu.vector_load %arg10[%swap3A_322, %swap3A_323] {strides = array<i32>} : memref<128x128xf32, #tpu.memory_space<vmem>>, vector<1x16xf32>,
        %swap3A_325 = vector.shape_cast %swap3A_324 : vector<1x16xf32> to vector<16xf32>
        %swap3A_326 = vector.shape_cast %mul3A_321 : vector<16xf32> to vector<1x16xf32>
        tpu.vector_store %arg10[%swap3A_322, %swap3A_323], %swap3A_326 {strides = array<i32>} : memref<128x128xf32, #tpu.memory_space<vmem>>, vector<1x16xf32>,
        %get3A_327 = arith.index_cast %add3A_286 : i32 to index
        %get3A_328 = arith.constant 48 : index
        %get3A_329 = tpu.vector_load %arg10[%get3A_327, %get3A_328] {strides = array<i32>} : memref<128x128xf32, #tpu.memory_space<vmem>>, vector<1x16xf32>,
        %get3A_330 = vector.shape_cast %get3A_329 : vector<1x16xf32> to vector<16xf32>
        %get3A_331 = arith.index_cast %add3A_286 : i32 to index
        %get3A_332 = arith.constant 48 : index
        %get3A_333 = tpu.vector_load %arg9[%get3A_331, %get3A_332] {strides = array<i32>} : memref<128x128xf32, #tpu.memory_space<vmem>>, vector<1x16xf32>,
        %get3A_334 = vector.shape_cast %get3A_333 : vector<1x16xf32> to vector<16xf32>
        %mul3A_335 = arith.mulf %get3A_330, %get3A_334 : vector<16xf32>
        %swap3A_336 = arith.index_cast %add3A_286 : i32 to index
        %swap3A_337 = arith.constant 48 : index
        %swap3A_338 = tpu.vector_load %arg10[%swap3A_336, %swap3A_337] {strides = array<i32>} : memref<128x128xf32, #tpu.memory_space<vmem>>, vector<1x16xf32>,
        %swap3A_339 = vector.shape_cast %swap3A_338 : vector<1x16xf32> to vector<16xf32>
        %swap3A_340 = vector.shape_cast %mul3A_335 : vector<16xf32> to vector<1x16xf32>
        tpu.vector_store %arg10[%swap3A_336, %swap3A_337], %swap3A_340 {strides = array<i32>} : memref<128x128xf32, #tpu.memory_space<vmem>>, vector<1x16xf32>,
        %get3A_341 = arith.index_cast %add3A_286 : i32 to index
        %get3A_342 = arith.constant 64 : index
        %get3A_343 = tpu.vector_load %arg10[%get3A_341, %get3A_342] {strides = array<i32>} : memref<128x128xf32, #tpu.memory_space<vmem>>, vector<1x16xf32>,
        %get3A_344 = vector.shape_cast %get3A_343 : vector<1x16xf32> to vector<16xf32>
        %get3A_345 = arith.index_cast %add3A_286 : i32 to index
        %get3A_346 = arith.constant 64 : index
        %get3A_347 = tpu.vector_load %arg9[%get3A_345, %get3A_346] {strides = array<i32>} : memref<128x128xf32, #tpu.memory_space<vmem>>, vector<1x16xf32>,
        %get3A_348 = vector.shape_cast %get3A_347 : vector<1x16xf32> to vector<16xf32>
        %mul3A_349 = arith.mulf %get3A_344, %get3A_348 : vector<16xf32>
        %swap3A_350 = arith.index_cast %add3A_286 : i32 to index
        %swap3A_351 = arith.constant 64 : index
        %swap3A_352 = tpu.vector_load %arg10[%swap3A_350, %swap3A_351] {strides = array<i32>} : memref<128x128xf32, #tpu.memory_space<vmem>>, vector<1x16xf32>,
        %swap3A_353 = vector.shape_cast %swap3A_352 : vector<1x16xf32> to vector<16xf32>
        %swap3A_354 = vector.shape_cast %mul3A_349 : vector<16xf32> to vector<1x16xf32>
        tpu.vector_store %arg10[%swap3A_350, %swap3A_351], %swap3A_354 {strides = array<i32>} : memref<128x128xf32, #tpu.memory_space<vmem>>, vector<1x16xf32>,
        %get3A_355 = arith.index_cast %add3A_286 : i32 to index
        %get3A_356 = arith.constant 80 : index
        %get3A_357 = tpu.vector_load %arg10[%get3A_355, %get3A_356] {strides = array<i32>} : memref<128x128xf32, #tpu.memory_space<vmem>>, vector<1x16xf32>,
        %get3A_358 = vector.shape_cast %get3A_357 : vector<1x16xf32> to vector<16xf32>
        %get3A_359 = arith.index_cast %add3A_286 : i32 to index
        %get3A_360 = arith.constant 80 : index
        %get3A_361 = tpu.vector_load %arg9[%get3A_359, %get3A_360] {strides = array<i32>} : memref<128x128xf32, #tpu.memory_space<vmem>>, vector<1x16xf32>,
        %get3A_362 = vector.shape_cast %get3A_361 : vector<1x16xf32> to vector<16xf32>
        %mul3A_363 = arith.mulf %get3A_358, %get3A_362 : vector<16xf32>
        %swap3A_364 = arith.index_cast %add3A_286 : i32 to index
        %swap3A_365 = arith.constant 80 : index
        %swap3A_366 = tpu.vector_load %arg10[%swap3A_364, %swap3A_365] {strides = array<i32>} : memref<128x128xf32, #tpu.memory_space<vmem>>, vector<1x16xf32>,
        %swap3A_367 = vector.shape_cast %swap3A_366 : vector<1x16xf32> to vector<16xf32>
        %swap3A_368 = vector.shape_cast %mul3A_363 : vector<16xf32> to vector<1x16xf32>
        tpu.vector_store %arg10[%swap3A_364, %swap3A_365], %swap3A_368 {strides = array<i32>} : memref<128x128xf32, #tpu.memory_space<vmem>>, vector<1x16xf32>,
        %get3A_369 = arith.index_cast %add3A_286 : i32 to index
        %get3A_370 = arith.constant 96 : index
        %get3A_371 = tpu.vector_load %arg10[%get3A_369, %get3A_370] {strides = array<i32>} : memref<128x128xf32, #tpu.memory_space<vmem>>, vector<1x16xf32>,
        %get3A_372 = vector.shape_cast %get3A_371 : vector<1x16xf32> to vector<16xf32>
        %get3A_373 = arith.index_cast %add3A_286 : i32 to index
        %get3A_374 = arith.constant 96 : index
        %get3A_375 = tpu.vector_load %arg9[%get3A_373, %get3A_374] {strides = array<i32>} : memref<128x128xf32, #tpu.memory_space<vmem>>, vector<1x16xf32>,
        %get3A_376 = vector.shape_cast %get3A_375 : vector<1x16xf32> to vector<16xf32>
        %mul3A_377 = arith.mulf %get3A_372, %get3A_376 : vector<16xf32>
        %swap3A_378 = arith.index_cast %add3A_286 : i32 to index
        %swap3A_379 = arith.constant 96 : index
        %swap3A_380 = tpu.vector_load %arg10[%swap3A_378, %swap3A_379] {strides = array<i32>} : memref<128x128xf32, #tpu.memory_space<vmem>>, vector<1x16xf32>,
        %swap3A_381 = vector.shape_cast %swap3A_380 : vector<1x16xf32> to vector<16xf32>
        %swap3A_382 = vector.shape_cast %mul3A_377 : vector<16xf32> to vector<1x16xf32>
        tpu.vector_store %arg10[%swap3A_378, %swap3A_379], %swap3A_382 {strides = array<i32>} : memref<128x128xf32, #tpu.memory_space<vmem>>, vector<1x16xf32>,
        %get3A_383 = arith.index_cast %add3A_286 : i32 to index
        %get3A_384 = arith.constant 112 : index
        %get3A_385 = tpu.vector_load %arg10[%get3A_383, %get3A_384] {strides = array<i32>} : memref<128x128xf32, #tpu.memory_space<vmem>>, vector<1x16xf32>,
        %get3A_386 = vector.shape_cast %get3A_385 : vector<1x16xf32> to vector<16xf32>
        %get3A_387 = arith.index_cast %add3A_286 : i32 to index
        %get3A_388 = arith.constant 112 : index
        %get3A_389 = tpu.vector_load %arg9[%get3A_387, %get3A_388] {strides = array<i32>} : memref<128x128xf32, #tpu.memory_space<vmem>>, vector<1x16xf32>,
        %get3A_390 = vector.shape_cast %get3A_389 : vector<1x16xf32> to vector<16xf32>
        %mul3A_391 = arith.mulf %get3A_386, %get3A_390 : vector<16xf32>
        %swap3A_392 = arith.index_cast %add3A_286 : i32 to index
        %swap3A_393 = arith.constant 112 : index
        %swap3A_394 = tpu.vector_load %arg10[%swap3A_392, %swap3A_393] {strides = array<i32>} : memref<128x128xf32, #tpu.memory_space<vmem>>, vector<1x16xf32>,
        %swap3A_395 = vector.shape_cast %swap3A_394 : vector<1x16xf32> to vector<16xf32>
        %swap3A_396 = vector.shape_cast %mul3A_391 : vector<16xf32> to vector<1x16xf32>
        tpu.vector_store %arg10[%swap3A_392, %swap3A_393], %swap3A_396 {strides = array<i32>} : memref<128x128xf32, #tpu.memory_space<vmem>>, vector<1x16xf32>,
      }
      %scan3A_280 = arith.constant 128 : i32
      %run_scoped3A_281 = arith.constant 0 : i32
      "tpu.region"() ({
        %run_scoped3A_282 = tpu.sem_alloc : memref<!tpu.dma_semaphore, #tpu.memory_space<semaphore_mem>>
        %dma_start3A_283 = arith.constant 0 : i32
        %dma_start3A_284 = tpu.memref_slice %arg8[%run_scoped3A_281, %dma_start3A_283] : memref<2x128xi32, #tpu.memory_space<vmem>> -> memref<1x128xi32, #tpu.memory_space<vmem>>
        %dma_start3A_285 = tpu.memref_squeeze %dma_start3A_284 : memref<1x128xi32, #tpu.memory_space<vmem>> -> memref<128xi32, #tpu.memory_space<vmem>>
        %dma_start3A_286 = arith.constant 0 : i32
        %dma_start3A_287 = arith.constant 0 : i32
        %dma_start3A_288 = tpu.memref_slice %arg11[%dma_start3A_286, %dma_start3A_287] : memref<10000x128xf32, #tpu.memory_space<vmem_shared>> -> memref<10000x128xf32, #tpu.memory_space<vmem_shared>>
        tpu.enqueue_indirect_dma source(%arg10 : memref<128x128xf32, #tpu.memory_space<vmem>>) target(%dma_start3A_288 : memref<10000x128xf32, #tpu.memory_space<vmem_shared>>) offsets(%dma_start3A_285 : memref<128xi32, #tpu.memory_space<vmem>>) semaphore(%run_scoped3A_282 : memref<!tpu.dma_semaphore, #tpu.memory_space<semaphore_mem>>) {add = true}
        %dma_wait3A_289 = arith.constant 0 : i32
        %dma_wait3A_290 = tpu.memref_slice %arg8[%run_scoped3A_281, %dma_wait3A_289] : memref<2x128xi32, #tpu.memory_space<vmem>> -> memref<1x128xi32, #tpu.memory_space<vmem>>
        %dma_wait3A_291 = tpu.memref_squeeze %dma_wait3A_290 : memref<1x128xi32, #tpu.memory_space<vmem>> -> memref<128xi32, #tpu.memory_space<vmem>>
        %dma_wait3A_292 = arith.constant 0 : i32
        %dma_wait3A_293 = arith.constant 0 : i32
        %dma_wait3A_294 = tpu.memref_slice %arg11[%dma_wait3A_292, %dma_wait3A_293] : memref<10000x128xf32, #tpu.memory_space<vmem_shared>> -> memref<10000x128xf32, #tpu.memory_space<vmem_shared>>
        tpu.wait_indirect_dma semaphore(%run_scoped3A_282 : memref<!tpu.dma_semaphore, #tpu.memory_space<semaphore_mem>>) src(%arg10 : memref<128x128xf32, #tpu.memory_space<vmem>>) dst(%dma_wait3A_294 : memref<10000x128xf32, #tpu.memory_space<vmem_shared>>)
        tpu.yield
      }) : () -> ()
    } else {
    }
    %barrier3A_192 = arith.constant 0 : index
    tpu.barrier barrier_id(%barrier3A_192)
    %eq3A_193 = arith.constant 15 : i32
    %eq3A_194 = arith.cmpi eq, %arg1, %eq3A_193 : i32
    %convert_element_type3A_195 = arith.extui %eq3A_194 : i1 to i32
    %cond3A_196 = arith.constant 0 : i32
    %cond3A_197 = arith.cmpi ne, %convert_element_type3A_195, %cond3A_196 : i32
    scf.if %cond3A_197 {
      "tpu.region"() ({
        %run_scoped3A_202 = tpu.sem_alloc : memref<!tpu.dma_semaphore, #tpu.memory_space<semaphore_mem>>
        %dma_start3A_203 = arith.constant 9360 : i32
        %dma_start3A_204 = arith.constant 0 : i32
        %dma_start3A_205 = tpu.memref_slice %arg6[%arg0, %dma_start3A_203, %dma_start3A_204] : memref<2x10000x128xf32, #tpu.memory_space<hbm>> -> memref<1x640x128xf32, #tpu.memory_space<hbm>>
        %dma_start3A_206 = tpu.memref_squeeze %dma_start3A_205 : memref<1x640x128xf32, #tpu.memory_space<hbm>> -> memref<640x128xf32, #tpu.memory_space<hbm>>
        %dma_start3A_207 = arith.constant 9360 : i32
        %dma_start3A_208 = arith.constant 0 : i32
        %dma_start3A_209 = tpu.memref_slice %arg11[%dma_start3A_207, %dma_start3A_208] : memref<10000x128xf32, #tpu.memory_space<vmem_shared>> -> memref<640x128xf32, #tpu.memory_space<vmem_shared>>
        tpu.enqueue_dma source(%dma_start3A_209 : memref<640x128xf32, #tpu.memory_space<vmem_shared>>) target(%dma_start3A_206 : memref<640x128xf32, #tpu.memory_space<hbm>>) target_semaphore(%run_scoped3A_202 : memref<!tpu.dma_semaphore, #tpu.memory_space<semaphore_mem>>)
        %dma_wait3A_210 = arith.constant 9360 : i32
        %dma_wait3A_211 = arith.constant 0 : i32
        %dma_wait3A_212 = tpu.memref_slice %arg6[%arg0, %dma_wait3A_210, %dma_wait3A_211] : memref<2x10000x128xf32, #tpu.memory_space<hbm>> -> memref<1x640x128xf32, #tpu.memory_space<hbm>>
        %dma_wait3A_213 = tpu.memref_squeeze %dma_wait3A_212 : memref<1x640x128xf32, #tpu.memory_space<hbm>> -> memref<640x128xf32, #tpu.memory_space<hbm>>
        %dma_wait3A_214 = arith.constant 9360 : i32
        %dma_wait3A_215 = arith.constant 0 : i32
        %dma_wait3A_216 = tpu.memref_slice %arg11[%dma_wait3A_214, %dma_wait3A_215] : memref<10000x128xf32, #tpu.memory_space<vmem_shared>> -> memref<640x128xf32, #tpu.memory_space<vmem_shared>>
        tpu.wait_dma2 semaphore(%run_scoped3A_202 : memref<!tpu.dma_semaphore, #tpu.memory_space<semaphore_mem>>) src(%dma_wait3A_216 : memref<640x128xf32, #tpu.memory_space<vmem_shared>>) dst(%dma_wait3A_213 : memref<640x128xf32, #tpu.memory_space<hbm>>)
        tpu.yield
      }) : () -> ()
    } else {
    }
    %ne3A = arith.constant 15 : i32
    %ne3A_198 = arith.cmpi ne, %arg1, %ne3A : i32
    %convert_element_type3A_199 = arith.extui %ne3A_198 : i1 to i32
    %cond3A_200 = arith.constant 0 : i32
    %cond3A_201 = arith.cmpi ne, %convert_element_type3A_199, %cond3A_200 : i32
    scf.if %cond3A_201 {
      %mul3A_202 = arith.constant 624 : i32
      %mul3A_203 = arith.muli %arg1, %mul3A_202 : i32
      %mul3A_204 = arith.constant 624 : i32
      %mul3A_205 = arith.muli %arg1, %mul3A_204 : i32
      "tpu.region"() ({
        %run_scoped3A_206 = tpu.sem_alloc : memref<!tpu.dma_semaphore, #tpu.memory_space<semaphore_mem>>
        %dma_start3A_207 = arith.constant 0 : i32
        %dma_start3A_208 = tpu.memref_slice %arg6[%arg0, %mul3A_205, %dma_start3A_207] : memref<2x10000x128xf32, #tpu.memory_space<hbm>> -> memref<1x624x128xf32, #tpu.memory_space<hbm>>
        %dma_start3A_209 = tpu.memref_squeeze %dma_start3A_208 : memref<1x624x128xf32, #tpu.memory_space<hbm>> -> memref<624x128xf32, #tpu.memory_space<hbm>>
        %dma_start3A_210 = arith.constant 0 : i32
        %dma_start3A_211 = tpu.memref_slice %arg11[%mul3A_203, %dma_start3A_210] : memref<10000x128xf32, #tpu.memory_space<vmem_shared>> -> memref<624x128xf32, #tpu.memory_space<vmem_shared>>
        tpu.enqueue_dma source(%dma_start3A_211 : memref<624x128xf32, #tpu.memory_space<vmem_shared>>) target(%dma_start3A_209 : memref<624x128xf32, #tpu.memory_space<hbm>>) target_semaphore(%run_scoped3A_206 : memref<!tpu.dma_semaphore, #tpu.memory_space<semaphore_mem>>)
        %dma_wait3A_212 = arith.constant 0 : i32
        %dma_wait3A_213 = tpu.memref_slice %arg6[%arg0, %mul3A_205, %dma_wait3A_212] : memref<2x10000x128xf32, #tpu.memory_space<hbm>> -> memref<1x624x128xf32, #tpu.memory_space<hbm>>
        %dma_wait3A_214 = tpu.memref_squeeze %dma_wait3A_213 : memref<1x624x128xf32, #tpu.memory_space<hbm>> -> memref<624x128xf32, #tpu.memory_space<hbm>>
        %dma_wait3A_215 = arith.constant 0 : i32
        %dma_wait3A_216 = tpu.memref_slice %arg11[%mul3A_203, %dma_wait3A_215] : memref<10000x128xf32, #tpu.memory_space<vmem_shared>> -> memref<624x128xf32, #tpu.memory_space<vmem_shared>>
        tpu.wait_dma2 semaphore(%run_scoped3A_206 : memref<!tpu.dma_semaphore, #tpu.memory_space<semaphore_mem>>) src(%dma_wait3A_216 : memref<624x128xf32, #tpu.memory_space<vmem_shared>>) dst(%dma_wait3A_214 : memref<624x128xf32, #tpu.memory_space<hbm>>)
        tpu.yield
      }) : () -> ()
    } else {
    }
    return
  }
}

module attributes {stable_mosaic.version = 14 : i64} {
  func.func @body(%arg0: i32, %arg1: memref<1x3x2000xf32, #tpu.memory_space<vmem>>, %arg2: memref<51x128xf32, #tpu.memory_space<vmem>>, %arg3: memref<2000x128xf32, #tpu.memory_space<vmem>>) attributes {dimension_semantics = [#tpu.dimension_semantics<arbitrary>], iteration_bounds = array<i64: 80>, scalar_prefetch = 0 : i64, scratch_operands = 0 : i64, tpu.core_type = #tpu.core_type<tc>, window_params = [{transform_indices = @transform_0, window_bounds = array<i64: 1, 3, 2000>}, {pipeline_mode = #tpu.pipeline_mode<synchronous>, transform_indices = @transform_1, window_bounds = array<i64: 51, 128>}, {transform_indices = @transform_2, window_bounds = array<i64: 2000, 128>}]} {
    %get3A = arith.constant 0 : index
    %get3A_0 = arith.constant 0 : index
    %get3A_1 = arith.constant 0 : index
    %get3A_2 = vector.load %arg1[%get3A, %get3A_0, %get3A_1] : memref<1x3x2000xf32, #tpu.memory_space<vmem>>, vector<1x3x2000xf32>
    %get3A_3 = vector.shape_cast %get3A_2 : vector<1x3x2000xf32> to vector<3x2000xf32>
    %mul3A = arith.mulf %get3A_3, %get3A_3 : vector<3x2000xf32>
    %reduce_sum3A = arith.constant dense<0.000000e+00> : vector<2000xf32>
    %reduce_sum3A_4 = vector.multi_reduction <add>, %mul3A, %reduce_sum3A [0] : vector<3x2000xf32> to vector<2000xf32>
    %broadcast_in_dim3A = vector.shape_cast %reduce_sum3A_4 : vector<2000xf32> to vector<1x2000xf32>
    %add3A = arith.constant 3.000000e-15 : f32
    %add3A_5 = vector.broadcast %add3A : f32 to vector<1x2000xf32>
    %add3A_6 = arith.addf %broadcast_in_dim3A, %add3A_5 : vector<1x2000xf32>
    %sqrt3A = math.sqrt %add3A_6 : vector<1x2000xf32>
    %mul3A_7 = arith.constant 4.000000e-02 : f32
    %mul3A_8 = vector.broadcast %mul3A_7 : f32 to vector<1x2000xf32>
    %mul3A_9 = arith.mulf %add3A_6, %mul3A_8 : vector<1x2000xf32>
    %min3A = arith.constant 1.000000e+00 : f32
    %min3A_10 = vector.broadcast %min3A : f32 to vector<1x2000xf32>
    %min3A_11 = arith.minimumf %mul3A_9, %min3A_10 : vector<1x2000xf32>
    %broadcast_in_dim3A_12 = arith.constant 1.37686477E-12 : f32
    %broadcast_in_dim3A_13 = vector.broadcast %broadcast_in_dim3A_12 : f32 to vector<1x2000xf32>
    %mul3A_14 = arith.mulf %broadcast_in_dim3A_13, %min3A_11 : vector<1x2000xf32>
    %add3A_15 = arith.constant -7.70070743E-11 : f32
    %add3A_16 = vector.broadcast %add3A_15 : f32 to vector<1x2000xf32>
    %add3A_17 = arith.addf %mul3A_14, %add3A_16 : vector<1x2000xf32>
    %mul3A_18 = arith.mulf %add3A_17, %min3A_11 : vector<1x2000xf32>
    %add3A_19 = arith.constant 3.60473074E-9 : f32
    %add3A_20 = vector.broadcast %add3A_19 : f32 to vector<1x2000xf32>
    %add3A_21 = arith.addf %mul3A_18, %add3A_20 : vector<1x2000xf32>
    %mul3A_22 = arith.mulf %add3A_21, %min3A_11 : vector<1x2000xf32>
    %add3A_23 = arith.constant -1.38789531E-7 : f32
    %add3A_24 = vector.broadcast %add3A_23 : f32 to vector<1x2000xf32>
    %add3A_25 = arith.addf %mul3A_22, %add3A_24 : vector<1x2000xf32>
    %mul3A_26 = arith.mulf %add3A_25, %min3A_11 : vector<1x2000xf32>
    %add3A_27 = arith.constant 4.30306955E-6 : f32
    %add3A_28 = vector.broadcast %add3A_27 : f32 to vector<1x2000xf32>
    %add3A_29 = arith.addf %mul3A_26, %add3A_28 : vector<1x2000xf32>
    %mul3A_30 = arith.mulf %add3A_29, %min3A_11 : vector<1x2000xf32>
    %add3A_31 = arith.constant -1.04638108E-4 : f32
    %add3A_32 = vector.broadcast %add3A_31 : f32 to vector<1x2000xf32>
    %add3A_33 = arith.addf %mul3A_30, %add3A_32 : vector<1x2000xf32>
    %mul3A_34 = arith.mulf %add3A_33, %min3A_11 : vector<1x2000xf32>
    %add3A_35 = arith.constant 0.0019295743 : f32
    %add3A_36 = vector.broadcast %add3A_35 : f32 to vector<1x2000xf32>
    %add3A_37 = arith.addf %mul3A_34, %add3A_36 : vector<1x2000xf32>
    %mul3A_38 = arith.mulf %add3A_37, %min3A_11 : vector<1x2000xf32>
    %add3A_39 = arith.constant -0.0258068908 : f32
    %add3A_40 = vector.broadcast %add3A_39 : f32 to vector<1x2000xf32>
    %add3A_41 = arith.addf %mul3A_38, %add3A_40 : vector<1x2000xf32>
    %mul3A_42 = arith.mulf %add3A_41, %min3A_11 : vector<1x2000xf32>
    %add3A_43 = arith.constant 0.235330626 : f32
    %add3A_44 = vector.broadcast %add3A_43 : f32 to vector<1x2000xf32>
    %add3A_45 = arith.addf %mul3A_42, %add3A_44 : vector<1x2000xf32>
    %mul3A_46 = arith.mulf %add3A_45, %min3A_11 : vector<1x2000xf32>
    %add3A_47 = arith.constant -1.33526278 : f32
    %add3A_48 = vector.broadcast %add3A_47 : f32 to vector<1x2000xf32>
    %add3A_49 = arith.addf %mul3A_46, %add3A_48 : vector<1x2000xf32>
    %mul3A_50 = arith.mulf %add3A_49, %min3A_11 : vector<1x2000xf32>
    %add3A_51 = arith.constant 4.05871201 : f32
    %add3A_52 = vector.broadcast %add3A_51 : f32 to vector<1x2000xf32>
    %add3A_53 = arith.addf %mul3A_50, %add3A_52 : vector<1x2000xf32>
    %mul3A_54 = arith.mulf %add3A_53, %min3A_11 : vector<1x2000xf32>
    %add3A_55 = arith.constant -4.93480206 : f32
    %add3A_56 = vector.broadcast %add3A_55 : f32 to vector<1x2000xf32>
    %add3A_57 = arith.addf %mul3A_54, %add3A_56 : vector<1x2000xf32>
    %mul3A_58 = arith.mulf %add3A_57, %min3A_11 : vector<1x2000xf32>
    %add3A_59 = arith.constant 1.000000e+00 : f32
    %add3A_60 = vector.broadcast %add3A_59 : f32 to vector<1x2000xf32>
    %add3A_61 = arith.addf %mul3A_58, %add3A_60 : vector<1x2000xf32>
    %add3A_62 = arith.constant 1.000000e+00 : f32
    %add3A_63 = vector.broadcast %add3A_62 : f32 to vector<1x2000xf32>
    %add3A_64 = arith.addf %add3A_61, %add3A_63 : vector<1x2000xf32>
    %mul3A_65 = arith.constant 5.000000e-01 : f32
    %mul3A_66 = vector.broadcast %mul3A_65 : f32 to vector<1x2000xf32>
    %mul3A_67 = arith.mulf %mul3A_66, %add3A_64 : vector<1x2000xf32>
    %lt3A = arith.constant 5.000000e+00 : f32
    %lt3A_68 = vector.broadcast %lt3A : f32 to vector<1x2000xf32>
    %lt3A_69 = arith.cmpf olt, %sqrt3A, %lt3A_68 : vector<1x2000xf32>
    %jit3A = arith.constant 0.000000e+00 : f32
    %broadcast_in_dim3A_70 = vector.broadcast %jit3A : f32 to vector<1x2000xf32>
    %select_n3A = arith.select %lt3A_69, %mul3A_67, %broadcast_in_dim3A_70 : vector<1x2000xi1>, vector<1x2000xf32>
    %iota3A = tpu.iota {dimensions = array<i32: 0>} : vector<51x2000xi32>
    %convert_element_type3A = arith.sitofp %iota3A : vector<51x2000xi32> to vector<51x2000xf32>
    %mul3A_71 = arith.constant 0.10204082 : f32
    %mul3A_72 = vector.broadcast %mul3A_71 : f32 to vector<51x2000xf32>
    %mul3A_73 = arith.mulf %convert_element_type3A, %mul3A_72 : vector<51x2000xf32>
    %sub3A = vector.broadcast %sqrt3A : vector<1x2000xf32> to vector<51x2000xf32>
    %sub3A_74 = arith.subf %sub3A, %mul3A_73 : vector<51x2000xf32>
    %integer_pow3A = arith.mulf %sub3A_74, %sub3A_74 : vector<51x2000xf32>
    %mul3A_75 = arith.constant -4.802000e+01 : f32
    %mul3A_76 = vector.broadcast %mul3A_75 : f32 to vector<51x2000xf32>
    %mul3A_77 = arith.mulf %mul3A_76, %integer_pow3A : vector<51x2000xf32>
    %exp3A = math.exp %mul3A_77 : vector<51x2000xf32>
    %broadcast_in_dim3A_78 = arith.constant 1.000000e+00 : f32
    %broadcast_in_dim3A_79 = vector.broadcast %broadcast_in_dim3A_78 : f32 to vector<1x2000xf32>
    %slice3A = vector.extract_strided_slice %exp3A {offsets = [0, 0], sizes = [50, 2000], strides = [1, 1]} : vector<51x2000xf32> to vector<50x2000xf32>
    %concatenate3A = tpu.concatenate %slice3A, %broadcast_in_dim3A_79 in 0 : vector<50x2000xf32>, vector<1x2000xf32> -> vector<51x2000xf32>
    %mul3A_80 = vector.broadcast %select_n3A : vector<1x2000xf32> to vector<51x2000xf32>
    %mul3A_81 = arith.mulf %concatenate3A, %mul3A_80 : vector<51x2000xf32>
    %get3A_82 = arith.constant 0 : index
    %get3A_83 = arith.constant 0 : index
    %get3A_84 = vector.load %arg2[%get3A_82, %get3A_83] : memref<51x128xf32, #tpu.memory_space<vmem>>, vector<51x128xf32>
    %dot_general3A = arith.constant dense<0.000000e+00> : vector<2000x128xf32>
    %dot_general3A_85 = tpu.matmul %mul3A_81, %get3A_84, %dot_general3A {dimension_numbers = #tpu.dot_dimension_numbers<[0], [0], [1], [1], [0, 1, 1, 1], [], []>, transpose_lhs_hint = false} : vector<51x2000xf32>, vector<51x128xf32>, vector<2000x128xf32> -> vector<2000x128xf32>
    %swap3A = arith.constant 0 : index
    %swap3A_86 = arith.constant 0 : index
    %swap3A_87 = vector.load %arg3[%swap3A, %swap3A_86] : memref<2000x128xf32, #tpu.memory_space<vmem>>, vector<2000x128xf32>
    tpu.vector_store %arg3[%swap3A, %swap3A_86], %dot_general3A_85 {strides = array<i32>} : memref<2000x128xf32, #tpu.memory_space<vmem>>, vector<2000x128xf32>,
    return
  }
  func.func @transform_0(%arg0: i32) -> (i32, i32, i32) {
    %c0_i32 = arith.constant 0 : i32
    %c0_i32_0 = arith.constant 0 : i32
    %c0_i32_1 = arith.constant 0 : i32
    return %arg0, %c0_i32, %c0_i32_0 : i32, i32, i32
  }
  func.func @transform_1(%arg0: i32) -> (i32, i32) {
    %c0_i32 = arith.constant 0 : i32
    %c0_i32_0 = arith.constant 0 : i32
    %c0_i32_1 = arith.constant 0 : i32
    return %c0_i32, %c0_i32_0 : i32, i32
  }
  func.func @transform_2(%arg0: i32) -> (i32, i32) {
    %c0_i32 = arith.constant 0 : i32
    %c0_i32_0 = arith.constant 0 : i32
    return %arg0, %c0_i32 : i32, i32
  }
}

module attributes {stable_mosaic.version = 14 : i64} {
  func.func @body(%arg0: i32, %arg1: memref<10000x1xi32, #tpu.memory_space<vmem>>, %arg2: memref<128x128xf32, #tpu.memory_space<vmem>>, %arg3: memref<10000x128xf32, #tpu.memory_space<vmem>>) attributes {dimension_semantics = [#tpu.dimension_semantics<arbitrary>], iteration_bounds = array<i64: 1>, scalar_prefetch = 0 : i64, scratch_operands = 0 : i64, tpu.core_type = #tpu.core_type<tc>, window_params = [{pipeline_mode = #tpu.pipeline_mode<synchronous>, transform_indices = @transform_0, window_bounds = array<i64: 10000, 1>}, {pipeline_mode = #tpu.pipeline_mode<synchronous>, transform_indices = @transform_1, window_bounds = array<i64: 128, 128>}, {pipeline_mode = #tpu.pipeline_mode<synchronous>, transform_indices = @transform_2, window_bounds = array<i64: 10000, 128>}]} {
    %get3A = arith.constant 0 : index
    %get3A_0 = arith.constant 0 : index
    %get3A_1 = vector.load %arg1[%get3A, %get3A_0] : memref<10000x1xi32, #tpu.memory_space<vmem>>, vector<10000x1xi32>
    %iota3A = tpu.iota {dimensions = array<i32: 1>} : vector<10000x128xi32>
    %eq3A = vector.broadcast %get3A_1 : vector<10000x1xi32> to vector<10000x128xi32>
    %eq3A_2 = arith.cmpi eq, %eq3A, %iota3A : vector<10000x128xi32>
    %convert_element_type3A = arith.extui %eq3A_2 : vector<10000x128xi1> to vector<10000x128xi32>
    %convert_element_type3A_3 = arith.sitofp %convert_element_type3A : vector<10000x128xi32> to vector<10000x128xf32>
    %get3A_4 = arith.constant 0 : index
    %get3A_5 = arith.constant 0 : index
    %get3A_6 = vector.load %arg2[%get3A_4, %get3A_5] : memref<128x128xf32, #tpu.memory_space<vmem>>, vector<128x128xf32>
    %dot_general3A = arith.constant dense<0.000000e+00> : vector<10000x128xf32>
    %dot_general3A_7 = tpu.matmul %convert_element_type3A_3, %get3A_6, %dot_general3A {dimension_numbers = #tpu.dot_dimension_numbers<[1], [0], [0], [1], [0, 0, 1, 1], [], []>, transpose_lhs_hint = false} : vector<10000x128xf32>, vector<128x128xf32>, vector<10000x128xf32> -> vector<10000x128xf32>
    %swap3A = arith.constant 0 : index
    %swap3A_8 = arith.constant 0 : index
    %swap3A_9 = vector.load %arg3[%swap3A, %swap3A_8] : memref<10000x128xf32, #tpu.memory_space<vmem>>, vector<10000x128xf32>
    tpu.vector_store %arg3[%swap3A, %swap3A_8], %dot_general3A_7 {strides = array<i32>} : memref<10000x128xf32, #tpu.memory_space<vmem>>, vector<10000x128xf32>,
    return
  }
  func.func @transform_0(%arg0: i32) -> (i32, i32) {
    %c0_i32 = arith.constant 0 : i32
    %c0_i32_0 = arith.constant 0 : i32
    %c0_i32_1 = arith.constant 0 : i32
    return %c0_i32, %c0_i32_0 : i32, i32
  }
  func.func @transform_1(%arg0: i32) -> (i32, i32) {
    %c0_i32 = arith.constant 0 : i32
    %c0_i32_0 = arith.constant 0 : i32
    %c0_i32_1 = arith.constant 0 : i32
    return %c0_i32, %c0_i32_0 : i32, i32
  }
  func.func @transform_2(%arg0: i32) -> (i32, i32) {
    %c0_i32 = arith.constant 0 : i32
    %c0_i32_0 = arith.constant 0 : i32
    %c0_i32_1 = arith.constant 0 : i32
    return %c0_i32, %c0_i32_0 : i32, i32
  }
}

module attributes {stable_mosaic.version = 14 : i64} {
  func.func @body(%arg0: i32, %arg1: memref<2000x128xf32, #tpu.memory_space<vmem>>, %arg2: memref<2x2000x128xf32, #tpu.memory_space<vmem>>, %arg3: memref<2x2000x128xf32, #tpu.memory_space<vmem>>, %arg4: memref<256x128xf32, #tpu.memory_space<vmem>>, %arg5: memref<1x128xf32, #tpu.memory_space<vmem>>, %arg6: memref<2000x128xf32, #tpu.memory_space<vmem>>) attributes {dimension_semantics = [#tpu.dimension_semantics<arbitrary>], iteration_bounds = array<i64: 5>, scalar_prefetch = 0 : i64, scratch_operands = 0 : i64, tpu.core_type = #tpu.core_type<tc>, window_params = [{transform_indices = @transform_0, window_bounds = array<i64: 2000, 128>}, {transform_indices = @transform_1, window_bounds = array<i64: 2, 2000, 128>}, {transform_indices = @transform_2, window_bounds = array<i64: 2, 2000, 128>}, {pipeline_mode = #tpu.pipeline_mode<synchronous>, transform_indices = @transform_3, window_bounds = array<i64: 256, 128>}, {pipeline_mode = #tpu.pipeline_mode<synchronous>, transform_indices = @transform_4, window_bounds = array<i64: 1, 128>}, {transform_indices = @transform_5, window_bounds = array<i64: 2000, 128>}]} {
    %get3A = arith.constant 0 : index
    %get3A_0 = arith.constant 0 : index
    %get3A_1 = arith.constant 0 : index
    %get3A_2 = vector.load %arg2[%get3A, %get3A_0, %get3A_1] : memref<2x2000x128xf32, #tpu.memory_space<vmem>>, vector<1x2000x128xf32>
    %get3A_3 = vector.shape_cast %get3A_2 : vector<1x2000x128xf32> to vector<2000x128xf32>
    %get3A_4 = arith.constant 1 : index
    %get3A_5 = arith.constant 0 : index
    %get3A_6 = arith.constant 0 : index
    %get3A_7 = vector.load %arg2[%get3A_4, %get3A_5, %get3A_6] : memref<2x2000x128xf32, #tpu.memory_space<vmem>>, vector<1x2000x128xf32>
    %get3A_8 = vector.shape_cast %get3A_7 : vector<1x2000x128xf32> to vector<2000x128xf32>
    %add3A = arith.addf %get3A_3, %get3A_8 : vector<2000x128xf32>
    %get3A_9 = arith.constant 0 : index
    %get3A_10 = arith.constant 0 : index
    %get3A_11 = arith.constant 0 : index
    %get3A_12 = vector.load %arg3[%get3A_9, %get3A_10, %get3A_11] : memref<2x2000x128xf32, #tpu.memory_space<vmem>>, vector<1x2000x128xf32>
    %get3A_13 = vector.shape_cast %get3A_12 : vector<1x2000x128xf32> to vector<2000x128xf32>
    %get3A_14 = arith.constant 1 : index
    %get3A_15 = arith.constant 0 : index
    %get3A_16 = arith.constant 0 : index
    %get3A_17 = vector.load %arg3[%get3A_14, %get3A_15, %get3A_16] : memref<2x2000x128xf32, #tpu.memory_space<vmem>>, vector<1x2000x128xf32>
    %get3A_18 = vector.shape_cast %get3A_17 : vector<1x2000x128xf32> to vector<2000x128xf32>
    %add3A_19 = arith.addf %get3A_13, %get3A_18 : vector<2000x128xf32>
    %add3A_20 = arith.addf %add3A, %add3A_19 : vector<2000x128xf32>
    %get3A_21 = arith.constant 0 : index
    %get3A_22 = arith.constant 0 : index
    %get3A_23 = vector.load %arg1[%get3A_21, %get3A_22] : memref<2000x128xf32, #tpu.memory_space<vmem>>, vector<2000x128xf32>
    %get3A_24 = arith.constant 0 : index
    %get3A_25 = arith.constant 0 : index
    %get3A_26 = vector.load %arg4[%get3A_24, %get3A_25] : memref<256x128xf32, #tpu.memory_space<vmem>>, vector<128x128xf32>
    %dot_general3A = arith.constant dense<0.000000e+00> : vector<2000x128xf32>
    %dot_general3A_27 = tpu.matmul %get3A_23, %get3A_26, %dot_general3A {dimension_numbers = #tpu.dot_dimension_numbers<[1], [0], [0], [1], [0, 0, 1, 1], [], []>, transpose_lhs_hint = false} : vector<2000x128xf32>, vector<128x128xf32>, vector<2000x128xf32> -> vector<2000x128xf32>
    %get3A_28 = arith.constant 128 : index
    %get3A_29 = arith.constant 0 : index
    %get3A_30 = vector.load %arg4[%get3A_28, %get3A_29] : memref<256x128xf32, #tpu.memory_space<vmem>>, vector<128x128xf32>
    %dot_general3A_31 = arith.constant dense<0.000000e+00> : vector<2000x128xf32>
    %dot_general3A_32 = tpu.matmul %add3A_20, %get3A_30, %dot_general3A_31 {dimension_numbers = #tpu.dot_dimension_numbers<[1], [0], [0], [1], [0, 0, 1, 1], [], []>, transpose_lhs_hint = false} : vector<2000x128xf32>, vector<128x128xf32>, vector<2000x128xf32> -> vector<2000x128xf32>
    %add3A_33 = arith.addf %dot_general3A_27, %dot_general3A_32 : vector<2000x128xf32>
    %get3A_34 = arith.constant 0 : index
    %get3A_35 = arith.constant 0 : index
    %get3A_36 = vector.load %arg5[%get3A_34, %get3A_35] : memref<1x128xf32, #tpu.memory_space<vmem>>, vector<1x128xf32>
    %add3A_37 = vector.broadcast %get3A_36 : vector<1x128xf32> to vector<2000x128xf32>
    %add3A_38 = arith.addf %add3A_33, %add3A_37 : vector<2000x128xf32>
    %swap3A = arith.constant 0 : index
    %swap3A_39 = arith.constant 0 : index
    %swap3A_40 = vector.load %arg6[%swap3A, %swap3A_39] : memref<2000x128xf32, #tpu.memory_space<vmem>>, vector<2000x128xf32>
    tpu.vector_store %arg6[%swap3A, %swap3A_39], %add3A_38 {strides = array<i32>} : memref<2000x128xf32, #tpu.memory_space<vmem>>, vector<2000x128xf32>,
    return
  }
  func.func @transform_0(%arg0: i32) -> (i32, i32) {
    %c0_i32 = arith.constant 0 : i32
    %c0_i32_0 = arith.constant 0 : i32
    return %arg0, %c0_i32 : i32, i32
  }
  func.func @transform_1(%arg0: i32) -> (i32, i32, i32) {
    %c0_i32 = arith.constant 0 : i32
    %c0_i32_0 = arith.constant 0 : i32
    %c0_i32_1 = arith.constant 0 : i32
    return %c0_i32, %arg0, %c0_i32_0 : i32, i32, i32
  }
  func.func @transform_2(%arg0: i32) -> (i32, i32, i32) {
    %c0_i32 = arith.constant 0 : i32
    %c0_i32_0 = arith.constant 0 : i32
    %c0_i32_1 = arith.constant 0 : i32
    return %c0_i32, %arg0, %c0_i32_0 : i32, i32, i32
  }
  func.func @transform_3(%arg0: i32) -> (i32, i32) {
    %c0_i32 = arith.constant 0 : i32
    %c0_i32_0 = arith.constant 0 : i32
    %c0_i32_1 = arith.constant 0 : i32
    return %c0_i32, %c0_i32_0 : i32, i32
  }
  func.func @transform_4(%arg0: i32) -> (i32, i32) {
    %c0_i32 = arith.constant 0 : i32
    %c0_i32_0 = arith.constant 0 : i32
    %c0_i32_1 = arith.constant 0 : i32
    return %c0_i32, %c0_i32_0 : i32, i32
  }
  func.func @transform_5(%arg0: i32) -> (i32, i32) {
    %c0_i32 = arith.constant 0 : i32
    %c0_i32_0 = arith.constant 0 : i32
    return %arg0, %c0_i32 : i32, i32
  }
}

</mosaic_0001>

<sc_bundles>
// kernel: kernel.11.cloned.1.call-start
scs
__scs_entry_jumppad:
0x0: {  	(pc) =	sbr.rel $0x88, $3  }
0x1: {  	(tag) =	ssettag $0x0;
	lr =	simm.s32 $0x1  }
0x2: {  	[smem:$0x3F99] =	sst lr;
	_ =	strace $0xD0000000  }
0x3: {  	_ = 	snop  }
0x4: {  	_ = 	snop  }
0x5: {  	_ = 	snop  }
0x6: {  	_ = 	snop  }
0x7: {  	_ = 	snop  }
__scs_overlays_trampoline_lowered:
0x8: {  	[smem:$0x3FA8] =	sst s0  }
0x9: {  	[smem:$0x3FA9] =	sst s1  }
0xa: {  	[smem:$0x3FAA] =	sst s2  }
0xb: {  	[smem:$0x3FAB] =	sst s3  }
0xc: {  	[smem:$0x3FAC] =	sst s4  }
0xd: {  	[smem:$0x3FAD] =	sst s5  }
0xe: {  	[smem:$0x3FAE] =	sst s6  }
0xf: {  	[smem:$0x3FAF] =	sst s7  }
0x10: {  	[smem:$0x3FB0] =	sst s8  }
0x11: {  	[smem:$0x3FB1] =	sst s9;
	s0 =	simm.s32 @!p0 $0x0  }
0x12: {  	s1 =	sld [smem:$0x3F97];
	s0 =	simm.s32 @p0 $0x1  }
0x13: {  	[smem:$0x3FB2] =	sst s0;
	s0 =	simm.s32 @!p1 $0x0  }
0x14: {  	s2 =	sld [smem:$0x3F96];
	s0 =	simm.s32 @p1 $0x1  }
0x15: {  	[smem:$0x3FB3] =	sst s0;
	s0 =	simm.s32 @!p2 $0x0  }
0x16: {  	s3 =	sld [smem:$0x3FDB];
	s0 =	simm.s32 @p2 $0x1  }
0x17: {  	s4 =	simm.s32 $0x1BF5;
	[smem:$0x3FB5] =	sst s0  }
0x18: {  	s0 =	sld [smem:$0x3F98];
	_ =	swait.ge [sflag:s4], $0x0  }
0x19: {  	s7 =	sld [smem:$0x3F99]  }
0x1a: {  	s8 =	sadd.s32 $0xFFFFE003, lr  }
0x1b: {  	s9 =	sadd.s32 $0xFFFFFEF7, lr;
	s5 =	simm.s32 $0xFFFFFFFF;
	p2 =	slt.u32 s8, $0xFFFFF086  }
0x1c: {  	p1 =	slt.u32 s9, $0xF7A;
	s5 =	simm.s32 @!p2 $0x0  }
0x1d: {  	s5 =	simm.s32 @p1 $0x1;
	p0 =	seq.s32 s7, s2  }
0x1e: {  	s7 =	smul.u32 @!p0 $0xF7A, s2;
	p2 =	seq.s32 @!p0 s5, $0x0  }
0x1f: {  	s9 =	smul.u32 $0xF7A, s1;
	s8 =	simm.s32 @!p0 $0x1BF5;
	p2 =	por !p2, p0  }
0x20: {  	[sflag:s8] =	ssyncset.s32 @!p0 $0xFFFFF086;
	s6 =	sadd.s32 @!p0 s3, s7;
	s7 =	simm.s32 @!p0 $0x108  }
0x21: {  	s3 =	sadd.s32 s3, s9;
	s6 =	sadd.s32 @!p0 $0x88, s6;
	s7 =	simm.s32 @p2 $0x1082  }
0x22: {  	[simem:s7], [sflag:s8] =	dma.local @!p0 [hbm:s6], $0xF7A  }
0x23: {  	s9 =	sor.u32 $0xD0000000, s2;
	s6 =	simm.s32 $0x108;
	_ =	swait.ge @!p0 [sflag:s8], $0x0  }
0x24: {  	s3 =	sadd.s32 $0x88, s3;
	s6 =	simm.s32 @!p1 $0x1082;
	[sflag:s4] =	ssyncset.s32 $0xFFFFF086  }
0x25: {  	[simem:s6], [sflag:s4] =	dma.local [hbm:s3], $0xF7A  }
0x26: {  	[smem:$0x3F99] =	sst s1;
	(tag) =	ssettag s2;
	_ =	strace s9  }
0x27: {  	s1 =	sld [smem:$0x3FA9]  }
0x28: {  	s2 =	sld [smem:$0x3FAA]  }
0x29: {  	s4 =	sld [smem:$0x3FAC]  }
0x2a: {  	p0 =	seq.s32 s5, $0x0;
	s5 =	sld [smem:$0x3FAD]  }
0x2b: {  	s6 =	sld [smem:$0x3FAE]  }
0x2c: {  	s7 =	sld [smem:$0x3FAF]  }
0x2d: {  	s3 =	simm.s32 $0x108;
	s8 =	sld [smem:$0x3FB0]  }
0x2e: {  	s3 =	simm.s32 @!p0 $0x1082;
	s9 =	sld [smem:$0x3FB1]  }
0x2f: {  	lr =	sadd.s32 s0, s3;
	s0 =	sld [smem:$0x3FA8]  }
0x30: {  	s3 =	sld [smem:$0x3FAB]  }
0x31: {  	[smem:$0x3FB4] =	sst s10  }
0x32: {  	s10 =	sld [smem:$0x3FB2];
	_ =	sdelay $0x3  }
0x33: {  	p0 =	seq.s32 s10, $0x1;
	s10 =	sld [smem:$0x3FB4];
	_ =	sdelay $0x3  }
0x34: {  	[smem:$0x3FB4] =	sst s10  }
0x35: {  	s10 =	sld [smem:$0x3FB3];
	_ =	sdelay $0x3  }
0x36: {  	p1 =	seq.s32 s10, $0x1;
	s10 =	sld [smem:$0x3FB4];
	_ =	sdelay $0x3  }
0x37: {  	[smem:$0x3FB4] =	sst s10  }
0x38: {  	s10 =	sld [smem:$0x3FB5]  }
0x39: {  	_ = 	snop;
	(pc) =	sbr.ind lr, $3  }
0x3a: {  	_ = 	snop  }
0x3b: {  	_ = 	snop  }
0x3c: {  	p2 =	seq.s32 s10, $0x1;
	s10 =	sld [smem:$0x3FB4]  }
0x3d: {  	_ =	shalt  }
0x3e: {  	_ =	shalt  }
0x3f: {  	_ =	shalt  }
0x40: {  	_ =	shalt  }
0x41: {  	_ =	shalt  }
0x42: {  	_ =	shalt  }
0x43: {  	_ =	shalt  }
0x44: {  	_ =	shalt  }
0x45: {  	_ =	shalt  }
0x46: {  	_ =	shalt  }
0x47: {  	_ =	shalt  }
0x48: {  	_ =	shalt  }
0x49: {  	_ =	shalt  }
0x4a: {  	_ =	shalt  }
0x4b: {  	_ =	shalt  }
0x4c: {  	_ =	shalt  }
0x4d: {  	_ =	shalt  }
0x4e: {  	_ =	shalt  }
0x4f: {  	_ =	shalt  }
0x50: {  	_ =	shalt  }
0x51: {  	_ =	shalt  }
0x52: {  	_ =	shalt  }
0x53: {  	_ =	shalt  }
0x54: {  	_ =	shalt  }
0x55: {  	_ =	shalt  }
0x56: {  	_ =	shalt  }
0x57: {  	_ =	shalt  }
0x58: {  	_ =	shalt  }
0x59: {  	_ =	shalt  }
0x5a: {  	_ =	shalt  }
0x5b: {  	_ =	shalt  }
0x5c: {  	_ =	shalt  }
0x5d: {  	_ =	shalt  }
0x5e: {  	_ =	shalt  }
0x5f: {  	_ =	shalt  }
0x60: {  	_ =	shalt  }
0x61: {  	_ =	shalt  }
0x62: {  	_ =	shalt  }
0x63: {  	_ =	shalt  }
0x64: {  	_ =	shalt  }
0x65: {  	_ =	shalt  }
0x66: {  	_ =	shalt  }
0x67: {  	_ =	shalt  }
0x68: {  	_ =	shalt  }
0x69: {  	_ =	shalt  }
0x6a: {  	_ =	shalt  }
0x6b: {  	_ =	shalt  }
0x6c: {  	_ =	shalt  }
0x6d: {  	_ =	shalt  }
0x6e: {  	_ =	shalt  }
0x6f: {  	_ =	shalt  }
0x70: {  	_ =	shalt  }
0x71: {  	_ =	shalt  }
0x72: {  	_ =	shalt  }
0x73: {  	_ =	shalt  }
0x74: {  	_ =	shalt  }
0x75: {  	_ =	shalt  }
0x76: {  	_ =	shalt  }
0x77: {  	_ =	shalt  }
0x78: {  	_ =	shalt  }
0x79: {  	_ =	shalt  }
0x7a: {  	_ =	shalt  }
0x7b: {  	_ =	shalt  }
0x7c: {  	_ =	shalt  }
0x7d: {  	_ =	shalt  }
0x7e: {  	_ =	shalt  }
0x7f: {  	_ =	shalt  }
0x80: {  	_ =	shalt  }
0x81: {  	_ =	shalt  }
0x82: {  	_ =	shalt  }
0x83: {  	_ =	shalt  }
0x84: {  	_ =	shalt  }
0x85: {  	_ =	shalt  }
0x86: {  	_ =	shalt  }
0x87: {  	_ =	shalt  }
.Lfunc_end0:
.L_simem_size_0:
called_computation.1_lowered:
.L_overlay_start_0:
0x88: {  	s2 =	sld [smem:$0x3FD9]  }
0x89: {  	s3 =	sld [smem:$0x3FFE];
	_ =	sdelay $0x1  }
0x8a: {  	s1 =	srdreg.scid  }
0x8b: {  	s0 =	sand.u32 $0x1, s1  }
0x8c: {  	s14 =	sshll.u32 s0, $0xA;
	s2 =	sadd.s32 s3, s2  }
0x8d: {  	s2 =	sadd.s32 s2, s14  }
0x8e: {  	[smem:$0x3FC0] =	sst s2  }
0x8f: {  	_ = 	snop  }
0x90: {  	s2 =	sld [smem:$0x3FD0];
	_ =	sdelay $0x2  }
0x91: {  	s15 =	simm.s32 $0xB;
	s4 =	simm.s32 $0x10  }
0x92: {  	[smem:s4], [sflag:s15] =	dma.local [hbm:s2], $0x1  }
0x93: {  	_ =	swait.eq [sflag:s15], $0x1  }
0x94: {  	[sflag:s15] =	ssyncset.done $0x0  }
0x95: {  	[sflag:s15] =	ssyncadd.s32 $0xFFFFFFFF  }
0x96: {  	s16 =	sld [smem:$0x10];
	(tm) =	ssettm $0x1  }
0x97: {  	s17 =	sld [smem:$0x3FFB];
	_ =	sdelay $0x3  }
0x98: {  	_ =	strace s17  }
0x99: {  	s3 =	sld [smem:$0x3FFC];
	_ =	sdelay $0x3  }
0x9a: {  	_ =	strace s3  }
0x9b: {  	s3 =	sld [smem:$0x3FFD];
	_ =	sdelay $0x3  }
0x9c: {  	_ =	strace s3  }
0x9d: {  	_ =	strace $0x8FFFFFFF  }
0x9e: {  	s18 =	sld [smem:$0x3FDB];
	_ =	sdelay $0x1  }
0x9f: {  	s19 =	simm.s32 $_scs_section_size  }
0xa0: {  	s5 =	simm.s32 $_size__tile_overlayer_lowered;
	s6 =	simm.s32 $_tile_overlayer_lowered  }
0xa1: {  	s22 =	simm.s32 $0x1BFF;
	s21 =	sshll.u32 s6, $0x1;
	s3 =	sadd.s32 s19, s18  }
0xa2: {  	s7 =	simm.s32 $0x0;
	s20 =	sshll.u32 s5, $0x1;
	s5 =	sadd.s32 s21, s3  }
0xa3: {  	[timem:s7], [sflag:s22] =	dma.local [hbm:s5], s20  }
0xa4: {  	_ =	swait.ge [sflag:s22], s20  }
0xa5: {  	s4 =	ssub.s32 $0x0, s20;
	[sflag:s22] =	ssyncset.done $0x0  }
0xa6: {  	[sflag:s22] =	ssyncadd.s32 s4;
	_ =	sdelay $0x1  }
0xa7: {  	s23 =	simm.s32 $0x1B8B  }
0xa8: {  	_ =	swait.ge [sflag:s23], $0x1  }
0xa9: {  	[sflag:s23] =	ssyncset.done $0x0  }
0xaa: {  	s25 =	simm.s32 $0x1B8E;
	s24 =	sld [smem:$0x3FFE];
	[sflag:s23] =	ssyncadd.s32 $0xFFFFFFFF  }
0xab: {  	s26 =	simm.s32 $execute0_lowered;
	[smem:$0x3FD2] =	sst s25  }
0xac: {  	s5 =	sshll.u32 s26, $0x1;
	_ =	strace $0x80000046;
	[dreg:$0x1] =	wrdreg $0xFFFFFFFF  }
0xad: {  	s28 =	simm.s32 $_size_execute0_lowered;
	s3 =	sadd.s32 s3, s5;
	[dreg:$0x0] =	wrdreg $0x0  }
0xae: {  	s5 =	sshll.u32 s28, $0x1;
	[dreg:$0x2] =	wrdreg s3  }
0xaf: {  	[dreg:$0x3] =	wrdreg s5  }
0xb0: {  	[dreg:$0x4] =	wrdreg $0xC0  }
0xb1: {  	_ =	task [dreg:s7], $0x5FFFF  }
0xb2: {  	[dreg:$0x1] =	wrdreg $0xFFFFFFFF  }
0xb3: {  	[dreg:$0x0] =	wrdreg $0x60  }
0xb4: {  	[dreg:$0x2] =	wrdreg s24  }
0xb5: {  	[dreg:$0x3] =	wrdreg s16  }
0xb6: {  	[dreg:$0x4] =	wrdreg $0x82000  }
0xb7: {  	[dreg:$0x5] =	wrdreg $0xA  }
0xb8: {  	_ =	task.clear_ibuf [dreg:s7], $0x6FFFF;
	_ =	strace $0x90000046  }
0xb9: {  	s29 =	simm.s32 $0xA;
	_ =	strace $0x80000048  }
0xba: {  	_ =	swait.ge [sflag:s29], $0x1  }
0xbb: {  	[sflag:s29] =	ssyncadd.s32 $0xFFFFFFFF  }
0xbc: {  	_ =	strace $0x90000048  }
0xbd: {  	_ =	sfence  }
0xbe: {  	s30 =	sld [smem:$0x0];
	_ =	sdelay $0x2  }
0xbf: {  	s31 =	sshll.u32 s1, $0xD;
	s1 =	sshrl.u32 s1, $0x2  }
0xc0: {  	s3 =	sand.u32 $0x4000, s31;
	s1 =	sadd.s32 s1, s30  }
0xc1: {  	s0 =	sor.u32 s3, s0;
	s1 =	sshll.u32 s1, $0x11  }
0xc2: {  	s0 =	sor.u32 s1, s0  }
0xc3: {  	s0 =	sadd.s32 $0x8F2B, s0  }
0xc4: {  	[sflag:s0] =	ssyncadd.remote.s32 $0x1  }
0xc5: {  	_ =	sfence.sel $0xFFFF  }
0xc6: {  	[dreg:$0x0] =	wrdreg $0xFFFFFFFF;
	(pc) =	sbr.abs _section_cstart, $3  }
0xc7: {  	[dreg:$0x1] =	wrdreg $0xFFFFFFFF  }
0xc8: {  	_ =	task.clear_ibuf [dreg:s7], $0x2FFFF;
	_ =	strace $0x9FFFFFFF  }
0xc9: {  	(tm) =	ssettm $0x7FFFFFFF  }
tec
execute0_lowered:
.L_overlay_start_1:
0x0: {  	(tag) =	ssettag $0x1  }
0x1: {  	s0 =	rddreg [dreg:$0x0]  }
0x2: {  	s1 =	rddreg [dreg:$0x1]  }
0x3: {  	s2 =	rddreg [dreg:$0x2];
	s3 =	simm.s32 $0x0  }
0x4: {  	s4 =	srdreg.scid;
	s22 =	stileid.u32;
	s29 =	simm.s32 $0x200  }
0x5: {  	s30 =	simm.s32 $0x5;
	s31 =	simm.s32 $0x100;
	s28 =	simm.s32 $0x180  }
0x6: {  	[smem:$0x7FF] =	sst s3;
	s4 =	sand.u32 $0x1, s4;
	s5 =	sadd.s32 $0x1200, s0  }
0x7: {  	s6 =	sadd.s32 $0x6200, s0;
	s7 =	sadd.s32 $0xB200, s0;
	s14 =	smul.u32 $0x4E000, s22  }
0x8: {  	s0 =	sadd.s32 $0x27C200, s0;
	p0 =	seq.s32 s22, $0xF;
	s18 =	smul.u32 $0x13800, s22  }
0x9: {  	p1 =	sne.s32 s22, $0xF;
	_ =	strace $0x80000047;
	s8 =	sshll.u32 s4, $0x4  }
0xa: {  	s9 =	ssub.s32 $0x2, s4;
	s4 =	smul.u32 $0x138800, s4;
	s10 =	sor.u32 s22, s8  }
0xb: {  	s12 =	sshrl.u32 s9, $0x1;
	s8 =	simm.s32 $0x28;
	s19 =	sshrl.u32 s14, $0x2  }
0xc: {  	s22 =	simm.s32 $0x1;
	s11 =	smul.u32 $0x27, s10;
	s13 =	smin.u32 s10, $0x2  }
0xd: {  	s12 =	ssub.s32 s9, s12;
	s8 =	simm.s32 @!p0 $0x27;
	s18 =	sadd.s32 s18, s4  }
0xe: {  	s9 =	sadd.s32 s19, s2;
	s4 =	sshrl.u32 s4, $0x3;
	s18 =	sshrl.u32 s18, $0x3  }
0xf: {  	p0 =	sgt.u32 s10, $0x1;
	s11 =	sadd.s32 s13, s11;
	s26 =	sadd.s32 s0, s18  }
0x10: {  	s0 =	sadd.s32 s0, s4;
	s13 =	sshll.u32 s11, $0x7;
	s20 =	sshll.u32 s11, $0x4  }
0x11: {  	s24 =	sshll.u32 s11, $0xB;
	s17 =	sadd.s32 $0x3, s11;
	[dreg:$0x9] =	wrdreg s26  }
0x12: {  	s0 =	sadd.s32 $0x24900, s0;
	s26 =	smax.u32 s12, $0x1;
	s15 =	sshrl.u32 s13, $0x3  }
0x13: {  	s16 =	sadd.s32 s5, s20;
	s14 =	sadd.s32 s6, s20;
	[dreg:$0xd] =	wrdreg s0  }
0x14: {  	s25 =	sadd.s32 $0x1300, s13;
	[dreg:$0x4] =	wrdreg s16;
	s15 =	sadd.s32 $0x10, s15  }
0x15: {  	[dreg:$0x5] =	wrdreg s14;
	s14 =	sadd.s32 s7, s24;
	s16 =	sadd.s32 $0x2, s11  }
0x16: {  	s20 =	sshrl.u32 s25, $0x3;
	s21 =	sadd.s32 s5, s15;
	s23 =	sadd.s32 s6, s15  }
0x17: {  	[dreg:$0x8] =	wrdreg s14;
	s15 =	sadd.s32 $0x1, s11;
	s19 =	sadd.s32 s5, s20  }
0x18: {  	s20 =	sadd.s32 s6, s20;
	s11 =	sshll.u32 s25, $0x4;
	[dreg:$0x6] =	wrdreg s21  }
0x19: {  	s14 =	sadd.s32 $0x1380, s13;
	s25 =	sadd.s32 $0x124800, s2;
	[dreg:$0x7] =	wrdreg s23  }
0x1a: {  	s21 =	sadd.s32 s7, s11;
	s18 =	sshrl.u32 s14, $0x3;
	s24 =	sshll.u32 s14, $0x4  }
.Ltmp0:
0x1b: {  	s0 =	sshrl.u32 s25, $0x3;
	s25 =	simm.s32 $0x80;
	(pc) =	sbr.rel .LBB2_1-.Ltmp0, $4  }
0x1c: {  	s23 =	sadd.s32 s5, s18;
	s4 =	sadd.s32 s6, s18;
	[dreg:$0xe] =	wrdreg s0  }
0x1d: {  	s0 =	simm.s32 $0x3;
	s18 =	simm.s32 $0x0;
	[dreg:$0xa] =	wrdreg s23  }
0x1e: {  	[dreg:$0xb] =	wrdreg s4;
	s4 =	sadd.s32 s7, s24;
	s23 =	simm.s32 $0x2  }
0x1f: {  	v0 =	vimm.f32 $0.0e+00;
	s24 =	simm.s32 $0x4;
	[dreg:$0xc] =	wrdreg s4;
	s4 =	simm.s32 $0x4200  }
.LBB2_20:
0x20: {  	s10 =	rddreg [dreg:$0xd]  }
0x21: {  	s11 =	rddreg [dreg:$0xe];
	s12 =	simm.s32 $0x1FC5  }
0x22: {  	[hbm:s10], [sflag:s12] =	dma.local [spmem:s11], $0x2800  }
0x23: {  	_ =	swait.ge [sflag:s30], $0x2800  }
0x24: {  	[sflag:s30] =	ssyncset.done $0x0  }
0x25: {  	[sflag:s30] =	ssyncadd.s32 $0xFFFFD800  }
.LBB2_21:
0x26: {  	s18 =	sadd.s32 $0x1, s18  }
0x27: {  	p2 =	sne.s32 s18, s26  }
.Ltmp1:
0x28: {  	_ = 	snop;
	(pc) =	sbr.rel @!p2 .LBB2_22-.Ltmp1, $1  }
0x29: {  	_ =	sdelay $0x3  }
.LBB2_1:
0x2a: {  	s10 =	simm.s32 $0x0;
	s11 =	simm.s32 $0x200  }
.LBB2_2:
0x2b: {  	p2 =	sne.s32 s11, $0xFE00;
	[tilespmem:s10+$0x270] =	vst v0  }
0x2c: {  	[tilespmem:s10+$0x200] =	vst v0  }
0x2d: {  	[tilespmem:s10+$0x210] =	vst v0  }
.Ltmp2:
0x2e: {  	[tilespmem:s10+$0x220] =	vst v0;
	(pc) =	sbr.rel @p2 .LBB2_2-.Ltmp2, $4  }
0x2f: {  	[tilespmem:s10+$0x230] =	vst v0  }
0x30: {  	[tilespmem:s10+$0x240] =	vst v0  }
0x31: {  	[tilespmem:s10+$0x250] =	vst v0  }
0x32: {  	[tilespmem:s10+$0x260] =	vst v0;
	s10 =	sshra.s32 s11, $0x2;
	s11 =	sadd.s32 $0x200, s11  }
0x33: {  	[tilespmem:s10+$0x270] =	vst v0  }
0x34: {  	[tilespmem:s10+$0x200] =	vst v0  }
0x35: {  	[tilespmem:s10+$0x210] =	vst v0  }
0x36: {  	[tilespmem:s10+$0x220] =	vst v0  }
0x37: {  	[tilespmem:s10+$0x230] =	vst v0  }
0x38: {  	[tilespmem:s10+$0x240] =	vst v0;
	p2 =	sne.s32 s8, $0x1  }
.Ltmp3:
0x39: {  	[tilespmem:s10+$0x250] =	vst v0;
	(pc) =	sbr.rel @!p2 .LBB2_5-.Ltmp3, $4  }
0x3a: {  	[tilespmem:s10+$0x260] =	vst v0  }
0x3b: {  	[spmem:s9] =	stream.linear.scatter [tilespmem:s29], [sflag:$0x5], $0x800, $0x38;
	[tilespmem:$0x1BA80] =	vst v63  }
0x3c: {  	_ =	swait.ge [sflag:s30], $0x800  }
0x3d: {  	s10 =	sadd.s32 $0xFFFFFFFF, s8;
	s11 =	smov.u32 s9;
	[sflag:s30] =	ssyncset.done $0x0  }
.LBB2_4:
0x3e: {  	p2 =	sne.s32 s10, $0x1;
	[sflag:s30] =	ssyncadd.s32 $0xFFFFF800;
	s11 =	sadd.s32 $0x800, s11  }
.Ltmp4:
0x3f: {  	s10 =	sadd.s32 $0xFFFFFFFF, s10;
	(pc) =	sbr.rel @p2 .LBB2_4-.Ltmp4, $4  }
0x40: {  	_ = 	snop  }
0x41: {  	[spmem:s11] =	stream.linear.scatter [tilespmem:s29], [sflag:$0x5], $0x800, $0x38;
	[tilespmem:$0x1BA80] =	vst v63  }
0x42: {  	_ =	swait.ge [sflag:s30], $0x800  }
0x43: {  	[sflag:s30] =	ssyncset.done $0x0  }
.LBB2_5:
0x44: {  	[sflag:s30] =	ssyncadd.s32 $0xFFFFF800  }
0x45: {  	[bflag:$0x0] =	sbarrier.arrive $0xFFFF  }
0x46: {  	s10 =	simm.s32 $0x0;
	s11 =	rddreg [dreg:$0x4]  }
0x47: {  	[tilespmem:s10], [sflag:$0x3] =	stream.linear.gather [hbm4b:s11+s10], $0x80, $0x38;
	[tilespmem:$0x1BA80] =	vst v63  }
0x48: {  	s14 =	rddreg [dreg:$0x5]  }
0x49: {  	[tilespmem:s31], [sflag:$0x3] =	stream.linear.gather [hbm4b:s14+s10], $0x80, $0x38;
	[tilespmem:$0x1BA80] =	vst v63  }
0x4a: {  	_ =	swait.ge [sflag:s0], $0x80  }
0x4b: {  	[sflag:s0] =	ssyncset.done $0x0  }
0x4c: {  	[sflag:s0] =	ssyncadd.s32 $0xFFFFFF80  }
0x4d: {  	_ =	swait.ge [sflag:s0], $0x80  }
0x4e: {  	[sflag:s0] =	ssyncset.done $0x0  }
0x4f: {  	[sflag:s0] =	ssyncadd.s32 $0xFFFFFF80  }
0x50: {  	[tilespmem:s29], [sflag:$0x1] =	stream.indirect.gather [hbm4b:s1+s25], $0x80, s10, s25, $0xb8;
	[tilespmem:$0x1BA80] =	vst v63  }
0x51: {  	s12 =	rddreg [dreg:$0x6]  }
0x52: {  	[tilespmem:s25], [sflag:$0x4] =	stream.linear.gather [hbm4b:s12+s10], $0x80, $0x38;
	[tilespmem:$0x1BA80] =	vst v63  }
0x53: {  	s13 =	rddreg [dreg:$0x7]  }
0x54: {  	[tilespmem:s28], [sflag:$0x4] =	stream.linear.gather [hbm4b:s13+s10], $0x80, $0x38;
	[tilespmem:$0x1BA80] =	vst v63  }
0x55: {  	s14 =	rddreg [dreg:$0x8]  }
0x56: {  	[tilespmem:s4], [sflag:$0x2] =	stream.linear.gather [hbm4b:s14+s10], $0x4000, $0x38;
	[tilespmem:$0x1BA80] =	vst v63  }
.LBB2_6:
0x57: {  	_ =	swait.ge [sflag:s22], $0x4000  }
0x58: {  	[sflag:s22] =	ssyncset.done $0x0  }
0x59: {  	[sflag:s22] =	ssyncadd.s32 $0xFFFFC000  }
0x5a: {  	_ =	swait.ge [sflag:s23], $0x4000  }
0x5b: {  	[sflag:s23] =	ssyncset.done $0x0  }
0x5c: {  	s11 =	simm.s32 $0x0;
	[sflag:s23] =	ssyncadd.s32 $0xFFFFC000  }
0x5d: {  	v8 =	vld [tilespmem:s11+$0x200]  }
0x5e: {  	v12 =	vld [tilespmem:s11+$0x210]  }
0x5f: {  	v6 =	vld [tilespmem:s11+$0x220]  }
0x60: {  	v5 =	vld [tilespmem:s11+$0x230]  }
0x61: {  	v4 =	vld [tilespmem:s11+$0x240]  }
0x62: {  	v3 =	vld [tilespmem:s11+$0x250]  }
0x63: {  	v2 =	vld [tilespmem:s11+$0x260]  }
0x64: {  	v1 =	vld [tilespmem:s11+$0x270]  }
0x65: {  	v13 =	vld [tilespmem:s11+$0x4200]  }
0x66: {  	v14 =	vld [tilespmem:s11+$0x4210]  }
0x67: {  	v11 =	vld [tilespmem:s11+$0x4220]  }
0x68: {  	v10 =	vld [tilespmem:s11+$0x4230]  }
0x69: {  	v9 =	vld [tilespmem:s11+$0x4240]  }
0x6a: {  	v7 =	vld [tilespmem:s11+$0x4250];
	v13 =	vmul.f32 v8, v13  }
0x6b: {  	s12 =	simm.s32 $0x200;
	v12 =	vmul.f32 v12, v14;
	v8 =	vld [tilespmem:s11+$0x4260]  }
.LBB2_7:
0x6c: {  	s13 =	sshra.s32 s12, $0x2;
	p2 =	sne.s32 s12, $0xFE00;
	[tilespmem:s11+$0x4200] =	vst v13;
	v6 =	vmul.f32 v6, v11;
	v11 =	vld [tilespmem:s11+$0x4270]  }
0x6d: {  	v13 =	vld [tilespmem:s13+$0x200];
	[tilespmem:s11+$0x4210] =	vst v12;
	v5 =	vmul.f32 v5, v10  }
0x6e: {  	v12 =	vld [tilespmem:s13+$0x210];
	[tilespmem:s11+$0x4220] =	vst v6;
	v4 =	vmul.f32 v4, v9  }
0x6f: {  	v6 =	vld [tilespmem:s13+$0x220];
	[tilespmem:s11+$0x4230] =	vst v5;
	v3 =	vmul.f32 v3, v7  }
0x70: {  	v5 =	vld [tilespmem:s13+$0x230];
	[tilespmem:s11+$0x4240] =	vst v4;
	v2 =	vmul.f32 v2, v8  }
0x71: {  	v4 =	vld [tilespmem:s13+$0x240];
	[tilespmem:s11+$0x4250] =	vst v3;
	v1 =	vmul.f32 v1, v11  }
0x72: {  	v3 =	vld [tilespmem:s13+$0x250];
	[tilespmem:s11+$0x4260] =	vst v2  }
0x73: {  	v2 =	vld [tilespmem:s13+$0x260];
	[tilespmem:s11+$0x4270] =	vst v1;
	s11 =	smov.u32 s13  }
0x74: {  	v1 =	vld [tilespmem:s11+$0x270]  }
0x75: {  	v7 =	vld [tilespmem:s11+$0x4200]  }
0x76: {  	v8 =	vld [tilespmem:s11+$0x4210]  }
.Ltmp5:
0x77: {  	v11 =	vld [tilespmem:s11+$0x4220];
	(pc) =	sbr.rel @p2 .LBB2_7-.Ltmp5, $4  }
0x78: {  	v10 =	vld [tilespmem:s11+$0x4230]  }
0x79: {  	v9 =	vld [tilespmem:s11+$0x4240]  }
0x7a: {  	v13 =	vmul.f32 v13, v7;
	v7 =	vld [tilespmem:s11+$0x4250]  }
0x7b: {  	s12 =	sadd.s32 $0x200, s12;
	v12 =	vmul.f32 v12, v8;
	v8 =	vld [tilespmem:s11+$0x4260]  }
0x7c: {  	[tilespmem:s11+$0x4200] =	vst v13;
	v6 =	vmul.f32 v6, v11;
	v11 =	vld [tilespmem:s11+$0x4270]  }
0x7d: {  	[tilespmem:s11+$0x4210] =	vst v12;
	v5 =	vmul.f32 v5, v10  }
0x7e: {  	[tilespmem:s11+$0x4220] =	vst v6;
	v4 =	vmul.f32 v4, v9  }
0x7f: {  	[tilespmem:s11+$0x4230] =	vst v5;
	v3 =	vmul.f32 v3, v7  }
0x80: {  	[tilespmem:s11+$0x4240] =	vst v4;
	v2 =	vmul.f32 v2, v8  }
0x81: {  	[tilespmem:s11+$0x4250] =	vst v3;
	v1 =	vmul.f32 v1, v11  }
0x82: {  	[tilespmem:s11+$0x4260] =	vst v2  }
0x83: {  	[tilespmem:s11+$0x4270] =	vst v1  }
0x84: {  	_ =	swait.ge [sflag:s24], $0x80  }
0x85: {  	[sflag:s24] =	ssyncset.done $0x0  }
0x86: {  	[sflag:s24] =	ssyncadd.s32 $0xFFFFFF80  }
0x87: {  	_ =	swait.ge [sflag:s24], $0x80  }
0x88: {  	[sflag:s24] =	ssyncset.done $0x0  }
0x89: {  	s11 =	sshll.u32 s10, $0x1;
	[sflag:s24] =	ssyncadd.s32 $0xFFFFFF80  }
0x8a: {  	[tilespmem:s29], [sflag:$0x1] =	stream.indirect.gather [hbm4b:s1+s25], $0x80, s25, s25, $0xb8;
	[tilespmem:$0x1BA80] =	vst v63  }
0x8b: {  	s12 =	sadd.s32 s11, s15  }
0x8c: {  	[spmem:s2] =	stream.indirect.scatter.add.f32 [tilespmem:s4], [sflag:$0x5], $0x80, s31, s25, $0xb8;
	[tilespmem:$0x1BA80] =	vst v63  }
0x8d: {  	s12 =	sshll.u32 s12, $0xB;
	_ =	swait.ge [sflag:s30], $0x4000  }
0x8e: {  	s12 =	sand.u32 $0x1FFFF800, s12;
	[sflag:s30] =	ssyncset.done $0x0  }
0x8f: {  	p2 =	seq.s32 s10, $0x12;
	s12 =	sadd.s32 s7, s12;
	[sflag:s30] =	ssyncadd.s32 $0xFFFFC000  }
0x90: {  	[tilespmem:s4], [sflag:$0x2] =	stream.linear.gather [hbm4b:s12+s3], $0x4000, $0x38;
	[tilespmem:$0x1BA80] =	vst v63  }
0x91: {  	s12 =	sadd.s32 @!p2 s11, s16  }
0x92: {  	s12 =	sshll.u32 @!p2 s12, $0x4  }
0x93: {  	s12 =	sand.u32 @!p2 $0x1FFFFFF0, s12  }
0x94: {  	s14 =	simm.s32 @!p2 $0x0;
	s13 =	sadd.s32 @!p2 s5, s12  }
0x95: {  	[tilespmem:s14], [sflag:$0x3] =	stream.linear.gather @!p2 [hbm4b:s13+s14], $0x80, $0x38;
	[tilespmem:$0x1BA80] =	vst v63  }
0x96: {  	s12 =	sadd.s32 @!p2 s6, s12;
	s13 =	simm.s32 @!p2 $0x100  }
0x97: {  	[tilespmem:s13], [sflag:$0x3] =	stream.linear.gather @!p2 [hbm4b:s12+s14], $0x80, $0x38;
	[tilespmem:$0x1BA80] =	vst v63  }
0x98: {  	_ =	swait.ge [sflag:s22], $0x4000  }
0x99: {  	[sflag:s22] =	ssyncset.done $0x0  }
0x9a: {  	[sflag:s22] =	ssyncadd.s32 $0xFFFFC000  }
0x9b: {  	_ =	swait.ge [sflag:s23], $0x4000  }
0x9c: {  	[sflag:s23] =	ssyncset.done $0x0  }
0x9d: {  	s12 =	simm.s32 $0x0;
	[sflag:s23] =	ssyncadd.s32 $0xFFFFC000  }
0x9e: {  	v8 =	vld [tilespmem:s12+$0x200]  }
0x9f: {  	v12 =	vld [tilespmem:s12+$0x210]  }
0xa0: {  	v6 =	vld [tilespmem:s12+$0x220]  }
0xa1: {  	v5 =	vld [tilespmem:s12+$0x230]  }
0xa2: {  	v4 =	vld [tilespmem:s12+$0x240]  }
0xa3: {  	v3 =	vld [tilespmem:s12+$0x250]  }
0xa4: {  	v2 =	vld [tilespmem:s12+$0x260]  }
0xa5: {  	v1 =	vld [tilespmem:s12+$0x270]  }
0xa6: {  	v13 =	vld [tilespmem:s12+$0x4200]  }
0xa7: {  	v14 =	vld [tilespmem:s12+$0x4210]  }
0xa8: {  	v11 =	vld [tilespmem:s12+$0x4220]  }
0xa9: {  	v10 =	vld [tilespmem:s12+$0x4230]  }
0xaa: {  	v9 =	vld [tilespmem:s12+$0x4240]  }
0xab: {  	v7 =	vld [tilespmem:s12+$0x4250];
	v13 =	vmul.f32 v8, v13  }
0xac: {  	s13 =	simm.s32 $0x200;
	v12 =	vmul.f32 v12, v14;
	v8 =	vld [tilespmem:s12+$0x4260]  }
.LBB2_9:
0xad: {  	s14 =	sshra.s32 s13, $0x2;
	p3 =	sne.s32 s13, $0xFE00;
	[tilespmem:s12+$0x4200] =	vst v13;
	v6 =	vmul.f32 v6, v11;
	v11 =	vld [tilespmem:s12+$0x4270]  }
0xae: {  	v13 =	vld [tilespmem:s14+$0x200];
	[tilespmem:s12+$0x4210] =	vst v12;
	v5 =	vmul.f32 v5, v10  }
0xaf: {  	v12 =	vld [tilespmem:s14+$0x210];
	[tilespmem:s12+$0x4220] =	vst v6;
	v4 =	vmul.f32 v4, v9  }
0xb0: {  	v6 =	vld [tilespmem:s14+$0x220];
	[tilespmem:s12+$0x4230] =	vst v5;
	v3 =	vmul.f32 v3, v7  }
0xb1: {  	v5 =	vld [tilespmem:s14+$0x230];
	[tilespmem:s12+$0x4240] =	vst v4;
	v2 =	vmul.f32 v2, v8  }
0xb2: {  	v4 =	vld [tilespmem:s14+$0x240];
	[tilespmem:s12+$0x4250] =	vst v3;
	v1 =	vmul.f32 v1, v11  }
0xb3: {  	v3 =	vld [tilespmem:s14+$0x250];
	[tilespmem:s12+$0x4260] =	vst v2  }
0xb4: {  	v2 =	vld [tilespmem:s14+$0x260];
	[tilespmem:s12+$0x4270] =	vst v1;
	s12 =	smov.u32 s14  }
0xb5: {  	v1 =	vld [tilespmem:s12+$0x270]  }
0xb6: {  	v7 =	vld [tilespmem:s12+$0x4200]  }
0xb7: {  	v8 =	vld [tilespmem:s12+$0x4210]  }
.Ltmp6:
0xb8: {  	v11 =	vld [tilespmem:s12+$0x4220];
	(pc) =	sbr.rel @p3 .LBB2_9-.Ltmp6, $4  }
0xb9: {  	v10 =	vld [tilespmem:s12+$0x4230]  }
0xba: {  	v9 =	vld [tilespmem:s12+$0x4240]  }
0xbb: {  	v13 =	vmul.f32 v13, v7;
	v7 =	vld [tilespmem:s12+$0x4250]  }
0xbc: {  	s13 =	sadd.s32 $0x200, s13;
	v12 =	vmul.f32 v12, v8;
	v8 =	vld [tilespmem:s12+$0x4260]  }
0xbd: {  	[tilespmem:s12+$0x4200] =	vst v13;
	v6 =	vmul.f32 v6, v11;
	v63 =	vld [tilespmem:s12+$0x4270]  }
0xbe: {  	[tilespmem:s12+$0x4210] =	vst v12;
	v5 =	vmul.f32 v5, v10  }
0xbf: {  	[tilespmem:s12+$0x4220] =	vst v6;
	v4 =	vmul.f32 v4, v9  }
.Ltmp7:
0xc0: {  	[tilespmem:s12+$0x4230] =	vst v5;
	v3 =	vmul.f32 v3, v7;
	(pc) =	sbr.rel @p2 .LBB2_12-.Ltmp7, $4  }
0xc1: {  	[tilespmem:s12+$0x4240] =	vst v4;
	v2 =	vmul.f32 v2, v8  }
0xc2: {  	[tilespmem:s12+$0x4250] =	vst v3;
	v1 =	vmul.f32 v1, v63  }
0xc3: {  	[tilespmem:s12+$0x4260] =	vst v2  }
0xc4: {  	[tilespmem:s12+$0x4270] =	vst v1  }
0xc5: {  	_ =	swait.ge [sflag:s0], $0x80  }
0xc6: {  	[sflag:s0] =	ssyncset.done $0x0  }
0xc7: {  	[sflag:s0] =	ssyncadd.s32 $0xFFFFFF80  }
0xc8: {  	_ =	swait.ge [sflag:s0], $0x80  }
0xc9: {  	[sflag:s0] =	ssyncset.done $0x0  }
0xca: {  	[sflag:s0] =	ssyncadd.s32 $0xFFFFFF80  }
0xcb: {  	[tilespmem:s29], [sflag:$0x1] =	stream.indirect.gather [hbm4b:s1+s25], $0x80, s3, s25, $0xb8;
	[tilespmem:$0x1BA80] =	vst v63  }
0xcc: {  	s12 =	sadd.s32 s11, s16  }
0xcd: {  	[spmem:s2] =	stream.indirect.scatter.add.f32 [tilespmem:s4], [sflag:$0x5], $0x80, s28, s25, $0xb8;
	[tilespmem:$0x1BA80] =	vst v63  }
0xce: {  	s12 =	sshll.u32 s12, $0xB;
	_ =	swait.ge [sflag:s30], $0x4000  }
0xcf: {  	s13 =	sadd.s32 s11, s17;
	s12 =	sand.u32 $0x1FFFF800, s12;
	[sflag:s30] =	ssyncset.done $0x0  }
0xd0: {  	s11 =	sshll.u32 s13, $0x4;
	s12 =	sadd.s32 s7, s12;
	[sflag:s30] =	ssyncadd.s32 $0xFFFFC000  }
0xd1: {  	[tilespmem:s4], [sflag:$0x2] =	stream.linear.gather [hbm4b:s12+s3], $0x4000, $0x38;
	[tilespmem:$0x1BA80] =	vst v63  }
.Ltmp8:
0xd2: {  	s11 =	sand.u32 $0x1FFFFFF0, s11;
	(pc) =	sbr.rel .LBB2_6-.Ltmp8, $4  }
0xd3: {  	s14 =	sadd.s32 s5, s11  }
0xd4: {  	[tilespmem:s25], [sflag:$0x4] =	stream.linear.gather [hbm4b:s14+s3], $0x80, $0x38;
	[tilespmem:$0x1BA80] =	vst v63  }
0xd5: {  	s10 =	sadd.s32 $0x1, s10;
	s11 =	sadd.s32 s6, s11  }
0xd6: {  	[tilespmem:s28], [sflag:$0x4] =	stream.linear.gather [hbm4b:s11+s3], $0x80, $0x38;
	[tilespmem:$0x1BA80] =	vst v63  }
.LBB2_12:
0xd7: {  	[spmem:s2] =	stream.indirect.scatter.add.f32 [tilespmem:s4], [sflag:$0x5], $0x80, s28, s25, $0xb8;
	[tilespmem:$0x1BA80] =	vst v63  }
0xd8: {  	_ =	swait.ge [sflag:s30], $0x4000  }
0xd9: {  	[sflag:s30] =	ssyncset.done $0x0  }
0xda: {  	s10 =	simm.s32 $0x0;
	[sflag:s30] =	ssyncadd.s32 $0xFFFFC000  }
0xdb: {  	[tilespmem:s10], [sflag:$0x3] =	stream.linear.gather [hbm4b:s19+s10], $0x80, $0x38;
	[tilespmem:$0x1BA80] =	vst v63  }
0xdc: {  	_ = 	snop  }
0xdd: {  	[tilespmem:s31], [sflag:$0x3] =	stream.linear.gather [hbm4b:s20+s10], $0x80, $0x38;
	[tilespmem:$0x1BA80] =	vst v63  }
0xde: {  	_ =	swait.ge [sflag:s0], $0x80  }
0xdf: {  	[sflag:s0] =	ssyncset.done $0x0  }
0xe0: {  	[sflag:s0] =	ssyncadd.s32 $0xFFFFFF80  }
0xe1: {  	_ =	swait.ge [sflag:s0], $0x80  }
0xe2: {  	[sflag:s0] =	ssyncset.done $0x0  }
0xe3: {  	[sflag:s0] =	ssyncadd.s32 $0xFFFFFF80  }
0xe4: {  	[tilespmem:s29], [sflag:$0x1] =	stream.indirect.gather [hbm4b:s1+s25], $0x80, s10, s25, $0xb8;
	[tilespmem:$0x1BA80] =	vst v63  }
0xe5: {  	_ =	swait.ge [sflag:s22], $0x4000  }
0xe6: {  	[sflag:s22] =	ssyncset.done $0x0  }
0xe7: {  	[sflag:s22] =	ssyncadd.s32 $0xFFFFC000  }
0xe8: {  	[tilespmem:s4], [sflag:$0x2] =	stream.linear.gather [hbm4b:s21+s10], $0x4000, $0x38;
	[tilespmem:$0x1BA80] =	vst v63  }
0xe9: {  	_ =	swait.ge [sflag:s23], $0x4000  }
0xea: {  	[sflag:s23] =	ssyncset.done $0x0  }
0xeb: {  	s10 =	simm.s32 $0x0;
	[sflag:s23] =	ssyncadd.s32 $0xFFFFC000  }
0xec: {  	v8 =	vld [tilespmem:s10+$0x200]  }
0xed: {  	v12 =	vld [tilespmem:s10+$0x210]  }
0xee: {  	v6 =	vld [tilespmem:s10+$0x220]  }
0xef: {  	v5 =	vld [tilespmem:s10+$0x230]  }
0xf0: {  	v4 =	vld [tilespmem:s10+$0x240]  }
0xf1: {  	v3 =	vld [tilespmem:s10+$0x250]  }
0xf2: {  	v2 =	vld [tilespmem:s10+$0x260]  }
0xf3: {  	v1 =	vld [tilespmem:s10+$0x270]  }
0xf4: {  	v13 =	vld [tilespmem:s10+$0x4200]  }
0xf5: {  	v14 =	vld [tilespmem:s10+$0x4210]  }
0xf6: {  	v11 =	vld [tilespmem:s10+$0x4220]  }
0xf7: {  	v10 =	vld [tilespmem:s10+$0x4230]  }
0xf8: {  	v9 =	vld [tilespmem:s10+$0x4240]  }
0xf9: {  	v7 =	vld [tilespmem:s10+$0x4250];
	v13 =	vmul.f32 v8, v13  }
0xfa: {  	s11 =	simm.s32 $0x200;
	v12 =	vmul.f32 v12, v14;
	v8 =	vld [tilespmem:s10+$0x4260]  }
.LBB2_13:
0xfb: {  	s12 =	sshra.s32 s11, $0x2;
	p2 =	sne.s32 s11, $0xFE00;
	[tilespmem:s10+$0x4200] =	vst v13;
	v6 =	vmul.f32 v6, v11;
	v11 =	vld [tilespmem:s10+$0x4270]  }
0xfc: {  	v13 =	vld [tilespmem:s12+$0x200];
	[tilespmem:s10+$0x4210] =	vst v12;
	v5 =	vmul.f32 v5, v10  }
0xfd: {  	v12 =	vld [tilespmem:s12+$0x210];
	[tilespmem:s10+$0x4220] =	vst v6;
	v4 =	vmul.f32 v4, v9  }
0xfe: {  	v6 =	vld [tilespmem:s12+$0x220];
	[tilespmem:s10+$0x4230] =	vst v5;
	v3 =	vmul.f32 v3, v7  }
0xff: {  	v5 =	vld [tilespmem:s12+$0x230];
	[tilespmem:s10+$0x4240] =	vst v4;
	v2 =	vmul.f32 v2, v8  }
0x100: {  	v4 =	vld [tilespmem:s12+$0x240];
	[tilespmem:s10+$0x4250] =	vst v3;
	v1 =	vmul.f32 v1, v11  }
0x101: {  	v3 =	vld [tilespmem:s12+$0x250];
	[tilespmem:s10+$0x4260] =	vst v2  }
0x102: {  	v2 =	vld [tilespmem:s12+$0x260];
	[tilespmem:s10+$0x4270] =	vst v1;
	s10 =	smov.u32 s12  }
0x103: {  	v1 =	vld [tilespmem:s10+$0x270]  }
0x104: {  	v7 =	vld [tilespmem:s10+$0x4200]  }
0x105: {  	v8 =	vld [tilespmem:s10+$0x4210]  }
.Ltmp9:
0x106: {  	v11 =	vld [tilespmem:s10+$0x4220];
	(pc) =	sbr.rel @p2 .LBB2_13-.Ltmp9, $4  }
0x107: {  	v10 =	vld [tilespmem:s10+$0x4230]  }
0x108: {  	v9 =	vld [tilespmem:s10+$0x4240]  }
0x109: {  	v13 =	vmul.f32 v13, v7;
	v7 =	vld [tilespmem:s10+$0x4250]  }
0x10a: {  	s11 =	sadd.s32 $0x200, s11;
	v12 =	vmul.f32 v12, v8;
	v8 =	vld [tilespmem:s10+$0x4260]  }
0x10b: {  	[tilespmem:s10+$0x4200] =	vst v13;
	v6 =	vmul.f32 v6, v11;
	v63 =	vld [tilespmem:s10+$0x4270]  }
0x10c: {  	[tilespmem:s10+$0x4210] =	vst v12;
	v5 =	vmul.f32 v5, v10  }
0x10d: {  	[tilespmem:s10+$0x4220] =	vst v6;
	v4 =	vmul.f32 v4, v9  }
0x10e: {  	[tilespmem:s10+$0x4230] =	vst v5;
	v3 =	vmul.f32 v3, v7  }
0x10f: {  	[tilespmem:s10+$0x4240] =	vst v4;
	v2 =	vmul.f32 v2, v8  }
0x110: {  	[tilespmem:s10+$0x4250] =	vst v3;
	v1 =	vmul.f32 v1, v63  }
0x111: {  	[tilespmem:s10+$0x4260] =	vst v2  }
.Ltmp10:
0x112: {  	[tilespmem:s10+$0x4270] =	vst v1;
	(pc) =	sbr.rel @p0 .LBB2_19-.Ltmp10, $4  }
0x113: {  	[spmem:s2] =	stream.indirect.scatter.add.f32 [tilespmem:s4], [sflag:$0x5], $0x80, s31, s25, $0xb8;
	[tilespmem:$0x1BA80] =	vst v63  }
0x114: {  	_ =	swait.ge [sflag:s30], $0x4000  }
0x115: {  	[sflag:s30] =	ssyncset.done $0x0  }
0x116: {  	[sflag:s30] =	ssyncadd.s32 $0xFFFFC000  }
0x117: {  	s10 =	simm.s32 $0x0;
	s11 =	rddreg [dreg:$0xa]  }
0x118: {  	[tilespmem:s10], [sflag:$0x3] =	stream.linear.gather [hbm4b:s11+s10], $0x80, $0x38;
	[tilespmem:$0x1BA80] =	vst v63  }
0x119: {  	s13 =	rddreg [dreg:$0xb]  }
0x11a: {  	[tilespmem:s31], [sflag:$0x3] =	stream.linear.gather [hbm4b:s13+s10], $0x80, $0x38;
	[tilespmem:$0x1BA80] =	vst v63  }
0x11b: {  	_ =	swait.ge [sflag:s0], $0x80  }
0x11c: {  	[sflag:s0] =	ssyncset.done $0x0  }
0x11d: {  	[sflag:s0] =	ssyncadd.s32 $0xFFFFFF80  }
0x11e: {  	_ =	swait.ge [sflag:s0], $0x80  }
0x11f: {  	[sflag:s0] =	ssyncset.done $0x0  }
0x120: {  	[sflag:s0] =	ssyncadd.s32 $0xFFFFFF80  }
0x121: {  	[tilespmem:s29], [sflag:$0x1] =	stream.indirect.gather [hbm4b:s1+s25], $0x80, s10, s25, $0xb8;
	[tilespmem:$0x1BA80] =	vst v63  }
0x122: {  	_ =	swait.ge [sflag:s22], $0x4000  }
0x123: {  	[sflag:s22] =	ssyncset.done $0x0  }
0x124: {  	s14 =	rddreg [dreg:$0xc];
	[sflag:s22] =	ssyncadd.s32 $0xFFFFC000  }
0x125: {  	[tilespmem:s4], [sflag:$0x2] =	stream.linear.gather [hbm4b:s14+s10], $0x4000, $0x38;
	[tilespmem:$0x1BA80] =	vst v63  }
0x126: {  	_ =	swait.ge [sflag:s23], $0x4000  }
0x127: {  	[sflag:s23] =	ssyncset.done $0x0  }
0x128: {  	s10 =	simm.s32 $0x0;
	[sflag:s23] =	ssyncadd.s32 $0xFFFFC000  }
0x129: {  	v8 =	vld [tilespmem:s10+$0x200]  }
0x12a: {  	v12 =	vld [tilespmem:s10+$0x210]  }
0x12b: {  	v6 =	vld [tilespmem:s10+$0x220]  }
0x12c: {  	v5 =	vld [tilespmem:s10+$0x230]  }
0x12d: {  	v4 =	vld [tilespmem:s10+$0x240]  }
0x12e: {  	v3 =	vld [tilespmem:s10+$0x250]  }
0x12f: {  	v2 =	vld [tilespmem:s10+$0x260]  }
0x130: {  	v1 =	vld [tilespmem:s10+$0x270]  }
0x131: {  	v13 =	vld [tilespmem:s10+$0x4200]  }
0x132: {  	v14 =	vld [tilespmem:s10+$0x4210]  }
0x133: {  	v11 =	vld [tilespmem:s10+$0x4220]  }
0x134: {  	v10 =	vld [tilespmem:s10+$0x4230]  }
0x135: {  	v9 =	vld [tilespmem:s10+$0x4240]  }
0x136: {  	v7 =	vld [tilespmem:s10+$0x4250];
	v13 =	vmul.f32 v8, v13  }
0x137: {  	s11 =	simm.s32 $0x200;
	v12 =	vmul.f32 v12, v14;
	v8 =	vld [tilespmem:s10+$0x4260]  }
.LBB2_16:
0x138: {  	s12 =	sshra.s32 s11, $0x2;
	p2 =	sne.s32 s11, $0xFE00;
	[tilespmem:s10+$0x4200] =	vst v13;
	v6 =	vmul.f32 v6, v11;
	v11 =	vld [tilespmem:s10+$0x4270]  }
0x139: {  	v13 =	vld [tilespmem:s12+$0x200];
	[tilespmem:s10+$0x4210] =	vst v12;
	v5 =	vmul.f32 v5, v10  }
0x13a: {  	v12 =	vld [tilespmem:s12+$0x210];
	[tilespmem:s10+$0x4220] =	vst v6;
	v4 =	vmul.f32 v4, v9  }
0x13b: {  	v6 =	vld [tilespmem:s12+$0x220];
	[tilespmem:s10+$0x4230] =	vst v5;
	v3 =	vmul.f32 v3, v7  }
0x13c: {  	v5 =	vld [tilespmem:s12+$0x230];
	[tilespmem:s10+$0x4240] =	vst v4;
	v2 =	vmul.f32 v2, v8  }
0x13d: {  	v4 =	vld [tilespmem:s12+$0x240];
	[tilespmem:s10+$0x4250] =	vst v3;
	v1 =	vmul.f32 v1, v11  }
0x13e: {  	v3 =	vld [tilespmem:s12+$0x250];
	[tilespmem:s10+$0x4260] =	vst v2  }
0x13f: {  	v2 =	vld [tilespmem:s12+$0x260];
	[tilespmem:s10+$0x4270] =	vst v1;
	s10 =	smov.u32 s12  }
0x140: {  	v1 =	vld [tilespmem:s10+$0x270]  }
0x141: {  	v7 =	vld [tilespmem:s10+$0x4200]  }
0x142: {  	v8 =	vld [tilespmem:s10+$0x4210]  }
.Ltmp11:
0x143: {  	v11 =	vld [tilespmem:s10+$0x4220];
	(pc) =	sbr.rel @p2 .LBB2_16-.Ltmp11, $4  }
0x144: {  	v10 =	vld [tilespmem:s10+$0x4230]  }
0x145: {  	v9 =	vld [tilespmem:s10+$0x4240]  }
0x146: {  	v13 =	vmul.f32 v13, v7;
	v7 =	vld [tilespmem:s10+$0x4250]  }
0x147: {  	s11 =	sadd.s32 $0x200, s11;
	v12 =	vmul.f32 v12, v8;
	v8 =	vld [tilespmem:s10+$0x4260]  }
0x148: {  	[tilespmem:s10+$0x4200] =	vst v13;
	v6 =	vmul.f32 v6, v11;
	v63 =	vld [tilespmem:s10+$0x4270]  }
0x149: {  	[tilespmem:s10+$0x4210] =	vst v12;
	v5 =	vmul.f32 v5, v10  }
0x14a: {  	[tilespmem:s10+$0x4220] =	vst v6;
	v4 =	vmul.f32 v4, v9  }
0x14b: {  	[tilespmem:s10+$0x4230] =	vst v5;
	v3 =	vmul.f32 v3, v7  }
0x14c: {  	[tilespmem:s10+$0x4240] =	vst v4;
	v2 =	vmul.f32 v2, v8  }
0x14d: {  	[tilespmem:s10+$0x4250] =	vst v3;
	v1 =	vmul.f32 v1, v63  }
0x14e: {  	[tilespmem:s10+$0x4260] =	vst v2  }
0x14f: {  	[tilespmem:s10+$0x4270] =	vst v1  }
0x150: {  	[spmem:s2] =	stream.indirect.scatter.add.f32 [tilespmem:s4], [sflag:$0x5], $0x80, s31, s25, $0xb8;
	[tilespmem:$0x1BA80] =	vst v63  }
.Ltmp12:
0x151: {  	_ =	swait.ge [sflag:s30], $0x4000;
	(pc) =	sbr.rel .LBB2_18-.Ltmp12, $3  }
0x152: {  	[sflag:s30] =	ssyncset.done $0x0  }
0x153: {  	[sflag:s30] =	ssyncadd.s32 $0xFFFFC000  }
0x154: {  	[bflag:$0x0] =	sbarrier.arrive $0xFFFF;
	_ =	sdelay $0x1  }
.LBB2_19:
.Ltmp13:
0x155: {  	(pc) =	sbr.rel @!p1 .LBB2_20-.Ltmp13, $2  }
0x156: {  	_ =	sdelay $0x1  }
0x157: {  	[bflag:$0x0] =	sbarrier.arrive $0xFFFF;
	_ =	sdelay $0x1  }
.LBB2_18:
0x158: {  	s10 =	stileid.u32  }
0x159: {  	s11 =	sshrl.u32 s9, $0x3;
	s10 =	sshll.u32 s10, $0x6  }
.Ltmp14:
0x15a: {  	s12 =	rddreg [dreg:$0x9];
	s10 =	sor.u32 $0x1C05, s10;
	(pc) =	sbr.rel .LBB2_21-.Ltmp14, $4  }
0x15b: {  	[hbm:s12], [sflag:s10] =	dma.local [spmem:s11], $0x2700  }
0x15c: {  	_ =	swait.ge [sflag:s30], $0x2700  }
0x15d: {  	[sflag:s30] =	ssyncset.done $0x0  }
0x15e: {  	[sflag:s30] =	ssyncadd.s32 $0xFFFFD900  }
.LBB2_22:
0x15f: {  	_ =	sfence.sel $0x180000  }
0x160: {  	[bflag:$0x0] =	sbarrier.arrive $0xFFFF  }
0x161: {  	_ =	strace $0x90000047  }
0x162: {  	s0 =	stileid.u32;
	[bflag:$0x2] =	sbarrier.arrive $0xFFFF  }
0x163: {  	p0 =	sne.s32 s0, $0x0;
	s0 =	rddreg [dreg:$0x3]  }
0x164: {  	s0 =	sadd.s32 @!p0 $0x100000, s0  }
0x165: {  	[sflag:s0] =	ssyncadd.tile.s32 @!p0 $0x1;
	_ =	shalt  }
.Lfunc_end2:
_tile_overlayer_lowered:
.L_overlay_start_2:
0x166: {  	(tag) =	ssettag $0x2  }
0x167: {  	s0 =	rddreg [dreg:$0x0];
	s2 =	stileid.u32  }
0x168: {  	s1 =	rddreg [dreg:$0x1];
	p0 =	sne.s32 s2, $0x0  }
0x169: {  	s3 =	rddreg [dreg:$0x2];
	[bflag:$0x3] =	sbarrier.arrive $0xFFFF;
	s2 =	simm.s32 @!p0 $0x1C05  }
0x16a: {  	[timem:s3], [sflag:s2] =	dma.local @!p0 [hbm:s0], s1  }
0x16b: {  	s0 =	simm.s32 @!p0 $0x5  }
0x16c: {  	_ =	swait.ge @!p0 [sflag:s0], s1  }
0x16d: {  	s1 =	ssub.s32 @!p0 $0x0, s1;
	[sflag:s0] =	ssyncset.done @!p0 $0x0  }
0x16e: {  	[sflag:s0] =	ssyncadd.s32 @!p0 s1  }
0x16f: {  	[bflag:$0x3] =	sbarrier.arrive $0xFFFF  }
0x170: {  	_ =	shalt  }

// kernel: kernel.8.cloned.1.call-start
scs
__scs_entry_jumppad:
0x0: {  	(pc) =	sbr.rel $0x88, $3  }
0x1: {  	(tag) =	ssettag $0x0;
	lr =	simm.s32 $0x1  }
0x2: {  	[smem:$0x3F99] =	sst lr;
	_ =	strace $0xD0000000  }
0x3: {  	_ = 	snop  }
0x4: {  	_ = 	snop  }
0x5: {  	_ = 	snop  }
0x6: {  	_ = 	snop  }
0x7: {  	_ = 	snop  }
__scs_overlays_trampoline_lowered:
0x8: {  	[smem:$0x3FA8] =	sst s0  }
0x9: {  	[smem:$0x3FA9] =	sst s1  }
0xa: {  	[smem:$0x3FAA] =	sst s2  }
0xb: {  	[smem:$0x3FAB] =	sst s3  }
0xc: {  	[smem:$0x3FAC] =	sst s4  }
0xd: {  	[smem:$0x3FAD] =	sst s5  }
0xe: {  	[smem:$0x3FAE] =	sst s6  }
0xf: {  	[smem:$0x3FAF] =	sst s7  }
0x10: {  	[smem:$0x3FB0] =	sst s8  }
0x11: {  	[smem:$0x3FB1] =	sst s9;
	s0 =	simm.s32 @!p0 $0x0  }
0x12: {  	s1 =	sld [smem:$0x3F97];
	s0 =	simm.s32 @p0 $0x1  }
0x13: {  	[smem:$0x3FB2] =	sst s0;
	s0 =	simm.s32 @!p1 $0x0  }
0x14: {  	s2 =	sld [smem:$0x3F96];
	s0 =	simm.s32 @p1 $0x1  }
0x15: {  	[smem:$0x3FB3] =	sst s0;
	s0 =	simm.s32 @!p2 $0x0  }
0x16: {  	s3 =	sld [smem:$0x3FDB];
	s0 =	simm.s32 @p2 $0x1  }
0x17: {  	s4 =	simm.s32 $0x1BF5;
	[smem:$0x3FB5] =	sst s0  }
0x18: {  	s0 =	sld [smem:$0x3F98];
	_ =	swait.ge [sflag:s4], $0x0  }
0x19: {  	s7 =	sld [smem:$0x3F99]  }
0x1a: {  	s8 =	sadd.s32 $0xFFFFE003, lr  }
0x1b: {  	s9 =	sadd.s32 $0xFFFFFEF7, lr;
	s5 =	simm.s32 $0xFFFFFFFF;
	p2 =	slt.u32 s8, $0xFFFFF086  }
0x1c: {  	p1 =	slt.u32 s9, $0xF7A;
	s5 =	simm.s32 @!p2 $0x0  }
0x1d: {  	s5 =	simm.s32 @p1 $0x1;
	p0 =	seq.s32 s7, s2  }
0x1e: {  	s7 =	smul.u32 @!p0 $0xF7A, s2;
	p2 =	seq.s32 @!p0 s5, $0x0  }
0x1f: {  	s9 =	smul.u32 $0xF7A, s1;
	s8 =	simm.s32 @!p0 $0x1BF5;
	p2 =	por !p2, p0  }
0x20: {  	[sflag:s8] =	ssyncset.s32 @!p0 $0xFFFFF086;
	s6 =	sadd.s32 @!p0 s3, s7;
	s7 =	simm.s32 @!p0 $0x108  }
0x21: {  	s3 =	sadd.s32 s3, s9;
	s6 =	sadd.s32 @!p0 $0x88, s6;
	s7 =	simm.s32 @p2 $0x1082  }
0x22: {  	[simem:s7], [sflag:s8] =	dma.local @!p0 [hbm:s6], $0xF7A  }
0x23: {  	s9 =	sor.u32 $0xD0000000, s2;
	s6 =	simm.s32 $0x108;
	_ =	swait.ge @!p0 [sflag:s8], $0x0  }
0x24: {  	s3 =	sadd.s32 $0x88, s3;
	s6 =	simm.s32 @!p1 $0x1082;
	[sflag:s4] =	ssyncset.s32 $0xFFFFF086  }
0x25: {  	[simem:s6], [sflag:s4] =	dma.local [hbm:s3], $0xF7A  }
0x26: {  	[smem:$0x3F99] =	sst s1;
	(tag) =	ssettag s2;
	_ =	strace s9  }
0x27: {  	s1 =	sld [smem:$0x3FA9]  }
0x28: {  	s2 =	sld [smem:$0x3FAA]  }
0x29: {  	s4 =	sld [smem:$0x3FAC]  }
0x2a: {  	p0 =	seq.s32 s5, $0x0;
	s5 =	sld [smem:$0x3FAD]  }
0x2b: {  	s6 =	sld [smem:$0x3FAE]  }
0x2c: {  	s7 =	sld [smem:$0x3FAF]  }
0x2d: {  	s3 =	simm.s32 $0x108;
	s8 =	sld [smem:$0x3FB0]  }
0x2e: {  	s3 =	simm.s32 @!p0 $0x1082;
	s9 =	sld [smem:$0x3FB1]  }
0x2f: {  	lr =	sadd.s32 s0, s3;
	s0 =	sld [smem:$0x3FA8]  }
0x30: {  	s3 =	sld [smem:$0x3FAB]  }
0x31: {  	[smem:$0x3FB4] =	sst s10  }
0x32: {  	s10 =	sld [smem:$0x3FB2];
	_ =	sdelay $0x3  }
0x33: {  	p0 =	seq.s32 s10, $0x1;
	s10 =	sld [smem:$0x3FB4];
	_ =	sdelay $0x3  }
0x34: {  	[smem:$0x3FB4] =	sst s10  }
0x35: {  	s10 =	sld [smem:$0x3FB3];
	_ =	sdelay $0x3  }
0x36: {  	p1 =	seq.s32 s10, $0x1;
	s10 =	sld [smem:$0x3FB4];
	_ =	sdelay $0x3  }
0x37: {  	[smem:$0x3FB4] =	sst s10  }
0x38: {  	s10 =	sld [smem:$0x3FB5]  }
0x39: {  	_ = 	snop;
	(pc) =	sbr.ind lr, $3  }
0x3a: {  	_ = 	snop  }
0x3b: {  	_ = 	snop  }
0x3c: {  	p2 =	seq.s32 s10, $0x1;
	s10 =	sld [smem:$0x3FB4]  }
0x3d: {  	_ =	shalt  }
0x3e: {  	_ =	shalt  }
0x3f: {  	_ =	shalt  }
0x40: {  	_ =	shalt  }
0x41: {  	_ =	shalt  }
0x42: {  	_ =	shalt  }
0x43: {  	_ =	shalt  }
0x44: {  	_ =	shalt  }
0x45: {  	_ =	shalt  }
0x46: {  	_ =	shalt  }
0x47: {  	_ =	shalt  }
0x48: {  	_ =	shalt  }
0x49: {  	_ =	shalt  }
0x4a: {  	_ =	shalt  }
0x4b: {  	_ =	shalt  }
0x4c: {  	_ =	shalt  }
0x4d: {  	_ =	shalt  }
0x4e: {  	_ =	shalt  }
0x4f: {  	_ =	shalt  }
0x50: {  	_ =	shalt  }
0x51: {  	_ =	shalt  }
0x52: {  	_ =	shalt  }
0x53: {  	_ =	shalt  }
0x54: {  	_ =	shalt  }
0x55: {  	_ =	shalt  }
0x56: {  	_ =	shalt  }
0x57: {  	_ =	shalt  }
0x58: {  	_ =	shalt  }
0x59: {  	_ =	shalt  }
0x5a: {  	_ =	shalt  }
0x5b: {  	_ =	shalt  }
0x5c: {  	_ =	shalt  }
0x5d: {  	_ =	shalt  }
0x5e: {  	_ =	shalt  }
0x5f: {  	_ =	shalt  }
0x60: {  	_ =	shalt  }
0x61: {  	_ =	shalt  }
0x62: {  	_ =	shalt  }
0x63: {  	_ =	shalt  }
0x64: {  	_ =	shalt  }
0x65: {  	_ =	shalt  }
0x66: {  	_ =	shalt  }
0x67: {  	_ =	shalt  }
0x68: {  	_ =	shalt  }
0x69: {  	_ =	shalt  }
0x6a: {  	_ =	shalt  }
0x6b: {  	_ =	shalt  }
0x6c: {  	_ =	shalt  }
0x6d: {  	_ =	shalt  }
0x6e: {  	_ =	shalt  }
0x6f: {  	_ =	shalt  }
0x70: {  	_ =	shalt  }
0x71: {  	_ =	shalt  }
0x72: {  	_ =	shalt  }
0x73: {  	_ =	shalt  }
0x74: {  	_ =	shalt  }
0x75: {  	_ =	shalt  }
0x76: {  	_ =	shalt  }
0x77: {  	_ =	shalt  }
0x78: {  	_ =	shalt  }
0x79: {  	_ =	shalt  }
0x7a: {  	_ =	shalt  }
0x7b: {  	_ =	shalt  }
0x7c: {  	_ =	shalt  }
0x7d: {  	_ =	shalt  }
0x7e: {  	_ =	shalt  }
0x7f: {  	_ =	shalt  }
0x80: {  	_ =	shalt  }
0x81: {  	_ =	shalt  }
0x82: {  	_ =	shalt  }
0x83: {  	_ =	shalt  }
0x84: {  	_ =	shalt  }
0x85: {  	_ =	shalt  }
0x86: {  	_ =	shalt  }
0x87: {  	_ =	shalt  }
.Lfunc_end0:
.L_simem_size_0:
called_computation_lowered:
.L_overlay_start_0:
0x88: {  	s2 =	sld [smem:$0x3FD9]  }
0x89: {  	s3 =	sld [smem:$0x3FFE];
	_ =	sdelay $0x1  }
0x8a: {  	s1 =	srdreg.scid  }
0x8b: {  	s0 =	sand.u32 $0x1, s1  }
0x8c: {  	s15 =	sshll.u32 s0, $0xA;
	s2 =	sadd.s32 s3, s2  }
0x8d: {  	s2 =	sadd.s32 s2, s15  }
0x8e: {  	[smem:$0x3FC0] =	sst s2  }
0x8f: {  	_ = 	snop  }
0x90: {  	s2 =	sld [smem:$0x3FD0];
	_ =	sdelay $0x2  }
0x91: {  	s4 =	simm.s32 $0xB;
	s16 =	simm.s32 $0x10  }
0x92: {  	[smem:s16], [sflag:s4] =	dma.local [hbm:s2], $0x1  }
0x93: {  	_ =	swait.eq [sflag:s4], $0x1  }
0x94: {  	[sflag:s4] =	ssyncset.done $0x0  }
0x95: {  	s17 =	sld [smem:$0x10];
	[sflag:s4] =	ssyncadd.s32 $0xFFFFFFFF  }
0x96: {  	s18 =	sld [smem:$0x11];
	(tm) =	ssettm $0x1  }
0x97: {  	s19 =	sld [smem:$0x3FFB];
	_ =	sdelay $0x3  }
0x98: {  	_ =	strace s19  }
0x99: {  	s2 =	sld [smem:$0x3FFC];
	_ =	sdelay $0x3  }
0x9a: {  	_ =	strace s2  }
0x9b: {  	s2 =	sld [smem:$0x3FFD];
	_ =	sdelay $0x3  }
0x9c: {  	_ =	strace s2  }
0x9d: {  	_ =	strace $0x8FFFFFFF  }
0x9e: {  	s20 =	sld [smem:$0x3FDB];
	_ =	sdelay $0x1  }
0x9f: {  	s5 =	simm.s32 $_scs_section_size  }
0xa0: {  	s6 =	simm.s32 $_size__tile_overlayer_lowered;
	s7 =	simm.s32 $_tile_overlayer_lowered  }
0xa1: {  	s8 =	simm.s32 $0x1BFF;
	s21 =	sshll.u32 s7, $0x1;
	s5 =	sadd.s32 s5, s20  }
0xa2: {  	s22 =	simm.s32 $0x0;
	s6 =	sshll.u32 s6, $0x1;
	s7 =	sadd.s32 s21, s5  }
0xa3: {  	[timem:s22], [sflag:s8] =	dma.local [hbm:s7], s6  }
0xa4: {  	_ =	swait.ge [sflag:s8], s6  }
0xa5: {  	s6 =	ssub.s32 $0x0, s6;
	[sflag:s8] =	ssyncset.done $0x0  }
0xa6: {  	[sflag:s8] =	ssyncadd.s32 s6;
	_ =	sdelay $0x1  }
0xa7: {  	s23 =	simm.s32 $0x1B8B  }
0xa8: {  	_ =	swait.ge [sflag:s23], $0x1  }
0xa9: {  	[sflag:s23] =	ssyncset.done $0x0  }
0xaa: {  	[sflag:s23] =	ssyncadd.s32 $0xFFFFFFFF  }
0xab: {  	s6 =	sld [smem:$0x0]  }
0xac: {  	s7 =	sand.u32 $0xFFFFFFFE, s1  }
0xad: {  	p0 =	sne.s32 s1, s7  }
0xae: {  	s7 =	sshll.u32 @p0 s7, $0xE  }
0xaf: {  	s7 =	sadd.s32 @p0 $0x11B8D, s7;
	s8 =	sshll.u32 @p0 s6, $0x11  }
0xb0: {  	s7 =	sor.u32 @p0 s8, s7  }
0xb1: {  	[sflag:s7] =	ssyncadd.remote.s32 @p0 $0x1;
	_ =	sdelay $0x1  }
0xb2: {  	s7 =	simm.s32 @p0 $0x1B8D  }
0xb3: {  	_ =	swait.eq @p0 [sflag:s7], $0x1  }
0xb4: {  	[sflag:s7] =	ssyncadd.s32 @p0 $0xFFFFFFFF  }
0xb5: {  	s8 =	sshll.u32 @!p0 s1, $0xE  }
0xb6: {  	s8 =	sor.u32 @!p0 $0x4000, s8;
	s7 =	simm.s32 @!p0 $0x1B8D  }
0xb7: {  	s6 =	sshll.u32 @!p0 s6, $0x11;
	s8 =	sadd.s32 @!p0 $0x11B8D, s8;
	_ =	swait.eq @!p0 [sflag:s7], $0x1  }
0xb8: {  	s6 =	sor.u32 @!p0 s6, s8;
	[sflag:s7] =	ssyncadd.s32 @!p0 $0xFFFFFFFF  }
0xb9: {  	s25 =	simm.s32 $0x1B8E;
	s24 =	sld [smem:$0x3FFE];
	[sflag:s6] =	ssyncadd.remote.s32 @!p0 $0x1  }
0xba: {  	s26 =	simm.s32 $execute0_lowered;
	[smem:$0x3FD2] =	sst s25  }
0xbb: {  	s7 =	sshll.u32 s26, $0x1;
	_ =	strace $0x80000049;
	[dreg:$0x1] =	wrdreg $0xFFFFFFFF  }
0xbc: {  	s28 =	simm.s32 $_size_execute0_lowered;
	s5 =	sadd.s32 s5, s7;
	[dreg:$0x0] =	wrdreg $0x0  }
0xbd: {  	s7 =	sshll.u32 s28, $0x1;
	[dreg:$0x2] =	wrdreg s5  }
0xbe: {  	[dreg:$0x3] =	wrdreg s7  }
0xbf: {  	[dreg:$0x4] =	wrdreg $0xC0  }
0xc0: {  	_ =	task [dreg:s22], $0x5FFFF  }
0xc1: {  	[dreg:$0x1] =	wrdreg $0xFFFFFFFF  }
0xc2: {  	[dreg:$0x0] =	wrdreg $0x60  }
0xc3: {  	[dreg:$0x2] =	wrdreg s24  }
0xc4: {  	[dreg:$0x3] =	wrdreg s17  }
0xc5: {  	[dreg:$0x4] =	wrdreg s18  }
0xc6: {  	[dreg:$0x5] =	wrdreg $0x82000  }
0xc7: {  	[dreg:$0x6] =	wrdreg $0x9  }
0xc8: {  	_ =	task.clear_ibuf [dreg:s22], $0x7FFFF;
	_ =	strace $0x90000049  }
0xc9: {  	s29 =	simm.s32 $0x9;
	_ =	strace $0x8000004B  }
0xca: {  	_ =	swait.ge [sflag:s29], $0x1  }
0xcb: {  	[sflag:s29] =	ssyncadd.s32 $0xFFFFFFFF  }
0xcc: {  	_ =	strace $0x9000004B  }
0xcd: {  	_ =	sfence  }
0xce: {  	s30 =	sld [smem:$0x0];
	_ =	sdelay $0x2  }
0xcf: {  	s31 =	sshll.u32 s1, $0xD;
	s1 =	sshrl.u32 s1, $0x2  }
0xd0: {  	s4 =	sand.u32 $0x4000, s31;
	s1 =	sadd.s32 s1, s30  }
0xd1: {  	s0 =	sor.u32 s4, s0;
	s1 =	sshll.u32 s1, $0x11  }
0xd2: {  	s0 =	sor.u32 s1, s0  }
0xd3: {  	s0 =	sadd.s32 $0x8F2B, s0  }
0xd4: {  	[sflag:s0] =	ssyncadd.remote.s32 $0x1  }
0xd5: {  	_ =	sfence.sel $0xFFFF  }
0xd6: {  	[dreg:$0x0] =	wrdreg $0xFFFFFFFF;
	(pc) =	sbr.abs _section_cstart, $3  }
0xd7: {  	[dreg:$0x1] =	wrdreg $0xFFFFFFFF  }
0xd8: {  	_ =	task.clear_ibuf [dreg:s22], $0x2FFFF;
	_ =	strace $0x9FFFFFFF  }
0xd9: {  	(tm) =	ssettm $0x7FFFFFFF  }
tec
execute0_lowered:
.L_overlay_start_1:
0x0: {  	(tag) =	ssettag $0x1  }
0x1: {  	s0 =	rddreg [dreg:$0x0]  }
0x2: {  	s1 =	rddreg [dreg:$0x1]  }
0x3: {  	s4 =	rddreg [dreg:$0x2]  }
0x4: {  	s2 =	rddreg [dreg:$0x3]  }
0x5: {  	s3 =	simm.s32 $0x0;
	s5 =	srdreg.scid;
	s22 =	stileid.u32  }
0x6: {  	s8 =	simm.s32 $0x28;
	s29 =	simm.s32 $0x200;
	s30 =	simm.s32 $0x5  }
0x7: {  	s31 =	simm.s32 $0x100;
	s28 =	simm.s32 $0x180;
	[smem:$0x7FF] =	sst s3  }
0x8: {  	s10 =	sand.u32 $0x1, s5;
	s5 =	sadd.s32 $0x540400, s0;
	s6 =	sadd.s32 $0x53B400, s0  }
0x9: {  	p0 =	seq.s32 s22, $0xF;
	s14 =	smul.u32 $0x4E000, s22;
	p1 =	sne.s32 s22, $0xF  }
0xa: {  	_ =	strace $0x8000004A;
	s7 =	sshll.u32 s10, $0x4;
	s18 =	ssub.s32 $0x2, s10  }
0xb: {  	s8 =	simm.s32 @!p0 $0x27;
	s10 =	smul.u32 $0x138800, s10;
	s11 =	sor.u32 s22, s7  }
0xc: {  	s7 =	sadd.s32 $0x2CA400, s0;
	s12 =	sshrl.u32 s18, $0x1;
	s9 =	smul.u32 $0x27, s11  }
0xd: {  	s19 =	sshrl.u32 s14, $0x2;
	s0 =	ssub.s32 s18, s12;
	s18 =	smul.u32 $0x13800, s22  }
0xe: {  	s13 =	smin.u32 s11, $0x2;
	p0 =	sgt.u32 s11, $0x1;
	s22 =	simm.s32 $0x1  }
0xf: {  	s13 =	sadd.s32 s13, s9;
	s9 =	sadd.s32 s19, s2;
	s18 =	sadd.s32 s18, s10  }
0x10: {  	s10 =	sshrl.u32 s10, $0x3;
	s12 =	sshll.u32 s13, $0x7;
	s20 =	sshll.u32 s13, $0x4  }
0x11: {  	s24 =	sshll.u32 s13, $0xB;
	s17 =	sadd.s32 $0x3, s13;
	s18 =	sshrl.u32 s18, $0x3  }
0x12: {  	s15 =	sshrl.u32 s12, $0x3;
	s16 =	sadd.s32 s5, s20;
	s14 =	sadd.s32 s6, s20  }
0x13: {  	s25 =	sadd.s32 $0x1300, s12;
	s26 =	sadd.s32 s4, s18;
	s4 =	sadd.s32 s4, s10  }
0x14: {  	s12 =	sadd.s32 $0x1380, s12;
	[dreg:$0x5] =	wrdreg s16;
	s15 =	sadd.s32 $0x10, s15  }
0x15: {  	[dreg:$0x6] =	wrdreg s14;
	s14 =	sadd.s32 s7, s24;
	s16 =	sadd.s32 $0x2, s13  }
0x16: {  	s20 =	sshrl.u32 s25, $0x3;
	[dreg:$0xa] =	wrdreg s26;
	s4 =	sadd.s32 $0x24900, s4  }
0x17: {  	s24 =	sadd.s32 $0x124800, s2;
	s26 =	smax.u32 s0, $0x1;
	s0 =	simm.s32 $0x3  }
0x18: {  	s21 =	sadd.s32 s5, s15;
	s23 =	sadd.s32 s6, s15;
	[dreg:$0x9] =	wrdreg s14  }
0x19: {  	s15 =	sadd.s32 $0x1, s13;
	s19 =	sadd.s32 s5, s20;
	s20 =	sadd.s32 s6, s20  }
0x1a: {  	s13 =	sshll.u32 s25, $0x4;
	s14 =	sshrl.u32 s12, $0x3;
	[dreg:$0xe] =	wrdreg s4  }
0x1b: {  	s25 =	sshrl.u32 s24, $0x3;
	s4 =	simm.s32 $0x4200;
	[dreg:$0x7] =	wrdreg s21  }
.Ltmp0:
0x1c: {  	s24 =	simm.s32 $0x4;
	[dreg:$0x8] =	wrdreg s23;
	(pc) =	sbr.rel .LBB2_1-.Ltmp0, $4  }
0x1d: {  	s21 =	sadd.s32 s7, s13;
	s18 =	sadd.s32 s5, s14;
	[dreg:$0xf] =	wrdreg s25  }
0x1e: {  	s10 =	sadd.s32 s6, s14;
	s23 =	sshll.u32 s12, $0x4;
	[dreg:$0xb] =	wrdreg s18  }
0x1f: {  	s25 =	simm.s32 $0x80;
	[dreg:$0xc] =	wrdreg s10;
	s10 =	sadd.s32 s7, s23  }
0x20: {  	v0 =	vimm.f32 $0.0e+00;
	s23 =	simm.s32 $0x2;
	s18 =	simm.s32 $0x0;
	[dreg:$0xd] =	wrdreg s10  }
.LBB2_20:
0x21: {  	s10 =	rddreg [dreg:$0xe]  }
0x22: {  	s11 =	rddreg [dreg:$0xf];
	s12 =	simm.s32 $0x1FC5  }
0x23: {  	[hbm:s10], [sflag:s12] =	dma.local [spmem:s11], $0x2800  }
0x24: {  	_ =	swait.ge [sflag:s30], $0x2800  }
0x25: {  	[sflag:s30] =	ssyncset.done $0x0  }
0x26: {  	[sflag:s30] =	ssyncadd.s32 $0xFFFFD800  }
.LBB2_21:
0x27: {  	s18 =	sadd.s32 $0x1, s18  }
0x28: {  	p2 =	sne.s32 s18, s26  }
.Ltmp1:
0x29: {  	_ = 	snop;
	(pc) =	sbr.rel @!p2 .LBB2_22-.Ltmp1, $1  }
0x2a: {  	_ =	sdelay $0x3  }
.LBB2_1:
0x2b: {  	s10 =	simm.s32 $0x0;
	s11 =	simm.s32 $0x200  }
.LBB2_2:
0x2c: {  	p2 =	sne.s32 s11, $0xFE00;
	[tilespmem:s10+$0x270] =	vst v0  }
0x2d: {  	[tilespmem:s10+$0x200] =	vst v0  }
0x2e: {  	[tilespmem:s10+$0x210] =	vst v0  }
.Ltmp2:
0x2f: {  	[tilespmem:s10+$0x220] =	vst v0;
	(pc) =	sbr.rel @p2 .LBB2_2-.Ltmp2, $4  }
0x30: {  	[tilespmem:s10+$0x230] =	vst v0  }
0x31: {  	[tilespmem:s10+$0x240] =	vst v0  }
0x32: {  	[tilespmem:s10+$0x250] =	vst v0  }
0x33: {  	[tilespmem:s10+$0x260] =	vst v0;
	s10 =	sshra.s32 s11, $0x2;
	s11 =	sadd.s32 $0x200, s11  }
0x34: {  	[tilespmem:s10+$0x270] =	vst v0  }
0x35: {  	[tilespmem:s10+$0x200] =	vst v0  }
0x36: {  	[tilespmem:s10+$0x210] =	vst v0  }
0x37: {  	[tilespmem:s10+$0x220] =	vst v0  }
0x38: {  	[tilespmem:s10+$0x230] =	vst v0  }
0x39: {  	[tilespmem:s10+$0x240] =	vst v0;
	p2 =	sne.s32 s8, $0x1  }
.Ltmp3:
0x3a: {  	[tilespmem:s10+$0x250] =	vst v0;
	(pc) =	sbr.rel @!p2 .LBB2_5-.Ltmp3, $4  }
0x3b: {  	[tilespmem:s10+$0x260] =	vst v0  }
0x3c: {  	[spmem:s9] =	stream.linear.scatter [tilespmem:s29], [sflag:$0x5], $0x800, $0x38;
	[tilespmem:$0x1BA80] =	vst v63  }
0x3d: {  	_ =	swait.ge [sflag:s30], $0x800  }
0x3e: {  	s10 =	sadd.s32 $0xFFFFFFFF, s8;
	s11 =	smov.u32 s9;
	[sflag:s30] =	ssyncset.done $0x0  }
.LBB2_4:
0x3f: {  	p2 =	sne.s32 s10, $0x1;
	[sflag:s30] =	ssyncadd.s32 $0xFFFFF800;
	s11 =	sadd.s32 $0x800, s11  }
.Ltmp4:
0x40: {  	s10 =	sadd.s32 $0xFFFFFFFF, s10;
	(pc) =	sbr.rel @p2 .LBB2_4-.Ltmp4, $4  }
0x41: {  	_ = 	snop  }
0x42: {  	[spmem:s11] =	stream.linear.scatter [tilespmem:s29], [sflag:$0x5], $0x800, $0x38;
	[tilespmem:$0x1BA80] =	vst v63  }
0x43: {  	_ =	swait.ge [sflag:s30], $0x800  }
0x44: {  	[sflag:s30] =	ssyncset.done $0x0  }
.LBB2_5:
0x45: {  	[sflag:s30] =	ssyncadd.s32 $0xFFFFF800  }
0x46: {  	[bflag:$0x0] =	sbarrier.arrive $0xFFFF  }
0x47: {  	s10 =	simm.s32 $0x0;
	s11 =	rddreg [dreg:$0x5]  }
0x48: {  	[tilespmem:s10], [sflag:$0x3] =	stream.linear.gather [hbm4b:s11+s10], $0x80, $0x38;
	[tilespmem:$0x1BA80] =	vst v63  }
0x49: {  	s14 =	rddreg [dreg:$0x6]  }
0x4a: {  	[tilespmem:s31], [sflag:$0x3] =	stream.linear.gather [hbm4b:s14+s10], $0x80, $0x38;
	[tilespmem:$0x1BA80] =	vst v63  }
0x4b: {  	_ =	swait.ge [sflag:s0], $0x80  }
0x4c: {  	[sflag:s0] =	ssyncset.done $0x0  }
0x4d: {  	[sflag:s0] =	ssyncadd.s32 $0xFFFFFF80  }
0x4e: {  	_ =	swait.ge [sflag:s0], $0x80  }
0x4f: {  	[sflag:s0] =	ssyncset.done $0x0  }
0x50: {  	[sflag:s0] =	ssyncadd.s32 $0xFFFFFF80  }
0x51: {  	[tilespmem:s29], [sflag:$0x1] =	stream.indirect.gather [hbm4b:s1+s25], $0x80, s10, s25, $0xb8;
	[tilespmem:$0x1BA80] =	vst v63  }
0x52: {  	s12 =	rddreg [dreg:$0x7]  }
0x53: {  	[tilespmem:s25], [sflag:$0x4] =	stream.linear.gather [hbm4b:s12+s10], $0x80, $0x38;
	[tilespmem:$0x1BA80] =	vst v63  }
0x54: {  	s13 =	rddreg [dreg:$0x8]  }
0x55: {  	[tilespmem:s28], [sflag:$0x4] =	stream.linear.gather [hbm4b:s13+s10], $0x80, $0x38;
	[tilespmem:$0x1BA80] =	vst v63  }
0x56: {  	s14 =	rddreg [dreg:$0x9]  }
0x57: {  	[tilespmem:s4], [sflag:$0x2] =	stream.linear.gather [hbm4b:s14+s10], $0x4000, $0x38;
	[tilespmem:$0x1BA80] =	vst v63  }
.LBB2_6:
0x58: {  	_ =	swait.ge [sflag:s22], $0x4000  }
0x59: {  	[sflag:s22] =	ssyncset.done $0x0  }
0x5a: {  	[sflag:s22] =	ssyncadd.s32 $0xFFFFC000  }
0x5b: {  	_ =	swait.ge [sflag:s23], $0x4000  }
0x5c: {  	[sflag:s23] =	ssyncset.done $0x0  }
0x5d: {  	s11 =	simm.s32 $0x0;
	[sflag:s23] =	ssyncadd.s32 $0xFFFFC000  }
0x5e: {  	v8 =	vld [tilespmem:s11+$0x200]  }
0x5f: {  	v12 =	vld [tilespmem:s11+$0x210]  }
0x60: {  	v6 =	vld [tilespmem:s11+$0x220]  }
0x61: {  	v5 =	vld [tilespmem:s11+$0x230]  }
0x62: {  	v4 =	vld [tilespmem:s11+$0x240]  }
0x63: {  	v3 =	vld [tilespmem:s11+$0x250]  }
0x64: {  	v2 =	vld [tilespmem:s11+$0x260]  }
0x65: {  	v1 =	vld [tilespmem:s11+$0x270]  }
0x66: {  	v13 =	vld [tilespmem:s11+$0x4200]  }
0x67: {  	v14 =	vld [tilespmem:s11+$0x4210]  }
0x68: {  	v11 =	vld [tilespmem:s11+$0x4220]  }
0x69: {  	v10 =	vld [tilespmem:s11+$0x4230]  }
0x6a: {  	v9 =	vld [tilespmem:s11+$0x4240]  }
0x6b: {  	v7 =	vld [tilespmem:s11+$0x4250];
	v13 =	vmul.f32 v8, v13  }
0x6c: {  	s12 =	simm.s32 $0x200;
	v12 =	vmul.f32 v12, v14;
	v8 =	vld [tilespmem:s11+$0x4260]  }
.LBB2_7:
0x6d: {  	s13 =	sshra.s32 s12, $0x2;
	p2 =	sne.s32 s12, $0xFE00;
	[tilespmem:s11+$0x4200] =	vst v13;
	v6 =	vmul.f32 v6, v11;
	v11 =	vld [tilespmem:s11+$0x4270]  }
0x6e: {  	v13 =	vld [tilespmem:s13+$0x200];
	[tilespmem:s11+$0x4210] =	vst v12;
	v5 =	vmul.f32 v5, v10  }
0x6f: {  	v12 =	vld [tilespmem:s13+$0x210];
	[tilespmem:s11+$0x4220] =	vst v6;
	v4 =	vmul.f32 v4, v9  }
0x70: {  	v6 =	vld [tilespmem:s13+$0x220];
	[tilespmem:s11+$0x4230] =	vst v5;
	v3 =	vmul.f32 v3, v7  }
0x71: {  	v5 =	vld [tilespmem:s13+$0x230];
	[tilespmem:s11+$0x4240] =	vst v4;
	v2 =	vmul.f32 v2, v8  }
0x72: {  	v4 =	vld [tilespmem:s13+$0x240];
	[tilespmem:s11+$0x4250] =	vst v3;
	v1 =	vmul.f32 v1, v11  }
0x73: {  	v3 =	vld [tilespmem:s13+$0x250];
	[tilespmem:s11+$0x4260] =	vst v2  }
0x74: {  	v2 =	vld [tilespmem:s13+$0x260];
	[tilespmem:s11+$0x4270] =	vst v1;
	s11 =	smov.u32 s13  }
0x75: {  	v1 =	vld [tilespmem:s11+$0x270]  }
0x76: {  	v7 =	vld [tilespmem:s11+$0x4200]  }
0x77: {  	v8 =	vld [tilespmem:s11+$0x4210]  }
.Ltmp5:
0x78: {  	v11 =	vld [tilespmem:s11+$0x4220];
	(pc) =	sbr.rel @p2 .LBB2_7-.Ltmp5, $4  }
0x79: {  	v10 =	vld [tilespmem:s11+$0x4230]  }
0x7a: {  	v9 =	vld [tilespmem:s11+$0x4240]  }
0x7b: {  	v13 =	vmul.f32 v13, v7;
	v7 =	vld [tilespmem:s11+$0x4250]  }
0x7c: {  	s12 =	sadd.s32 $0x200, s12;
	v12 =	vmul.f32 v12, v8;
	v8 =	vld [tilespmem:s11+$0x4260]  }
0x7d: {  	[tilespmem:s11+$0x4200] =	vst v13;
	v6 =	vmul.f32 v6, v11;
	v11 =	vld [tilespmem:s11+$0x4270]  }
0x7e: {  	[tilespmem:s11+$0x4210] =	vst v12;
	v5 =	vmul.f32 v5, v10  }
0x7f: {  	[tilespmem:s11+$0x4220] =	vst v6;
	v4 =	vmul.f32 v4, v9  }
0x80: {  	[tilespmem:s11+$0x4230] =	vst v5;
	v3 =	vmul.f32 v3, v7  }
0x81: {  	[tilespmem:s11+$0x4240] =	vst v4;
	v2 =	vmul.f32 v2, v8  }
0x82: {  	[tilespmem:s11+$0x4250] =	vst v3;
	v1 =	vmul.f32 v1, v11  }
0x83: {  	[tilespmem:s11+$0x4260] =	vst v2  }
0x84: {  	[tilespmem:s11+$0x4270] =	vst v1  }
0x85: {  	_ =	swait.ge [sflag:s24], $0x80  }
0x86: {  	[sflag:s24] =	ssyncset.done $0x0  }
0x87: {  	[sflag:s24] =	ssyncadd.s32 $0xFFFFFF80  }
0x88: {  	_ =	swait.ge [sflag:s24], $0x80  }
0x89: {  	[sflag:s24] =	ssyncset.done $0x0  }
0x8a: {  	s11 =	sshll.u32 s10, $0x1;
	[sflag:s24] =	ssyncadd.s32 $0xFFFFFF80  }
0x8b: {  	[tilespmem:s29], [sflag:$0x1] =	stream.indirect.gather [hbm4b:s1+s25], $0x80, s25, s25, $0xb8;
	[tilespmem:$0x1BA80] =	vst v63  }
0x8c: {  	s12 =	sadd.s32 s11, s15  }
0x8d: {  	[spmem:s2] =	stream.indirect.scatter.add.f32 [tilespmem:s4], [sflag:$0x5], $0x80, s31, s25, $0xb8;
	[tilespmem:$0x1BA80] =	vst v63  }
0x8e: {  	s12 =	sshll.u32 s12, $0xB;
	_ =	swait.ge [sflag:s30], $0x4000  }
0x8f: {  	s12 =	sand.u32 $0x1FFFF800, s12;
	[sflag:s30] =	ssyncset.done $0x0  }
0x90: {  	p2 =	seq.s32 s10, $0x12;
	s12 =	sadd.s32 s7, s12;
	[sflag:s30] =	ssyncadd.s32 $0xFFFFC000  }
0x91: {  	[tilespmem:s4], [sflag:$0x2] =	stream.linear.gather [hbm4b:s12+s3], $0x4000, $0x38;
	[tilespmem:$0x1BA80] =	vst v63  }
0x92: {  	s12 =	sadd.s32 @!p2 s11, s16  }
0x93: {  	s12 =	sshll.u32 @!p2 s12, $0x4  }
0x94: {  	s12 =	sand.u32 @!p2 $0x1FFFFFF0, s12  }
0x95: {  	s14 =	simm.s32 @!p2 $0x0;
	s13 =	sadd.s32 @!p2 s5, s12  }
0x96: {  	[tilespmem:s14], [sflag:$0x3] =	stream.linear.gather @!p2 [hbm4b:s13+s14], $0x80, $0x38;
	[tilespmem:$0x1BA80] =	vst v63  }
0x97: {  	s12 =	sadd.s32 @!p2 s6, s12;
	s13 =	simm.s32 @!p2 $0x100  }
0x98: {  	[tilespmem:s13], [sflag:$0x3] =	stream.linear.gather @!p2 [hbm4b:s12+s14], $0x80, $0x38;
	[tilespmem:$0x1BA80] =	vst v63  }
0x99: {  	_ =	swait.ge [sflag:s22], $0x4000  }
0x9a: {  	[sflag:s22] =	ssyncset.done $0x0  }
0x9b: {  	[sflag:s22] =	ssyncadd.s32 $0xFFFFC000  }
0x9c: {  	_ =	swait.ge [sflag:s23], $0x4000  }
0x9d: {  	[sflag:s23] =	ssyncset.done $0x0  }
0x9e: {  	s12 =	simm.s32 $0x0;
	[sflag:s23] =	ssyncadd.s32 $0xFFFFC000  }
0x9f: {  	v8 =	vld [tilespmem:s12+$0x200]  }
0xa0: {  	v12 =	vld [tilespmem:s12+$0x210]  }
0xa1: {  	v6 =	vld [tilespmem:s12+$0x220]  }
0xa2: {  	v5 =	vld [tilespmem:s12+$0x230]  }
0xa3: {  	v4 =	vld [tilespmem:s12+$0x240]  }
0xa4: {  	v3 =	vld [tilespmem:s12+$0x250]  }
0xa5: {  	v2 =	vld [tilespmem:s12+$0x260]  }
0xa6: {  	v1 =	vld [tilespmem:s12+$0x270]  }
0xa7: {  	v13 =	vld [tilespmem:s12+$0x4200]  }
0xa8: {  	v14 =	vld [tilespmem:s12+$0x4210]  }
0xa9: {  	v11 =	vld [tilespmem:s12+$0x4220]  }
0xaa: {  	v10 =	vld [tilespmem:s12+$0x4230]  }
0xab: {  	v9 =	vld [tilespmem:s12+$0x4240]  }
0xac: {  	v7 =	vld [tilespmem:s12+$0x4250];
	v13 =	vmul.f32 v8, v13  }
0xad: {  	s13 =	simm.s32 $0x200;
	v12 =	vmul.f32 v12, v14;
	v8 =	vld [tilespmem:s12+$0x4260]  }
.LBB2_9:
0xae: {  	s14 =	sshra.s32 s13, $0x2;
	p3 =	sne.s32 s13, $0xFE00;
	[tilespmem:s12+$0x4200] =	vst v13;
	v6 =	vmul.f32 v6, v11;
	v11 =	vld [tilespmem:s12+$0x4270]  }
0xaf: {  	v13 =	vld [tilespmem:s14+$0x200];
	[tilespmem:s12+$0x4210] =	vst v12;
	v5 =	vmul.f32 v5, v10  }
0xb0: {  	v12 =	vld [tilespmem:s14+$0x210];
	[tilespmem:s12+$0x4220] =	vst v6;
	v4 =	vmul.f32 v4, v9  }
0xb1: {  	v6 =	vld [tilespmem:s14+$0x220];
	[tilespmem:s12+$0x4230] =	vst v5;
	v3 =	vmul.f32 v3, v7  }
0xb2: {  	v5 =	vld [tilespmem:s14+$0x230];
	[tilespmem:s12+$0x4240] =	vst v4;
	v2 =	vmul.f32 v2, v8  }
0xb3: {  	v4 =	vld [tilespmem:s14+$0x240];
	[tilespmem:s12+$0x4250] =	vst v3;
	v1 =	vmul.f32 v1, v11  }
0xb4: {  	v3 =	vld [tilespmem:s14+$0x250];
	[tilespmem:s12+$0x4260] =	vst v2  }
0xb5: {  	v2 =	vld [tilespmem:s14+$0x260];
	[tilespmem:s12+$0x4270] =	vst v1;
	s12 =	smov.u32 s14  }
0xb6: {  	v1 =	vld [tilespmem:s12+$0x270]  }
0xb7: {  	v7 =	vld [tilespmem:s12+$0x4200]  }
0xb8: {  	v8 =	vld [tilespmem:s12+$0x4210]  }
.Ltmp6:
0xb9: {  	v11 =	vld [tilespmem:s12+$0x4220];
	(pc) =	sbr.rel @p3 .LBB2_9-.Ltmp6, $4  }
0xba: {  	v10 =	vld [tilespmem:s12+$0x4230]  }
0xbb: {  	v9 =	vld [tilespmem:s12+$0x4240]  }
0xbc: {  	v13 =	vmul.f32 v13, v7;
	v7 =	vld [tilespmem:s12+$0x4250]  }
0xbd: {  	s13 =	sadd.s32 $0x200, s13;
	v12 =	vmul.f32 v12, v8;
	v8 =	vld [tilespmem:s12+$0x4260]  }
0xbe: {  	[tilespmem:s12+$0x4200] =	vst v13;
	v6 =	vmul.f32 v6, v11;
	v63 =	vld [tilespmem:s12+$0x4270]  }
0xbf: {  	[tilespmem:s12+$0x4210] =	vst v12;
	v5 =	vmul.f32 v5, v10  }
0xc0: {  	[tilespmem:s12+$0x4220] =	vst v6;
	v4 =	vmul.f32 v4, v9  }
.Ltmp7:
0xc1: {  	[tilespmem:s12+$0x4230] =	vst v5;
	v3 =	vmul.f32 v3, v7;
	(pc) =	sbr.rel @p2 .LBB2_12-.Ltmp7, $4  }
0xc2: {  	[tilespmem:s12+$0x4240] =	vst v4;
	v2 =	vmul.f32 v2, v8  }
0xc3: {  	[tilespmem:s12+$0x4250] =	vst v3;
	v1 =	vmul.f32 v1, v63  }
0xc4: {  	[tilespmem:s12+$0x4260] =	vst v2  }
0xc5: {  	[tilespmem:s12+$0x4270] =	vst v1  }
0xc6: {  	_ =	swait.ge [sflag:s0], $0x80  }
0xc7: {  	[sflag:s0] =	ssyncset.done $0x0  }
0xc8: {  	[sflag:s0] =	ssyncadd.s32 $0xFFFFFF80  }
0xc9: {  	_ =	swait.ge [sflag:s0], $0x80  }
0xca: {  	[sflag:s0] =	ssyncset.done $0x0  }
0xcb: {  	[sflag:s0] =	ssyncadd.s32 $0xFFFFFF80  }
0xcc: {  	[tilespmem:s29], [sflag:$0x1] =	stream.indirect.gather [hbm4b:s1+s25], $0x80, s3, s25, $0xb8;
	[tilespmem:$0x1BA80] =	vst v63  }
0xcd: {  	s12 =	sadd.s32 s11, s16  }
0xce: {  	[spmem:s2] =	stream.indirect.scatter.add.f32 [tilespmem:s4], [sflag:$0x5], $0x80, s28, s25, $0xb8;
	[tilespmem:$0x1BA80] =	vst v63  }
0xcf: {  	s12 =	sshll.u32 s12, $0xB;
	_ =	swait.ge [sflag:s30], $0x4000  }
0xd0: {  	s13 =	sadd.s32 s11, s17;
	s12 =	sand.u32 $0x1FFFF800, s12;
	[sflag:s30] =	ssyncset.done $0x0  }
0xd1: {  	s11 =	sshll.u32 s13, $0x4;
	s12 =	sadd.s32 s7, s12;
	[sflag:s30] =	ssyncadd.s32 $0xFFFFC000  }
0xd2: {  	[tilespmem:s4], [sflag:$0x2] =	stream.linear.gather [hbm4b:s12+s3], $0x4000, $0x38;
	[tilespmem:$0x1BA80] =	vst v63  }
.Ltmp8:
0xd3: {  	s11 =	sand.u32 $0x1FFFFFF0, s11;
	(pc) =	sbr.rel .LBB2_6-.Ltmp8, $4  }
0xd4: {  	s14 =	sadd.s32 s5, s11  }
0xd5: {  	[tilespmem:s25], [sflag:$0x4] =	stream.linear.gather [hbm4b:s14+s3], $0x80, $0x38;
	[tilespmem:$0x1BA80] =	vst v63  }
0xd6: {  	s10 =	sadd.s32 $0x1, s10;
	s11 =	sadd.s32 s6, s11  }
0xd7: {  	[tilespmem:s28], [sflag:$0x4] =	stream.linear.gather [hbm4b:s11+s3], $0x80, $0x38;
	[tilespmem:$0x1BA80] =	vst v63  }
.LBB2_12:
0xd8: {  	[spmem:s2] =	stream.indirect.scatter.add.f32 [tilespmem:s4], [sflag:$0x5], $0x80, s28, s25, $0xb8;
	[tilespmem:$0x1BA80] =	vst v63  }
0xd9: {  	_ =	swait.ge [sflag:s30], $0x4000  }
0xda: {  	[sflag:s30] =	ssyncset.done $0x0  }
0xdb: {  	s10 =	simm.s32 $0x0;
	[sflag:s30] =	ssyncadd.s32 $0xFFFFC000  }
0xdc: {  	[tilespmem:s10], [sflag:$0x3] =	stream.linear.gather [hbm4b:s19+s10], $0x80, $0x38;
	[tilespmem:$0x1BA80] =	vst v63  }
0xdd: {  	_ = 	snop  }
0xde: {  	[tilespmem:s31], [sflag:$0x3] =	stream.linear.gather [hbm4b:s20+s10], $0x80, $0x38;
	[tilespmem:$0x1BA80] =	vst v63  }
0xdf: {  	_ =	swait.ge [sflag:s0], $0x80  }
0xe0: {  	[sflag:s0] =	ssyncset.done $0x0  }
0xe1: {  	[sflag:s0] =	ssyncadd.s32 $0xFFFFFF80  }
0xe2: {  	_ =	swait.ge [sflag:s0], $0x80  }
0xe3: {  	[sflag:s0] =	ssyncset.done $0x0  }
0xe4: {  	[sflag:s0] =	ssyncadd.s32 $0xFFFFFF80  }
0xe5: {  	[tilespmem:s29], [sflag:$0x1] =	stream.indirect.gather [hbm4b:s1+s25], $0x80, s10, s25, $0xb8;
	[tilespmem:$0x1BA80] =	vst v63  }
0xe6: {  	_ =	swait.ge [sflag:s22], $0x4000  }
0xe7: {  	[sflag:s22] =	ssyncset.done $0x0  }
0xe8: {  	[sflag:s22] =	ssyncadd.s32 $0xFFFFC000  }
0xe9: {  	[tilespmem:s4], [sflag:$0x2] =	stream.linear.gather [hbm4b:s21+s10], $0x4000, $0x38;
	[tilespmem:$0x1BA80] =	vst v63  }
0xea: {  	_ =	swait.ge [sflag:s23], $0x4000  }
0xeb: {  	[sflag:s23] =	ssyncset.done $0x0  }
0xec: {  	s10 =	simm.s32 $0x0;
	[sflag:s23] =	ssyncadd.s32 $0xFFFFC000  }
0xed: {  	v8 =	vld [tilespmem:s10+$0x200]  }
0xee: {  	v12 =	vld [tilespmem:s10+$0x210]  }
0xef: {  	v6 =	vld [tilespmem:s10+$0x220]  }
0xf0: {  	v5 =	vld [tilespmem:s10+$0x230]  }
0xf1: {  	v4 =	vld [tilespmem:s10+$0x240]  }
0xf2: {  	v3 =	vld [tilespmem:s10+$0x250]  }
0xf3: {  	v2 =	vld [tilespmem:s10+$0x260]  }
0xf4: {  	v1 =	vld [tilespmem:s10+$0x270]  }
0xf5: {  	v13 =	vld [tilespmem:s10+$0x4200]  }
0xf6: {  	v14 =	vld [tilespmem:s10+$0x4210]  }
0xf7: {  	v11 =	vld [tilespmem:s10+$0x4220]  }
0xf8: {  	v10 =	vld [tilespmem:s10+$0x4230]  }
0xf9: {  	v9 =	vld [tilespmem:s10+$0x4240]  }
0xfa: {  	v7 =	vld [tilespmem:s10+$0x4250];
	v13 =	vmul.f32 v8, v13  }
0xfb: {  	s11 =	simm.s32 $0x200;
	v12 =	vmul.f32 v12, v14;
	v8 =	vld [tilespmem:s10+$0x4260]  }
.LBB2_13:
0xfc: {  	s12 =	sshra.s32 s11, $0x2;
	p2 =	sne.s32 s11, $0xFE00;
	[tilespmem:s10+$0x4200] =	vst v13;
	v6 =	vmul.f32 v6, v11;
	v11 =	vld [tilespmem:s10+$0x4270]  }
0xfd: {  	v13 =	vld [tilespmem:s12+$0x200];
	[tilespmem:s10+$0x4210] =	vst v12;
	v5 =	vmul.f32 v5, v10  }
0xfe: {  	v12 =	vld [tilespmem:s12+$0x210];
	[tilespmem:s10+$0x4220] =	vst v6;
	v4 =	vmul.f32 v4, v9  }
0xff: {  	v6 =	vld [tilespmem:s12+$0x220];
	[tilespmem:s10+$0x4230] =	vst v5;
	v3 =	vmul.f32 v3, v7  }
0x100: {  	v5 =	vld [tilespmem:s12+$0x230];
	[tilespmem:s10+$0x4240] =	vst v4;
	v2 =	vmul.f32 v2, v8  }
0x101: {  	v4 =	vld [tilespmem:s12+$0x240];
	[tilespmem:s10+$0x4250] =	vst v3;
	v1 =	vmul.f32 v1, v11  }
0x102: {  	v3 =	vld [tilespmem:s12+$0x250];
	[tilespmem:s10+$0x4260] =	vst v2  }
0x103: {  	v2 =	vld [tilespmem:s12+$0x260];
	[tilespmem:s10+$0x4270] =	vst v1;
	s10 =	smov.u32 s12  }
0x104: {  	v1 =	vld [tilespmem:s10+$0x270]  }
0x105: {  	v7 =	vld [tilespmem:s10+$0x4200]  }
0x106: {  	v8 =	vld [tilespmem:s10+$0x4210]  }
.Ltmp9:
0x107: {  	v11 =	vld [tilespmem:s10+$0x4220];
	(pc) =	sbr.rel @p2 .LBB2_13-.Ltmp9, $4  }
0x108: {  	v10 =	vld [tilespmem:s10+$0x4230]  }
0x109: {  	v9 =	vld [tilespmem:s10+$0x4240]  }
0x10a: {  	v13 =	vmul.f32 v13, v7;
	v7 =	vld [tilespmem:s10+$0x4250]  }
0x10b: {  	s11 =	sadd.s32 $0x200, s11;
	v12 =	vmul.f32 v12, v8;
	v8 =	vld [tilespmem:s10+$0x4260]  }
0x10c: {  	[tilespmem:s10+$0x4200] =	vst v13;
	v6 =	vmul.f32 v6, v11;
	v63 =	vld [tilespmem:s10+$0x4270]  }
0x10d: {  	[tilespmem:s10+$0x4210] =	vst v12;
	v5 =	vmul.f32 v5, v10  }
0x10e: {  	[tilespmem:s10+$0x4220] =	vst v6;
	v4 =	vmul.f32 v4, v9  }
0x10f: {  	[tilespmem:s10+$0x4230] =	vst v5;
	v3 =	vmul.f32 v3, v7  }
0x110: {  	[tilespmem:s10+$0x4240] =	vst v4;
	v2 =	vmul.f32 v2, v8  }
0x111: {  	[tilespmem:s10+$0x4250] =	vst v3;
	v1 =	vmul.f32 v1, v63  }
0x112: {  	[tilespmem:s10+$0x4260] =	vst v2  }
.Ltmp10:
0x113: {  	[tilespmem:s10+$0x4270] =	vst v1;
	(pc) =	sbr.rel @p0 .LBB2_19-.Ltmp10, $4  }
0x114: {  	[spmem:s2] =	stream.indirect.scatter.add.f32 [tilespmem:s4], [sflag:$0x5], $0x80, s31, s25, $0xb8;
	[tilespmem:$0x1BA80] =	vst v63  }
0x115: {  	_ =	swait.ge [sflag:s30], $0x4000  }
0x116: {  	[sflag:s30] =	ssyncset.done $0x0  }
0x117: {  	[sflag:s30] =	ssyncadd.s32 $0xFFFFC000  }
0x118: {  	s10 =	simm.s32 $0x0;
	s11 =	rddreg [dreg:$0xb]  }
0x119: {  	[tilespmem:s10], [sflag:$0x3] =	stream.linear.gather [hbm4b:s11+s10], $0x80, $0x38;
	[tilespmem:$0x1BA80] =	vst v63  }
0x11a: {  	s13 =	rddreg [dreg:$0xc]  }
0x11b: {  	[tilespmem:s31], [sflag:$0x3] =	stream.linear.gather [hbm4b:s13+s10], $0x80, $0x38;
	[tilespmem:$0x1BA80] =	vst v63  }
0x11c: {  	_ =	swait.ge [sflag:s0], $0x80  }
0x11d: {  	[sflag:s0] =	ssyncset.done $0x0  }
0x11e: {  	[sflag:s0] =	ssyncadd.s32 $0xFFFFFF80  }
0x11f: {  	_ =	swait.ge [sflag:s0], $0x80  }
0x120: {  	[sflag:s0] =	ssyncset.done $0x0  }
0x121: {  	[sflag:s0] =	ssyncadd.s32 $0xFFFFFF80  }
0x122: {  	[tilespmem:s29], [sflag:$0x1] =	stream.indirect.gather [hbm4b:s1+s25], $0x80, s10, s25, $0xb8;
	[tilespmem:$0x1BA80] =	vst v63  }
0x123: {  	_ =	swait.ge [sflag:s22], $0x4000  }
0x124: {  	[sflag:s22] =	ssyncset.done $0x0  }
0x125: {  	s14 =	rddreg [dreg:$0xd];
	[sflag:s22] =	ssyncadd.s32 $0xFFFFC000  }
0x126: {  	[tilespmem:s4], [sflag:$0x2] =	stream.linear.gather [hbm4b:s14+s10], $0x4000, $0x38;
	[tilespmem:$0x1BA80] =	vst v63  }
0x127: {  	_ =	swait.ge [sflag:s23], $0x4000  }
0x128: {  	[sflag:s23] =	ssyncset.done $0x0  }
0x129: {  	s10 =	simm.s32 $0x0;
	[sflag:s23] =	ssyncadd.s32 $0xFFFFC000  }
0x12a: {  	v8 =	vld [tilespmem:s10+$0x200]  }
0x12b: {  	v12 =	vld [tilespmem:s10+$0x210]  }
0x12c: {  	v6 =	vld [tilespmem:s10+$0x220]  }
0x12d: {  	v5 =	vld [tilespmem:s10+$0x230]  }
0x12e: {  	v4 =	vld [tilespmem:s10+$0x240]  }
0x12f: {  	v3 =	vld [tilespmem:s10+$0x250]  }
0x130: {  	v2 =	vld [tilespmem:s10+$0x260]  }
0x131: {  	v1 =	vld [tilespmem:s10+$0x270]  }
0x132: {  	v13 =	vld [tilespmem:s10+$0x4200]  }
0x133: {  	v14 =	vld [tilespmem:s10+$0x4210]  }
0x134: {  	v11 =	vld [tilespmem:s10+$0x4220]  }
0x135: {  	v10 =	vld [tilespmem:s10+$0x4230]  }
0x136: {  	v9 =	vld [tilespmem:s10+$0x4240]  }
0x137: {  	v7 =	vld [tilespmem:s10+$0x4250];
	v13 =	vmul.f32 v8, v13  }
0x138: {  	s11 =	simm.s32 $0x200;
	v12 =	vmul.f32 v12, v14;
	v8 =	vld [tilespmem:s10+$0x4260]  }
.LBB2_16:
0x139: {  	s12 =	sshra.s32 s11, $0x2;
	p2 =	sne.s32 s11, $0xFE00;
	[tilespmem:s10+$0x4200] =	vst v13;
	v6 =	vmul.f32 v6, v11;
	v11 =	vld [tilespmem:s10+$0x4270]  }
0x13a: {  	v13 =	vld [tilespmem:s12+$0x200];
	[tilespmem:s10+$0x4210] =	vst v12;
	v5 =	vmul.f32 v5, v10  }
0x13b: {  	v12 =	vld [tilespmem:s12+$0x210];
	[tilespmem:s10+$0x4220] =	vst v6;
	v4 =	vmul.f32 v4, v9  }
0x13c: {  	v6 =	vld [tilespmem:s12+$0x220];
	[tilespmem:s10+$0x4230] =	vst v5;
	v3 =	vmul.f32 v3, v7  }
0x13d: {  	v5 =	vld [tilespmem:s12+$0x230];
	[tilespmem:s10+$0x4240] =	vst v4;
	v2 =	vmul.f32 v2, v8  }
0x13e: {  	v4 =	vld [tilespmem:s12+$0x240];
	[tilespmem:s10+$0x4250] =	vst v3;
	v1 =	vmul.f32 v1, v11  }
0x13f: {  	v3 =	vld [tilespmem:s12+$0x250];
	[tilespmem:s10+$0x4260] =	vst v2  }
0x140: {  	v2 =	vld [tilespmem:s12+$0x260];
	[tilespmem:s10+$0x4270] =	vst v1;
	s10 =	smov.u32 s12  }
0x141: {  	v1 =	vld [tilespmem:s10+$0x270]  }
0x142: {  	v7 =	vld [tilespmem:s10+$0x4200]  }
0x143: {  	v8 =	vld [tilespmem:s10+$0x4210]  }
.Ltmp11:
0x144: {  	v11 =	vld [tilespmem:s10+$0x4220];
	(pc) =	sbr.rel @p2 .LBB2_16-.Ltmp11, $4  }
0x145: {  	v10 =	vld [tilespmem:s10+$0x4230]  }
0x146: {  	v9 =	vld [tilespmem:s10+$0x4240]  }
0x147: {  	v13 =	vmul.f32 v13, v7;
	v7 =	vld [tilespmem:s10+$0x4250]  }
0x148: {  	s11 =	sadd.s32 $0x200, s11;
	v12 =	vmul.f32 v12, v8;
	v8 =	vld [tilespmem:s10+$0x4260]  }
0x149: {  	[tilespmem:s10+$0x4200] =	vst v13;
	v6 =	vmul.f32 v6, v11;
	v63 =	vld [tilespmem:s10+$0x4270]  }
0x14a: {  	[tilespmem:s10+$0x4210] =	vst v12;
	v5 =	vmul.f32 v5, v10  }
0x14b: {  	[tilespmem:s10+$0x4220] =	vst v6;
	v4 =	vmul.f32 v4, v9  }
0x14c: {  	[tilespmem:s10+$0x4230] =	vst v5;
	v3 =	vmul.f32 v3, v7  }
0x14d: {  	[tilespmem:s10+$0x4240] =	vst v4;
	v2 =	vmul.f32 v2, v8  }
0x14e: {  	[tilespmem:s10+$0x4250] =	vst v3;
	v1 =	vmul.f32 v1, v63  }
0x14f: {  	[tilespmem:s10+$0x4260] =	vst v2  }
0x150: {  	[tilespmem:s10+$0x4270] =	vst v1  }
0x151: {  	[spmem:s2] =	stream.indirect.scatter.add.f32 [tilespmem:s4], [sflag:$0x5], $0x80, s31, s25, $0xb8;
	[tilespmem:$0x1BA80] =	vst v63  }
.Ltmp12:
0x152: {  	_ =	swait.ge [sflag:s30], $0x4000;
	(pc) =	sbr.rel .LBB2_18-.Ltmp12, $3  }
0x153: {  	[sflag:s30] =	ssyncset.done $0x0  }
0x154: {  	[sflag:s30] =	ssyncadd.s32 $0xFFFFC000  }
0x155: {  	[bflag:$0x0] =	sbarrier.arrive $0xFFFF;
	_ =	sdelay $0x1  }
.LBB2_19:
.Ltmp13:
0x156: {  	(pc) =	sbr.rel @!p1 .LBB2_20-.Ltmp13, $2  }
0x157: {  	_ =	sdelay $0x1  }
0x158: {  	[bflag:$0x0] =	sbarrier.arrive $0xFFFF;
	_ =	sdelay $0x1  }
.LBB2_18:
0x159: {  	s10 =	stileid.u32  }
0x15a: {  	s11 =	sshrl.u32 s9, $0x3;
	s10 =	sshll.u32 s10, $0x6  }
.Ltmp14:
0x15b: {  	s12 =	rddreg [dreg:$0xa];
	s10 =	sor.u32 $0x1C05, s10;
	(pc) =	sbr.rel .LBB2_21-.Ltmp14, $4  }
0x15c: {  	[hbm:s12], [sflag:s10] =	dma.local [spmem:s11], $0x2700  }
0x15d: {  	_ =	swait.ge [sflag:s30], $0x2700  }
0x15e: {  	[sflag:s30] =	ssyncset.done $0x0  }
0x15f: {  	[sflag:s30] =	ssyncadd.s32 $0xFFFFD900  }
.LBB2_22:
0x160: {  	_ =	sfence.sel $0x180000  }
0x161: {  	[bflag:$0x0] =	sbarrier.arrive $0xFFFF  }
0x162: {  	_ =	strace $0x9000004A  }
0x163: {  	s0 =	stileid.u32;
	[bflag:$0x2] =	sbarrier.arrive $0xFFFF  }
0x164: {  	p0 =	sne.s32 s0, $0x0;
	s0 =	rddreg [dreg:$0x4]  }
0x165: {  	s0 =	sadd.s32 @!p0 $0x100000, s0  }
0x166: {  	[sflag:s0] =	ssyncadd.tile.s32 @!p0 $0x1;
	_ =	shalt  }
.Lfunc_end2:
_tile_overlayer_lowered:
.L_overlay_start_2:
0x167: {  	(tag) =	ssettag $0x2  }
0x168: {  	s0 =	rddreg [dreg:$0x0];
	s2 =	stileid.u32  }
0x169: {  	s1 =	rddreg [dreg:$0x1];
	p0 =	sne.s32 s2, $0x0  }
0x16a: {  	s3 =	rddreg [dreg:$0x2];
	[bflag:$0x3] =	sbarrier.arrive $0xFFFF;
	s2 =	simm.s32 @!p0 $0x1C05  }
0x16b: {  	[timem:s3], [sflag:s2] =	dma.local @!p0 [hbm:s0], s1  }
0x16c: {  	s0 =	simm.s32 @!p0 $0x5  }
0x16d: {  	_ =	swait.ge @!p0 [sflag:s0], s1  }
0x16e: {  	s1 =	ssub.s32 @!p0 $0x0, s1;
	[sflag:s0] =	ssyncset.done @!p0 $0x0  }
0x16f: {  	[sflag:s0] =	ssyncadd.s32 @!p0 s1  }
0x170: {  	[bflag:$0x3] =	sbarrier.arrive $0xFFFF  }
0x171: {  	_ =	shalt  }

</sc_bundles>
